<compile_context>
chip_gen: v7x
topology: tpu7x:2x2x1
jax: 0.10.2.dev20260603
libtpu: 0.0.44.dev20260713+nightly
codegen_flags: <defaults>
</compile_context>

<pallas_src>
import functools

import jax
import jax.numpy as jnp
from jax import lax
from jax.experimental import pallas as pl
from jax.experimental.pallas import tpu as pltpu
from jax.experimental.pallas import tpu_sc as plsc

B = 16384
GMF_DIM = 16
MLP_DIM = 64
LANES = 128

NC = 2
NS = 16
NW = NC * NS
B_PER_W = B // NW
RING = 8
GROUPS = B_PER_W // RING
TILE_BYTES = (GMF_DIM + MLP_DIM) * LANES * 4


def _sc_gather(user, item, ugT, igT, umT, imT):
    mesh = plsc.VectorSubcoreMesh(core_axis_name="c", subcore_axis_name="s")

    @functools.partial(
        pl.kernel,
        mesh=mesh,
        compiler_params=pltpu.CompilerParams(needs_layout_passes=False),
        out_type=[
            jax.ShapeDtypeStruct((GMF_DIM, B), jnp.float32),
            jax.ShapeDtypeStruct((GMF_DIM, B), jnp.float32),
            jax.ShapeDtypeStruct((MLP_DIM, B), jnp.float32),
            jax.ShapeDtypeStruct((MLP_DIM, B), jnp.float32),
        ],
        scratch_types=[
            pltpu.VMEM((B_PER_W,), jnp.int32),
            pltpu.VMEM((B_PER_W,), jnp.int32),
            pltpu.VMEM((RING, GMF_DIM, LANES), jnp.float32),
            pltpu.VMEM((RING, MLP_DIM, LANES), jnp.float32),
            pltpu.VMEM((GMF_DIM, B_PER_W), jnp.float32),
            pltpu.VMEM((MLP_DIM, B_PER_W), jnp.float32),
        ] + [pltpu.SemaphoreType.DMA] * RING,
    )
    def k(user_hbm, item_hbm, ug_hbm, ig_hbm, um_hbm, im_hbm,
          out_ug, out_ig, out_um, out_im,
          idx_u, idx_i, gring, mring, gstage, mstage, *sems):
        wid = lax.axis_index("s") * NC + lax.axis_index("c")
        base = wid * B_PER_W
        col = pl.ds(base, B_PER_W)
        pltpu.sync_copy(user_hbm.at[col], idx_u)
        pltpu.sync_copy(item_hbm.at[col], idx_i)
        rows16 = lax.iota(jnp.int32, 16)

        def scalar_at(idx, i):
            grp = pl.multiple_of((i >> 4) << 4, 16)
            w = idx[pl.ds(grp, 16)]
            return jnp.sum(jnp.where(rows16 == (i & 15), w, 0))

        def run_side(idx, gtbl, mtbl, gout, mout):
            def fire(i, s):
                v = scalar_at(idx, i)
                t = pl.multiple_of((v >> 7) << 7, LANES)
                src = pl.ds(t, LANES)
                pltpu.async_copy(gtbl.at[:, src], gring.at[s], sems[s])
                pltpu.async_copy(mtbl.at[:, src], mring.at[s], sems[s])

            def drain_extract(i, s):
                pltpu.make_async_copy(
                    gtbl.at[:, pl.ds(0, LANES)], gring.at[s], sems[s]).wait()
                pltpu.make_async_copy(
                    mtbl.at[:, pl.ds(0, LANES)], mring.at[s], sems[s]).wait()
                lane = jnp.full((16,), scalar_at(idx, i) & 127, jnp.int32)
                pos = jnp.full((16,), i, jnp.int32)
                val = plsc.load_gather(gring.at[s], [rows16, lane])
                plsc.store_scatter(gstage, [rows16, pos], val)
                for kk in range(MLP_DIM // 16):
                    r16 = rows16 + (16 * kk)
                    val = plsc.load_gather(mring.at[s], [r16, lane])
                    plsc.store_scatter(mstage, [r16, pos], val)

            for s in range(RING):
                fire(s, s)

            def body(g, _):
                for s in range(RING):
                    drain_extract((g - 1) * RING + s, s)

                @pl.when(g < GROUPS)
                def _fire():
                    for s in range(RING):
                        fire(g * RING + s, s)
                return _
            lax.fori_loop(1, GROUPS + 1, body, None)
            pltpu.sync_copy(gstage, gout.at[:, col])
            pltpu.sync_copy(mstage, mout.at[:, col])

        run_side(idx_u, ug_hbm, um_hbm, out_ug, out_um)
        run_side(idx_i, ig_hbm, im_hbm, out_ig, out_im)

    return k(user, item, ugT, igT, umT, imT)


def _mlp_body(ug, ig, um, im, w1u, w1i, b1, w2, b2, w3, b3,
              wpg, wph, bp, out_ref):
    h = jnp.dot(w1u[...], um[...], preferred_element_type=jnp.float32)
    h = h + jnp.dot(w1i[...], im[...], preferred_element_type=jnp.float32)
    h = jnp.maximum(h + b1[...], 0.0)
    h = jnp.maximum(
        jnp.dot(w2[...], h, preferred_element_type=jnp.float32) + b2[...], 0.0)
    h = jnp.maximum(
        jnp.dot(w3[...], h, preferred_element_type=jnp.float32) + b3[...], 0.0)
    g = ug[...] * ig[...]
    r = jnp.sum(g * wpg[...], axis=0) + jnp.sum(h * wph[...], axis=0)
    out_ref[...] = r + bp[0]


def kernel(user, item, embed_user_GMF, embed_item_GMF, embed_user_MLP,
           embed_item_MLP, W1, b1, W2, b2, W3, b3, Wp, bp):
    user = user.astype(jnp.int32)
    item = item.astype(jnp.int32)
    ug, ig, um, im = _sc_gather(
        user, item, embed_user_GMF.T, embed_item_GMF.T,
        embed_user_MLP.T, embed_item_MLP.T)

    blk = 2048
    grid = B // blk
    col_spec = lambda d: pl.BlockSpec((d, blk), lambda i: (0, i))
    full = lambda shape: pl.BlockSpec(shape, lambda i: (0,) * len(shape))

    out = pl.pallas_call(
        _mlp_body,
        grid=(grid,),
        in_specs=[
            col_spec(GMF_DIM), col_spec(GMF_DIM),
            col_spec(MLP_DIM), col_spec(MLP_DIM),
            full((MLP_DIM, MLP_DIM)), full((MLP_DIM, MLP_DIM)),
            full((MLP_DIM, 1)),
            full((32, MLP_DIM)), full((32, 1)),
            full((GMF_DIM, 32)), full((GMF_DIM, 1)),
            full((GMF_DIM, 1)), full((GMF_DIM, 1)), full((1,)),
        ],
        out_specs=pl.BlockSpec((blk,), lambda i: (i,)),
        out_shape=jax.ShapeDtypeStruct((B,), jnp.float32),
    )(
        ug, ig, um, im,
        W1[:, :MLP_DIM], W1[:, MLP_DIM:], b1.reshape(-1, 1),
        W2, b2.reshape(-1, 1),
        W3, b3.reshape(-1, 1),
        Wp[:, :GMF_DIM].reshape(-1, 1), Wp[:, GMF_DIM:].reshape(-1, 1), bp,
    )
    return out

# --- scband reference (transcript-rebuilt; emitter-appended) ---
"""Pipeline reference for scband-ncf-7516192768303 (READ-ONLY COPY).

The authoritative reference and input builder live on the scoring server;
editing this copy changes nothing except your own understanding.
"""

import jax, jax.numpy as jnp
import numpy as np

USER_NUM = 1000000
ITEM_NUM = 1000000
B = 16384
GMF_DIM = 16
MLP_DIM = 64
MLP_DIMS = [128, 64, 32, 16]


def setup_inputs(seed: int = 0) -> dict:
    key = jax.random.key(seed)
    ks = jax.random.split(key, 16)
    user = jax.random.randint(ks[0], (B,), 0, USER_NUM, dtype=jnp.int32).astype(jnp.int64) if False else jax.random.randint(ks[0], (B,), 0, USER_NUM)
    item = jax.random.randint(ks[1], (B,), 0, ITEM_NUM)
    embed_user_GMF = jax.random.normal(ks[2], (USER_NUM, GMF_DIM), dtype=jnp.float32) * 0.01
    embed_item_GMF = jax.random.normal(ks[3], (ITEM_NUM, GMF_DIM), dtype=jnp.float32) * 0.01
    embed_user_MLP = jax.random.normal(ks[4], (USER_NUM, MLP_DIM), dtype=jnp.float32) * 0.01
    embed_item_MLP = jax.random.normal(ks[5], (ITEM_NUM, MLP_DIM), dtype=jnp.float32) * 0.01
    def xavier(k, fan_out, fan_in):
        lim = np.sqrt(6.0 / (fan_in + fan_out))
        return jax.random.uniform(k, (fan_out, fan_in), dtype=jnp.float32, minval=-lim, maxval=lim)
    W1 = xavier(ks[6], MLP_DIMS[1], MLP_DIMS[0])
    b1 = jnp.zeros((MLP_DIMS[1],), dtype=jnp.float32)
    W2 = xavier(ks[7], MLP_DIMS[2], MLP_DIMS[1])
    b2 = jnp.zeros((MLP_DIMS[2],), dtype=jnp.float32)
    W3 = xavier(ks[8], MLP_DIMS[3], MLP_DIMS[2])
    b3 = jnp.zeros((MLP_DIMS[3],), dtype=jnp.float32)
    predict_size = GMF_DIM + MLP_DIMS[-1]
    Wp = xavier(ks[9], 1, predict_size)
    bp = jnp.zeros((1,), dtype=jnp.float32)
    return {
        'user': user, 'item': item,
        'embed_user_GMF': embed_user_GMF, 'embed_item_GMF': embed_item_GMF,
        'embed_user_MLP': embed_user_MLP, 'embed_item_MLP': embed_item_MLP,
        'W1': W1, 'b1': b1, 'W2': W2, 'b2': b2, 'W3': W3, 'b3': b3,
        'Wp': Wp, 'bp': bp,
    }


def reference(user, item, embed_user_GMF, embed_item_GMF, embed_user_MLP, embed_item_MLP,
              W1, b1, W2, b2, W3, b3, Wp, bp):
    # GMF branch: elementwise product of user/item embeddings
    eu_g = jnp.take(embed_user_GMF, user, axis=0)
    ei_g = jnp.take(embed_item_GMF, item, axis=0)
    output_GMF = eu_g * ei_g
    # MLP branch: concat embeddings then 3-layer MLP with ReLU
    eu_m = jnp.take(embed_user_MLP, user, axis=0)
    ei_m = jnp.take(embed_item_MLP, item, axis=0)
    h = jnp.concatenate([eu_m, ei_m], axis=-1)
    h = jax.nn.relu(h @ W1.T + b1)
    h = jax.nn.relu(h @ W2.T + b2)
    h = jax.nn.relu(h @ W3.T + b3)
    concat = jnp.concatenate([output_GMF, h], axis=-1)
    prediction = concat @ Wp.T + bp
    return prediction.reshape(-1)

if __name__ == "__main__":
    import jax
    _d = setup_inputs()
    print(jax.jit(kernel)(*tuple(_d.values())))

</pallas_src>

<mosaic_0001>
#map = affine_map<(d0, d1) -> (0)>
#map1 = affine_map<(d0, d1) -> (0, 0)>
module attributes {stable_mosaic.version = 14 : i64} {
  func.func @k(%arg0: i32, %arg1: i32, %arg2: memref<16384xi32, #tpu.memory_space<hbm>>, %arg3: memref<16384xi32, #tpu.memory_space<hbm>>, %arg4: memref<16x1000000xf32, #tpu.memory_space<hbm>>, %arg5: memref<16x1000000xf32, #tpu.memory_space<hbm>>, %arg6: memref<64x1000000xf32, #tpu.memory_space<hbm>>, %arg7: memref<64x1000000xf32, #tpu.memory_space<hbm>>, %arg8: memref<16x16384xf32, #tpu.memory_space<hbm>>, %arg9: memref<16x16384xf32, #tpu.memory_space<hbm>>, %arg10: memref<64x16384xf32, #tpu.memory_space<hbm>>, %arg11: memref<64x16384xf32, #tpu.memory_space<hbm>>, %arg12: memref<512xi32, #tpu.memory_space<vmem>>, %arg13: memref<512xi32, #tpu.memory_space<vmem>>, %arg14: memref<8x16x128xf32, #tpu.memory_space<vmem>>, %arg15: memref<8x64x128xf32, #tpu.memory_space<vmem>>, %arg16: memref<16x512xf32, #tpu.memory_space<vmem>>, %arg17: memref<64x512xf32, #tpu.memory_space<vmem>>, %arg18: memref<!tpu.dma_semaphore, #tpu.memory_space<semaphore_mem>>, %arg19: memref<!tpu.dma_semaphore, #tpu.memory_space<semaphore_mem>>, %arg20: memref<!tpu.dma_semaphore, #tpu.memory_space<semaphore_mem>>, %arg21: memref<!tpu.dma_semaphore, #tpu.memory_space<semaphore_mem>>, %arg22: memref<!tpu.dma_semaphore, #tpu.memory_space<semaphore_mem>>, %arg23: memref<!tpu.dma_semaphore, #tpu.memory_space<semaphore_mem>>, %arg24: memref<!tpu.dma_semaphore, #tpu.memory_space<semaphore_mem>>, %arg25: memref<!tpu.dma_semaphore, #tpu.memory_space<semaphore_mem>>) attributes {dimension_semantics = [#tpu.dimension_semantics<core_parallel>, #tpu.dimension_semantics<subcore_parallel>], iteration_bounds = array<i64: 2, 16>, scalar_prefetch = 0 : i64, scratch_operands = 14 : i64, tpu.core_type = #tpu.core_type<sc_vector_subcore>, window_params = [{transform_indices = #map}, {transform_indices = #map}, {transform_indices = #map1}, {transform_indices = #map1}, {transform_indices = #map1}, {transform_indices = #map1}, {transform_indices = #map1}, {transform_indices = #map1}, {transform_indices = #map1}, {transform_indices = #map1}]} {
    %mul3A = arith.constant 2 : i32
    %mul3A_0 = arith.muli %arg1, %mul3A : i32
    %add3A = arith.addi %mul3A_0, %arg0 : i32
    %mul3A_1 = arith.constant 512 : i32
    %mul3A_2 = arith.muli %add3A, %mul3A_1 : i32
    "tpu.region"() ({
      %run_scoped3A = tpu.sem_alloc : memref<!tpu.dma_semaphore, #tpu.memory_space<semaphore_mem>>
      %dma_start3A_722 = tpu.memref_slice %arg2[%mul3A_2] : memref<16384xi32, #tpu.memory_space<hbm>> -> memref<512xi32, #tpu.memory_space<hbm>>
      %dma_start3A_723 = tpu.memref_slice %arg2[%mul3A_2] : memref<16384xi32, #tpu.memory_space<hbm>> -> memref<512xi32, #tpu.memory_space<hbm>>
      tpu.enqueue_dma source(%dma_start3A_723 : memref<512xi32, #tpu.memory_space<hbm>>) target(%arg12 : memref<512xi32, #tpu.memory_space<vmem>>) target_semaphore(%run_scoped3A : memref<!tpu.dma_semaphore, #tpu.memory_space<semaphore_mem>>)
      %dma_wait3A = tpu.memref_slice %arg2[%mul3A_2] : memref<16384xi32, #tpu.memory_space<hbm>> -> memref<512xi32, #tpu.memory_space<hbm>>
      %dma_wait3A_724 = tpu.memref_slice %arg2[%mul3A_2] : memref<16384xi32, #tpu.memory_space<hbm>> -> memref<512xi32, #tpu.memory_space<hbm>>
      tpu.wait_dma2 semaphore(%run_scoped3A : memref<!tpu.dma_semaphore, #tpu.memory_space<semaphore_mem>>) src(%dma_wait3A_724 : memref<512xi32, #tpu.memory_space<hbm>>) dst(%arg12 : memref<512xi32, #tpu.memory_space<vmem>>)
      tpu.yield
    }) : () -> ()
    "tpu.region"() ({
      %run_scoped3A = tpu.sem_alloc : memref<!tpu.dma_semaphore, #tpu.memory_space<semaphore_mem>>
      %dma_start3A_722 = tpu.memref_slice %arg3[%mul3A_2] : memref<16384xi32, #tpu.memory_space<hbm>> -> memref<512xi32, #tpu.memory_space<hbm>>
      %dma_start3A_723 = tpu.memref_slice %arg3[%mul3A_2] : memref<16384xi32, #tpu.memory_space<hbm>> -> memref<512xi32, #tpu.memory_space<hbm>>
      tpu.enqueue_dma source(%dma_start3A_723 : memref<512xi32, #tpu.memory_space<hbm>>) target(%arg13 : memref<512xi32, #tpu.memory_space<vmem>>) target_semaphore(%run_scoped3A : memref<!tpu.dma_semaphore, #tpu.memory_space<semaphore_mem>>)
      %dma_wait3A = tpu.memref_slice %arg3[%mul3A_2] : memref<16384xi32, #tpu.memory_space<hbm>> -> memref<512xi32, #tpu.memory_space<hbm>>
      %dma_wait3A_724 = tpu.memref_slice %arg3[%mul3A_2] : memref<16384xi32, #tpu.memory_space<hbm>> -> memref<512xi32, #tpu.memory_space<hbm>>
      tpu.wait_dma2 semaphore(%run_scoped3A : memref<!tpu.dma_semaphore, #tpu.memory_space<semaphore_mem>>) src(%dma_wait3A_724 : memref<512xi32, #tpu.memory_space<hbm>>) dst(%arg13 : memref<512xi32, #tpu.memory_space<vmem>>)
      tpu.yield
    }) : () -> ()
    %iota3A = tpu.iota {dimensions = array<i32: 0>} : vector<16xi32>
    %multiple_of3A = arith.constant 0 : i32
    %multiple_of3A_3 = tpu.assume_multiple %multiple_of3A, 16 : i32
    %get3A = arith.index_cast %multiple_of3A_3 : i32 to index
    %get3A_4 = tpu.vector_load %arg12[%get3A] {strides = array<i32>} : memref<512xi32, #tpu.memory_space<vmem>>, vector<16xi32>,
    %eq3A = arith.constant 0 : i32
    %eq3A_5 = vector.broadcast %eq3A : i32 to vector<16xi32>
    %eq3A_6 = arith.cmpi eq, %iota3A, %eq3A_5 : vector<16xi32>
    %jit3A = arith.constant 0 : i32
    %broadcast_in_dim3A = vector.broadcast %jit3A : i32 to vector<16xi32>
    %select_n3A = arith.select %eq3A_6, %get3A_4, %broadcast_in_dim3A : vector<16xi1>, vector<16xi32>
    %reduce_sum3A = arith.constant true
    %reduce_sum3A_7 = vector.broadcast %reduce_sum3A : i1 to vector<16xi1>
    %reduce_sum3A_8 = tpu.scan <sum>, %select_n3A masked %reduce_sum3A_7 : vector<16xi32>, vector<16xi1> -> vector<16xi32>
    %reduce_sum3A_9 = vector.extract %reduce_sum3A_8[15] : i32 from vector<16xi32>
    %shift_right_arithmetic3A = arith.constant 7 : i32
    %shift_right_arithmetic3A_10 = arith.shrsi %reduce_sum3A_9, %shift_right_arithmetic3A : i32
    %shift_left3A = arith.constant 7 : i32
    %shift_left3A_11 = arith.shli %shift_right_arithmetic3A_10, %shift_left3A : i32
    %multiple_of3A_12 = tpu.assume_multiple %shift_left3A_11, 128 : i32
    %dma_start3A = arith.constant 0 : i32
    %dma_start3A_13 = arith.constant 0 : i32
    %dma_start3A_14 = arith.constant 0 : i32
    %dma_start3A_15 = tpu.memref_slice %arg14[%dma_start3A, %dma_start3A_13, %dma_start3A_14] : memref<8x16x128xf32, #tpu.memory_space<vmem>> -> memref<1x16x128xf32, #tpu.memory_space<vmem>>
    %dma_start3A_16 = tpu.memref_squeeze %dma_start3A_15 : memref<1x16x128xf32, #tpu.memory_space<vmem>> -> memref<16x128xf32, #tpu.memory_space<vmem>>
    %dma_start3A_17 = arith.constant 0 : i32
    %dma_start3A_18 = tpu.memref_slice %arg4[%dma_start3A_17, %multiple_of3A_12] : memref<16x1000000xf32, #tpu.memory_space<hbm>> -> memref<16x128xf32, #tpu.memory_space<hbm>>
    %dma_start3A_19 = arith.constant 0 : i32
    %dma_start3A_20 = arith.constant 0 : i32
    %dma_start3A_21 = tpu.memref_slice %arg14[%dma_start3A, %dma_start3A_19, %dma_start3A_20] : memref<8x16x128xf32, #tpu.memory_space<vmem>> -> memref<1x16x128xf32, #tpu.memory_space<vmem>>
    %dma_start3A_22 = tpu.memref_squeeze %dma_start3A_21 : memref<1x16x128xf32, #tpu.memory_space<vmem>> -> memref<16x128xf32, #tpu.memory_space<vmem>>
    %dma_start3A_23 = arith.constant 0 : i32
    %dma_start3A_24 = tpu.memref_slice %arg4[%dma_start3A_23, %multiple_of3A_12] : memref<16x1000000xf32, #tpu.memory_space<hbm>> -> memref<16x128xf32, #tpu.memory_space<hbm>>
    tpu.enqueue_dma source(%dma_start3A_24 : memref<16x128xf32, #tpu.memory_space<hbm>>) target(%dma_start3A_22 : memref<16x128xf32, #tpu.memory_space<vmem>>) target_semaphore(%arg18 : memref<!tpu.dma_semaphore, #tpu.memory_space<semaphore_mem>>)
    %dma_start3A_25 = arith.constant 0 : i32
    %dma_start3A_26 = arith.constant 0 : i32
    %dma_start3A_27 = arith.constant 0 : i32
    %dma_start3A_28 = tpu.memref_slice %arg15[%dma_start3A_25, %dma_start3A_26, %dma_start3A_27] : memref<8x64x128xf32, #tpu.memory_space<vmem>> -> memref<1x64x128xf32, #tpu.memory_space<vmem>>
    %dma_start3A_29 = tpu.memref_squeeze %dma_start3A_28 : memref<1x64x128xf32, #tpu.memory_space<vmem>> -> memref<64x128xf32, #tpu.memory_space<vmem>>
    %dma_start3A_30 = arith.constant 0 : i32
    %dma_start3A_31 = tpu.memref_slice %arg6[%dma_start3A_30, %multiple_of3A_12] : memref<64x1000000xf32, #tpu.memory_space<hbm>> -> memref<64x128xf32, #tpu.memory_space<hbm>>
    %dma_start3A_32 = arith.constant 0 : i32
    %dma_start3A_33 = arith.constant 0 : i32
    %dma_start3A_34 = tpu.memref_slice %arg15[%dma_start3A_25, %dma_start3A_32, %dma_start3A_33] : memref<8x64x128xf32, #tpu.memory_space<vmem>> -> memref<1x64x128xf32, #tpu.memory_space<vmem>>
    %dma_start3A_35 = tpu.memref_squeeze %dma_start3A_34 : memref<1x64x128xf32, #tpu.memory_space<vmem>> -> memref<64x128xf32, #tpu.memory_space<vmem>>
    %dma_start3A_36 = arith.constant 0 : i32
    %dma_start3A_37 = tpu.memref_slice %arg6[%dma_start3A_36, %multiple_of3A_12] : memref<64x1000000xf32, #tpu.memory_space<hbm>> -> memref<64x128xf32, #tpu.memory_space<hbm>>
    tpu.enqueue_dma source(%dma_start3A_37 : memref<64x128xf32, #tpu.memory_space<hbm>>) target(%dma_start3A_35 : memref<64x128xf32, #tpu.memory_space<vmem>>) target_semaphore(%arg18 : memref<!tpu.dma_semaphore, #tpu.memory_space<semaphore_mem>>)
    %multiple_of3A_38 = arith.constant 0 : i32
    %multiple_of3A_39 = tpu.assume_multiple %multiple_of3A_38, 16 : i32
    %get3A_40 = arith.index_cast %multiple_of3A_39 : i32 to index
    %get3A_41 = tpu.vector_load %arg12[%get3A_40] {strides = array<i32>} : memref<512xi32, #tpu.memory_space<vmem>>, vector<16xi32>,
    %eq3A_42 = arith.constant 1 : i32
    %eq3A_43 = vector.broadcast %eq3A_42 : i32 to vector<16xi32>
    %eq3A_44 = arith.cmpi eq, %iota3A, %eq3A_43 : vector<16xi32>
    %jit3A_45 = arith.constant 0 : i32
    %broadcast_in_dim3A_46 = vector.broadcast %jit3A_45 : i32 to vector<16xi32>
    %select_n3A_47 = arith.select %eq3A_44, %get3A_41, %broadcast_in_dim3A_46 : vector<16xi1>, vector<16xi32>
    %reduce_sum3A_48 = arith.constant true
    %reduce_sum3A_49 = vector.broadcast %reduce_sum3A_48 : i1 to vector<16xi1>
    %reduce_sum3A_50 = tpu.scan <sum>, %select_n3A_47 masked %reduce_sum3A_49 : vector<16xi32>, vector<16xi1> -> vector<16xi32>
    %reduce_sum3A_51 = vector.extract %reduce_sum3A_50[15] : i32 from vector<16xi32>
    %shift_right_arithmetic3A_52 = arith.constant 7 : i32
    %shift_right_arithmetic3A_53 = arith.shrsi %reduce_sum3A_51, %shift_right_arithmetic3A_52 : i32
    %shift_left3A_54 = arith.constant 7 : i32
    %shift_left3A_55 = arith.shli %shift_right_arithmetic3A_53, %shift_left3A_54 : i32
    %multiple_of3A_56 = tpu.assume_multiple %shift_left3A_55, 128 : i32
    %dma_start3A_57 = arith.constant 1 : i32
    %dma_start3A_58 = arith.constant 0 : i32
    %dma_start3A_59 = arith.constant 0 : i32
    %dma_start3A_60 = tpu.memref_slice %arg14[%dma_start3A_57, %dma_start3A_58, %dma_start3A_59] : memref<8x16x128xf32, #tpu.memory_space<vmem>> -> memref<1x16x128xf32, #tpu.memory_space<vmem>>
    %dma_start3A_61 = tpu.memref_squeeze %dma_start3A_60 : memref<1x16x128xf32, #tpu.memory_space<vmem>> -> memref<16x128xf32, #tpu.memory_space<vmem>>
    %dma_start3A_62 = arith.constant 0 : i32
    %dma_start3A_63 = tpu.memref_slice %arg4[%dma_start3A_62, %multiple_of3A_56] : memref<16x1000000xf32, #tpu.memory_space<hbm>> -> memref<16x128xf32, #tpu.memory_space<hbm>>
    %dma_start3A_64 = arith.constant 0 : i32
    %dma_start3A_65 = arith.constant 0 : i32
    %dma_start3A_66 = tpu.memref_slice %arg14[%dma_start3A_57, %dma_start3A_64, %dma_start3A_65] : memref<8x16x128xf32, #tpu.memory_space<vmem>> -> memref<1x16x128xf32, #tpu.memory_space<vmem>>
    %dma_start3A_67 = tpu.memref_squeeze %dma_start3A_66 : memref<1x16x128xf32, #tpu.memory_space<vmem>> -> memref<16x128xf32, #tpu.memory_space<vmem>>
    %dma_start3A_68 = arith.constant 0 : i32
    %dma_start3A_69 = tpu.memref_slice %arg4[%dma_start3A_68, %multiple_of3A_56] : memref<16x1000000xf32, #tpu.memory_space<hbm>> -> memref<16x128xf32, #tpu.memory_space<hbm>>
    tpu.enqueue_dma source(%dma_start3A_69 : memref<16x128xf32, #tpu.memory_space<hbm>>) target(%dma_start3A_67 : memref<16x128xf32, #tpu.memory_space<vmem>>) target_semaphore(%arg19 : memref<!tpu.dma_semaphore, #tpu.memory_space<semaphore_mem>>)
    %dma_start3A_70 = arith.constant 1 : i32
    %dma_start3A_71 = arith.constant 0 : i32
    %dma_start3A_72 = arith.constant 0 : i32
    %dma_start3A_73 = tpu.memref_slice %arg15[%dma_start3A_70, %dma_start3A_71, %dma_start3A_72] : memref<8x64x128xf32, #tpu.memory_space<vmem>> -> memref<1x64x128xf32, #tpu.memory_space<vmem>>
    %dma_start3A_74 = tpu.memref_squeeze %dma_start3A_73 : memref<1x64x128xf32, #tpu.memory_space<vmem>> -> memref<64x128xf32, #tpu.memory_space<vmem>>
    %dma_start3A_75 = arith.constant 0 : i32
    %dma_start3A_76 = tpu.memref_slice %arg6[%dma_start3A_75, %multiple_of3A_56] : memref<64x1000000xf32, #tpu.memory_space<hbm>> -> memref<64x128xf32, #tpu.memory_space<hbm>>
    %dma_start3A_77 = arith.constant 0 : i32
    %dma_start3A_78 = arith.constant 0 : i32
    %dma_start3A_79 = tpu.memref_slice %arg15[%dma_start3A_70, %dma_start3A_77, %dma_start3A_78] : memref<8x64x128xf32, #tpu.memory_space<vmem>> -> memref<1x64x128xf32, #tpu.memory_space<vmem>>
    %dma_start3A_80 = tpu.memref_squeeze %dma_start3A_79 : memref<1x64x128xf32, #tpu.memory_space<vmem>> -> memref<64x128xf32, #tpu.memory_space<vmem>>
    %dma_start3A_81 = arith.constant 0 : i32
    %dma_start3A_82 = tpu.memref_slice %arg6[%dma_start3A_81, %multiple_of3A_56] : memref<64x1000000xf32, #tpu.memory_space<hbm>> -> memref<64x128xf32, #tpu.memory_space<hbm>>
    tpu.enqueue_dma source(%dma_start3A_82 : memref<64x128xf32, #tpu.memory_space<hbm>>) target(%dma_start3A_80 : memref<64x128xf32, #tpu.memory_space<vmem>>) target_semaphore(%arg19 : memref<!tpu.dma_semaphore, #tpu.memory_space<semaphore_mem>>)
    %multiple_of3A_83 = arith.constant 0 : i32
    %multiple_of3A_84 = tpu.assume_multiple %multiple_of3A_83, 16 : i32
    %get3A_85 = arith.index_cast %multiple_of3A_84 : i32 to index
    %get3A_86 = tpu.vector_load %arg12[%get3A_85] {strides = array<i32>} : memref<512xi32, #tpu.memory_space<vmem>>, vector<16xi32>,
    %eq3A_87 = arith.constant 2 : i32
    %eq3A_88 = vector.broadcast %eq3A_87 : i32 to vector<16xi32>
    %eq3A_89 = arith.cmpi eq, %iota3A, %eq3A_88 : vector<16xi32>
    %jit3A_90 = arith.constant 0 : i32
    %broadcast_in_dim3A_91 = vector.broadcast %jit3A_90 : i32 to vector<16xi32>
    %select_n3A_92 = arith.select %eq3A_89, %get3A_86, %broadcast_in_dim3A_91 : vector<16xi1>, vector<16xi32>
    %reduce_sum3A_93 = arith.constant true
    %reduce_sum3A_94 = vector.broadcast %reduce_sum3A_93 : i1 to vector<16xi1>
    %reduce_sum3A_95 = tpu.scan <sum>, %select_n3A_92 masked %reduce_sum3A_94 : vector<16xi32>, vector<16xi1> -> vector<16xi32>
    %reduce_sum3A_96 = vector.extract %reduce_sum3A_95[15] : i32 from vector<16xi32>
    %shift_right_arithmetic3A_97 = arith.constant 7 : i32
    %shift_right_arithmetic3A_98 = arith.shrsi %reduce_sum3A_96, %shift_right_arithmetic3A_97 : i32
    %shift_left3A_99 = arith.constant 7 : i32
    %shift_left3A_100 = arith.shli %shift_right_arithmetic3A_98, %shift_left3A_99 : i32
    %multiple_of3A_101 = tpu.assume_multiple %shift_left3A_100, 128 : i32
    %dma_start3A_102 = arith.constant 2 : i32
    %dma_start3A_103 = arith.constant 0 : i32
    %dma_start3A_104 = arith.constant 0 : i32
    %dma_start3A_105 = tpu.memref_slice %arg14[%dma_start3A_102, %dma_start3A_103, %dma_start3A_104] : memref<8x16x128xf32, #tpu.memory_space<vmem>> -> memref<1x16x128xf32, #tpu.memory_space<vmem>>
    %dma_start3A_106 = tpu.memref_squeeze %dma_start3A_105 : memref<1x16x128xf32, #tpu.memory_space<vmem>> -> memref<16x128xf32, #tpu.memory_space<vmem>>
    %dma_start3A_107 = arith.constant 0 : i32
    %dma_start3A_108 = tpu.memref_slice %arg4[%dma_start3A_107, %multiple_of3A_101] : memref<16x1000000xf32, #tpu.memory_space<hbm>> -> memref<16x128xf32, #tpu.memory_space<hbm>>
    %dma_start3A_109 = arith.constant 0 : i32
    %dma_start3A_110 = arith.constant 0 : i32
    %dma_start3A_111 = tpu.memref_slice %arg14[%dma_start3A_102, %dma_start3A_109, %dma_start3A_110] : memref<8x16x128xf32, #tpu.memory_space<vmem>> -> memref<1x16x128xf32, #tpu.memory_space<vmem>>
    %dma_start3A_112 = tpu.memref_squeeze %dma_start3A_111 : memref<1x16x128xf32, #tpu.memory_space<vmem>> -> memref<16x128xf32, #tpu.memory_space<vmem>>
    %dma_start3A_113 = arith.constant 0 : i32
    %dma_start3A_114 = tpu.memref_slice %arg4[%dma_start3A_113, %multiple_of3A_101] : memref<16x1000000xf32, #tpu.memory_space<hbm>> -> memref<16x128xf32, #tpu.memory_space<hbm>>
    tpu.enqueue_dma source(%dma_start3A_114 : memref<16x128xf32, #tpu.memory_space<hbm>>) target(%dma_start3A_112 : memref<16x128xf32, #tpu.memory_space<vmem>>) target_semaphore(%arg20 : memref<!tpu.dma_semaphore, #tpu.memory_space<semaphore_mem>>)
    %dma_start3A_115 = arith.constant 2 : i32
    %dma_start3A_116 = arith.constant 0 : i32
    %dma_start3A_117 = arith.constant 0 : i32
    %dma_start3A_118 = tpu.memref_slice %arg15[%dma_start3A_115, %dma_start3A_116, %dma_start3A_117] : memref<8x64x128xf32, #tpu.memory_space<vmem>> -> memref<1x64x128xf32, #tpu.memory_space<vmem>>
    %dma_start3A_119 = tpu.memref_squeeze %dma_start3A_118 : memref<1x64x128xf32, #tpu.memory_space<vmem>> -> memref<64x128xf32, #tpu.memory_space<vmem>>
    %dma_start3A_120 = arith.constant 0 : i32
    %dma_start3A_121 = tpu.memref_slice %arg6[%dma_start3A_120, %multiple_of3A_101] : memref<64x1000000xf32, #tpu.memory_space<hbm>> -> memref<64x128xf32, #tpu.memory_space<hbm>>
    %dma_start3A_122 = arith.constant 0 : i32
    %dma_start3A_123 = arith.constant 0 : i32
    %dma_start3A_124 = tpu.memref_slice %arg15[%dma_start3A_115, %dma_start3A_122, %dma_start3A_123] : memref<8x64x128xf32, #tpu.memory_space<vmem>> -> memref<1x64x128xf32, #tpu.memory_space<vmem>>
    %dma_start3A_125 = tpu.memref_squeeze %dma_start3A_124 : memref<1x64x128xf32, #tpu.memory_space<vmem>> -> memref<64x128xf32, #tpu.memory_space<vmem>>
    %dma_start3A_126 = arith.constant 0 : i32
    %dma_start3A_127 = tpu.memref_slice %arg6[%dma_start3A_126, %multiple_of3A_101] : memref<64x1000000xf32, #tpu.memory_space<hbm>> -> memref<64x128xf32, #tpu.memory_space<hbm>>
    tpu.enqueue_dma source(%dma_start3A_127 : memref<64x128xf32, #tpu.memory_space<hbm>>) target(%dma_start3A_125 : memref<64x128xf32, #tpu.memory_space<vmem>>) target_semaphore(%arg20 : memref<!tpu.dma_semaphore, #tpu.memory_space<semaphore_mem>>)
    %multiple_of3A_128 = arith.constant 0 : i32
    %multiple_of3A_129 = tpu.assume_multiple %multiple_of3A_128, 16 : i32
    %get3A_130 = arith.index_cast %multiple_of3A_129 : i32 to index
    %get3A_131 = tpu.vector_load %arg12[%get3A_130] {strides = array<i32>} : memref<512xi32, #tpu.memory_space<vmem>>, vector<16xi32>,
    %eq3A_132 = arith.constant 3 : i32
    %eq3A_133 = vector.broadcast %eq3A_132 : i32 to vector<16xi32>
    %eq3A_134 = arith.cmpi eq, %iota3A, %eq3A_133 : vector<16xi32>
    %jit3A_135 = arith.constant 0 : i32
    %broadcast_in_dim3A_136 = vector.broadcast %jit3A_135 : i32 to vector<16xi32>
    %select_n3A_137 = arith.select %eq3A_134, %get3A_131, %broadcast_in_dim3A_136 : vector<16xi1>, vector<16xi32>
    %reduce_sum3A_138 = arith.constant true
    %reduce_sum3A_139 = vector.broadcast %reduce_sum3A_138 : i1 to vector<16xi1>
    %reduce_sum3A_140 = tpu.scan <sum>, %select_n3A_137 masked %reduce_sum3A_139 : vector<16xi32>, vector<16xi1> -> vector<16xi32>
    %reduce_sum3A_141 = vector.extract %reduce_sum3A_140[15] : i32 from vector<16xi32>
    %shift_right_arithmetic3A_142 = arith.constant 7 : i32
    %shift_right_arithmetic3A_143 = arith.shrsi %reduce_sum3A_141, %shift_right_arithmetic3A_142 : i32
    %shift_left3A_144 = arith.constant 7 : i32
    %shift_left3A_145 = arith.shli %shift_right_arithmetic3A_143, %shift_left3A_144 : i32
    %multiple_of3A_146 = tpu.assume_multiple %shift_left3A_145, 128 : i32
    %dma_start3A_147 = arith.constant 3 : i32
    %dma_start3A_148 = arith.constant 0 : i32
    %dma_start3A_149 = arith.constant 0 : i32
    %dma_start3A_150 = tpu.memref_slice %arg14[%dma_start3A_147, %dma_start3A_148, %dma_start3A_149] : memref<8x16x128xf32, #tpu.memory_space<vmem>> -> memref<1x16x128xf32, #tpu.memory_space<vmem>>
    %dma_start3A_151 = tpu.memref_squeeze %dma_start3A_150 : memref<1x16x128xf32, #tpu.memory_space<vmem>> -> memref<16x128xf32, #tpu.memory_space<vmem>>
    %dma_start3A_152 = arith.constant 0 : i32
    %dma_start3A_153 = tpu.memref_slice %arg4[%dma_start3A_152, %multiple_of3A_146] : memref<16x1000000xf32, #tpu.memory_space<hbm>> -> memref<16x128xf32, #tpu.memory_space<hbm>>
    %dma_start3A_154 = arith.constant 0 : i32
    %dma_start3A_155 = arith.constant 0 : i32
    %dma_start3A_156 = tpu.memref_slice %arg14[%dma_start3A_147, %dma_start3A_154, %dma_start3A_155] : memref<8x16x128xf32, #tpu.memory_space<vmem>> -> memref<1x16x128xf32, #tpu.memory_space<vmem>>
    %dma_start3A_157 = tpu.memref_squeeze %dma_start3A_156 : memref<1x16x128xf32, #tpu.memory_space<vmem>> -> memref<16x128xf32, #tpu.memory_space<vmem>>
    %dma_start3A_158 = arith.constant 0 : i32
    %dma_start3A_159 = tpu.memref_slice %arg4[%dma_start3A_158, %multiple_of3A_146] : memref<16x1000000xf32, #tpu.memory_space<hbm>> -> memref<16x128xf32, #tpu.memory_space<hbm>>
    tpu.enqueue_dma source(%dma_start3A_159 : memref<16x128xf32, #tpu.memory_space<hbm>>) target(%dma_start3A_157 : memref<16x128xf32, #tpu.memory_space<vmem>>) target_semaphore(%arg21 : memref<!tpu.dma_semaphore, #tpu.memory_space<semaphore_mem>>)
    %dma_start3A_160 = arith.constant 3 : i32
    %dma_start3A_161 = arith.constant 0 : i32
    %dma_start3A_162 = arith.constant 0 : i32
    %dma_start3A_163 = tpu.memref_slice %arg15[%dma_start3A_160, %dma_start3A_161, %dma_start3A_162] : memref<8x64x128xf32, #tpu.memory_space<vmem>> -> memref<1x64x128xf32, #tpu.memory_space<vmem>>
    %dma_start3A_164 = tpu.memref_squeeze %dma_start3A_163 : memref<1x64x128xf32, #tpu.memory_space<vmem>> -> memref<64x128xf32, #tpu.memory_space<vmem>>
    %dma_start3A_165 = arith.constant 0 : i32
    %dma_start3A_166 = tpu.memref_slice %arg6[%dma_start3A_165, %multiple_of3A_146] : memref<64x1000000xf32, #tpu.memory_space<hbm>> -> memref<64x128xf32, #tpu.memory_space<hbm>>
    %dma_start3A_167 = arith.constant 0 : i32
    %dma_start3A_168 = arith.constant 0 : i32
    %dma_start3A_169 = tpu.memref_slice %arg15[%dma_start3A_160, %dma_start3A_167, %dma_start3A_168] : memref<8x64x128xf32, #tpu.memory_space<vmem>> -> memref<1x64x128xf32, #tpu.memory_space<vmem>>
    %dma_start3A_170 = tpu.memref_squeeze %dma_start3A_169 : memref<1x64x128xf32, #tpu.memory_space<vmem>> -> memref<64x128xf32, #tpu.memory_space<vmem>>
    %dma_start3A_171 = arith.constant 0 : i32
    %dma_start3A_172 = tpu.memref_slice %arg6[%dma_start3A_171, %multiple_of3A_146] : memref<64x1000000xf32, #tpu.memory_space<hbm>> -> memref<64x128xf32, #tpu.memory_space<hbm>>
    tpu.enqueue_dma source(%dma_start3A_172 : memref<64x128xf32, #tpu.memory_space<hbm>>) target(%dma_start3A_170 : memref<64x128xf32, #tpu.memory_space<vmem>>) target_semaphore(%arg21 : memref<!tpu.dma_semaphore, #tpu.memory_space<semaphore_mem>>)
    %multiple_of3A_173 = arith.constant 0 : i32
    %multiple_of3A_174 = tpu.assume_multiple %multiple_of3A_173, 16 : i32
    %get3A_175 = arith.index_cast %multiple_of3A_174 : i32 to index
    %get3A_176 = tpu.vector_load %arg12[%get3A_175] {strides = array<i32>} : memref<512xi32, #tpu.memory_space<vmem>>, vector<16xi32>,
    %eq3A_177 = arith.constant 4 : i32
    %eq3A_178 = vector.broadcast %eq3A_177 : i32 to vector<16xi32>
    %eq3A_179 = arith.cmpi eq, %iota3A, %eq3A_178 : vector<16xi32>
    %jit3A_180 = arith.constant 0 : i32
    %broadcast_in_dim3A_181 = vector.broadcast %jit3A_180 : i32 to vector<16xi32>
    %select_n3A_182 = arith.select %eq3A_179, %get3A_176, %broadcast_in_dim3A_181 : vector<16xi1>, vector<16xi32>
    %reduce_sum3A_183 = arith.constant true
    %reduce_sum3A_184 = vector.broadcast %reduce_sum3A_183 : i1 to vector<16xi1>
    %reduce_sum3A_185 = tpu.scan <sum>, %select_n3A_182 masked %reduce_sum3A_184 : vector<16xi32>, vector<16xi1> -> vector<16xi32>
    %reduce_sum3A_186 = vector.extract %reduce_sum3A_185[15] : i32 from vector<16xi32>
    %shift_right_arithmetic3A_187 = arith.constant 7 : i32
    %shift_right_arithmetic3A_188 = arith.shrsi %reduce_sum3A_186, %shift_right_arithmetic3A_187 : i32
    %shift_left3A_189 = arith.constant 7 : i32
    %shift_left3A_190 = arith.shli %shift_right_arithmetic3A_188, %shift_left3A_189 : i32
    %multiple_of3A_191 = tpu.assume_multiple %shift_left3A_190, 128 : i32
    %dma_start3A_192 = arith.constant 4 : i32
    %dma_start3A_193 = arith.constant 0 : i32
    %dma_start3A_194 = arith.constant 0 : i32
    %dma_start3A_195 = tpu.memref_slice %arg14[%dma_start3A_192, %dma_start3A_193, %dma_start3A_194] : memref<8x16x128xf32, #tpu.memory_space<vmem>> -> memref<1x16x128xf32, #tpu.memory_space<vmem>>
    %dma_start3A_196 = tpu.memref_squeeze %dma_start3A_195 : memref<1x16x128xf32, #tpu.memory_space<vmem>> -> memref<16x128xf32, #tpu.memory_space<vmem>>
    %dma_start3A_197 = arith.constant 0 : i32
    %dma_start3A_198 = tpu.memref_slice %arg4[%dma_start3A_197, %multiple_of3A_191] : memref<16x1000000xf32, #tpu.memory_space<hbm>> -> memref<16x128xf32, #tpu.memory_space<hbm>>
    %dma_start3A_199 = arith.constant 0 : i32
    %dma_start3A_200 = arith.constant 0 : i32
    %dma_start3A_201 = tpu.memref_slice %arg14[%dma_start3A_192, %dma_start3A_199, %dma_start3A_200] : memref<8x16x128xf32, #tpu.memory_space<vmem>> -> memref<1x16x128xf32, #tpu.memory_space<vmem>>
    %dma_start3A_202 = tpu.memref_squeeze %dma_start3A_201 : memref<1x16x128xf32, #tpu.memory_space<vmem>> -> memref<16x128xf32, #tpu.memory_space<vmem>>
    %dma_start3A_203 = arith.constant 0 : i32
    %dma_start3A_204 = tpu.memref_slice %arg4[%dma_start3A_203, %multiple_of3A_191] : memref<16x1000000xf32, #tpu.memory_space<hbm>> -> memref<16x128xf32, #tpu.memory_space<hbm>>
    tpu.enqueue_dma source(%dma_start3A_204 : memref<16x128xf32, #tpu.memory_space<hbm>>) target(%dma_start3A_202 : memref<16x128xf32, #tpu.memory_space<vmem>>) target_semaphore(%arg22 : memref<!tpu.dma_semaphore, #tpu.memory_space<semaphore_mem>>)
    %dma_start3A_205 = arith.constant 4 : i32
    %dma_start3A_206 = arith.constant 0 : i32
    %dma_start3A_207 = arith.constant 0 : i32
    %dma_start3A_208 = tpu.memref_slice %arg15[%dma_start3A_205, %dma_start3A_206, %dma_start3A_207] : memref<8x64x128xf32, #tpu.memory_space<vmem>> -> memref<1x64x128xf32, #tpu.memory_space<vmem>>
    %dma_start3A_209 = tpu.memref_squeeze %dma_start3A_208 : memref<1x64x128xf32, #tpu.memory_space<vmem>> -> memref<64x128xf32, #tpu.memory_space<vmem>>
    %dma_start3A_210 = arith.constant 0 : i32
    %dma_start3A_211 = tpu.memref_slice %arg6[%dma_start3A_210, %multiple_of3A_191] : memref<64x1000000xf32, #tpu.memory_space<hbm>> -> memref<64x128xf32, #tpu.memory_space<hbm>>
    %dma_start3A_212 = arith.constant 0 : i32
    %dma_start3A_213 = arith.constant 0 : i32
    %dma_start3A_214 = tpu.memref_slice %arg15[%dma_start3A_205, %dma_start3A_212, %dma_start3A_213] : memref<8x64x128xf32, #tpu.memory_space<vmem>> -> memref<1x64x128xf32, #tpu.memory_space<vmem>>
    %dma_start3A_215 = tpu.memref_squeeze %dma_start3A_214 : memref<1x64x128xf32, #tpu.memory_space<vmem>> -> memref<64x128xf32, #tpu.memory_space<vmem>>
    %dma_start3A_216 = arith.constant 0 : i32
    %dma_start3A_217 = tpu.memref_slice %arg6[%dma_start3A_216, %multiple_of3A_191] : memref<64x1000000xf32, #tpu.memory_space<hbm>> -> memref<64x128xf32, #tpu.memory_space<hbm>>
    tpu.enqueue_dma source(%dma_start3A_217 : memref<64x128xf32, #tpu.memory_space<hbm>>) target(%dma_start3A_215 : memref<64x128xf32, #tpu.memory_space<vmem>>) target_semaphore(%arg22 : memref<!tpu.dma_semaphore, #tpu.memory_space<semaphore_mem>>)
    %multiple_of3A_218 = arith.constant 0 : i32
    %multiple_of3A_219 = tpu.assume_multiple %multiple_of3A_218, 16 : i32
    %get3A_220 = arith.index_cast %multiple_of3A_219 : i32 to index
    %get3A_221 = tpu.vector_load %arg12[%get3A_220] {strides = array<i32>} : memref<512xi32, #tpu.memory_space<vmem>>, vector<16xi32>,
    %eq3A_222 = arith.constant 5 : i32
    %eq3A_223 = vector.broadcast %eq3A_222 : i32 to vector<16xi32>
    %eq3A_224 = arith.cmpi eq, %iota3A, %eq3A_223 : vector<16xi32>
    %jit3A_225 = arith.constant 0 : i32
    %broadcast_in_dim3A_226 = vector.broadcast %jit3A_225 : i32 to vector<16xi32>
    %select_n3A_227 = arith.select %eq3A_224, %get3A_221, %broadcast_in_dim3A_226 : vector<16xi1>, vector<16xi32>
    %reduce_sum3A_228 = arith.constant true
    %reduce_sum3A_229 = vector.broadcast %reduce_sum3A_228 : i1 to vector<16xi1>
    %reduce_sum3A_230 = tpu.scan <sum>, %select_n3A_227 masked %reduce_sum3A_229 : vector<16xi32>, vector<16xi1> -> vector<16xi32>
    %reduce_sum3A_231 = vector.extract %reduce_sum3A_230[15] : i32 from vector<16xi32>
    %shift_right_arithmetic3A_232 = arith.constant 7 : i32
    %shift_right_arithmetic3A_233 = arith.shrsi %reduce_sum3A_231, %shift_right_arithmetic3A_232 : i32
    %shift_left3A_234 = arith.constant 7 : i32
    %shift_left3A_235 = arith.shli %shift_right_arithmetic3A_233, %shift_left3A_234 : i32
    %multiple_of3A_236 = tpu.assume_multiple %shift_left3A_235, 128 : i32
    %dma_start3A_237 = arith.constant 5 : i32
    %dma_start3A_238 = arith.constant 0 : i32
    %dma_start3A_239 = arith.constant 0 : i32
    %dma_start3A_240 = tpu.memref_slice %arg14[%dma_start3A_237, %dma_start3A_238, %dma_start3A_239] : memref<8x16x128xf32, #tpu.memory_space<vmem>> -> memref<1x16x128xf32, #tpu.memory_space<vmem>>
    %dma_start3A_241 = tpu.memref_squeeze %dma_start3A_240 : memref<1x16x128xf32, #tpu.memory_space<vmem>> -> memref<16x128xf32, #tpu.memory_space<vmem>>
    %dma_start3A_242 = arith.constant 0 : i32
    %dma_start3A_243 = tpu.memref_slice %arg4[%dma_start3A_242, %multiple_of3A_236] : memref<16x1000000xf32, #tpu.memory_space<hbm>> -> memref<16x128xf32, #tpu.memory_space<hbm>>
    %dma_start3A_244 = arith.constant 0 : i32
    %dma_start3A_245 = arith.constant 0 : i32
    %dma_start3A_246 = tpu.memref_slice %arg14[%dma_start3A_237, %dma_start3A_244, %dma_start3A_245] : memref<8x16x128xf32, #tpu.memory_space<vmem>> -> memref<1x16x128xf32, #tpu.memory_space<vmem>>
    %dma_start3A_247 = tpu.memref_squeeze %dma_start3A_246 : memref<1x16x128xf32, #tpu.memory_space<vmem>> -> memref<16x128xf32, #tpu.memory_space<vmem>>
    %dma_start3A_248 = arith.constant 0 : i32
    %dma_start3A_249 = tpu.memref_slice %arg4[%dma_start3A_248, %multiple_of3A_236] : memref<16x1000000xf32, #tpu.memory_space<hbm>> -> memref<16x128xf32, #tpu.memory_space<hbm>>
    tpu.enqueue_dma source(%dma_start3A_249 : memref<16x128xf32, #tpu.memory_space<hbm>>) target(%dma_start3A_247 : memref<16x128xf32, #tpu.memory_space<vmem>>) target_semaphore(%arg23 : memref<!tpu.dma_semaphore, #tpu.memory_space<semaphore_mem>>)
    %dma_start3A_250 = arith.constant 5 : i32
    %dma_start3A_251 = arith.constant 0 : i32
    %dma_start3A_252 = arith.constant 0 : i32
    %dma_start3A_253 = tpu.memref_slice %arg15[%dma_start3A_250, %dma_start3A_251, %dma_start3A_252] : memref<8x64x128xf32, #tpu.memory_space<vmem>> -> memref<1x64x128xf32, #tpu.memory_space<vmem>>
    %dma_start3A_254 = tpu.memref_squeeze %dma_start3A_253 : memref<1x64x128xf32, #tpu.memory_space<vmem>> -> memref<64x128xf32, #tpu.memory_space<vmem>>
    %dma_start3A_255 = arith.constant 0 : i32
    %dma_start3A_256 = tpu.memref_slice %arg6[%dma_start3A_255, %multiple_of3A_236] : memref<64x1000000xf32, #tpu.memory_space<hbm>> -> memref<64x128xf32, #tpu.memory_space<hbm>>
    %dma_start3A_257 = arith.constant 0 : i32
    %dma_start3A_258 = arith.constant 0 : i32
    %dma_start3A_259 = tpu.memref_slice %arg15[%dma_start3A_250, %dma_start3A_257, %dma_start3A_258] : memref<8x64x128xf32, #tpu.memory_space<vmem>> -> memref<1x64x128xf32, #tpu.memory_space<vmem>>
    %dma_start3A_260 = tpu.memref_squeeze %dma_start3A_259 : memref<1x64x128xf32, #tpu.memory_space<vmem>> -> memref<64x128xf32, #tpu.memory_space<vmem>>
    %dma_start3A_261 = arith.constant 0 : i32
    %dma_start3A_262 = tpu.memref_slice %arg6[%dma_start3A_261, %multiple_of3A_236] : memref<64x1000000xf32, #tpu.memory_space<hbm>> -> memref<64x128xf32, #tpu.memory_space<hbm>>
    tpu.enqueue_dma source(%dma_start3A_262 : memref<64x128xf32, #tpu.memory_space<hbm>>) target(%dma_start3A_260 : memref<64x128xf32, #tpu.memory_space<vmem>>) target_semaphore(%arg23 : memref<!tpu.dma_semaphore, #tpu.memory_space<semaphore_mem>>)
    %multiple_of3A_263 = arith.constant 0 : i32
    %multiple_of3A_264 = tpu.assume_multiple %multiple_of3A_263, 16 : i32
    %get3A_265 = arith.index_cast %multiple_of3A_264 : i32 to index
    %get3A_266 = tpu.vector_load %arg12[%get3A_265] {strides = array<i32>} : memref<512xi32, #tpu.memory_space<vmem>>, vector<16xi32>,
    %eq3A_267 = arith.constant 6 : i32
    %eq3A_268 = vector.broadcast %eq3A_267 : i32 to vector<16xi32>
    %eq3A_269 = arith.cmpi eq, %iota3A, %eq3A_268 : vector<16xi32>
    %jit3A_270 = arith.constant 0 : i32
    %broadcast_in_dim3A_271 = vector.broadcast %jit3A_270 : i32 to vector<16xi32>
    %select_n3A_272 = arith.select %eq3A_269, %get3A_266, %broadcast_in_dim3A_271 : vector<16xi1>, vector<16xi32>
    %reduce_sum3A_273 = arith.constant true
    %reduce_sum3A_274 = vector.broadcast %reduce_sum3A_273 : i1 to vector<16xi1>
    %reduce_sum3A_275 = tpu.scan <sum>, %select_n3A_272 masked %reduce_sum3A_274 : vector<16xi32>, vector<16xi1> -> vector<16xi32>
    %reduce_sum3A_276 = vector.extract %reduce_sum3A_275[15] : i32 from vector<16xi32>
    %shift_right_arithmetic3A_277 = arith.constant 7 : i32
    %shift_right_arithmetic3A_278 = arith.shrsi %reduce_sum3A_276, %shift_right_arithmetic3A_277 : i32
    %shift_left3A_279 = arith.constant 7 : i32
    %shift_left3A_280 = arith.shli %shift_right_arithmetic3A_278, %shift_left3A_279 : i32
    %multiple_of3A_281 = tpu.assume_multiple %shift_left3A_280, 128 : i32
    %dma_start3A_282 = arith.constant 6 : i32
    %dma_start3A_283 = arith.constant 0 : i32
    %dma_start3A_284 = arith.constant 0 : i32
    %dma_start3A_285 = tpu.memref_slice %arg14[%dma_start3A_282, %dma_start3A_283, %dma_start3A_284] : memref<8x16x128xf32, #tpu.memory_space<vmem>> -> memref<1x16x128xf32, #tpu.memory_space<vmem>>
    %dma_start3A_286 = tpu.memref_squeeze %dma_start3A_285 : memref<1x16x128xf32, #tpu.memory_space<vmem>> -> memref<16x128xf32, #tpu.memory_space<vmem>>
    %dma_start3A_287 = arith.constant 0 : i32
    %dma_start3A_288 = tpu.memref_slice %arg4[%dma_start3A_287, %multiple_of3A_281] : memref<16x1000000xf32, #tpu.memory_space<hbm>> -> memref<16x128xf32, #tpu.memory_space<hbm>>
    %dma_start3A_289 = arith.constant 0 : i32
    %dma_start3A_290 = arith.constant 0 : i32
    %dma_start3A_291 = tpu.memref_slice %arg14[%dma_start3A_282, %dma_start3A_289, %dma_start3A_290] : memref<8x16x128xf32, #tpu.memory_space<vmem>> -> memref<1x16x128xf32, #tpu.memory_space<vmem>>
    %dma_start3A_292 = tpu.memref_squeeze %dma_start3A_291 : memref<1x16x128xf32, #tpu.memory_space<vmem>> -> memref<16x128xf32, #tpu.memory_space<vmem>>
    %dma_start3A_293 = arith.constant 0 : i32
    %dma_start3A_294 = tpu.memref_slice %arg4[%dma_start3A_293, %multiple_of3A_281] : memref<16x1000000xf32, #tpu.memory_space<hbm>> -> memref<16x128xf32, #tpu.memory_space<hbm>>
    tpu.enqueue_dma source(%dma_start3A_294 : memref<16x128xf32, #tpu.memory_space<hbm>>) target(%dma_start3A_292 : memref<16x128xf32, #tpu.memory_space<vmem>>) target_semaphore(%arg24 : memref<!tpu.dma_semaphore, #tpu.memory_space<semaphore_mem>>)
    %dma_start3A_295 = arith.constant 6 : i32
    %dma_start3A_296 = arith.constant 0 : i32
    %dma_start3A_297 = arith.constant 0 : i32
    %dma_start3A_298 = tpu.memref_slice %arg15[%dma_start3A_295, %dma_start3A_296, %dma_start3A_297] : memref<8x64x128xf32, #tpu.memory_space<vmem>> -> memref<1x64x128xf32, #tpu.memory_space<vmem>>
    %dma_start3A_299 = tpu.memref_squeeze %dma_start3A_298 : memref<1x64x128xf32, #tpu.memory_space<vmem>> -> memref<64x128xf32, #tpu.memory_space<vmem>>
    %dma_start3A_300 = arith.constant 0 : i32
    %dma_start3A_301 = tpu.memref_slice %arg6[%dma_start3A_300, %multiple_of3A_281] : memref<64x1000000xf32, #tpu.memory_space<hbm>> -> memref<64x128xf32, #tpu.memory_space<hbm>>
    %dma_start3A_302 = arith.constant 0 : i32
    %dma_start3A_303 = arith.constant 0 : i32
    %dma_start3A_304 = tpu.memref_slice %arg15[%dma_start3A_295, %dma_start3A_302, %dma_start3A_303] : memref<8x64x128xf32, #tpu.memory_space<vmem>> -> memref<1x64x128xf32, #tpu.memory_space<vmem>>
    %dma_start3A_305 = tpu.memref_squeeze %dma_start3A_304 : memref<1x64x128xf32, #tpu.memory_space<vmem>> -> memref<64x128xf32, #tpu.memory_space<vmem>>
    %dma_start3A_306 = arith.constant 0 : i32
    %dma_start3A_307 = tpu.memref_slice %arg6[%dma_start3A_306, %multiple_of3A_281] : memref<64x1000000xf32, #tpu.memory_space<hbm>> -> memref<64x128xf32, #tpu.memory_space<hbm>>
    tpu.enqueue_dma source(%dma_start3A_307 : memref<64x128xf32, #tpu.memory_space<hbm>>) target(%dma_start3A_305 : memref<64x128xf32, #tpu.memory_space<vmem>>) target_semaphore(%arg24 : memref<!tpu.dma_semaphore, #tpu.memory_space<semaphore_mem>>)
    %multiple_of3A_308 = arith.constant 0 : i32
    %multiple_of3A_309 = tpu.assume_multiple %multiple_of3A_308, 16 : i32
    %get3A_310 = arith.index_cast %multiple_of3A_309 : i32 to index
    %get3A_311 = tpu.vector_load %arg12[%get3A_310] {strides = array<i32>} : memref<512xi32, #tpu.memory_space<vmem>>, vector<16xi32>,
    %eq3A_312 = arith.constant 7 : i32
    %eq3A_313 = vector.broadcast %eq3A_312 : i32 to vector<16xi32>
    %eq3A_314 = arith.cmpi eq, %iota3A, %eq3A_313 : vector<16xi32>
    %jit3A_315 = arith.constant 0 : i32
    %broadcast_in_dim3A_316 = vector.broadcast %jit3A_315 : i32 to vector<16xi32>
    %select_n3A_317 = arith.select %eq3A_314, %get3A_311, %broadcast_in_dim3A_316 : vector<16xi1>, vector<16xi32>
    %reduce_sum3A_318 = arith.constant true
    %reduce_sum3A_319 = vector.broadcast %reduce_sum3A_318 : i1 to vector<16xi1>
    %reduce_sum3A_320 = tpu.scan <sum>, %select_n3A_317 masked %reduce_sum3A_319 : vector<16xi32>, vector<16xi1> -> vector<16xi32>
    %reduce_sum3A_321 = vector.extract %reduce_sum3A_320[15] : i32 from vector<16xi32>
    %shift_right_arithmetic3A_322 = arith.constant 7 : i32
    %shift_right_arithmetic3A_323 = arith.shrsi %reduce_sum3A_321, %shift_right_arithmetic3A_322 : i32
    %shift_left3A_324 = arith.constant 7 : i32
    %shift_left3A_325 = arith.shli %shift_right_arithmetic3A_323, %shift_left3A_324 : i32
    %multiple_of3A_326 = tpu.assume_multiple %shift_left3A_325, 128 : i32
    %dma_start3A_327 = arith.constant 7 : i32
    %dma_start3A_328 = arith.constant 0 : i32
    %dma_start3A_329 = arith.constant 0 : i32
    %dma_start3A_330 = tpu.memref_slice %arg14[%dma_start3A_327, %dma_start3A_328, %dma_start3A_329] : memref<8x16x128xf32, #tpu.memory_space<vmem>> -> memref<1x16x128xf32, #tpu.memory_space<vmem>>
    %dma_start3A_331 = tpu.memref_squeeze %dma_start3A_330 : memref<1x16x128xf32, #tpu.memory_space<vmem>> -> memref<16x128xf32, #tpu.memory_space<vmem>>
    %dma_start3A_332 = arith.constant 0 : i32
    %dma_start3A_333 = tpu.memref_slice %arg4[%dma_start3A_332, %multiple_of3A_326] : memref<16x1000000xf32, #tpu.memory_space<hbm>> -> memref<16x128xf32, #tpu.memory_space<hbm>>
    %dma_start3A_334 = arith.constant 0 : i32
    %dma_start3A_335 = arith.constant 0 : i32
    %dma_start3A_336 = tpu.memref_slice %arg14[%dma_start3A_327, %dma_start3A_334, %dma_start3A_335] : memref<8x16x128xf32, #tpu.memory_space<vmem>> -> memref<1x16x128xf32, #tpu.memory_space<vmem>>
    %dma_start3A_337 = tpu.memref_squeeze %dma_start3A_336 : memref<1x16x128xf32, #tpu.memory_space<vmem>> -> memref<16x128xf32, #tpu.memory_space<vmem>>
    %dma_start3A_338 = arith.constant 0 : i32
    %dma_start3A_339 = tpu.memref_slice %arg4[%dma_start3A_338, %multiple_of3A_326] : memref<16x1000000xf32, #tpu.memory_space<hbm>> -> memref<16x128xf32, #tpu.memory_space<hbm>>
    tpu.enqueue_dma source(%dma_start3A_339 : memref<16x128xf32, #tpu.memory_space<hbm>>) target(%dma_start3A_337 : memref<16x128xf32, #tpu.memory_space<vmem>>) target_semaphore(%arg25 : memref<!tpu.dma_semaphore, #tpu.memory_space<semaphore_mem>>)
    %dma_start3A_340 = arith.constant 7 : i32
    %dma_start3A_341 = arith.constant 0 : i32
    %dma_start3A_342 = arith.constant 0 : i32
    %dma_start3A_343 = tpu.memref_slice %arg15[%dma_start3A_340, %dma_start3A_341, %dma_start3A_342] : memref<8x64x128xf32, #tpu.memory_space<vmem>> -> memref<1x64x128xf32, #tpu.memory_space<vmem>>
    %dma_start3A_344 = tpu.memref_squeeze %dma_start3A_343 : memref<1x64x128xf32, #tpu.memory_space<vmem>> -> memref<64x128xf32, #tpu.memory_space<vmem>>
    %dma_start3A_345 = arith.constant 0 : i32
    %dma_start3A_346 = tpu.memref_slice %arg6[%dma_start3A_345, %multiple_of3A_326] : memref<64x1000000xf32, #tpu.memory_space<hbm>> -> memref<64x128xf32, #tpu.memory_space<hbm>>
    %dma_start3A_347 = arith.constant 0 : i32
    %dma_start3A_348 = arith.constant 0 : i32
    %dma_start3A_349 = tpu.memref_slice %arg15[%dma_start3A_340, %dma_start3A_347, %dma_start3A_348] : memref<8x64x128xf32, #tpu.memory_space<vmem>> -> memref<1x64x128xf32, #tpu.memory_space<vmem>>
    %dma_start3A_350 = tpu.memref_squeeze %dma_start3A_349 : memref<1x64x128xf32, #tpu.memory_space<vmem>> -> memref<64x128xf32, #tpu.memory_space<vmem>>
    %dma_start3A_351 = arith.constant 0 : i32
    %dma_start3A_352 = tpu.memref_slice %arg6[%dma_start3A_351, %multiple_of3A_326] : memref<64x1000000xf32, #tpu.memory_space<hbm>> -> memref<64x128xf32, #tpu.memory_space<hbm>>
    tpu.enqueue_dma source(%dma_start3A_352 : memref<64x128xf32, #tpu.memory_space<hbm>>) target(%dma_start3A_350 : memref<64x128xf32, #tpu.memory_space<vmem>>) target_semaphore(%arg25 : memref<!tpu.dma_semaphore, #tpu.memory_space<semaphore_mem>>)
    %scan3A = arith.constant 1 : i32
    %scan3A_353 = arith.constant 64 : i32
    %scan3A_354 = arith.addi %scan3A, %scan3A_353 : i32
    %scan3A_355 = arith.constant 1 : i32
    scf.for %scan3A_722 = %scan3A to %scan3A_354 step %scan3A_355  : i32 {
      %sub3A = arith.constant 1 : i32
      %sub3A_723 = arith.subi %scan3A_722, %sub3A : i32
      %mul3A_724 = arith.constant 8 : i32
      %mul3A_725 = arith.muli %sub3A_723, %mul3A_724 : i32
      %add3A_726 = arith.constant 0 : i32
      %add3A_727 = arith.addi %mul3A_725, %add3A_726 : i32
      %dma_wait3A = arith.constant 0 : i32
      %dma_wait3A_728 = arith.constant 0 : i32
      %dma_wait3A_729 = arith.constant 0 : i32
      %dma_wait3A_730 = tpu.memref_slice %arg14[%dma_wait3A, %dma_wait3A_728, %dma_wait3A_729] : memref<8x16x128xf32, #tpu.memory_space<vmem>> -> memref<1x16x128xf32, #tpu.memory_space<vmem>>
      %dma_wait3A_731 = tpu.memref_squeeze %dma_wait3A_730 : memref<1x16x128xf32, #tpu.memory_space<vmem>> -> memref<16x128xf32, #tpu.memory_space<vmem>>
      %dma_wait3A_732 = arith.constant 0 : i32
      %dma_wait3A_733 = arith.constant 0 : i32
      %dma_wait3A_734 = tpu.memref_slice %arg4[%dma_wait3A_732, %dma_wait3A_733] : memref<16x1000000xf32, #tpu.memory_space<hbm>> -> memref<16x128xf32, #tpu.memory_space<hbm>>
      %dma_wait3A_735 = arith.constant 0 : i32
      %dma_wait3A_736 = arith.constant 0 : i32
      %dma_wait3A_737 = tpu.memref_slice %arg14[%dma_wait3A, %dma_wait3A_735, %dma_wait3A_736] : memref<8x16x128xf32, #tpu.memory_space<vmem>> -> memref<1x16x128xf32, #tpu.memory_space<vmem>>
      %dma_wait3A_738 = tpu.memref_squeeze %dma_wait3A_737 : memref<1x16x128xf32, #tpu.memory_space<vmem>> -> memref<16x128xf32, #tpu.memory_space<vmem>>
      %dma_wait3A_739 = arith.constant 0 : i32
      %dma_wait3A_740 = arith.constant 0 : i32
      %dma_wait3A_741 = tpu.memref_slice %arg4[%dma_wait3A_739, %dma_wait3A_740] : memref<16x1000000xf32, #tpu.memory_space<hbm>> -> memref<16x128xf32, #tpu.memory_space<hbm>>
      tpu.wait_dma2 semaphore(%arg18 : memref<!tpu.dma_semaphore, #tpu.memory_space<semaphore_mem>>) src(%dma_wait3A_741 : memref<16x128xf32, #tpu.memory_space<hbm>>) dst(%dma_wait3A_738 : memref<16x128xf32, #tpu.memory_space<vmem>>)
      %dma_wait3A_742 = arith.constant 0 : i32
      %dma_wait3A_743 = arith.constant 0 : i32
      %dma_wait3A_744 = arith.constant 0 : i32
      %dma_wait3A_745 = tpu.memref_slice %arg15[%dma_wait3A_742, %dma_wait3A_743, %dma_wait3A_744] : memref<8x64x128xf32, #tpu.memory_space<vmem>> -> memref<1x64x128xf32, #tpu.memory_space<vmem>>
      %dma_wait3A_746 = tpu.memref_squeeze %dma_wait3A_745 : memref<1x64x128xf32, #tpu.memory_space<vmem>> -> memref<64x128xf32, #tpu.memory_space<vmem>>
      %dma_wait3A_747 = arith.constant 0 : i32
      %dma_wait3A_748 = arith.constant 0 : i32
      %dma_wait3A_749 = tpu.memref_slice %arg6[%dma_wait3A_747, %dma_wait3A_748] : memref<64x1000000xf32, #tpu.memory_space<hbm>> -> memref<64x128xf32, #tpu.memory_space<hbm>>
      %dma_wait3A_750 = arith.constant 0 : i32
      %dma_wait3A_751 = arith.constant 0 : i32
      %dma_wait3A_752 = tpu.memref_slice %arg15[%dma_wait3A_742, %dma_wait3A_750, %dma_wait3A_751] : memref<8x64x128xf32, #tpu.memory_space<vmem>> -> memref<1x64x128xf32, #tpu.memory_space<vmem>>
      %dma_wait3A_753 = tpu.memref_squeeze %dma_wait3A_752 : memref<1x64x128xf32, #tpu.memory_space<vmem>> -> memref<64x128xf32, #tpu.memory_space<vmem>>
      %dma_wait3A_754 = arith.constant 0 : i32
      %dma_wait3A_755 = arith.constant 0 : i32
      %dma_wait3A_756 = tpu.memref_slice %arg6[%dma_wait3A_754, %dma_wait3A_755] : memref<64x1000000xf32, #tpu.memory_space<hbm>> -> memref<64x128xf32, #tpu.memory_space<hbm>>
      tpu.wait_dma2 semaphore(%arg18 : memref<!tpu.dma_semaphore, #tpu.memory_space<semaphore_mem>>) src(%dma_wait3A_756 : memref<64x128xf32, #tpu.memory_space<hbm>>) dst(%dma_wait3A_753 : memref<64x128xf32, #tpu.memory_space<vmem>>)
      %shift_right_arithmetic3A_757 = arith.constant 4 : i32
      %shift_right_arithmetic3A_758 = arith.shrsi %add3A_727, %shift_right_arithmetic3A_757 : i32
      %shift_left3A_759 = arith.constant 4 : i32
      %shift_left3A_760 = arith.shli %shift_right_arithmetic3A_758, %shift_left3A_759 : i32
      %multiple_of3A_761 = tpu.assume_multiple %shift_left3A_760, 16 : i32
      %get3A_762 = arith.index_cast %multiple_of3A_761 : i32 to index
      %get3A_763 = tpu.vector_load %arg12[%get3A_762] {strides = array<i32>} : memref<512xi32, #tpu.memory_space<vmem>>, vector<16xi32>,
      %and3A = arith.constant 15 : i32
      %and3A_764 = arith.andi %add3A_727, %and3A : i32
      %eq3A_765 = vector.broadcast %and3A_764 : i32 to vector<16xi32>
      %eq3A_766 = arith.cmpi eq, %iota3A, %eq3A_765 : vector<16xi32>
      %jit3A_767 = arith.constant 0 : i32
      %broadcast_in_dim3A_768 = vector.broadcast %jit3A_767 : i32 to vector<16xi32>
      %select_n3A_769 = arith.select %eq3A_766, %get3A_763, %broadcast_in_dim3A_768 : vector<16xi1>, vector<16xi32>
      %reduce_sum3A_770 = arith.constant true
      %reduce_sum3A_771 = vector.broadcast %reduce_sum3A_770 : i1 to vector<16xi1>
      %reduce_sum3A_772 = tpu.scan <sum>, %select_n3A_769 masked %reduce_sum3A_771 : vector<16xi32>, vector<16xi1> -> vector<16xi32>
      %reduce_sum3A_773 = vector.extract %reduce_sum3A_772[15] : i32 from vector<16xi32>
      %and3A_774 = arith.constant 127 : i32
      %and3A_775 = arith.andi %reduce_sum3A_773, %and3A_774 : i32
      %broadcast_in_dim3A_776 = vector.broadcast %and3A_775 : i32 to vector<16xi32>
      %broadcast_in_dim3A_777 = vector.broadcast %add3A_727 : i32 to vector<16xi32>
      %gather3A = arith.constant 0 : i32
      %gather3A_778 = arith.constant 0 : i32
      %gather3A_779 = arith.constant 0 : i32
      %gather3A_780 = tpu.memref_slice %arg14[%gather3A, %gather3A_778, %gather3A_779] : memref<8x16x128xf32, #tpu.memory_space<vmem>> -> memref<1x16x128xf32, #tpu.memory_space<vmem>>
      %gather3A_781 = tpu.memref_squeeze %gather3A_780 : memref<1x16x128xf32, #tpu.memory_space<vmem>> -> memref<16x128xf32, #tpu.memory_space<vmem>>
      %gather3A_782 = tpu.vector_load_idx %gather3A_781[%iota3A, %broadcast_in_dim3A_776] : memref<16x128xf32, #tpu.memory_space<vmem>>[vector<16xi32>, vector<16xi32>], vector<16xf32>,
      tpu.vector_store_idx %arg16[%iota3A, %broadcast_in_dim3A_777], %gather3A_782 : memref<16x512xf32, #tpu.memory_space<vmem>>[vector<16xi32>, vector<16xi32>], vector<16xf32>,
      %add3A_783 = arith.constant 0 : i32
      %add3A_784 = vector.broadcast %add3A_783 : i32 to vector<16xi32>
      %add3A_785 = arith.addi %iota3A, %add3A_784 : vector<16xi32>
      %gather3A_786 = arith.constant 0 : i32
      %gather3A_787 = arith.constant 0 : i32
      %gather3A_788 = arith.constant 0 : i32
      %gather3A_789 = tpu.memref_slice %arg15[%gather3A_786, %gather3A_787, %gather3A_788] : memref<8x64x128xf32, #tpu.memory_space<vmem>> -> memref<1x64x128xf32, #tpu.memory_space<vmem>>
      %gather3A_790 = tpu.memref_squeeze %gather3A_789 : memref<1x64x128xf32, #tpu.memory_space<vmem>> -> memref<64x128xf32, #tpu.memory_space<vmem>>
      %gather3A_791 = tpu.vector_load_idx %gather3A_790[%add3A_785, %broadcast_in_dim3A_776] : memref<64x128xf32, #tpu.memory_space<vmem>>[vector<16xi32>, vector<16xi32>], vector<16xf32>,
      tpu.vector_store_idx %arg17[%add3A_785, %broadcast_in_dim3A_777], %gather3A_791 : memref<64x512xf32, #tpu.memory_space<vmem>>[vector<16xi32>, vector<16xi32>], vector<16xf32>,
      %add3A_792 = arith.constant 16 : i32
      %add3A_793 = vector.broadcast %add3A_792 : i32 to vector<16xi32>
      %add3A_794 = arith.addi %iota3A, %add3A_793 : vector<16xi32>
      %gather3A_795 = arith.constant 0 : i32
      %gather3A_796 = arith.constant 0 : i32
      %gather3A_797 = arith.constant 0 : i32
      %gather3A_798 = tpu.memref_slice %arg15[%gather3A_795, %gather3A_796, %gather3A_797] : memref<8x64x128xf32, #tpu.memory_space<vmem>> -> memref<1x64x128xf32, #tpu.memory_space<vmem>>
      %gather3A_799 = tpu.memref_squeeze %gather3A_798 : memref<1x64x128xf32, #tpu.memory_space<vmem>> -> memref<64x128xf32, #tpu.memory_space<vmem>>
      %gather3A_800 = tpu.vector_load_idx %gather3A_799[%add3A_794, %broadcast_in_dim3A_776] : memref<64x128xf32, #tpu.memory_space<vmem>>[vector<16xi32>, vector<16xi32>], vector<16xf32>,
      tpu.vector_store_idx %arg17[%add3A_794, %broadcast_in_dim3A_777], %gather3A_800 : memref<64x512xf32, #tpu.memory_space<vmem>>[vector<16xi32>, vector<16xi32>], vector<16xf32>,
      %add3A_801 = arith.constant 32 : i32
      %add3A_802 = vector.broadcast %add3A_801 : i32 to vector<16xi32>
      %add3A_803 = arith.addi %iota3A, %add3A_802 : vector<16xi32>
      %gather3A_804 = arith.constant 0 : i32
      %gather3A_805 = arith.constant 0 : i32
      %gather3A_806 = arith.constant 0 : i32
      %gather3A_807 = tpu.memref_slice %arg15[%gather3A_804, %gather3A_805, %gather3A_806] : memref<8x64x128xf32, #tpu.memory_space<vmem>> -> memref<1x64x128xf32, #tpu.memory_space<vmem>>
      %gather3A_808 = tpu.memref_squeeze %gather3A_807 : memref<1x64x128xf32, #tpu.memory_space<vmem>> -> memref<64x128xf32, #tpu.memory_space<vmem>>
      %gather3A_809 = tpu.vector_load_idx %gather3A_808[%add3A_803, %broadcast_in_dim3A_776] : memref<64x128xf32, #tpu.memory_space<vmem>>[vector<16xi32>, vector<16xi32>], vector<16xf32>,
      tpu.vector_store_idx %arg17[%add3A_803, %broadcast_in_dim3A_777], %gather3A_809 : memref<64x512xf32, #tpu.memory_space<vmem>>[vector<16xi32>, vector<16xi32>], vector<16xf32>,
      %add3A_810 = arith.constant 48 : i32
      %add3A_811 = vector.broadcast %add3A_810 : i32 to vector<16xi32>
      %add3A_812 = arith.addi %iota3A, %add3A_811 : vector<16xi32>
      %gather3A_813 = arith.constant 0 : i32
      %gather3A_814 = arith.constant 0 : i32
      %gather3A_815 = arith.constant 0 : i32
      %gather3A_816 = tpu.memref_slice %arg15[%gather3A_813, %gather3A_814, %gather3A_815] : memref<8x64x128xf32, #tpu.memory_space<vmem>> -> memref<1x64x128xf32, #tpu.memory_space<vmem>>
      %gather3A_817 = tpu.memref_squeeze %gather3A_816 : memref<1x64x128xf32, #tpu.memory_space<vmem>> -> memref<64x128xf32, #tpu.memory_space<vmem>>
      %gather3A_818 = tpu.vector_load_idx %gather3A_817[%add3A_812, %broadcast_in_dim3A_776] : memref<64x128xf32, #tpu.memory_space<vmem>>[vector<16xi32>, vector<16xi32>], vector<16xf32>,
      tpu.vector_store_idx %arg17[%add3A_812, %broadcast_in_dim3A_777], %gather3A_818 : memref<64x512xf32, #tpu.memory_space<vmem>>[vector<16xi32>, vector<16xi32>], vector<16xf32>,
      %sub3A_819 = arith.constant 1 : i32
      %sub3A_820 = arith.subi %scan3A_722, %sub3A_819 : i32
      %mul3A_821 = arith.constant 8 : i32
      %mul3A_822 = arith.muli %sub3A_820, %mul3A_821 : i32
      %add3A_823 = arith.constant 1 : i32
      %add3A_824 = arith.addi %mul3A_822, %add3A_823 : i32
      %dma_wait3A_825 = arith.constant 1 : i32
      %dma_wait3A_826 = arith.constant 0 : i32
      %dma_wait3A_827 = arith.constant 0 : i32
      %dma_wait3A_828 = tpu.memref_slice %arg14[%dma_wait3A_825, %dma_wait3A_826, %dma_wait3A_827] : memref<8x16x128xf32, #tpu.memory_space<vmem>> -> memref<1x16x128xf32, #tpu.memory_space<vmem>>
      %dma_wait3A_829 = tpu.memref_squeeze %dma_wait3A_828 : memref<1x16x128xf32, #tpu.memory_space<vmem>> -> memref<16x128xf32, #tpu.memory_space<vmem>>
      %dma_wait3A_830 = arith.constant 0 : i32
      %dma_wait3A_831 = arith.constant 0 : i32
      %dma_wait3A_832 = tpu.memref_slice %arg4[%dma_wait3A_830, %dma_wait3A_831] : memref<16x1000000xf32, #tpu.memory_space<hbm>> -> memref<16x128xf32, #tpu.memory_space<hbm>>
      %dma_wait3A_833 = arith.constant 0 : i32
      %dma_wait3A_834 = arith.constant 0 : i32
      %dma_wait3A_835 = tpu.memref_slice %arg14[%dma_wait3A_825, %dma_wait3A_833, %dma_wait3A_834] : memref<8x16x128xf32, #tpu.memory_space<vmem>> -> memref<1x16x128xf32, #tpu.memory_space<vmem>>
      %dma_wait3A_836 = tpu.memref_squeeze %dma_wait3A_835 : memref<1x16x128xf32, #tpu.memory_space<vmem>> -> memref<16x128xf32, #tpu.memory_space<vmem>>
      %dma_wait3A_837 = arith.constant 0 : i32
      %dma_wait3A_838 = arith.constant 0 : i32
      %dma_wait3A_839 = tpu.memref_slice %arg4[%dma_wait3A_837, %dma_wait3A_838] : memref<16x1000000xf32, #tpu.memory_space<hbm>> -> memref<16x128xf32, #tpu.memory_space<hbm>>
      tpu.wait_dma2 semaphore(%arg19 : memref<!tpu.dma_semaphore, #tpu.memory_space<semaphore_mem>>) src(%dma_wait3A_839 : memref<16x128xf32, #tpu.memory_space<hbm>>) dst(%dma_wait3A_836 : memref<16x128xf32, #tpu.memory_space<vmem>>)
      %dma_wait3A_840 = arith.constant 1 : i32
      %dma_wait3A_841 = arith.constant 0 : i32
      %dma_wait3A_842 = arith.constant 0 : i32
      %dma_wait3A_843 = tpu.memref_slice %arg15[%dma_wait3A_840, %dma_wait3A_841, %dma_wait3A_842] : memref<8x64x128xf32, #tpu.memory_space<vmem>> -> memref<1x64x128xf32, #tpu.memory_space<vmem>>
      %dma_wait3A_844 = tpu.memref_squeeze %dma_wait3A_843 : memref<1x64x128xf32, #tpu.memory_space<vmem>> -> memref<64x128xf32, #tpu.memory_space<vmem>>
      %dma_wait3A_845 = arith.constant 0 : i32
      %dma_wait3A_846 = arith.constant 0 : i32
      %dma_wait3A_847 = tpu.memref_slice %arg6[%dma_wait3A_845, %dma_wait3A_846] : memref<64x1000000xf32, #tpu.memory_space<hbm>> -> memref<64x128xf32, #tpu.memory_space<hbm>>
      %dma_wait3A_848 = arith.constant 0 : i32
      %dma_wait3A_849 = arith.constant 0 : i32
      %dma_wait3A_850 = tpu.memref_slice %arg15[%dma_wait3A_840, %dma_wait3A_848, %dma_wait3A_849] : memref<8x64x128xf32, #tpu.memory_space<vmem>> -> memref<1x64x128xf32, #tpu.memory_space<vmem>>
      %dma_wait3A_851 = tpu.memref_squeeze %dma_wait3A_850 : memref<1x64x128xf32, #tpu.memory_space<vmem>> -> memref<64x128xf32, #tpu.memory_space<vmem>>
      %dma_wait3A_852 = arith.constant 0 : i32
      %dma_wait3A_853 = arith.constant 0 : i32
      %dma_wait3A_854 = tpu.memref_slice %arg6[%dma_wait3A_852, %dma_wait3A_853] : memref<64x1000000xf32, #tpu.memory_space<hbm>> -> memref<64x128xf32, #tpu.memory_space<hbm>>
      tpu.wait_dma2 semaphore(%arg19 : memref<!tpu.dma_semaphore, #tpu.memory_space<semaphore_mem>>) src(%dma_wait3A_854 : memref<64x128xf32, #tpu.memory_space<hbm>>) dst(%dma_wait3A_851 : memref<64x128xf32, #tpu.memory_space<vmem>>)
      %shift_right_arithmetic3A_855 = arith.constant 4 : i32
      %shift_right_arithmetic3A_856 = arith.shrsi %add3A_824, %shift_right_arithmetic3A_855 : i32
      %shift_left3A_857 = arith.constant 4 : i32
      %shift_left3A_858 = arith.shli %shift_right_arithmetic3A_856, %shift_left3A_857 : i32
      %multiple_of3A_859 = tpu.assume_multiple %shift_left3A_858, 16 : i32
      %get3A_860 = arith.index_cast %multiple_of3A_859 : i32 to index
      %get3A_861 = tpu.vector_load %arg12[%get3A_860] {strides = array<i32>} : memref<512xi32, #tpu.memory_space<vmem>>, vector<16xi32>,
      %and3A_862 = arith.constant 15 : i32
      %and3A_863 = arith.andi %add3A_824, %and3A_862 : i32
      %eq3A_864 = vector.broadcast %and3A_863 : i32 to vector<16xi32>
      %eq3A_865 = arith.cmpi eq, %iota3A, %eq3A_864 : vector<16xi32>
      %jit3A_866 = arith.constant 0 : i32
      %broadcast_in_dim3A_867 = vector.broadcast %jit3A_866 : i32 to vector<16xi32>
      %select_n3A_868 = arith.select %eq3A_865, %get3A_861, %broadcast_in_dim3A_867 : vector<16xi1>, vector<16xi32>
      %reduce_sum3A_869 = arith.constant true
      %reduce_sum3A_870 = vector.broadcast %reduce_sum3A_869 : i1 to vector<16xi1>
      %reduce_sum3A_871 = tpu.scan <sum>, %select_n3A_868 masked %reduce_sum3A_870 : vector<16xi32>, vector<16xi1> -> vector<16xi32>
      %reduce_sum3A_872 = vector.extract %reduce_sum3A_871[15] : i32 from vector<16xi32>
      %and3A_873 = arith.constant 127 : i32
      %and3A_874 = arith.andi %reduce_sum3A_872, %and3A_873 : i32
      %broadcast_in_dim3A_875 = vector.broadcast %and3A_874 : i32 to vector<16xi32>
      %broadcast_in_dim3A_876 = vector.broadcast %add3A_824 : i32 to vector<16xi32>
      %gather3A_877 = arith.constant 1 : i32
      %gather3A_878 = arith.constant 0 : i32
      %gather3A_879 = arith.constant 0 : i32
      %gather3A_880 = tpu.memref_slice %arg14[%gather3A_877, %gather3A_878, %gather3A_879] : memref<8x16x128xf32, #tpu.memory_space<vmem>> -> memref<1x16x128xf32, #tpu.memory_space<vmem>>
      %gather3A_881 = tpu.memref_squeeze %gather3A_880 : memref<1x16x128xf32, #tpu.memory_space<vmem>> -> memref<16x128xf32, #tpu.memory_space<vmem>>
      %gather3A_882 = tpu.vector_load_idx %gather3A_881[%iota3A, %broadcast_in_dim3A_875] : memref<16x128xf32, #tpu.memory_space<vmem>>[vector<16xi32>, vector<16xi32>], vector<16xf32>,
      tpu.vector_store_idx %arg16[%iota3A, %broadcast_in_dim3A_876], %gather3A_882 : memref<16x512xf32, #tpu.memory_space<vmem>>[vector<16xi32>, vector<16xi32>], vector<16xf32>,
      %add3A_883 = arith.constant 0 : i32
      %add3A_884 = vector.broadcast %add3A_883 : i32 to vector<16xi32>
      %add3A_885 = arith.addi %iota3A, %add3A_884 : vector<16xi32>
      %gather3A_886 = arith.constant 1 : i32
      %gather3A_887 = arith.constant 0 : i32
      %gather3A_888 = arith.constant 0 : i32
      %gather3A_889 = tpu.memref_slice %arg15[%gather3A_886, %gather3A_887, %gather3A_888] : memref<8x64x128xf32, #tpu.memory_space<vmem>> -> memref<1x64x128xf32, #tpu.memory_space<vmem>>
      %gather3A_890 = tpu.memref_squeeze %gather3A_889 : memref<1x64x128xf32, #tpu.memory_space<vmem>> -> memref<64x128xf32, #tpu.memory_space<vmem>>
      %gather3A_891 = tpu.vector_load_idx %gather3A_890[%add3A_885, %broadcast_in_dim3A_875] : memref<64x128xf32, #tpu.memory_space<vmem>>[vector<16xi32>, vector<16xi32>], vector<16xf32>,
      tpu.vector_store_idx %arg17[%add3A_885, %broadcast_in_dim3A_876], %gather3A_891 : memref<64x512xf32, #tpu.memory_space<vmem>>[vector<16xi32>, vector<16xi32>], vector<16xf32>,
      %add3A_892 = arith.constant 16 : i32
      %add3A_893 = vector.broadcast %add3A_892 : i32 to vector<16xi32>
      %add3A_894 = arith.addi %iota3A, %add3A_893 : vector<16xi32>
      %gather3A_895 = arith.constant 1 : i32
      %gather3A_896 = arith.constant 0 : i32
      %gather3A_897 = arith.constant 0 : i32
      %gather3A_898 = tpu.memref_slice %arg15[%gather3A_895, %gather3A_896, %gather3A_897] : memref<8x64x128xf32, #tpu.memory_space<vmem>> -> memref<1x64x128xf32, #tpu.memory_space<vmem>>
      %gather3A_899 = tpu.memref_squeeze %gather3A_898 : memref<1x64x128xf32, #tpu.memory_space<vmem>> -> memref<64x128xf32, #tpu.memory_space<vmem>>
      %gather3A_900 = tpu.vector_load_idx %gather3A_899[%add3A_894, %broadcast_in_dim3A_875] : memref<64x128xf32, #tpu.memory_space<vmem>>[vector<16xi32>, vector<16xi32>], vector<16xf32>,
      tpu.vector_store_idx %arg17[%add3A_894, %broadcast_in_dim3A_876], %gather3A_900 : memref<64x512xf32, #tpu.memory_space<vmem>>[vector<16xi32>, vector<16xi32>], vector<16xf32>,
      %add3A_901 = arith.constant 32 : i32
      %add3A_902 = vector.broadcast %add3A_901 : i32 to vector<16xi32>
      %add3A_903 = arith.addi %iota3A, %add3A_902 : vector<16xi32>
      %gather3A_904 = arith.constant 1 : i32
      %gather3A_905 = arith.constant 0 : i32
      %gather3A_906 = arith.constant 0 : i32
      %gather3A_907 = tpu.memref_slice %arg15[%gather3A_904, %gather3A_905, %gather3A_906] : memref<8x64x128xf32, #tpu.memory_space<vmem>> -> memref<1x64x128xf32, #tpu.memory_space<vmem>>
      %gather3A_908 = tpu.memref_squeeze %gather3A_907 : memref<1x64x128xf32, #tpu.memory_space<vmem>> -> memref<64x128xf32, #tpu.memory_space<vmem>>
      %gather3A_909 = tpu.vector_load_idx %gather3A_908[%add3A_903, %broadcast_in_dim3A_875] : memref<64x128xf32, #tpu.memory_space<vmem>>[vector<16xi32>, vector<16xi32>], vector<16xf32>,
      tpu.vector_store_idx %arg17[%add3A_903, %broadcast_in_dim3A_876], %gather3A_909 : memref<64x512xf32, #tpu.memory_space<vmem>>[vector<16xi32>, vector<16xi32>], vector<16xf32>,
      %add3A_910 = arith.constant 48 : i32
      %add3A_911 = vector.broadcast %add3A_910 : i32 to vector<16xi32>
      %add3A_912 = arith.addi %iota3A, %add3A_911 : vector<16xi32>
      %gather3A_913 = arith.constant 1 : i32
      %gather3A_914 = arith.constant 0 : i32
      %gather3A_915 = arith.constant 0 : i32
      %gather3A_916 = tpu.memref_slice %arg15[%gather3A_913, %gather3A_914, %gather3A_915] : memref<8x64x128xf32, #tpu.memory_space<vmem>> -> memref<1x64x128xf32, #tpu.memory_space<vmem>>
      %gather3A_917 = tpu.memref_squeeze %gather3A_916 : memref<1x64x128xf32, #tpu.memory_space<vmem>> -> memref<64x128xf32, #tpu.memory_space<vmem>>
      %gather3A_918 = tpu.vector_load_idx %gather3A_917[%add3A_912, %broadcast_in_dim3A_875] : memref<64x128xf32, #tpu.memory_space<vmem>>[vector<16xi32>, vector<16xi32>], vector<16xf32>,
      tpu.vector_store_idx %arg17[%add3A_912, %broadcast_in_dim3A_876], %gather3A_918 : memref<64x512xf32, #tpu.memory_space<vmem>>[vector<16xi32>, vector<16xi32>], vector<16xf32>,
      %sub3A_919 = arith.constant 1 : i32
      %sub3A_920 = arith.subi %scan3A_722, %sub3A_919 : i32
      %mul3A_921 = arith.constant 8 : i32
      %mul3A_922 = arith.muli %sub3A_920, %mul3A_921 : i32
      %add3A_923 = arith.constant 2 : i32
      %add3A_924 = arith.addi %mul3A_922, %add3A_923 : i32
      %dma_wait3A_925 = arith.constant 2 : i32
      %dma_wait3A_926 = arith.constant 0 : i32
      %dma_wait3A_927 = arith.constant 0 : i32
      %dma_wait3A_928 = tpu.memref_slice %arg14[%dma_wait3A_925, %dma_wait3A_926, %dma_wait3A_927] : memref<8x16x128xf32, #tpu.memory_space<vmem>> -> memref<1x16x128xf32, #tpu.memory_space<vmem>>
      %dma_wait3A_929 = tpu.memref_squeeze %dma_wait3A_928 : memref<1x16x128xf32, #tpu.memory_space<vmem>> -> memref<16x128xf32, #tpu.memory_space<vmem>>
      %dma_wait3A_930 = arith.constant 0 : i32
      %dma_wait3A_931 = arith.constant 0 : i32
      %dma_wait3A_932 = tpu.memref_slice %arg4[%dma_wait3A_930, %dma_wait3A_931] : memref<16x1000000xf32, #tpu.memory_space<hbm>> -> memref<16x128xf32, #tpu.memory_space<hbm>>
      %dma_wait3A_933 = arith.constant 0 : i32
      %dma_wait3A_934 = arith.constant 0 : i32
      %dma_wait3A_935 = tpu.memref_slice %arg14[%dma_wait3A_925, %dma_wait3A_933, %dma_wait3A_934] : memref<8x16x128xf32, #tpu.memory_space<vmem>> -> memref<1x16x128xf32, #tpu.memory_space<vmem>>
      %dma_wait3A_936 = tpu.memref_squeeze %dma_wait3A_935 : memref<1x16x128xf32, #tpu.memory_space<vmem>> -> memref<16x128xf32, #tpu.memory_space<vmem>>
      %dma_wait3A_937 = arith.constant 0 : i32
      %dma_wait3A_938 = arith.constant 0 : i32
      %dma_wait3A_939 = tpu.memref_slice %arg4[%dma_wait3A_937, %dma_wait3A_938] : memref<16x1000000xf32, #tpu.memory_space<hbm>> -> memref<16x128xf32, #tpu.memory_space<hbm>>
      tpu.wait_dma2 semaphore(%arg20 : memref<!tpu.dma_semaphore, #tpu.memory_space<semaphore_mem>>) src(%dma_wait3A_939 : memref<16x128xf32, #tpu.memory_space<hbm>>) dst(%dma_wait3A_936 : memref<16x128xf32, #tpu.memory_space<vmem>>)
      %dma_wait3A_940 = arith.constant 2 : i32
      %dma_wait3A_941 = arith.constant 0 : i32
      %dma_wait3A_942 = arith.constant 0 : i32
      %dma_wait3A_943 = tpu.memref_slice %arg15[%dma_wait3A_940, %dma_wait3A_941, %dma_wait3A_942] : memref<8x64x128xf32, #tpu.memory_space<vmem>> -> memref<1x64x128xf32, #tpu.memory_space<vmem>>
      %dma_wait3A_944 = tpu.memref_squeeze %dma_wait3A_943 : memref<1x64x128xf32, #tpu.memory_space<vmem>> -> memref<64x128xf32, #tpu.memory_space<vmem>>
      %dma_wait3A_945 = arith.constant 0 : i32
      %dma_wait3A_946 = arith.constant 0 : i32
      %dma_wait3A_947 = tpu.memref_slice %arg6[%dma_wait3A_945, %dma_wait3A_946] : memref<64x1000000xf32, #tpu.memory_space<hbm>> -> memref<64x128xf32, #tpu.memory_space<hbm>>
      %dma_wait3A_948 = arith.constant 0 : i32
      %dma_wait3A_949 = arith.constant 0 : i32
      %dma_wait3A_950 = tpu.memref_slice %arg15[%dma_wait3A_940, %dma_wait3A_948, %dma_wait3A_949] : memref<8x64x128xf32, #tpu.memory_space<vmem>> -> memref<1x64x128xf32, #tpu.memory_space<vmem>>
      %dma_wait3A_951 = tpu.memref_squeeze %dma_wait3A_950 : memref<1x64x128xf32, #tpu.memory_space<vmem>> -> memref<64x128xf32, #tpu.memory_space<vmem>>
      %dma_wait3A_952 = arith.constant 0 : i32
      %dma_wait3A_953 = arith.constant 0 : i32
      %dma_wait3A_954 = tpu.memref_slice %arg6[%dma_wait3A_952, %dma_wait3A_953] : memref<64x1000000xf32, #tpu.memory_space<hbm>> -> memref<64x128xf32, #tpu.memory_space<hbm>>
      tpu.wait_dma2 semaphore(%arg20 : memref<!tpu.dma_semaphore, #tpu.memory_space<semaphore_mem>>) src(%dma_wait3A_954 : memref<64x128xf32, #tpu.memory_space<hbm>>) dst(%dma_wait3A_951 : memref<64x128xf32, #tpu.memory_space<vmem>>)
      %shift_right_arithmetic3A_955 = arith.constant 4 : i32
      %shift_right_arithmetic3A_956 = arith.shrsi %add3A_924, %shift_right_arithmetic3A_955 : i32
      %shift_left3A_957 = arith.constant 4 : i32
      %shift_left3A_958 = arith.shli %shift_right_arithmetic3A_956, %shift_left3A_957 : i32
      %multiple_of3A_959 = tpu.assume_multiple %shift_left3A_958, 16 : i32
      %get3A_960 = arith.index_cast %multiple_of3A_959 : i32 to index
      %get3A_961 = tpu.vector_load %arg12[%get3A_960] {strides = array<i32>} : memref<512xi32, #tpu.memory_space<vmem>>, vector<16xi32>,
      %and3A_962 = arith.constant 15 : i32
      %and3A_963 = arith.andi %add3A_924, %and3A_962 : i32
      %eq3A_964 = vector.broadcast %and3A_963 : i32 to vector<16xi32>
      %eq3A_965 = arith.cmpi eq, %iota3A, %eq3A_964 : vector<16xi32>
      %jit3A_966 = arith.constant 0 : i32
      %broadcast_in_dim3A_967 = vector.broadcast %jit3A_966 : i32 to vector<16xi32>
      %select_n3A_968 = arith.select %eq3A_965, %get3A_961, %broadcast_in_dim3A_967 : vector<16xi1>, vector<16xi32>
      %reduce_sum3A_969 = arith.constant true
      %reduce_sum3A_970 = vector.broadcast %reduce_sum3A_969 : i1 to vector<16xi1>
      %reduce_sum3A_971 = tpu.scan <sum>, %select_n3A_968 masked %reduce_sum3A_970 : vector<16xi32>, vector<16xi1> -> vector<16xi32>
      %reduce_sum3A_972 = vector.extract %reduce_sum3A_971[15] : i32 from vector<16xi32>
      %and3A_973 = arith.constant 127 : i32
      %and3A_974 = arith.andi %reduce_sum3A_972, %and3A_973 : i32
      %broadcast_in_dim3A_975 = vector.broadcast %and3A_974 : i32 to vector<16xi32>
      %broadcast_in_dim3A_976 = vector.broadcast %add3A_924 : i32 to vector<16xi32>
      %gather3A_977 = arith.constant 2 : i32
      %gather3A_978 = arith.constant 0 : i32
      %gather3A_979 = arith.constant 0 : i32
      %gather3A_980 = tpu.memref_slice %arg14[%gather3A_977, %gather3A_978, %gather3A_979] : memref<8x16x128xf32, #tpu.memory_space<vmem>> -> memref<1x16x128xf32, #tpu.memory_space<vmem>>
      %gather3A_981 = tpu.memref_squeeze %gather3A_980 : memref<1x16x128xf32, #tpu.memory_space<vmem>> -> memref<16x128xf32, #tpu.memory_space<vmem>>
      %gather3A_982 = tpu.vector_load_idx %gather3A_981[%iota3A, %broadcast_in_dim3A_975] : memref<16x128xf32, #tpu.memory_space<vmem>>[vector<16xi32>, vector<16xi32>], vector<16xf32>,
      tpu.vector_store_idx %arg16[%iota3A, %broadcast_in_dim3A_976], %gather3A_982 : memref<16x512xf32, #tpu.memory_space<vmem>>[vector<16xi32>, vector<16xi32>], vector<16xf32>,
      %add3A_983 = arith.constant 0 : i32
      %add3A_984 = vector.broadcast %add3A_983 : i32 to vector<16xi32>
      %add3A_985 = arith.addi %iota3A, %add3A_984 : vector<16xi32>
      %gather3A_986 = arith.constant 2 : i32
      %gather3A_987 = arith.constant 0 : i32
      %gather3A_988 = arith.constant 0 : i32
      %gather3A_989 = tpu.memref_slice %arg15[%gather3A_986, %gather3A_987, %gather3A_988] : memref<8x64x128xf32, #tpu.memory_space<vmem>> -> memref<1x64x128xf32, #tpu.memory_space<vmem>>
      %gather3A_990 = tpu.memref_squeeze %gather3A_989 : memref<1x64x128xf32, #tpu.memory_space<vmem>> -> memref<64x128xf32, #tpu.memory_space<vmem>>
      %gather3A_991 = tpu.vector_load_idx %gather3A_990[%add3A_985, %broadcast_in_dim3A_975] : memref<64x128xf32, #tpu.memory_space<vmem>>[vector<16xi32>, vector<16xi32>], vector<16xf32>,
      tpu.vector_store_idx %arg17[%add3A_985, %broadcast_in_dim3A_976], %gather3A_991 : memref<64x512xf32, #tpu.memory_space<vmem>>[vector<16xi32>, vector<16xi32>], vector<16xf32>,
      %add3A_992 = arith.constant 16 : i32
      %add3A_993 = vector.broadcast %add3A_992 : i32 to vector<16xi32>
      %add3A_994 = arith.addi %iota3A, %add3A_993 : vector<16xi32>
      %gather3A_995 = arith.constant 2 : i32
      %gather3A_996 = arith.constant 0 : i32
      %gather3A_997 = arith.constant 0 : i32
      %gather3A_998 = tpu.memref_slice %arg15[%gather3A_995, %gather3A_996, %gather3A_997] : memref<8x64x128xf32, #tpu.memory_space<vmem>> -> memref<1x64x128xf32, #tpu.memory_space<vmem>>
      %gather3A_999 = tpu.memref_squeeze %gather3A_998 : memref<1x64x128xf32, #tpu.memory_space<vmem>> -> memref<64x128xf32, #tpu.memory_space<vmem>>
      %gather3A_1000 = tpu.vector_load_idx %gather3A_999[%add3A_994, %broadcast_in_dim3A_975] : memref<64x128xf32, #tpu.memory_space<vmem>>[vector<16xi32>, vector<16xi32>], vector<16xf32>,
      tpu.vector_store_idx %arg17[%add3A_994, %broadcast_in_dim3A_976], %gather3A_1000 : memref<64x512xf32, #tpu.memory_space<vmem>>[vector<16xi32>, vector<16xi32>], vector<16xf32>,
      %add3A_1001 = arith.constant 32 : i32
      %add3A_1002 = vector.broadcast %add3A_1001 : i32 to vector<16xi32>
      %add3A_1003 = arith.addi %iota3A, %add3A_1002 : vector<16xi32>
      %gather3A_1004 = arith.constant 2 : i32
      %gather3A_1005 = arith.constant 0 : i32
      %gather3A_1006 = arith.constant 0 : i32
      %gather3A_1007 = tpu.memref_slice %arg15[%gather3A_1004, %gather3A_1005, %gather3A_1006] : memref<8x64x128xf32, #tpu.memory_space<vmem>> -> memref<1x64x128xf32, #tpu.memory_space<vmem>>
      %gather3A_1008 = tpu.memref_squeeze %gather3A_1007 : memref<1x64x128xf32, #tpu.memory_space<vmem>> -> memref<64x128xf32, #tpu.memory_space<vmem>>
      %gather3A_1009 = tpu.vector_load_idx %gather3A_1008[%add3A_1003, %broadcast_in_dim3A_975] : memref<64x128xf32, #tpu.memory_space<vmem>>[vector<16xi32>, vector<16xi32>], vector<16xf32>,
      tpu.vector_store_idx %arg17[%add3A_1003, %broadcast_in_dim3A_976], %gather3A_1009 : memref<64x512xf32, #tpu.memory_space<vmem>>[vector<16xi32>, vector<16xi32>], vector<16xf32>,
      %add3A_1010 = arith.constant 48 : i32
      %add3A_1011 = vector.broadcast %add3A_1010 : i32 to vector<16xi32>
      %add3A_1012 = arith.addi %iota3A, %add3A_1011 : vector<16xi32>
      %gather3A_1013 = arith.constant 2 : i32
      %gather3A_1014 = arith.constant 0 : i32
      %gather3A_1015 = arith.constant 0 : i32
      %gather3A_1016 = tpu.memref_slice %arg15[%gather3A_1013, %gather3A_1014, %gather3A_1015] : memref<8x64x128xf32, #tpu.memory_space<vmem>> -> memref<1x64x128xf32, #tpu.memory_space<vmem>>
      %gather3A_1017 = tpu.memref_squeeze %gather3A_1016 : memref<1x64x128xf32, #tpu.memory_space<vmem>> -> memref<64x128xf32, #tpu.memory_space<vmem>>
      %gather3A_1018 = tpu.vector_load_idx %gather3A_1017[%add3A_1012, %broadcast_in_dim3A_975] : memref<64x128xf32, #tpu.memory_space<vmem>>[vector<16xi32>, vector<16xi32>], vector<16xf32>,
      tpu.vector_store_idx %arg17[%add3A_1012, %broadcast_in_dim3A_976], %gather3A_1018 : memref<64x512xf32, #tpu.memory_space<vmem>>[vector<16xi32>, vector<16xi32>], vector<16xf32>,
      %sub3A_1019 = arith.constant 1 : i32
      %sub3A_1020 = arith.subi %scan3A_722, %sub3A_1019 : i32
      %mul3A_1021 = arith.constant 8 : i32
      %mul3A_1022 = arith.muli %sub3A_1020, %mul3A_1021 : i32
      %add3A_1023 = arith.constant 3 : i32
      %add3A_1024 = arith.addi %mul3A_1022, %add3A_1023 : i32
      %dma_wait3A_1025 = arith.constant 3 : i32
      %dma_wait3A_1026 = arith.constant 0 : i32
      %dma_wait3A_1027 = arith.constant 0 : i32
      %dma_wait3A_1028 = tpu.memref_slice %arg14[%dma_wait3A_1025, %dma_wait3A_1026, %dma_wait3A_1027] : memref<8x16x128xf32, #tpu.memory_space<vmem>> -> memref<1x16x128xf32, #tpu.memory_space<vmem>>
      %dma_wait3A_1029 = tpu.memref_squeeze %dma_wait3A_1028 : memref<1x16x128xf32, #tpu.memory_space<vmem>> -> memref<16x128xf32, #tpu.memory_space<vmem>>
      %dma_wait3A_1030 = arith.constant 0 : i32
      %dma_wait3A_1031 = arith.constant 0 : i32
      %dma_wait3A_1032 = tpu.memref_slice %arg4[%dma_wait3A_1030, %dma_wait3A_1031] : memref<16x1000000xf32, #tpu.memory_space<hbm>> -> memref<16x128xf32, #tpu.memory_space<hbm>>
      %dma_wait3A_1033 = arith.constant 0 : i32
      %dma_wait3A_1034 = arith.constant 0 : i32
      %dma_wait3A_1035 = tpu.memref_slice %arg14[%dma_wait3A_1025, %dma_wait3A_1033, %dma_wait3A_1034] : memref<8x16x128xf32, #tpu.memory_space<vmem>> -> memref<1x16x128xf32, #tpu.memory_space<vmem>>
      %dma_wait3A_1036 = tpu.memref_squeeze %dma_wait3A_1035 : memref<1x16x128xf32, #tpu.memory_space<vmem>> -> memref<16x128xf32, #tpu.memory_space<vmem>>
      %dma_wait3A_1037 = arith.constant 0 : i32
      %dma_wait3A_1038 = arith.constant 0 : i32
      %dma_wait3A_1039 = tpu.memref_slice %arg4[%dma_wait3A_1037, %dma_wait3A_1038] : memref<16x1000000xf32, #tpu.memory_space<hbm>> -> memref<16x128xf32, #tpu.memory_space<hbm>>
      tpu.wait_dma2 semaphore(%arg21 : memref<!tpu.dma_semaphore, #tpu.memory_space<semaphore_mem>>) src(%dma_wait3A_1039 : memref<16x128xf32, #tpu.memory_space<hbm>>) dst(%dma_wait3A_1036 : memref<16x128xf32, #tpu.memory_space<vmem>>)
      %dma_wait3A_1040 = arith.constant 3 : i32
      %dma_wait3A_1041 = arith.constant 0 : i32
      %dma_wait3A_1042 = arith.constant 0 : i32
      %dma_wait3A_1043 = tpu.memref_slice %arg15[%dma_wait3A_1040, %dma_wait3A_1041, %dma_wait3A_1042] : memref<8x64x128xf32, #tpu.memory_space<vmem>> -> memref<1x64x128xf32, #tpu.memory_space<vmem>>
      %dma_wait3A_1044 = tpu.memref_squeeze %dma_wait3A_1043 : memref<1x64x128xf32, #tpu.memory_space<vmem>> -> memref<64x128xf32, #tpu.memory_space<vmem>>
      %dma_wait3A_1045 = arith.constant 0 : i32
      %dma_wait3A_1046 = arith.constant 0 : i32
      %dma_wait3A_1047 = tpu.memref_slice %arg6[%dma_wait3A_1045, %dma_wait3A_1046] : memref<64x1000000xf32, #tpu.memory_space<hbm>> -> memref<64x128xf32, #tpu.memory_space<hbm>>
      %dma_wait3A_1048 = arith.constant 0 : i32
      %dma_wait3A_1049 = arith.constant 0 : i32
      %dma_wait3A_1050 = tpu.memref_slice %arg15[%dma_wait3A_1040, %dma_wait3A_1048, %dma_wait3A_1049] : memref<8x64x128xf32, #tpu.memory_space<vmem>> -> memref<1x64x128xf32, #tpu.memory_space<vmem>>
      %dma_wait3A_1051 = tpu.memref_squeeze %dma_wait3A_1050 : memref<1x64x128xf32, #tpu.memory_space<vmem>> -> memref<64x128xf32, #tpu.memory_space<vmem>>
      %dma_wait3A_1052 = arith.constant 0 : i32
      %dma_wait3A_1053 = arith.constant 0 : i32
      %dma_wait3A_1054 = tpu.memref_slice %arg6[%dma_wait3A_1052, %dma_wait3A_1053] : memref<64x1000000xf32, #tpu.memory_space<hbm>> -> memref<64x128xf32, #tpu.memory_space<hbm>>
      tpu.wait_dma2 semaphore(%arg21 : memref<!tpu.dma_semaphore, #tpu.memory_space<semaphore_mem>>) src(%dma_wait3A_1054 : memref<64x128xf32, #tpu.memory_space<hbm>>) dst(%dma_wait3A_1051 : memref<64x128xf32, #tpu.memory_space<vmem>>)
      %shift_right_arithmetic3A_1055 = arith.constant 4 : i32
      %shift_right_arithmetic3A_1056 = arith.shrsi %add3A_1024, %shift_right_arithmetic3A_1055 : i32
      %shift_left3A_1057 = arith.constant 4 : i32
      %shift_left3A_1058 = arith.shli %shift_right_arithmetic3A_1056, %shift_left3A_1057 : i32
      %multiple_of3A_1059 = tpu.assume_multiple %shift_left3A_1058, 16 : i32
      %get3A_1060 = arith.index_cast %multiple_of3A_1059 : i32 to index
      %get3A_1061 = tpu.vector_load %arg12[%get3A_1060] {strides = array<i32>} : memref<512xi32, #tpu.memory_space<vmem>>, vector<16xi32>,
      %and3A_1062 = arith.constant 15 : i32
      %and3A_1063 = arith.andi %add3A_1024, %and3A_1062 : i32
      %eq3A_1064 = vector.broadcast %and3A_1063 : i32 to vector<16xi32>
      %eq3A_1065 = arith.cmpi eq, %iota3A, %eq3A_1064 : vector<16xi32>
      %jit3A_1066 = arith.constant 0 : i32
      %broadcast_in_dim3A_1067 = vector.broadcast %jit3A_1066 : i32 to vector<16xi32>
      %select_n3A_1068 = arith.select %eq3A_1065, %get3A_1061, %broadcast_in_dim3A_1067 : vector<16xi1>, vector<16xi32>
      %reduce_sum3A_1069 = arith.constant true
      %reduce_sum3A_1070 = vector.broadcast %reduce_sum3A_1069 : i1 to vector<16xi1>
      %reduce_sum3A_1071 = tpu.scan <sum>, %select_n3A_1068 masked %reduce_sum3A_1070 : vector<16xi32>, vector<16xi1> -> vector<16xi32>
      %reduce_sum3A_1072 = vector.extract %reduce_sum3A_1071[15] : i32 from vector<16xi32>
      %and3A_1073 = arith.constant 127 : i32
      %and3A_1074 = arith.andi %reduce_sum3A_1072, %and3A_1073 : i32
      %broadcast_in_dim3A_1075 = vector.broadcast %and3A_1074 : i32 to vector<16xi32>
      %broadcast_in_dim3A_1076 = vector.broadcast %add3A_1024 : i32 to vector<16xi32>
      %gather3A_1077 = arith.constant 3 : i32
      %gather3A_1078 = arith.constant 0 : i32
      %gather3A_1079 = arith.constant 0 : i32
      %gather3A_1080 = tpu.memref_slice %arg14[%gather3A_1077, %gather3A_1078, %gather3A_1079] : memref<8x16x128xf32, #tpu.memory_space<vmem>> -> memref<1x16x128xf32, #tpu.memory_space<vmem>>
      %gather3A_1081 = tpu.memref_squeeze %gather3A_1080 : memref<1x16x128xf32, #tpu.memory_space<vmem>> -> memref<16x128xf32, #tpu.memory_space<vmem>>
      %gather3A_1082 = tpu.vector_load_idx %gather3A_1081[%iota3A, %broadcast_in_dim3A_1075] : memref<16x128xf32, #tpu.memory_space<vmem>>[vector<16xi32>, vector<16xi32>], vector<16xf32>,
      tpu.vector_store_idx %arg16[%iota3A, %broadcast_in_dim3A_1076], %gather3A_1082 : memref<16x512xf32, #tpu.memory_space<vmem>>[vector<16xi32>, vector<16xi32>], vector<16xf32>,
      %add3A_1083 = arith.constant 0 : i32
      %add3A_1084 = vector.broadcast %add3A_1083 : i32 to vector<16xi32>
      %add3A_1085 = arith.addi %iota3A, %add3A_1084 : vector<16xi32>
      %gather3A_1086 = arith.constant 3 : i32
      %gather3A_1087 = arith.constant 0 : i32
      %gather3A_1088 = arith.constant 0 : i32
      %gather3A_1089 = tpu.memref_slice %arg15[%gather3A_1086, %gather3A_1087, %gather3A_1088] : memref<8x64x128xf32, #tpu.memory_space<vmem>> -> memref<1x64x128xf32, #tpu.memory_space<vmem>>
      %gather3A_1090 = tpu.memref_squeeze %gather3A_1089 : memref<1x64x128xf32, #tpu.memory_space<vmem>> -> memref<64x128xf32, #tpu.memory_space<vmem>>
      %gather3A_1091 = tpu.vector_load_idx %gather3A_1090[%add3A_1085, %broadcast_in_dim3A_1075] : memref<64x128xf32, #tpu.memory_space<vmem>>[vector<16xi32>, vector<16xi32>], vector<16xf32>,
      tpu.vector_store_idx %arg17[%add3A_1085, %broadcast_in_dim3A_1076], %gather3A_1091 : memref<64x512xf32, #tpu.memory_space<vmem>>[vector<16xi32>, vector<16xi32>], vector<16xf32>,
      %add3A_1092 = arith.constant 16 : i32
      %add3A_1093 = vector.broadcast %add3A_1092 : i32 to vector<16xi32>
      %add3A_1094 = arith.addi %iota3A, %add3A_1093 : vector<16xi32>
      %gather3A_1095 = arith.constant 3 : i32
      %gather3A_1096 = arith.constant 0 : i32
      %gather3A_1097 = arith.constant 0 : i32
      %gather3A_1098 = tpu.memref_slice %arg15[%gather3A_1095, %gather3A_1096, %gather3A_1097] : memref<8x64x128xf32, #tpu.memory_space<vmem>> -> memref<1x64x128xf32, #tpu.memory_space<vmem>>
      %gather3A_1099 = tpu.memref_squeeze %gather3A_1098 : memref<1x64x128xf32, #tpu.memory_space<vmem>> -> memref<64x128xf32, #tpu.memory_space<vmem>>
      %gather3A_1100 = tpu.vector_load_idx %gather3A_1099[%add3A_1094, %broadcast_in_dim3A_1075] : memref<64x128xf32, #tpu.memory_space<vmem>>[vector<16xi32>, vector<16xi32>], vector<16xf32>,
      tpu.vector_store_idx %arg17[%add3A_1094, %broadcast_in_dim3A_1076], %gather3A_1100 : memref<64x512xf32, #tpu.memory_space<vmem>>[vector<16xi32>, vector<16xi32>], vector<16xf32>,
      %add3A_1101 = arith.constant 32 : i32
      %add3A_1102 = vector.broadcast %add3A_1101 : i32 to vector<16xi32>
      %add3A_1103 = arith.addi %iota3A, %add3A_1102 : vector<16xi32>
      %gather3A_1104 = arith.constant 3 : i32
      %gather3A_1105 = arith.constant 0 : i32
      %gather3A_1106 = arith.constant 0 : i32
      %gather3A_1107 = tpu.memref_slice %arg15[%gather3A_1104, %gather3A_1105, %gather3A_1106] : memref<8x64x128xf32, #tpu.memory_space<vmem>> -> memref<1x64x128xf32, #tpu.memory_space<vmem>>
      %gather3A_1108 = tpu.memref_squeeze %gather3A_1107 : memref<1x64x128xf32, #tpu.memory_space<vmem>> -> memref<64x128xf32, #tpu.memory_space<vmem>>
      %gather3A_1109 = tpu.vector_load_idx %gather3A_1108[%add3A_1103, %broadcast_in_dim3A_1075] : memref<64x128xf32, #tpu.memory_space<vmem>>[vector<16xi32>, vector<16xi32>], vector<16xf32>,
      tpu.vector_store_idx %arg17[%add3A_1103, %broadcast_in_dim3A_1076], %gather3A_1109 : memref<64x512xf32, #tpu.memory_space<vmem>>[vector<16xi32>, vector<16xi32>], vector<16xf32>,
      %add3A_1110 = arith.constant 48 : i32
      %add3A_1111 = vector.broadcast %add3A_1110 : i32 to vector<16xi32>
      %add3A_1112 = arith.addi %iota3A, %add3A_1111 : vector<16xi32>
      %gather3A_1113 = arith.constant 3 : i32
      %gather3A_1114 = arith.constant 0 : i32
      %gather3A_1115 = arith.constant 0 : i32
      %gather3A_1116 = tpu.memref_slice %arg15[%gather3A_1113, %gather3A_1114, %gather3A_1115] : memref<8x64x128xf32, #tpu.memory_space<vmem>> -> memref<1x64x128xf32, #tpu.memory_space<vmem>>
      %gather3A_1117 = tpu.memref_squeeze %gather3A_1116 : memref<1x64x128xf32, #tpu.memory_space<vmem>> -> memref<64x128xf32, #tpu.memory_space<vmem>>
      %gather3A_1118 = tpu.vector_load_idx %gather3A_1117[%add3A_1112, %broadcast_in_dim3A_1075] : memref<64x128xf32, #tpu.memory_space<vmem>>[vector<16xi32>, vector<16xi32>], vector<16xf32>,
      tpu.vector_store_idx %arg17[%add3A_1112, %broadcast_in_dim3A_1076], %gather3A_1118 : memref<64x512xf32, #tpu.memory_space<vmem>>[vector<16xi32>, vector<16xi32>], vector<16xf32>,
      %sub3A_1119 = arith.constant 1 : i32
      %sub3A_1120 = arith.subi %scan3A_722, %sub3A_1119 : i32
      %mul3A_1121 = arith.constant 8 : i32
      %mul3A_1122 = arith.muli %sub3A_1120, %mul3A_1121 : i32
      %add3A_1123 = arith.constant 4 : i32
      %add3A_1124 = arith.addi %mul3A_1122, %add3A_1123 : i32
      %dma_wait3A_1125 = arith.constant 4 : i32
      %dma_wait3A_1126 = arith.constant 0 : i32
      %dma_wait3A_1127 = arith.constant 0 : i32
      %dma_wait3A_1128 = tpu.memref_slice %arg14[%dma_wait3A_1125, %dma_wait3A_1126, %dma_wait3A_1127] : memref<8x16x128xf32, #tpu.memory_space<vmem>> -> memref<1x16x128xf32, #tpu.memory_space<vmem>>
      %dma_wait3A_1129 = tpu.memref_squeeze %dma_wait3A_1128 : memref<1x16x128xf32, #tpu.memory_space<vmem>> -> memref<16x128xf32, #tpu.memory_space<vmem>>
      %dma_wait3A_1130 = arith.constant 0 : i32
      %dma_wait3A_1131 = arith.constant 0 : i32
      %dma_wait3A_1132 = tpu.memref_slice %arg4[%dma_wait3A_1130, %dma_wait3A_1131] : memref<16x1000000xf32, #tpu.memory_space<hbm>> -> memref<16x128xf32, #tpu.memory_space<hbm>>
      %dma_wait3A_1133 = arith.constant 0 : i32
      %dma_wait3A_1134 = arith.constant 0 : i32
      %dma_wait3A_1135 = tpu.memref_slice %arg14[%dma_wait3A_1125, %dma_wait3A_1133, %dma_wait3A_1134] : memref<8x16x128xf32, #tpu.memory_space<vmem>> -> memref<1x16x128xf32, #tpu.memory_space<vmem>>
      %dma_wait3A_1136 = tpu.memref_squeeze %dma_wait3A_1135 : memref<1x16x128xf32, #tpu.memory_space<vmem>> -> memref<16x128xf32, #tpu.memory_space<vmem>>
      %dma_wait3A_1137 = arith.constant 0 : i32
      %dma_wait3A_1138 = arith.constant 0 : i32
      %dma_wait3A_1139 = tpu.memref_slice %arg4[%dma_wait3A_1137, %dma_wait3A_1138] : memref<16x1000000xf32, #tpu.memory_space<hbm>> -> memref<16x128xf32, #tpu.memory_space<hbm>>
      tpu.wait_dma2 semaphore(%arg22 : memref<!tpu.dma_semaphore, #tpu.memory_space<semaphore_mem>>) src(%dma_wait3A_1139 : memref<16x128xf32, #tpu.memory_space<hbm>>) dst(%dma_wait3A_1136 : memref<16x128xf32, #tpu.memory_space<vmem>>)
      %dma_wait3A_1140 = arith.constant 4 : i32
      %dma_wait3A_1141 = arith.constant 0 : i32
      %dma_wait3A_1142 = arith.constant 0 : i32
      %dma_wait3A_1143 = tpu.memref_slice %arg15[%dma_wait3A_1140, %dma_wait3A_1141, %dma_wait3A_1142] : memref<8x64x128xf32, #tpu.memory_space<vmem>> -> memref<1x64x128xf32, #tpu.memory_space<vmem>>
      %dma_wait3A_1144 = tpu.memref_squeeze %dma_wait3A_1143 : memref<1x64x128xf32, #tpu.memory_space<vmem>> -> memref<64x128xf32, #tpu.memory_space<vmem>>
      %dma_wait3A_1145 = arith.constant 0 : i32
      %dma_wait3A_1146 = arith.constant 0 : i32
      %dma_wait3A_1147 = tpu.memref_slice %arg6[%dma_wait3A_1145, %dma_wait3A_1146] : memref<64x1000000xf32, #tpu.memory_space<hbm>> -> memref<64x128xf32, #tpu.memory_space<hbm>>
      %dma_wait3A_1148 = arith.constant 0 : i32
      %dma_wait3A_1149 = arith.constant 0 : i32
      %dma_wait3A_1150 = tpu.memref_slice %arg15[%dma_wait3A_1140, %dma_wait3A_1148, %dma_wait3A_1149] : memref<8x64x128xf32, #tpu.memory_space<vmem>> -> memref<1x64x128xf32, #tpu.memory_space<vmem>>
      %dma_wait3A_1151 = tpu.memref_squeeze %dma_wait3A_1150 : memref<1x64x128xf32, #tpu.memory_space<vmem>> -> memref<64x128xf32, #tpu.memory_space<vmem>>
      %dma_wait3A_1152 = arith.constant 0 : i32
      %dma_wait3A_1153 = arith.constant 0 : i32
      %dma_wait3A_1154 = tpu.memref_slice %arg6[%dma_wait3A_1152, %dma_wait3A_1153] : memref<64x1000000xf32, #tpu.memory_space<hbm>> -> memref<64x128xf32, #tpu.memory_space<hbm>>
      tpu.wait_dma2 semaphore(%arg22 : memref<!tpu.dma_semaphore, #tpu.memory_space<semaphore_mem>>) src(%dma_wait3A_1154 : memref<64x128xf32, #tpu.memory_space<hbm>>) dst(%dma_wait3A_1151 : memref<64x128xf32, #tpu.memory_space<vmem>>)
      %shift_right_arithmetic3A_1155 = arith.constant 4 : i32
      %shift_right_arithmetic3A_1156 = arith.shrsi %add3A_1124, %shift_right_arithmetic3A_1155 : i32
      %shift_left3A_1157 = arith.constant 4 : i32
      %shift_left3A_1158 = arith.shli %shift_right_arithmetic3A_1156, %shift_left3A_1157 : i32
      %multiple_of3A_1159 = tpu.assume_multiple %shift_left3A_1158, 16 : i32
      %get3A_1160 = arith.index_cast %multiple_of3A_1159 : i32 to index
      %get3A_1161 = tpu.vector_load %arg12[%get3A_1160] {strides = array<i32>} : memref<512xi32, #tpu.memory_space<vmem>>, vector<16xi32>,
      %and3A_1162 = arith.constant 15 : i32
      %and3A_1163 = arith.andi %add3A_1124, %and3A_1162 : i32
      %eq3A_1164 = vector.broadcast %and3A_1163 : i32 to vector<16xi32>
      %eq3A_1165 = arith.cmpi eq, %iota3A, %eq3A_1164 : vector<16xi32>
      %jit3A_1166 = arith.constant 0 : i32
      %broadcast_in_dim3A_1167 = vector.broadcast %jit3A_1166 : i32 to vector<16xi32>
      %select_n3A_1168 = arith.select %eq3A_1165, %get3A_1161, %broadcast_in_dim3A_1167 : vector<16xi1>, vector<16xi32>
      %reduce_sum3A_1169 = arith.constant true
      %reduce_sum3A_1170 = vector.broadcast %reduce_sum3A_1169 : i1 to vector<16xi1>
      %reduce_sum3A_1171 = tpu.scan <sum>, %select_n3A_1168 masked %reduce_sum3A_1170 : vector<16xi32>, vector<16xi1> -> vector<16xi32>
      %reduce_sum3A_1172 = vector.extract %reduce_sum3A_1171[15] : i32 from vector<16xi32>
      %and3A_1173 = arith.constant 127 : i32
      %and3A_1174 = arith.andi %reduce_sum3A_1172, %and3A_1173 : i32
      %broadcast_in_dim3A_1175 = vector.broadcast %and3A_1174 : i32 to vector<16xi32>
      %broadcast_in_dim3A_1176 = vector.broadcast %add3A_1124 : i32 to vector<16xi32>
      %gather3A_1177 = arith.constant 4 : i32
      %gather3A_1178 = arith.constant 0 : i32
      %gather3A_1179 = arith.constant 0 : i32
      %gather3A_1180 = tpu.memref_slice %arg14[%gather3A_1177, %gather3A_1178, %gather3A_1179] : memref<8x16x128xf32, #tpu.memory_space<vmem>> -> memref<1x16x128xf32, #tpu.memory_space<vmem>>
      %gather3A_1181 = tpu.memref_squeeze %gather3A_1180 : memref<1x16x128xf32, #tpu.memory_space<vmem>> -> memref<16x128xf32, #tpu.memory_space<vmem>>
      %gather3A_1182 = tpu.vector_load_idx %gather3A_1181[%iota3A, %broadcast_in_dim3A_1175] : memref<16x128xf32, #tpu.memory_space<vmem>>[vector<16xi32>, vector<16xi32>], vector<16xf32>,
      tpu.vector_store_idx %arg16[%iota3A, %broadcast_in_dim3A_1176], %gather3A_1182 : memref<16x512xf32, #tpu.memory_space<vmem>>[vector<16xi32>, vector<16xi32>], vector<16xf32>,
      %add3A_1183 = arith.constant 0 : i32
      %add3A_1184 = vector.broadcast %add3A_1183 : i32 to vector<16xi32>
      %add3A_1185 = arith.addi %iota3A, %add3A_1184 : vector<16xi32>
      %gather3A_1186 = arith.constant 4 : i32
      %gather3A_1187 = arith.constant 0 : i32
      %gather3A_1188 = arith.constant 0 : i32
      %gather3A_1189 = tpu.memref_slice %arg15[%gather3A_1186, %gather3A_1187, %gather3A_1188] : memref<8x64x128xf32, #tpu.memory_space<vmem>> -> memref<1x64x128xf32, #tpu.memory_space<vmem>>
      %gather3A_1190 = tpu.memref_squeeze %gather3A_1189 : memref<1x64x128xf32, #tpu.memory_space<vmem>> -> memref<64x128xf32, #tpu.memory_space<vmem>>
      %gather3A_1191 = tpu.vector_load_idx %gather3A_1190[%add3A_1185, %broadcast_in_dim3A_1175] : memref<64x128xf32, #tpu.memory_space<vmem>>[vector<16xi32>, vector<16xi32>], vector<16xf32>,
      tpu.vector_store_idx %arg17[%add3A_1185, %broadcast_in_dim3A_1176], %gather3A_1191 : memref<64x512xf32, #tpu.memory_space<vmem>>[vector<16xi32>, vector<16xi32>], vector<16xf32>,
      %add3A_1192 = arith.constant 16 : i32
      %add3A_1193 = vector.broadcast %add3A_1192 : i32 to vector<16xi32>
      %add3A_1194 = arith.addi %iota3A, %add3A_1193 : vector<16xi32>
      %gather3A_1195 = arith.constant 4 : i32
      %gather3A_1196 = arith.constant 0 : i32
      %gather3A_1197 = arith.constant 0 : i32
      %gather3A_1198 = tpu.memref_slice %arg15[%gather3A_1195, %gather3A_1196, %gather3A_1197] : memref<8x64x128xf32, #tpu.memory_space<vmem>> -> memref<1x64x128xf32, #tpu.memory_space<vmem>>
      %gather3A_1199 = tpu.memref_squeeze %gather3A_1198 : memref<1x64x128xf32, #tpu.memory_space<vmem>> -> memref<64x128xf32, #tpu.memory_space<vmem>>
      %gather3A_1200 = tpu.vector_load_idx %gather3A_1199[%add3A_1194, %broadcast_in_dim3A_1175] : memref<64x128xf32, #tpu.memory_space<vmem>>[vector<16xi32>, vector<16xi32>], vector<16xf32>,
      tpu.vector_store_idx %arg17[%add3A_1194, %broadcast_in_dim3A_1176], %gather3A_1200 : memref<64x512xf32, #tpu.memory_space<vmem>>[vector<16xi32>, vector<16xi32>], vector<16xf32>,
      %add3A_1201 = arith.constant 32 : i32
      %add3A_1202 = vector.broadcast %add3A_1201 : i32 to vector<16xi32>
      %add3A_1203 = arith.addi %iota3A, %add3A_1202 : vector<16xi32>
      %gather3A_1204 = arith.constant 4 : i32
      %gather3A_1205 = arith.constant 0 : i32
      %gather3A_1206 = arith.constant 0 : i32
      %gather3A_1207 = tpu.memref_slice %arg15[%gather3A_1204, %gather3A_1205, %gather3A_1206] : memref<8x64x128xf32, #tpu.memory_space<vmem>> -> memref<1x64x128xf32, #tpu.memory_space<vmem>>
      %gather3A_1208 = tpu.memref_squeeze %gather3A_1207 : memref<1x64x128xf32, #tpu.memory_space<vmem>> -> memref<64x128xf32, #tpu.memory_space<vmem>>
      %gather3A_1209 = tpu.vector_load_idx %gather3A_1208[%add3A_1203, %broadcast_in_dim3A_1175] : memref<64x128xf32, #tpu.memory_space<vmem>>[vector<16xi32>, vector<16xi32>], vector<16xf32>,
      tpu.vector_store_idx %arg17[%add3A_1203, %broadcast_in_dim3A_1176], %gather3A_1209 : memref<64x512xf32, #tpu.memory_space<vmem>>[vector<16xi32>, vector<16xi32>], vector<16xf32>,
      %add3A_1210 = arith.constant 48 : i32
      %add3A_1211 = vector.broadcast %add3A_1210 : i32 to vector<16xi32>
      %add3A_1212 = arith.addi %iota3A, %add3A_1211 : vector<16xi32>
      %gather3A_1213 = arith.constant 4 : i32
      %gather3A_1214 = arith.constant 0 : i32
      %gather3A_1215 = arith.constant 0 : i32
      %gather3A_1216 = tpu.memref_slice %arg15[%gather3A_1213, %gather3A_1214, %gather3A_1215] : memref<8x64x128xf32, #tpu.memory_space<vmem>> -> memref<1x64x128xf32, #tpu.memory_space<vmem>>
      %gather3A_1217 = tpu.memref_squeeze %gather3A_1216 : memref<1x64x128xf32, #tpu.memory_space<vmem>> -> memref<64x128xf32, #tpu.memory_space<vmem>>
      %gather3A_1218 = tpu.vector_load_idx %gather3A_1217[%add3A_1212, %broadcast_in_dim3A_1175] : memref<64x128xf32, #tpu.memory_space<vmem>>[vector<16xi32>, vector<16xi32>], vector<16xf32>,
      tpu.vector_store_idx %arg17[%add3A_1212, %broadcast_in_dim3A_1176], %gather3A_1218 : memref<64x512xf32, #tpu.memory_space<vmem>>[vector<16xi32>, vector<16xi32>], vector<16xf32>,
      %sub3A_1219 = arith.constant 1 : i32
      %sub3A_1220 = arith.subi %scan3A_722, %sub3A_1219 : i32
      %mul3A_1221 = arith.constant 8 : i32
      %mul3A_1222 = arith.muli %sub3A_1220, %mul3A_1221 : i32
      %add3A_1223 = arith.constant 5 : i32
      %add3A_1224 = arith.addi %mul3A_1222, %add3A_1223 : i32
      %dma_wait3A_1225 = arith.constant 5 : i32
      %dma_wait3A_1226 = arith.constant 0 : i32
      %dma_wait3A_1227 = arith.constant 0 : i32
      %dma_wait3A_1228 = tpu.memref_slice %arg14[%dma_wait3A_1225, %dma_wait3A_1226, %dma_wait3A_1227] : memref<8x16x128xf32, #tpu.memory_space<vmem>> -> memref<1x16x128xf32, #tpu.memory_space<vmem>>
      %dma_wait3A_1229 = tpu.memref_squeeze %dma_wait3A_1228 : memref<1x16x128xf32, #tpu.memory_space<vmem>> -> memref<16x128xf32, #tpu.memory_space<vmem>>
      %dma_wait3A_1230 = arith.constant 0 : i32
      %dma_wait3A_1231 = arith.constant 0 : i32
      %dma_wait3A_1232 = tpu.memref_slice %arg4[%dma_wait3A_1230, %dma_wait3A_1231] : memref<16x1000000xf32, #tpu.memory_space<hbm>> -> memref<16x128xf32, #tpu.memory_space<hbm>>
      %dma_wait3A_1233 = arith.constant 0 : i32
      %dma_wait3A_1234 = arith.constant 0 : i32
      %dma_wait3A_1235 = tpu.memref_slice %arg14[%dma_wait3A_1225, %dma_wait3A_1233, %dma_wait3A_1234] : memref<8x16x128xf32, #tpu.memory_space<vmem>> -> memref<1x16x128xf32, #tpu.memory_space<vmem>>
      %dma_wait3A_1236 = tpu.memref_squeeze %dma_wait3A_1235 : memref<1x16x128xf32, #tpu.memory_space<vmem>> -> memref<16x128xf32, #tpu.memory_space<vmem>>
      %dma_wait3A_1237 = arith.constant 0 : i32
      %dma_wait3A_1238 = arith.constant 0 : i32
      %dma_wait3A_1239 = tpu.memref_slice %arg4[%dma_wait3A_1237, %dma_wait3A_1238] : memref<16x1000000xf32, #tpu.memory_space<hbm>> -> memref<16x128xf32, #tpu.memory_space<hbm>>
      tpu.wait_dma2 semaphore(%arg23 : memref<!tpu.dma_semaphore, #tpu.memory_space<semaphore_mem>>) src(%dma_wait3A_1239 : memref<16x128xf32, #tpu.memory_space<hbm>>) dst(%dma_wait3A_1236 : memref<16x128xf32, #tpu.memory_space<vmem>>)
      %dma_wait3A_1240 = arith.constant 5 : i32
      %dma_wait3A_1241 = arith.constant 0 : i32
      %dma_wait3A_1242 = arith.constant 0 : i32
      %dma_wait3A_1243 = tpu.memref_slice %arg15[%dma_wait3A_1240, %dma_wait3A_1241, %dma_wait3A_1242] : memref<8x64x128xf32, #tpu.memory_space<vmem>> -> memref<1x64x128xf32, #tpu.memory_space<vmem>>
      %dma_wait3A_1244 = tpu.memref_squeeze %dma_wait3A_1243 : memref<1x64x128xf32, #tpu.memory_space<vmem>> -> memref<64x128xf32, #tpu.memory_space<vmem>>
      %dma_wait3A_1245 = arith.constant 0 : i32
      %dma_wait3A_1246 = arith.constant 0 : i32
      %dma_wait3A_1247 = tpu.memref_slice %arg6[%dma_wait3A_1245, %dma_wait3A_1246] : memref<64x1000000xf32, #tpu.memory_space<hbm>> -> memref<64x128xf32, #tpu.memory_space<hbm>>
      %dma_wait3A_1248 = arith.constant 0 : i32
      %dma_wait3A_1249 = arith.constant 0 : i32
      %dma_wait3A_1250 = tpu.memref_slice %arg15[%dma_wait3A_1240, %dma_wait3A_1248, %dma_wait3A_1249] : memref<8x64x128xf32, #tpu.memory_space<vmem>> -> memref<1x64x128xf32, #tpu.memory_space<vmem>>
      %dma_wait3A_1251 = tpu.memref_squeeze %dma_wait3A_1250 : memref<1x64x128xf32, #tpu.memory_space<vmem>> -> memref<64x128xf32, #tpu.memory_space<vmem>>
      %dma_wait3A_1252 = arith.constant 0 : i32
      %dma_wait3A_1253 = arith.constant 0 : i32
      %dma_wait3A_1254 = tpu.memref_slice %arg6[%dma_wait3A_1252, %dma_wait3A_1253] : memref<64x1000000xf32, #tpu.memory_space<hbm>> -> memref<64x128xf32, #tpu.memory_space<hbm>>
      tpu.wait_dma2 semaphore(%arg23 : memref<!tpu.dma_semaphore, #tpu.memory_space<semaphore_mem>>) src(%dma_wait3A_1254 : memref<64x128xf32, #tpu.memory_space<hbm>>) dst(%dma_wait3A_1251 : memref<64x128xf32, #tpu.memory_space<vmem>>)
      %shift_right_arithmetic3A_1255 = arith.constant 4 : i32
      %shift_right_arithmetic3A_1256 = arith.shrsi %add3A_1224, %shift_right_arithmetic3A_1255 : i32
      %shift_left3A_1257 = arith.constant 4 : i32
      %shift_left3A_1258 = arith.shli %shift_right_arithmetic3A_1256, %shift_left3A_1257 : i32
      %multiple_of3A_1259 = tpu.assume_multiple %shift_left3A_1258, 16 : i32
      %get3A_1260 = arith.index_cast %multiple_of3A_1259 : i32 to index
      %get3A_1261 = tpu.vector_load %arg12[%get3A_1260] {strides = array<i32>} : memref<512xi32, #tpu.memory_space<vmem>>, vector<16xi32>,
      %and3A_1262 = arith.constant 15 : i32
      %and3A_1263 = arith.andi %add3A_1224, %and3A_1262 : i32
      %eq3A_1264 = vector.broadcast %and3A_1263 : i32 to vector<16xi32>
      %eq3A_1265 = arith.cmpi eq, %iota3A, %eq3A_1264 : vector<16xi32>
      %jit3A_1266 = arith.constant 0 : i32
      %broadcast_in_dim3A_1267 = vector.broadcast %jit3A_1266 : i32 to vector<16xi32>
      %select_n3A_1268 = arith.select %eq3A_1265, %get3A_1261, %broadcast_in_dim3A_1267 : vector<16xi1>, vector<16xi32>
      %reduce_sum3A_1269 = arith.constant true
      %reduce_sum3A_1270 = vector.broadcast %reduce_sum3A_1269 : i1 to vector<16xi1>
      %reduce_sum3A_1271 = tpu.scan <sum>, %select_n3A_1268 masked %reduce_sum3A_1270 : vector<16xi32>, vector<16xi1> -> vector<16xi32>
      %reduce_sum3A_1272 = vector.extract %reduce_sum3A_1271[15] : i32 from vector<16xi32>
      %and3A_1273 = arith.constant 127 : i32
      %and3A_1274 = arith.andi %reduce_sum3A_1272, %and3A_1273 : i32
      %broadcast_in_dim3A_1275 = vector.broadcast %and3A_1274 : i32 to vector<16xi32>
      %broadcast_in_dim3A_1276 = vector.broadcast %add3A_1224 : i32 to vector<16xi32>
      %gather3A_1277 = arith.constant 5 : i32
      %gather3A_1278 = arith.constant 0 : i32
      %gather3A_1279 = arith.constant 0 : i32
      %gather3A_1280 = tpu.memref_slice %arg14[%gather3A_1277, %gather3A_1278, %gather3A_1279] : memref<8x16x128xf32, #tpu.memory_space<vmem>> -> memref<1x16x128xf32, #tpu.memory_space<vmem>>
      %gather3A_1281 = tpu.memref_squeeze %gather3A_1280 : memref<1x16x128xf32, #tpu.memory_space<vmem>> -> memref<16x128xf32, #tpu.memory_space<vmem>>
      %gather3A_1282 = tpu.vector_load_idx %gather3A_1281[%iota3A, %broadcast_in_dim3A_1275] : memref<16x128xf32, #tpu.memory_space<vmem>>[vector<16xi32>, vector<16xi32>], vector<16xf32>,
      tpu.vector_store_idx %arg16[%iota3A, %broadcast_in_dim3A_1276], %gather3A_1282 : memref<16x512xf32, #tpu.memory_space<vmem>>[vector<16xi32>, vector<16xi32>], vector<16xf32>,
      %add3A_1283 = arith.constant 0 : i32
      %add3A_1284 = vector.broadcast %add3A_1283 : i32 to vector<16xi32>
      %add3A_1285 = arith.addi %iota3A, %add3A_1284 : vector<16xi32>
      %gather3A_1286 = arith.constant 5 : i32
      %gather3A_1287 = arith.constant 0 : i32
      %gather3A_1288 = arith.constant 0 : i32
      %gather3A_1289 = tpu.memref_slice %arg15[%gather3A_1286, %gather3A_1287, %gather3A_1288] : memref<8x64x128xf32, #tpu.memory_space<vmem>> -> memref<1x64x128xf32, #tpu.memory_space<vmem>>
      %gather3A_1290 = tpu.memref_squeeze %gather3A_1289 : memref<1x64x128xf32, #tpu.memory_space<vmem>> -> memref<64x128xf32, #tpu.memory_space<vmem>>
      %gather3A_1291 = tpu.vector_load_idx %gather3A_1290[%add3A_1285, %broadcast_in_dim3A_1275] : memref<64x128xf32, #tpu.memory_space<vmem>>[vector<16xi32>, vector<16xi32>], vector<16xf32>,
      tpu.vector_store_idx %arg17[%add3A_1285, %broadcast_in_dim3A_1276], %gather3A_1291 : memref<64x512xf32, #tpu.memory_space<vmem>>[vector<16xi32>, vector<16xi32>], vector<16xf32>,
      %add3A_1292 = arith.constant 16 : i32
      %add3A_1293 = vector.broadcast %add3A_1292 : i32 to vector<16xi32>
      %add3A_1294 = arith.addi %iota3A, %add3A_1293 : vector<16xi32>
      %gather3A_1295 = arith.constant 5 : i32
      %gather3A_1296 = arith.constant 0 : i32
      %gather3A_1297 = arith.constant 0 : i32
      %gather3A_1298 = tpu.memref_slice %arg15[%gather3A_1295, %gather3A_1296, %gather3A_1297] : memref<8x64x128xf32, #tpu.memory_space<vmem>> -> memref<1x64x128xf32, #tpu.memory_space<vmem>>
      %gather3A_1299 = tpu.memref_squeeze %gather3A_1298 : memref<1x64x128xf32, #tpu.memory_space<vmem>> -> memref<64x128xf32, #tpu.memory_space<vmem>>
      %gather3A_1300 = tpu.vector_load_idx %gather3A_1299[%add3A_1294, %broadcast_in_dim3A_1275] : memref<64x128xf32, #tpu.memory_space<vmem>>[vector<16xi32>, vector<16xi32>], vector<16xf32>,
      tpu.vector_store_idx %arg17[%add3A_1294, %broadcast_in_dim3A_1276], %gather3A_1300 : memref<64x512xf32, #tpu.memory_space<vmem>>[vector<16xi32>, vector<16xi32>], vector<16xf32>,
      %add3A_1301 = arith.constant 32 : i32
      %add3A_1302 = vector.broadcast %add3A_1301 : i32 to vector<16xi32>
      %add3A_1303 = arith.addi %iota3A, %add3A_1302 : vector<16xi32>
      %gather3A_1304 = arith.constant 5 : i32
      %gather3A_1305 = arith.constant 0 : i32
      %gather3A_1306 = arith.constant 0 : i32
      %gather3A_1307 = tpu.memref_slice %arg15[%gather3A_1304, %gather3A_1305, %gather3A_1306] : memref<8x64x128xf32, #tpu.memory_space<vmem>> -> memref<1x64x128xf32, #tpu.memory_space<vmem>>
      %gather3A_1308 = tpu.memref_squeeze %gather3A_1307 : memref<1x64x128xf32, #tpu.memory_space<vmem>> -> memref<64x128xf32, #tpu.memory_space<vmem>>
      %gather3A_1309 = tpu.vector_load_idx %gather3A_1308[%add3A_1303, %broadcast_in_dim3A_1275] : memref<64x128xf32, #tpu.memory_space<vmem>>[vector<16xi32>, vector<16xi32>], vector<16xf32>,
      tpu.vector_store_idx %arg17[%add3A_1303, %broadcast_in_dim3A_1276], %gather3A_1309 : memref<64x512xf32, #tpu.memory_space<vmem>>[vector<16xi32>, vector<16xi32>], vector<16xf32>,
      %add3A_1310 = arith.constant 48 : i32
      %add3A_1311 = vector.broadcast %add3A_1310 : i32 to vector<16xi32>
      %add3A_1312 = arith.addi %iota3A, %add3A_1311 : vector<16xi32>
      %gather3A_1313 = arith.constant 5 : i32
      %gather3A_1314 = arith.constant 0 : i32
      %gather3A_1315 = arith.constant 0 : i32
      %gather3A_1316 = tpu.memref_slice %arg15[%gather3A_1313, %gather3A_1314, %gather3A_1315] : memref<8x64x128xf32, #tpu.memory_space<vmem>> -> memref<1x64x128xf32, #tpu.memory_space<vmem>>
      %gather3A_1317 = tpu.memref_squeeze %gather3A_1316 : memref<1x64x128xf32, #tpu.memory_space<vmem>> -> memref<64x128xf32, #tpu.memory_space<vmem>>
      %gather3A_1318 = tpu.vector_load_idx %gather3A_1317[%add3A_1312, %broadcast_in_dim3A_1275] : memref<64x128xf32, #tpu.memory_space<vmem>>[vector<16xi32>, vector<16xi32>], vector<16xf32>,
      tpu.vector_store_idx %arg17[%add3A_1312, %broadcast_in_dim3A_1276], %gather3A_1318 : memref<64x512xf32, #tpu.memory_space<vmem>>[vector<16xi32>, vector<16xi32>], vector<16xf32>,
      %sub3A_1319 = arith.constant 1 : i32
      %sub3A_1320 = arith.subi %scan3A_722, %sub3A_1319 : i32
      %mul3A_1321 = arith.constant 8 : i32
      %mul3A_1322 = arith.muli %sub3A_1320, %mul3A_1321 : i32
      %add3A_1323 = arith.constant 6 : i32
      %add3A_1324 = arith.addi %mul3A_1322, %add3A_1323 : i32
      %dma_wait3A_1325 = arith.constant 6 : i32
      %dma_wait3A_1326 = arith.constant 0 : i32
      %dma_wait3A_1327 = arith.constant 0 : i32
      %dma_wait3A_1328 = tpu.memref_slice %arg14[%dma_wait3A_1325, %dma_wait3A_1326, %dma_wait3A_1327] : memref<8x16x128xf32, #tpu.memory_space<vmem>> -> memref<1x16x128xf32, #tpu.memory_space<vmem>>
      %dma_wait3A_1329 = tpu.memref_squeeze %dma_wait3A_1328 : memref<1x16x128xf32, #tpu.memory_space<vmem>> -> memref<16x128xf32, #tpu.memory_space<vmem>>
      %dma_wait3A_1330 = arith.constant 0 : i32
      %dma_wait3A_1331 = arith.constant 0 : i32
      %dma_wait3A_1332 = tpu.memref_slice %arg4[%dma_wait3A_1330, %dma_wait3A_1331] : memref<16x1000000xf32, #tpu.memory_space<hbm>> -> memref<16x128xf32, #tpu.memory_space<hbm>>
      %dma_wait3A_1333 = arith.constant 0 : i32
      %dma_wait3A_1334 = arith.constant 0 : i32
      %dma_wait3A_1335 = tpu.memref_slice %arg14[%dma_wait3A_1325, %dma_wait3A_1333, %dma_wait3A_1334] : memref<8x16x128xf32, #tpu.memory_space<vmem>> -> memref<1x16x128xf32, #tpu.memory_space<vmem>>
      %dma_wait3A_1336 = tpu.memref_squeeze %dma_wait3A_1335 : memref<1x16x128xf32, #tpu.memory_space<vmem>> -> memref<16x128xf32, #tpu.memory_space<vmem>>
      %dma_wait3A_1337 = arith.constant 0 : i32
      %dma_wait3A_1338 = arith.constant 0 : i32
      %dma_wait3A_1339 = tpu.memref_slice %arg4[%dma_wait3A_1337, %dma_wait3A_1338] : memref<16x1000000xf32, #tpu.memory_space<hbm>> -> memref<16x128xf32, #tpu.memory_space<hbm>>
      tpu.wait_dma2 semaphore(%arg24 : memref<!tpu.dma_semaphore, #tpu.memory_space<semaphore_mem>>) src(%dma_wait3A_1339 : memref<16x128xf32, #tpu.memory_space<hbm>>) dst(%dma_wait3A_1336 : memref<16x128xf32, #tpu.memory_space<vmem>>)
      %dma_wait3A_1340 = arith.constant 6 : i32
      %dma_wait3A_1341 = arith.constant 0 : i32
      %dma_wait3A_1342 = arith.constant 0 : i32
      %dma_wait3A_1343 = tpu.memref_slice %arg15[%dma_wait3A_1340, %dma_wait3A_1341, %dma_wait3A_1342] : memref<8x64x128xf32, #tpu.memory_space<vmem>> -> memref<1x64x128xf32, #tpu.memory_space<vmem>>
      %dma_wait3A_1344 = tpu.memref_squeeze %dma_wait3A_1343 : memref<1x64x128xf32, #tpu.memory_space<vmem>> -> memref<64x128xf32, #tpu.memory_space<vmem>>
      %dma_wait3A_1345 = arith.constant 0 : i32
      %dma_wait3A_1346 = arith.constant 0 : i32
      %dma_wait3A_1347 = tpu.memref_slice %arg6[%dma_wait3A_1345, %dma_wait3A_1346] : memref<64x1000000xf32, #tpu.memory_space<hbm>> -> memref<64x128xf32, #tpu.memory_space<hbm>>
      %dma_wait3A_1348 = arith.constant 0 : i32
      %dma_wait3A_1349 = arith.constant 0 : i32
      %dma_wait3A_1350 = tpu.memref_slice %arg15[%dma_wait3A_1340, %dma_wait3A_1348, %dma_wait3A_1349] : memref<8x64x128xf32, #tpu.memory_space<vmem>> -> memref<1x64x128xf32, #tpu.memory_space<vmem>>
      %dma_wait3A_1351 = tpu.memref_squeeze %dma_wait3A_1350 : memref<1x64x128xf32, #tpu.memory_space<vmem>> -> memref<64x128xf32, #tpu.memory_space<vmem>>
      %dma_wait3A_1352 = arith.constant 0 : i32
      %dma_wait3A_1353 = arith.constant 0 : i32
      %dma_wait3A_1354 = tpu.memref_slice %arg6[%dma_wait3A_1352, %dma_wait3A_1353] : memref<64x1000000xf32, #tpu.memory_space<hbm>> -> memref<64x128xf32, #tpu.memory_space<hbm>>
      tpu.wait_dma2 semaphore(%arg24 : memref<!tpu.dma_semaphore, #tpu.memory_space<semaphore_mem>>) src(%dma_wait3A_1354 : memref<64x128xf32, #tpu.memory_space<hbm>>) dst(%dma_wait3A_1351 : memref<64x128xf32, #tpu.memory_space<vmem>>)
      %shift_right_arithmetic3A_1355 = arith.constant 4 : i32
      %shift_right_arithmetic3A_1356 = arith.shrsi %add3A_1324, %shift_right_arithmetic3A_1355 : i32
      %shift_left3A_1357 = arith.constant 4 : i32
      %shift_left3A_1358 = arith.shli %shift_right_arithmetic3A_1356, %shift_left3A_1357 : i32
      %multiple_of3A_1359 = tpu.assume_multiple %shift_left3A_1358, 16 : i32
      %get3A_1360 = arith.index_cast %multiple_of3A_1359 : i32 to index
      %get3A_1361 = tpu.vector_load %arg12[%get3A_1360] {strides = array<i32>} : memref<512xi32, #tpu.memory_space<vmem>>, vector<16xi32>,
      %and3A_1362 = arith.constant 15 : i32
      %and3A_1363 = arith.andi %add3A_1324, %and3A_1362 : i32
      %eq3A_1364 = vector.broadcast %and3A_1363 : i32 to vector<16xi32>
      %eq3A_1365 = arith.cmpi eq, %iota3A, %eq3A_1364 : vector<16xi32>
      %jit3A_1366 = arith.constant 0 : i32
      %broadcast_in_dim3A_1367 = vector.broadcast %jit3A_1366 : i32 to vector<16xi32>
      %select_n3A_1368 = arith.select %eq3A_1365, %get3A_1361, %broadcast_in_dim3A_1367 : vector<16xi1>, vector<16xi32>
      %reduce_sum3A_1369 = arith.constant true
      %reduce_sum3A_1370 = vector.broadcast %reduce_sum3A_1369 : i1 to vector<16xi1>
      %reduce_sum3A_1371 = tpu.scan <sum>, %select_n3A_1368 masked %reduce_sum3A_1370 : vector<16xi32>, vector<16xi1> -> vector<16xi32>
      %reduce_sum3A_1372 = vector.extract %reduce_sum3A_1371[15] : i32 from vector<16xi32>
      %and3A_1373 = arith.constant 127 : i32
      %and3A_1374 = arith.andi %reduce_sum3A_1372, %and3A_1373 : i32
      %broadcast_in_dim3A_1375 = vector.broadcast %and3A_1374 : i32 to vector<16xi32>
      %broadcast_in_dim3A_1376 = vector.broadcast %add3A_1324 : i32 to vector<16xi32>
      %gather3A_1377 = arith.constant 6 : i32
      %gather3A_1378 = arith.constant 0 : i32
      %gather3A_1379 = arith.constant 0 : i32
      %gather3A_1380 = tpu.memref_slice %arg14[%gather3A_1377, %gather3A_1378, %gather3A_1379] : memref<8x16x128xf32, #tpu.memory_space<vmem>> -> memref<1x16x128xf32, #tpu.memory_space<vmem>>
      %gather3A_1381 = tpu.memref_squeeze %gather3A_1380 : memref<1x16x128xf32, #tpu.memory_space<vmem>> -> memref<16x128xf32, #tpu.memory_space<vmem>>
      %gather3A_1382 = tpu.vector_load_idx %gather3A_1381[%iota3A, %broadcast_in_dim3A_1375] : memref<16x128xf32, #tpu.memory_space<vmem>>[vector<16xi32>, vector<16xi32>], vector<16xf32>,
      tpu.vector_store_idx %arg16[%iota3A, %broadcast_in_dim3A_1376], %gather3A_1382 : memref<16x512xf32, #tpu.memory_space<vmem>>[vector<16xi32>, vector<16xi32>], vector<16xf32>,
      %add3A_1383 = arith.constant 0 : i32
      %add3A_1384 = vector.broadcast %add3A_1383 : i32 to vector<16xi32>
      %add3A_1385 = arith.addi %iota3A, %add3A_1384 : vector<16xi32>
      %gather3A_1386 = arith.constant 6 : i32
      %gather3A_1387 = arith.constant 0 : i32
      %gather3A_1388 = arith.constant 0 : i32
      %gather3A_1389 = tpu.memref_slice %arg15[%gather3A_1386, %gather3A_1387, %gather3A_1388] : memref<8x64x128xf32, #tpu.memory_space<vmem>> -> memref<1x64x128xf32, #tpu.memory_space<vmem>>
      %gather3A_1390 = tpu.memref_squeeze %gather3A_1389 : memref<1x64x128xf32, #tpu.memory_space<vmem>> -> memref<64x128xf32, #tpu.memory_space<vmem>>
      %gather3A_1391 = tpu.vector_load_idx %gather3A_1390[%add3A_1385, %broadcast_in_dim3A_1375] : memref<64x128xf32, #tpu.memory_space<vmem>>[vector<16xi32>, vector<16xi32>], vector<16xf32>,
      tpu.vector_store_idx %arg17[%add3A_1385, %broadcast_in_dim3A_1376], %gather3A_1391 : memref<64x512xf32, #tpu.memory_space<vmem>>[vector<16xi32>, vector<16xi32>], vector<16xf32>,
      %add3A_1392 = arith.constant 16 : i32
      %add3A_1393 = vector.broadcast %add3A_1392 : i32 to vector<16xi32>
      %add3A_1394 = arith.addi %iota3A, %add3A_1393 : vector<16xi32>
      %gather3A_1395 = arith.constant 6 : i32
      %gather3A_1396 = arith.constant 0 : i32
      %gather3A_1397 = arith.constant 0 : i32
      %gather3A_1398 = tpu.memref_slice %arg15[%gather3A_1395, %gather3A_1396, %gather3A_1397] : memref<8x64x128xf32, #tpu.memory_space<vmem>> -> memref<1x64x128xf32, #tpu.memory_space<vmem>>
      %gather3A_1399 = tpu.memref_squeeze %gather3A_1398 : memref<1x64x128xf32, #tpu.memory_space<vmem>> -> memref<64x128xf32, #tpu.memory_space<vmem>>
      %gather3A_1400 = tpu.vector_load_idx %gather3A_1399[%add3A_1394, %broadcast_in_dim3A_1375] : memref<64x128xf32, #tpu.memory_space<vmem>>[vector<16xi32>, vector<16xi32>], vector<16xf32>,
      tpu.vector_store_idx %arg17[%add3A_1394, %broadcast_in_dim3A_1376], %gather3A_1400 : memref<64x512xf32, #tpu.memory_space<vmem>>[vector<16xi32>, vector<16xi32>], vector<16xf32>,
      %add3A_1401 = arith.constant 32 : i32
      %add3A_1402 = vector.broadcast %add3A_1401 : i32 to vector<16xi32>
      %add3A_1403 = arith.addi %iota3A, %add3A_1402 : vector<16xi32>
      %gather3A_1404 = arith.constant 6 : i32
      %gather3A_1405 = arith.constant 0 : i32
      %gather3A_1406 = arith.constant 0 : i32
      %gather3A_1407 = tpu.memref_slice %arg15[%gather3A_1404, %gather3A_1405, %gather3A_1406] : memref<8x64x128xf32, #tpu.memory_space<vmem>> -> memref<1x64x128xf32, #tpu.memory_space<vmem>>
      %gather3A_1408 = tpu.memref_squeeze %gather3A_1407 : memref<1x64x128xf32, #tpu.memory_space<vmem>> -> memref<64x128xf32, #tpu.memory_space<vmem>>
      %gather3A_1409 = tpu.vector_load_idx %gather3A_1408[%add3A_1403, %broadcast_in_dim3A_1375] : memref<64x128xf32, #tpu.memory_space<vmem>>[vector<16xi32>, vector<16xi32>], vector<16xf32>,
      tpu.vector_store_idx %arg17[%add3A_1403, %broadcast_in_dim3A_1376], %gather3A_1409 : memref<64x512xf32, #tpu.memory_space<vmem>>[vector<16xi32>, vector<16xi32>], vector<16xf32>,
      %add3A_1410 = arith.constant 48 : i32
      %add3A_1411 = vector.broadcast %add3A_1410 : i32 to vector<16xi32>
      %add3A_1412 = arith.addi %iota3A, %add3A_1411 : vector<16xi32>
      %gather3A_1413 = arith.constant 6 : i32
      %gather3A_1414 = arith.constant 0 : i32
      %gather3A_1415 = arith.constant 0 : i32
      %gather3A_1416 = tpu.memref_slice %arg15[%gather3A_1413, %gather3A_1414, %gather3A_1415] : memref<8x64x128xf32, #tpu.memory_space<vmem>> -> memref<1x64x128xf32, #tpu.memory_space<vmem>>
      %gather3A_1417 = tpu.memref_squeeze %gather3A_1416 : memref<1x64x128xf32, #tpu.memory_space<vmem>> -> memref<64x128xf32, #tpu.memory_space<vmem>>
      %gather3A_1418 = tpu.vector_load_idx %gather3A_1417[%add3A_1412, %broadcast_in_dim3A_1375] : memref<64x128xf32, #tpu.memory_space<vmem>>[vector<16xi32>, vector<16xi32>], vector<16xf32>,
      tpu.vector_store_idx %arg17[%add3A_1412, %broadcast_in_dim3A_1376], %gather3A_1418 : memref<64x512xf32, #tpu.memory_space<vmem>>[vector<16xi32>, vector<16xi32>], vector<16xf32>,
      %sub3A_1419 = arith.constant 1 : i32
      %sub3A_1420 = arith.subi %scan3A_722, %sub3A_1419 : i32
      %mul3A_1421 = arith.constant 8 : i32
      %mul3A_1422 = arith.muli %sub3A_1420, %mul3A_1421 : i32
      %add3A_1423 = arith.constant 7 : i32
      %add3A_1424 = arith.addi %mul3A_1422, %add3A_1423 : i32
      %dma_wait3A_1425 = arith.constant 7 : i32
      %dma_wait3A_1426 = arith.constant 0 : i32
      %dma_wait3A_1427 = arith.constant 0 : i32
      %dma_wait3A_1428 = tpu.memref_slice %arg14[%dma_wait3A_1425, %dma_wait3A_1426, %dma_wait3A_1427] : memref<8x16x128xf32, #tpu.memory_space<vmem>> -> memref<1x16x128xf32, #tpu.memory_space<vmem>>
      %dma_wait3A_1429 = tpu.memref_squeeze %dma_wait3A_1428 : memref<1x16x128xf32, #tpu.memory_space<vmem>> -> memref<16x128xf32, #tpu.memory_space<vmem>>
      %dma_wait3A_1430 = arith.constant 0 : i32
      %dma_wait3A_1431 = arith.constant 0 : i32
      %dma_wait3A_1432 = tpu.memref_slice %arg4[%dma_wait3A_1430, %dma_wait3A_1431] : memref<16x1000000xf32, #tpu.memory_space<hbm>> -> memref<16x128xf32, #tpu.memory_space<hbm>>
      %dma_wait3A_1433 = arith.constant 0 : i32
      %dma_wait3A_1434 = arith.constant 0 : i32
      %dma_wait3A_1435 = tpu.memref_slice %arg14[%dma_wait3A_1425, %dma_wait3A_1433, %dma_wait3A_1434] : memref<8x16x128xf32, #tpu.memory_space<vmem>> -> memref<1x16x128xf32, #tpu.memory_space<vmem>>
      %dma_wait3A_1436 = tpu.memref_squeeze %dma_wait3A_1435 : memref<1x16x128xf32, #tpu.memory_space<vmem>> -> memref<16x128xf32, #tpu.memory_space<vmem>>
      %dma_wait3A_1437 = arith.constant 0 : i32
      %dma_wait3A_1438 = arith.constant 0 : i32
      %dma_wait3A_1439 = tpu.memref_slice %arg4[%dma_wait3A_1437, %dma_wait3A_1438] : memref<16x1000000xf32, #tpu.memory_space<hbm>> -> memref<16x128xf32, #tpu.memory_space<hbm>>
      tpu.wait_dma2 semaphore(%arg25 : memref<!tpu.dma_semaphore, #tpu.memory_space<semaphore_mem>>) src(%dma_wait3A_1439 : memref<16x128xf32, #tpu.memory_space<hbm>>) dst(%dma_wait3A_1436 : memref<16x128xf32, #tpu.memory_space<vmem>>)
      %dma_wait3A_1440 = arith.constant 7 : i32
      %dma_wait3A_1441 = arith.constant 0 : i32
      %dma_wait3A_1442 = arith.constant 0 : i32
      %dma_wait3A_1443 = tpu.memref_slice %arg15[%dma_wait3A_1440, %dma_wait3A_1441, %dma_wait3A_1442] : memref<8x64x128xf32, #tpu.memory_space<vmem>> -> memref<1x64x128xf32, #tpu.memory_space<vmem>>
      %dma_wait3A_1444 = tpu.memref_squeeze %dma_wait3A_1443 : memref<1x64x128xf32, #tpu.memory_space<vmem>> -> memref<64x128xf32, #tpu.memory_space<vmem>>
      %dma_wait3A_1445 = arith.constant 0 : i32
      %dma_wait3A_1446 = arith.constant 0 : i32
      %dma_wait3A_1447 = tpu.memref_slice %arg6[%dma_wait3A_1445, %dma_wait3A_1446] : memref<64x1000000xf32, #tpu.memory_space<hbm>> -> memref<64x128xf32, #tpu.memory_space<hbm>>
      %dma_wait3A_1448 = arith.constant 0 : i32
      %dma_wait3A_1449 = arith.constant 0 : i32
      %dma_wait3A_1450 = tpu.memref_slice %arg15[%dma_wait3A_1440, %dma_wait3A_1448, %dma_wait3A_1449] : memref<8x64x128xf32, #tpu.memory_space<vmem>> -> memref<1x64x128xf32, #tpu.memory_space<vmem>>
      %dma_wait3A_1451 = tpu.memref_squeeze %dma_wait3A_1450 : memref<1x64x128xf32, #tpu.memory_space<vmem>> -> memref<64x128xf32, #tpu.memory_space<vmem>>
      %dma_wait3A_1452 = arith.constant 0 : i32
      %dma_wait3A_1453 = arith.constant 0 : i32
      %dma_wait3A_1454 = tpu.memref_slice %arg6[%dma_wait3A_1452, %dma_wait3A_1453] : memref<64x1000000xf32, #tpu.memory_space<hbm>> -> memref<64x128xf32, #tpu.memory_space<hbm>>
      tpu.wait_dma2 semaphore(%arg25 : memref<!tpu.dma_semaphore, #tpu.memory_space<semaphore_mem>>) src(%dma_wait3A_1454 : memref<64x128xf32, #tpu.memory_space<hbm>>) dst(%dma_wait3A_1451 : memref<64x128xf32, #tpu.memory_space<vmem>>)
      %shift_right_arithmetic3A_1455 = arith.constant 4 : i32
      %shift_right_arithmetic3A_1456 = arith.shrsi %add3A_1424, %shift_right_arithmetic3A_1455 : i32
      %shift_left3A_1457 = arith.constant 4 : i32
      %shift_left3A_1458 = arith.shli %shift_right_arithmetic3A_1456, %shift_left3A_1457 : i32
      %multiple_of3A_1459 = tpu.assume_multiple %shift_left3A_1458, 16 : i32
      %get3A_1460 = arith.index_cast %multiple_of3A_1459 : i32 to index
      %get3A_1461 = tpu.vector_load %arg12[%get3A_1460] {strides = array<i32>} : memref<512xi32, #tpu.memory_space<vmem>>, vector<16xi32>,
      %and3A_1462 = arith.constant 15 : i32
      %and3A_1463 = arith.andi %add3A_1424, %and3A_1462 : i32
      %eq3A_1464 = vector.broadcast %and3A_1463 : i32 to vector<16xi32>
      %eq3A_1465 = arith.cmpi eq, %iota3A, %eq3A_1464 : vector<16xi32>
      %jit3A_1466 = arith.constant 0 : i32
      %broadcast_in_dim3A_1467 = vector.broadcast %jit3A_1466 : i32 to vector<16xi32>
      %select_n3A_1468 = arith.select %eq3A_1465, %get3A_1461, %broadcast_in_dim3A_1467 : vector<16xi1>, vector<16xi32>
      %reduce_sum3A_1469 = arith.constant true
      %reduce_sum3A_1470 = vector.broadcast %reduce_sum3A_1469 : i1 to vector<16xi1>
      %reduce_sum3A_1471 = tpu.scan <sum>, %select_n3A_1468 masked %reduce_sum3A_1470 : vector<16xi32>, vector<16xi1> -> vector<16xi32>
      %reduce_sum3A_1472 = vector.extract %reduce_sum3A_1471[15] : i32 from vector<16xi32>
      %and3A_1473 = arith.constant 127 : i32
      %and3A_1474 = arith.andi %reduce_sum3A_1472, %and3A_1473 : i32
      %broadcast_in_dim3A_1475 = vector.broadcast %and3A_1474 : i32 to vector<16xi32>
      %broadcast_in_dim3A_1476 = vector.broadcast %add3A_1424 : i32 to vector<16xi32>
      %gather3A_1477 = arith.constant 7 : i32
      %gather3A_1478 = arith.constant 0 : i32
      %gather3A_1479 = arith.constant 0 : i32
      %gather3A_1480 = tpu.memref_slice %arg14[%gather3A_1477, %gather3A_1478, %gather3A_1479] : memref<8x16x128xf32, #tpu.memory_space<vmem>> -> memref<1x16x128xf32, #tpu.memory_space<vmem>>
      %gather3A_1481 = tpu.memref_squeeze %gather3A_1480 : memref<1x16x128xf32, #tpu.memory_space<vmem>> -> memref<16x128xf32, #tpu.memory_space<vmem>>
      %gather3A_1482 = tpu.vector_load_idx %gather3A_1481[%iota3A, %broadcast_in_dim3A_1475] : memref<16x128xf32, #tpu.memory_space<vmem>>[vector<16xi32>, vector<16xi32>], vector<16xf32>,
      tpu.vector_store_idx %arg16[%iota3A, %broadcast_in_dim3A_1476], %gather3A_1482 : memref<16x512xf32, #tpu.memory_space<vmem>>[vector<16xi32>, vector<16xi32>], vector<16xf32>,
      %add3A_1483 = arith.constant 0 : i32
      %add3A_1484 = vector.broadcast %add3A_1483 : i32 to vector<16xi32>
      %add3A_1485 = arith.addi %iota3A, %add3A_1484 : vector<16xi32>
      %gather3A_1486 = arith.constant 7 : i32
      %gather3A_1487 = arith.constant 0 : i32
      %gather3A_1488 = arith.constant 0 : i32
      %gather3A_1489 = tpu.memref_slice %arg15[%gather3A_1486, %gather3A_1487, %gather3A_1488] : memref<8x64x128xf32, #tpu.memory_space<vmem>> -> memref<1x64x128xf32, #tpu.memory_space<vmem>>
      %gather3A_1490 = tpu.memref_squeeze %gather3A_1489 : memref<1x64x128xf32, #tpu.memory_space<vmem>> -> memref<64x128xf32, #tpu.memory_space<vmem>>
      %gather3A_1491 = tpu.vector_load_idx %gather3A_1490[%add3A_1485, %broadcast_in_dim3A_1475] : memref<64x128xf32, #tpu.memory_space<vmem>>[vector<16xi32>, vector<16xi32>], vector<16xf32>,
      tpu.vector_store_idx %arg17[%add3A_1485, %broadcast_in_dim3A_1476], %gather3A_1491 : memref<64x512xf32, #tpu.memory_space<vmem>>[vector<16xi32>, vector<16xi32>], vector<16xf32>,
      %add3A_1492 = arith.constant 16 : i32
      %add3A_1493 = vector.broadcast %add3A_1492 : i32 to vector<16xi32>
      %add3A_1494 = arith.addi %iota3A, %add3A_1493 : vector<16xi32>
      %gather3A_1495 = arith.constant 7 : i32
      %gather3A_1496 = arith.constant 0 : i32
      %gather3A_1497 = arith.constant 0 : i32
      %gather3A_1498 = tpu.memref_slice %arg15[%gather3A_1495, %gather3A_1496, %gather3A_1497] : memref<8x64x128xf32, #tpu.memory_space<vmem>> -> memref<1x64x128xf32, #tpu.memory_space<vmem>>
      %gather3A_1499 = tpu.memref_squeeze %gather3A_1498 : memref<1x64x128xf32, #tpu.memory_space<vmem>> -> memref<64x128xf32, #tpu.memory_space<vmem>>
      %gather3A_1500 = tpu.vector_load_idx %gather3A_1499[%add3A_1494, %broadcast_in_dim3A_1475] : memref<64x128xf32, #tpu.memory_space<vmem>>[vector<16xi32>, vector<16xi32>], vector<16xf32>,
      tpu.vector_store_idx %arg17[%add3A_1494, %broadcast_in_dim3A_1476], %gather3A_1500 : memref<64x512xf32, #tpu.memory_space<vmem>>[vector<16xi32>, vector<16xi32>], vector<16xf32>,
      %add3A_1501 = arith.constant 32 : i32
      %add3A_1502 = vector.broadcast %add3A_1501 : i32 to vector<16xi32>
      %add3A_1503 = arith.addi %iota3A, %add3A_1502 : vector<16xi32>
      %gather3A_1504 = arith.constant 7 : i32
      %gather3A_1505 = arith.constant 0 : i32
      %gather3A_1506 = arith.constant 0 : i32
      %gather3A_1507 = tpu.memref_slice %arg15[%gather3A_1504, %gather3A_1505, %gather3A_1506] : memref<8x64x128xf32, #tpu.memory_space<vmem>> -> memref<1x64x128xf32, #tpu.memory_space<vmem>>
      %gather3A_1508 = tpu.memref_squeeze %gather3A_1507 : memref<1x64x128xf32, #tpu.memory_space<vmem>> -> memref<64x128xf32, #tpu.memory_space<vmem>>
      %gather3A_1509 = tpu.vector_load_idx %gather3A_1508[%add3A_1503, %broadcast_in_dim3A_1475] : memref<64x128xf32, #tpu.memory_space<vmem>>[vector<16xi32>, vector<16xi32>], vector<16xf32>,
      tpu.vector_store_idx %arg17[%add3A_1503, %broadcast_in_dim3A_1476], %gather3A_1509 : memref<64x512xf32, #tpu.memory_space<vmem>>[vector<16xi32>, vector<16xi32>], vector<16xf32>,
      %add3A_1510 = arith.constant 48 : i32
      %add3A_1511 = vector.broadcast %add3A_1510 : i32 to vector<16xi32>
      %add3A_1512 = arith.addi %iota3A, %add3A_1511 : vector<16xi32>
      %gather3A_1513 = arith.constant 7 : i32
      %gather3A_1514 = arith.constant 0 : i32
      %gather3A_1515 = arith.constant 0 : i32
      %gather3A_1516 = tpu.memref_slice %arg15[%gather3A_1513, %gather3A_1514, %gather3A_1515] : memref<8x64x128xf32, #tpu.memory_space<vmem>> -> memref<1x64x128xf32, #tpu.memory_space<vmem>>
      %gather3A_1517 = tpu.memref_squeeze %gather3A_1516 : memref<1x64x128xf32, #tpu.memory_space<vmem>> -> memref<64x128xf32, #tpu.memory_space<vmem>>
      %gather3A_1518 = tpu.vector_load_idx %gather3A_1517[%add3A_1512, %broadcast_in_dim3A_1475] : memref<64x128xf32, #tpu.memory_space<vmem>>[vector<16xi32>, vector<16xi32>], vector<16xf32>,
      tpu.vector_store_idx %arg17[%add3A_1512, %broadcast_in_dim3A_1476], %gather3A_1518 : memref<64x512xf32, #tpu.memory_space<vmem>>[vector<16xi32>, vector<16xi32>], vector<16xf32>,
      %lt3A = arith.constant 64 : i32
      %lt3A_1519 = arith.cmpi slt, %scan3A_722, %lt3A : i32
      %convert_element_type3A = arith.extui %lt3A_1519 : i1 to i32
      %cond3A = arith.constant 0 : i32
      %cond3A_1520 = arith.cmpi ne, %convert_element_type3A, %cond3A : i32
      scf.if %cond3A_1520 {
        %mul3A_1521 = arith.constant 8 : i32
        %mul3A_1522 = arith.muli %scan3A_722, %mul3A_1521 : i32
        %add3A_1523 = arith.constant 0 : i32
        %add3A_1524 = arith.addi %mul3A_1522, %add3A_1523 : i32
        %shift_right_arithmetic3A_1525 = arith.constant 4 : i32
        %shift_right_arithmetic3A_1526 = arith.shrsi %add3A_1524, %shift_right_arithmetic3A_1525 : i32
        %shift_left3A_1527 = arith.constant 4 : i32
        %shift_left3A_1528 = arith.shli %shift_right_arithmetic3A_1526, %shift_left3A_1527 : i32
        %multiple_of3A_1529 = tpu.assume_multiple %shift_left3A_1528, 16 : i32
        %get3A_1530 = arith.index_cast %multiple_of3A_1529 : i32 to index
        %get3A_1531 = tpu.vector_load %arg12[%get3A_1530] {strides = array<i32>} : memref<512xi32, #tpu.memory_space<vmem>>, vector<16xi32>,
        %and3A_1532 = arith.constant 15 : i32
        %and3A_1533 = arith.andi %add3A_1524, %and3A_1532 : i32
        %eq3A_1534 = vector.broadcast %and3A_1533 : i32 to vector<16xi32>
        %eq3A_1535 = arith.cmpi eq, %iota3A, %eq3A_1534 : vector<16xi32>
        %jit3A_1536 = arith.constant 0 : i32
        %broadcast_in_dim3A_1537 = vector.broadcast %jit3A_1536 : i32 to vector<16xi32>
        %select_n3A_1538 = arith.select %eq3A_1535, %get3A_1531, %broadcast_in_dim3A_1537 : vector<16xi1>, vector<16xi32>
        %reduce_sum3A_1539 = arith.constant true
        %reduce_sum3A_1540 = vector.broadcast %reduce_sum3A_1539 : i1 to vector<16xi1>
        %reduce_sum3A_1541 = tpu.scan <sum>, %select_n3A_1538 masked %reduce_sum3A_1540 : vector<16xi32>, vector<16xi1> -> vector<16xi32>
        %reduce_sum3A_1542 = vector.extract %reduce_sum3A_1541[15] : i32 from vector<16xi32>
        %shift_right_arithmetic3A_1543 = arith.constant 7 : i32
        %shift_right_arithmetic3A_1544 = arith.shrsi %reduce_sum3A_1542, %shift_right_arithmetic3A_1543 : i32
        %shift_left3A_1545 = arith.constant 7 : i32
        %shift_left3A_1546 = arith.shli %shift_right_arithmetic3A_1544, %shift_left3A_1545 : i32
        %multiple_of3A_1547 = tpu.assume_multiple %shift_left3A_1546, 128 : i32
        %dma_start3A_1548 = arith.constant 0 : i32
        %dma_start3A_1549 = arith.constant 0 : i32
        %dma_start3A_1550 = arith.constant 0 : i32
        %dma_start3A_1551 = tpu.memref_slice %arg14[%dma_start3A_1548, %dma_start3A_1549, %dma_start3A_1550] : memref<8x16x128xf32, #tpu.memory_space<vmem>> -> memref<1x16x128xf32, #tpu.memory_space<vmem>>
        %dma_start3A_1552 = tpu.memref_squeeze %dma_start3A_1551 : memref<1x16x128xf32, #tpu.memory_space<vmem>> -> memref<16x128xf32, #tpu.memory_space<vmem>>
        %dma_start3A_1553 = arith.constant 0 : i32
        %dma_start3A_1554 = tpu.memref_slice %arg4[%dma_start3A_1553, %multiple_of3A_1547] : memref<16x1000000xf32, #tpu.memory_space<hbm>> -> memref<16x128xf32, #tpu.memory_space<hbm>>
        %dma_start3A_1555 = arith.constant 0 : i32
        %dma_start3A_1556 = arith.constant 0 : i32
        %dma_start3A_1557 = tpu.memref_slice %arg14[%dma_start3A_1548, %dma_start3A_1555, %dma_start3A_1556] : memref<8x16x128xf32, #tpu.memory_space<vmem>> -> memref<1x16x128xf32, #tpu.memory_space<vmem>>
        %dma_start3A_1558 = tpu.memref_squeeze %dma_start3A_1557 : memref<1x16x128xf32, #tpu.memory_space<vmem>> -> memref<16x128xf32, #tpu.memory_space<vmem>>
        %dma_start3A_1559 = arith.constant 0 : i32
        %dma_start3A_1560 = tpu.memref_slice %arg4[%dma_start3A_1559, %multiple_of3A_1547] : memref<16x1000000xf32, #tpu.memory_space<hbm>> -> memref<16x128xf32, #tpu.memory_space<hbm>>
        tpu.enqueue_dma source(%dma_start3A_1560 : memref<16x128xf32, #tpu.memory_space<hbm>>) target(%dma_start3A_1558 : memref<16x128xf32, #tpu.memory_space<vmem>>) target_semaphore(%arg18 : memref<!tpu.dma_semaphore, #tpu.memory_space<semaphore_mem>>)
        %dma_start3A_1561 = arith.constant 0 : i32
        %dma_start3A_1562 = arith.constant 0 : i32
        %dma_start3A_1563 = arith.constant 0 : i32
        %dma_start3A_1564 = tpu.memref_slice %arg15[%dma_start3A_1561, %dma_start3A_1562, %dma_start3A_1563] : memref<8x64x128xf32, #tpu.memory_space<vmem>> -> memref<1x64x128xf32, #tpu.memory_space<vmem>>
        %dma_start3A_1565 = tpu.memref_squeeze %dma_start3A_1564 : memref<1x64x128xf32, #tpu.memory_space<vmem>> -> memref<64x128xf32, #tpu.memory_space<vmem>>
        %dma_start3A_1566 = arith.constant 0 : i32
        %dma_start3A_1567 = tpu.memref_slice %arg6[%dma_start3A_1566, %multiple_of3A_1547] : memref<64x1000000xf32, #tpu.memory_space<hbm>> -> memref<64x128xf32, #tpu.memory_space<hbm>>
        %dma_start3A_1568 = arith.constant 0 : i32
        %dma_start3A_1569 = arith.constant 0 : i32
        %dma_start3A_1570 = tpu.memref_slice %arg15[%dma_start3A_1561, %dma_start3A_1568, %dma_start3A_1569] : memref<8x64x128xf32, #tpu.memory_space<vmem>> -> memref<1x64x128xf32, #tpu.memory_space<vmem>>
        %dma_start3A_1571 = tpu.memref_squeeze %dma_start3A_1570 : memref<1x64x128xf32, #tpu.memory_space<vmem>> -> memref<64x128xf32, #tpu.memory_space<vmem>>
        %dma_start3A_1572 = arith.constant 0 : i32
        %dma_start3A_1573 = tpu.memref_slice %arg6[%dma_start3A_1572, %multiple_of3A_1547] : memref<64x1000000xf32, #tpu.memory_space<hbm>> -> memref<64x128xf32, #tpu.memory_space<hbm>>
        tpu.enqueue_dma source(%dma_start3A_1573 : memref<64x128xf32, #tpu.memory_space<hbm>>) target(%dma_start3A_1571 : memref<64x128xf32, #tpu.memory_space<vmem>>) target_semaphore(%arg18 : memref<!tpu.dma_semaphore, #tpu.memory_space<semaphore_mem>>)
        %mul3A_1574 = arith.constant 8 : i32
        %mul3A_1575 = arith.muli %scan3A_722, %mul3A_1574 : i32
        %add3A_1576 = arith.constant 1 : i32
        %add3A_1577 = arith.addi %mul3A_1575, %add3A_1576 : i32
        %shift_right_arithmetic3A_1578 = arith.constant 4 : i32
        %shift_right_arithmetic3A_1579 = arith.shrsi %add3A_1577, %shift_right_arithmetic3A_1578 : i32
        %shift_left3A_1580 = arith.constant 4 : i32
        %shift_left3A_1581 = arith.shli %shift_right_arithmetic3A_1579, %shift_left3A_1580 : i32
        %multiple_of3A_1582 = tpu.assume_multiple %shift_left3A_1581, 16 : i32
        %get3A_1583 = arith.index_cast %multiple_of3A_1582 : i32 to index
        %get3A_1584 = tpu.vector_load %arg12[%get3A_1583] {strides = array<i32>} : memref<512xi32, #tpu.memory_space<vmem>>, vector<16xi32>,
        %and3A_1585 = arith.constant 15 : i32
        %and3A_1586 = arith.andi %add3A_1577, %and3A_1585 : i32
        %eq3A_1587 = vector.broadcast %and3A_1586 : i32 to vector<16xi32>
        %eq3A_1588 = arith.cmpi eq, %iota3A, %eq3A_1587 : vector<16xi32>
        %jit3A_1589 = arith.constant 0 : i32
        %broadcast_in_dim3A_1590 = vector.broadcast %jit3A_1589 : i32 to vector<16xi32>
        %select_n3A_1591 = arith.select %eq3A_1588, %get3A_1584, %broadcast_in_dim3A_1590 : vector<16xi1>, vector<16xi32>
        %reduce_sum3A_1592 = arith.constant true
        %reduce_sum3A_1593 = vector.broadcast %reduce_sum3A_1592 : i1 to vector<16xi1>
        %reduce_sum3A_1594 = tpu.scan <sum>, %select_n3A_1591 masked %reduce_sum3A_1593 : vector<16xi32>, vector<16xi1> -> vector<16xi32>
        %reduce_sum3A_1595 = vector.extract %reduce_sum3A_1594[15] : i32 from vector<16xi32>
        %shift_right_arithmetic3A_1596 = arith.constant 7 : i32
        %shift_right_arithmetic3A_1597 = arith.shrsi %reduce_sum3A_1595, %shift_right_arithmetic3A_1596 : i32
        %shift_left3A_1598 = arith.constant 7 : i32
        %shift_left3A_1599 = arith.shli %shift_right_arithmetic3A_1597, %shift_left3A_1598 : i32
        %multiple_of3A_1600 = tpu.assume_multiple %shift_left3A_1599, 128 : i32
        %dma_start3A_1601 = arith.constant 1 : i32
        %dma_start3A_1602 = arith.constant 0 : i32
        %dma_start3A_1603 = arith.constant 0 : i32
        %dma_start3A_1604 = tpu.memref_slice %arg14[%dma_start3A_1601, %dma_start3A_1602, %dma_start3A_1603] : memref<8x16x128xf32, #tpu.memory_space<vmem>> -> memref<1x16x128xf32, #tpu.memory_space<vmem>>
        %dma_start3A_1605 = tpu.memref_squeeze %dma_start3A_1604 : memref<1x16x128xf32, #tpu.memory_space<vmem>> -> memref<16x128xf32, #tpu.memory_space<vmem>>
        %dma_start3A_1606 = arith.constant 0 : i32
        %dma_start3A_1607 = tpu.memref_slice %arg4[%dma_start3A_1606, %multiple_of3A_1600] : memref<16x1000000xf32, #tpu.memory_space<hbm>> -> memref<16x128xf32, #tpu.memory_space<hbm>>
        %dma_start3A_1608 = arith.constant 0 : i32
        %dma_start3A_1609 = arith.constant 0 : i32
        %dma_start3A_1610 = tpu.memref_slice %arg14[%dma_start3A_1601, %dma_start3A_1608, %dma_start3A_1609] : memref<8x16x128xf32, #tpu.memory_space<vmem>> -> memref<1x16x128xf32, #tpu.memory_space<vmem>>
        %dma_start3A_1611 = tpu.memref_squeeze %dma_start3A_1610 : memref<1x16x128xf32, #tpu.memory_space<vmem>> -> memref<16x128xf32, #tpu.memory_space<vmem>>
        %dma_start3A_1612 = arith.constant 0 : i32
        %dma_start3A_1613 = tpu.memref_slice %arg4[%dma_start3A_1612, %multiple_of3A_1600] : memref<16x1000000xf32, #tpu.memory_space<hbm>> -> memref<16x128xf32, #tpu.memory_space<hbm>>
        tpu.enqueue_dma source(%dma_start3A_1613 : memref<16x128xf32, #tpu.memory_space<hbm>>) target(%dma_start3A_1611 : memref<16x128xf32, #tpu.memory_space<vmem>>) target_semaphore(%arg19 : memref<!tpu.dma_semaphore, #tpu.memory_space<semaphore_mem>>)
        %dma_start3A_1614 = arith.constant 1 : i32
        %dma_start3A_1615 = arith.constant 0 : i32
        %dma_start3A_1616 = arith.constant 0 : i32
        %dma_start3A_1617 = tpu.memref_slice %arg15[%dma_start3A_1614, %dma_start3A_1615, %dma_start3A_1616] : memref<8x64x128xf32, #tpu.memory_space<vmem>> -> memref<1x64x128xf32, #tpu.memory_space<vmem>>
        %dma_start3A_1618 = tpu.memref_squeeze %dma_start3A_1617 : memref<1x64x128xf32, #tpu.memory_space<vmem>> -> memref<64x128xf32, #tpu.memory_space<vmem>>
        %dma_start3A_1619 = arith.constant 0 : i32
        %dma_start3A_1620 = tpu.memref_slice %arg6[%dma_start3A_1619, %multiple_of3A_1600] : memref<64x1000000xf32, #tpu.memory_space<hbm>> -> memref<64x128xf32, #tpu.memory_space<hbm>>
        %dma_start3A_1621 = arith.constant 0 : i32
        %dma_start3A_1622 = arith.constant 0 : i32
        %dma_start3A_1623 = tpu.memref_slice %arg15[%dma_start3A_1614, %dma_start3A_1621, %dma_start3A_1622] : memref<8x64x128xf32, #tpu.memory_space<vmem>> -> memref<1x64x128xf32, #tpu.memory_space<vmem>>
        %dma_start3A_1624 = tpu.memref_squeeze %dma_start3A_1623 : memref<1x64x128xf32, #tpu.memory_space<vmem>> -> memref<64x128xf32, #tpu.memory_space<vmem>>
        %dma_start3A_1625 = arith.constant 0 : i32
        %dma_start3A_1626 = tpu.memref_slice %arg6[%dma_start3A_1625, %multiple_of3A_1600] : memref<64x1000000xf32, #tpu.memory_space<hbm>> -> memref<64x128xf32, #tpu.memory_space<hbm>>
        tpu.enqueue_dma source(%dma_start3A_1626 : memref<64x128xf32, #tpu.memory_space<hbm>>) target(%dma_start3A_1624 : memref<64x128xf32, #tpu.memory_space<vmem>>) target_semaphore(%arg19 : memref<!tpu.dma_semaphore, #tpu.memory_space<semaphore_mem>>)
        %mul3A_1627 = arith.constant 8 : i32
        %mul3A_1628 = arith.muli %scan3A_722, %mul3A_1627 : i32
        %add3A_1629 = arith.constant 2 : i32
        %add3A_1630 = arith.addi %mul3A_1628, %add3A_1629 : i32
        %shift_right_arithmetic3A_1631 = arith.constant 4 : i32
        %shift_right_arithmetic3A_1632 = arith.shrsi %add3A_1630, %shift_right_arithmetic3A_1631 : i32
        %shift_left3A_1633 = arith.constant 4 : i32
        %shift_left3A_1634 = arith.shli %shift_right_arithmetic3A_1632, %shift_left3A_1633 : i32
        %multiple_of3A_1635 = tpu.assume_multiple %shift_left3A_1634, 16 : i32
        %get3A_1636 = arith.index_cast %multiple_of3A_1635 : i32 to index
        %get3A_1637 = tpu.vector_load %arg12[%get3A_1636] {strides = array<i32>} : memref<512xi32, #tpu.memory_space<vmem>>, vector<16xi32>,
        %and3A_1638 = arith.constant 15 : i32
        %and3A_1639 = arith.andi %add3A_1630, %and3A_1638 : i32
        %eq3A_1640 = vector.broadcast %and3A_1639 : i32 to vector<16xi32>
        %eq3A_1641 = arith.cmpi eq, %iota3A, %eq3A_1640 : vector<16xi32>
        %jit3A_1642 = arith.constant 0 : i32
        %broadcast_in_dim3A_1643 = vector.broadcast %jit3A_1642 : i32 to vector<16xi32>
        %select_n3A_1644 = arith.select %eq3A_1641, %get3A_1637, %broadcast_in_dim3A_1643 : vector<16xi1>, vector<16xi32>
        %reduce_sum3A_1645 = arith.constant true
        %reduce_sum3A_1646 = vector.broadcast %reduce_sum3A_1645 : i1 to vector<16xi1>
        %reduce_sum3A_1647 = tpu.scan <sum>, %select_n3A_1644 masked %reduce_sum3A_1646 : vector<16xi32>, vector<16xi1> -> vector<16xi32>
        %reduce_sum3A_1648 = vector.extract %reduce_sum3A_1647[15] : i32 from vector<16xi32>
        %shift_right_arithmetic3A_1649 = arith.constant 7 : i32
        %shift_right_arithmetic3A_1650 = arith.shrsi %reduce_sum3A_1648, %shift_right_arithmetic3A_1649 : i32
        %shift_left3A_1651 = arith.constant 7 : i32
        %shift_left3A_1652 = arith.shli %shift_right_arithmetic3A_1650, %shift_left3A_1651 : i32
        %multiple_of3A_1653 = tpu.assume_multiple %shift_left3A_1652, 128 : i32
        %dma_start3A_1654 = arith.constant 2 : i32
        %dma_start3A_1655 = arith.constant 0 : i32
        %dma_start3A_1656 = arith.constant 0 : i32
        %dma_start3A_1657 = tpu.memref_slice %arg14[%dma_start3A_1654, %dma_start3A_1655, %dma_start3A_1656] : memref<8x16x128xf32, #tpu.memory_space<vmem>> -> memref<1x16x128xf32, #tpu.memory_space<vmem>>
        %dma_start3A_1658 = tpu.memref_squeeze %dma_start3A_1657 : memref<1x16x128xf32, #tpu.memory_space<vmem>> -> memref<16x128xf32, #tpu.memory_space<vmem>>
        %dma_start3A_1659 = arith.constant 0 : i32
        %dma_start3A_1660 = tpu.memref_slice %arg4[%dma_start3A_1659, %multiple_of3A_1653] : memref<16x1000000xf32, #tpu.memory_space<hbm>> -> memref<16x128xf32, #tpu.memory_space<hbm>>
        %dma_start3A_1661 = arith.constant 0 : i32
        %dma_start3A_1662 = arith.constant 0 : i32
        %dma_start3A_1663 = tpu.memref_slice %arg14[%dma_start3A_1654, %dma_start3A_1661, %dma_start3A_1662] : memref<8x16x128xf32, #tpu.memory_space<vmem>> -> memref<1x16x128xf32, #tpu.memory_space<vmem>>
        %dma_start3A_1664 = tpu.memref_squeeze %dma_start3A_1663 : memref<1x16x128xf32, #tpu.memory_space<vmem>> -> memref<16x128xf32, #tpu.memory_space<vmem>>
        %dma_start3A_1665 = arith.constant 0 : i32
        %dma_start3A_1666 = tpu.memref_slice %arg4[%dma_start3A_1665, %multiple_of3A_1653] : memref<16x1000000xf32, #tpu.memory_space<hbm>> -> memref<16x128xf32, #tpu.memory_space<hbm>>
        tpu.enqueue_dma source(%dma_start3A_1666 : memref<16x128xf32, #tpu.memory_space<hbm>>) target(%dma_start3A_1664 : memref<16x128xf32, #tpu.memory_space<vmem>>) target_semaphore(%arg20 : memref<!tpu.dma_semaphore, #tpu.memory_space<semaphore_mem>>)
        %dma_start3A_1667 = arith.constant 2 : i32
        %dma_start3A_1668 = arith.constant 0 : i32
        %dma_start3A_1669 = arith.constant 0 : i32
        %dma_start3A_1670 = tpu.memref_slice %arg15[%dma_start3A_1667, %dma_start3A_1668, %dma_start3A_1669] : memref<8x64x128xf32, #tpu.memory_space<vmem>> -> memref<1x64x128xf32, #tpu.memory_space<vmem>>
        %dma_start3A_1671 = tpu.memref_squeeze %dma_start3A_1670 : memref<1x64x128xf32, #tpu.memory_space<vmem>> -> memref<64x128xf32, #tpu.memory_space<vmem>>
        %dma_start3A_1672 = arith.constant 0 : i32
        %dma_start3A_1673 = tpu.memref_slice %arg6[%dma_start3A_1672, %multiple_of3A_1653] : memref<64x1000000xf32, #tpu.memory_space<hbm>> -> memref<64x128xf32, #tpu.memory_space<hbm>>
        %dma_start3A_1674 = arith.constant 0 : i32
        %dma_start3A_1675 = arith.constant 0 : i32
        %dma_start3A_1676 = tpu.memref_slice %arg15[%dma_start3A_1667, %dma_start3A_1674, %dma_start3A_1675] : memref<8x64x128xf32, #tpu.memory_space<vmem>> -> memref<1x64x128xf32, #tpu.memory_space<vmem>>
        %dma_start3A_1677 = tpu.memref_squeeze %dma_start3A_1676 : memref<1x64x128xf32, #tpu.memory_space<vmem>> -> memref<64x128xf32, #tpu.memory_space<vmem>>
        %dma_start3A_1678 = arith.constant 0 : i32
        %dma_start3A_1679 = tpu.memref_slice %arg6[%dma_start3A_1678, %multiple_of3A_1653] : memref<64x1000000xf32, #tpu.memory_space<hbm>> -> memref<64x128xf32, #tpu.memory_space<hbm>>
        tpu.enqueue_dma source(%dma_start3A_1679 : memref<64x128xf32, #tpu.memory_space<hbm>>) target(%dma_start3A_1677 : memref<64x128xf32, #tpu.memory_space<vmem>>) target_semaphore(%arg20 : memref<!tpu.dma_semaphore, #tpu.memory_space<semaphore_mem>>)
        %mul3A_1680 = arith.constant 8 : i32
        %mul3A_1681 = arith.muli %scan3A_722, %mul3A_1680 : i32
        %add3A_1682 = arith.constant 3 : i32
        %add3A_1683 = arith.addi %mul3A_1681, %add3A_1682 : i32
        %shift_right_arithmetic3A_1684 = arith.constant 4 : i32
        %shift_right_arithmetic3A_1685 = arith.shrsi %add3A_1683, %shift_right_arithmetic3A_1684 : i32
        %shift_left3A_1686 = arith.constant 4 : i32
        %shift_left3A_1687 = arith.shli %shift_right_arithmetic3A_1685, %shift_left3A_1686 : i32
        %multiple_of3A_1688 = tpu.assume_multiple %shift_left3A_1687, 16 : i32
        %get3A_1689 = arith.index_cast %multiple_of3A_1688 : i32 to index
        %get3A_1690 = tpu.vector_load %arg12[%get3A_1689] {strides = array<i32>} : memref<512xi32, #tpu.memory_space<vmem>>, vector<16xi32>,
        %and3A_1691 = arith.constant 15 : i32
        %and3A_1692 = arith.andi %add3A_1683, %and3A_1691 : i32
        %eq3A_1693 = vector.broadcast %and3A_1692 : i32 to vector<16xi32>
        %eq3A_1694 = arith.cmpi eq, %iota3A, %eq3A_1693 : vector<16xi32>
        %jit3A_1695 = arith.constant 0 : i32
        %broadcast_in_dim3A_1696 = vector.broadcast %jit3A_1695 : i32 to vector<16xi32>
        %select_n3A_1697 = arith.select %eq3A_1694, %get3A_1690, %broadcast_in_dim3A_1696 : vector<16xi1>, vector<16xi32>
        %reduce_sum3A_1698 = arith.constant true
        %reduce_sum3A_1699 = vector.broadcast %reduce_sum3A_1698 : i1 to vector<16xi1>
        %reduce_sum3A_1700 = tpu.scan <sum>, %select_n3A_1697 masked %reduce_sum3A_1699 : vector<16xi32>, vector<16xi1> -> vector<16xi32>
        %reduce_sum3A_1701 = vector.extract %reduce_sum3A_1700[15] : i32 from vector<16xi32>
        %shift_right_arithmetic3A_1702 = arith.constant 7 : i32
        %shift_right_arithmetic3A_1703 = arith.shrsi %reduce_sum3A_1701, %shift_right_arithmetic3A_1702 : i32
        %shift_left3A_1704 = arith.constant 7 : i32
        %shift_left3A_1705 = arith.shli %shift_right_arithmetic3A_1703, %shift_left3A_1704 : i32
        %multiple_of3A_1706 = tpu.assume_multiple %shift_left3A_1705, 128 : i32
        %dma_start3A_1707 = arith.constant 3 : i32
        %dma_start3A_1708 = arith.constant 0 : i32
        %dma_start3A_1709 = arith.constant 0 : i32
        %dma_start3A_1710 = tpu.memref_slice %arg14[%dma_start3A_1707, %dma_start3A_1708, %dma_start3A_1709] : memref<8x16x128xf32, #tpu.memory_space<vmem>> -> memref<1x16x128xf32, #tpu.memory_space<vmem>>
        %dma_start3A_1711 = tpu.memref_squeeze %dma_start3A_1710 : memref<1x16x128xf32, #tpu.memory_space<vmem>> -> memref<16x128xf32, #tpu.memory_space<vmem>>
        %dma_start3A_1712 = arith.constant 0 : i32
        %dma_start3A_1713 = tpu.memref_slice %arg4[%dma_start3A_1712, %multiple_of3A_1706] : memref<16x1000000xf32, #tpu.memory_space<hbm>> -> memref<16x128xf32, #tpu.memory_space<hbm>>
        %dma_start3A_1714 = arith.constant 0 : i32
        %dma_start3A_1715 = arith.constant 0 : i32
        %dma_start3A_1716 = tpu.memref_slice %arg14[%dma_start3A_1707, %dma_start3A_1714, %dma_start3A_1715] : memref<8x16x128xf32, #tpu.memory_space<vmem>> -> memref<1x16x128xf32, #tpu.memory_space<vmem>>
        %dma_start3A_1717 = tpu.memref_squeeze %dma_start3A_1716 : memref<1x16x128xf32, #tpu.memory_space<vmem>> -> memref<16x128xf32, #tpu.memory_space<vmem>>
        %dma_start3A_1718 = arith.constant 0 : i32
        %dma_start3A_1719 = tpu.memref_slice %arg4[%dma_start3A_1718, %multiple_of3A_1706] : memref<16x1000000xf32, #tpu.memory_space<hbm>> -> memref<16x128xf32, #tpu.memory_space<hbm>>
        tpu.enqueue_dma source(%dma_start3A_1719 : memref<16x128xf32, #tpu.memory_space<hbm>>) target(%dma_start3A_1717 : memref<16x128xf32, #tpu.memory_space<vmem>>) target_semaphore(%arg21 : memref<!tpu.dma_semaphore, #tpu.memory_space<semaphore_mem>>)
        %dma_start3A_1720 = arith.constant 3 : i32
        %dma_start3A_1721 = arith.constant 0 : i32
        %dma_start3A_1722 = arith.constant 0 : i32
        %dma_start3A_1723 = tpu.memref_slice %arg15[%dma_start3A_1720, %dma_start3A_1721, %dma_start3A_1722] : memref<8x64x128xf32, #tpu.memory_space<vmem>> -> memref<1x64x128xf32, #tpu.memory_space<vmem>>
        %dma_start3A_1724 = tpu.memref_squeeze %dma_start3A_1723 : memref<1x64x128xf32, #tpu.memory_space<vmem>> -> memref<64x128xf32, #tpu.memory_space<vmem>>
        %dma_start3A_1725 = arith.constant 0 : i32
        %dma_start3A_1726 = tpu.memref_slice %arg6[%dma_start3A_1725, %multiple_of3A_1706] : memref<64x1000000xf32, #tpu.memory_space<hbm>> -> memref<64x128xf32, #tpu.memory_space<hbm>>
        %dma_start3A_1727 = arith.constant 0 : i32
        %dma_start3A_1728 = arith.constant 0 : i32
        %dma_start3A_1729 = tpu.memref_slice %arg15[%dma_start3A_1720, %dma_start3A_1727, %dma_start3A_1728] : memref<8x64x128xf32, #tpu.memory_space<vmem>> -> memref<1x64x128xf32, #tpu.memory_space<vmem>>
        %dma_start3A_1730 = tpu.memref_squeeze %dma_start3A_1729 : memref<1x64x128xf32, #tpu.memory_space<vmem>> -> memref<64x128xf32, #tpu.memory_space<vmem>>
        %dma_start3A_1731 = arith.constant 0 : i32
        %dma_start3A_1732 = tpu.memref_slice %arg6[%dma_start3A_1731, %multiple_of3A_1706] : memref<64x1000000xf32, #tpu.memory_space<hbm>> -> memref<64x128xf32, #tpu.memory_space<hbm>>
        tpu.enqueue_dma source(%dma_start3A_1732 : memref<64x128xf32, #tpu.memory_space<hbm>>) target(%dma_start3A_1730 : memref<64x128xf32, #tpu.memory_space<vmem>>) target_semaphore(%arg21 : memref<!tpu.dma_semaphore, #tpu.memory_space<semaphore_mem>>)
        %mul3A_1733 = arith.constant 8 : i32
        %mul3A_1734 = arith.muli %scan3A_722, %mul3A_1733 : i32
        %add3A_1735 = arith.constant 4 : i32
        %add3A_1736 = arith.addi %mul3A_1734, %add3A_1735 : i32
        %shift_right_arithmetic3A_1737 = arith.constant 4 : i32
        %shift_right_arithmetic3A_1738 = arith.shrsi %add3A_1736, %shift_right_arithmetic3A_1737 : i32
        %shift_left3A_1739 = arith.constant 4 : i32
        %shift_left3A_1740 = arith.shli %shift_right_arithmetic3A_1738, %shift_left3A_1739 : i32
        %multiple_of3A_1741 = tpu.assume_multiple %shift_left3A_1740, 16 : i32
        %get3A_1742 = arith.index_cast %multiple_of3A_1741 : i32 to index
        %get3A_1743 = tpu.vector_load %arg12[%get3A_1742] {strides = array<i32>} : memref<512xi32, #tpu.memory_space<vmem>>, vector<16xi32>,
        %and3A_1744 = arith.constant 15 : i32
        %and3A_1745 = arith.andi %add3A_1736, %and3A_1744 : i32
        %eq3A_1746 = vector.broadcast %and3A_1745 : i32 to vector<16xi32>
        %eq3A_1747 = arith.cmpi eq, %iota3A, %eq3A_1746 : vector<16xi32>
        %jit3A_1748 = arith.constant 0 : i32
        %broadcast_in_dim3A_1749 = vector.broadcast %jit3A_1748 : i32 to vector<16xi32>
        %select_n3A_1750 = arith.select %eq3A_1747, %get3A_1743, %broadcast_in_dim3A_1749 : vector<16xi1>, vector<16xi32>
        %reduce_sum3A_1751 = arith.constant true
        %reduce_sum3A_1752 = vector.broadcast %reduce_sum3A_1751 : i1 to vector<16xi1>
        %reduce_sum3A_1753 = tpu.scan <sum>, %select_n3A_1750 masked %reduce_sum3A_1752 : vector<16xi32>, vector<16xi1> -> vector<16xi32>
        %reduce_sum3A_1754 = vector.extract %reduce_sum3A_1753[15] : i32 from vector<16xi32>
        %shift_right_arithmetic3A_1755 = arith.constant 7 : i32
        %shift_right_arithmetic3A_1756 = arith.shrsi %reduce_sum3A_1754, %shift_right_arithmetic3A_1755 : i32
        %shift_left3A_1757 = arith.constant 7 : i32
        %shift_left3A_1758 = arith.shli %shift_right_arithmetic3A_1756, %shift_left3A_1757 : i32
        %multiple_of3A_1759 = tpu.assume_multiple %shift_left3A_1758, 128 : i32
        %dma_start3A_1760 = arith.constant 4 : i32
        %dma_start3A_1761 = arith.constant 0 : i32
        %dma_start3A_1762 = arith.constant 0 : i32
        %dma_start3A_1763 = tpu.memref_slice %arg14[%dma_start3A_1760, %dma_start3A_1761, %dma_start3A_1762] : memref<8x16x128xf32, #tpu.memory_space<vmem>> -> memref<1x16x128xf32, #tpu.memory_space<vmem>>
        %dma_start3A_1764 = tpu.memref_squeeze %dma_start3A_1763 : memref<1x16x128xf32, #tpu.memory_space<vmem>> -> memref<16x128xf32, #tpu.memory_space<vmem>>
        %dma_start3A_1765 = arith.constant 0 : i32
        %dma_start3A_1766 = tpu.memref_slice %arg4[%dma_start3A_1765, %multiple_of3A_1759] : memref<16x1000000xf32, #tpu.memory_space<hbm>> -> memref<16x128xf32, #tpu.memory_space<hbm>>
        %dma_start3A_1767 = arith.constant 0 : i32
        %dma_start3A_1768 = arith.constant 0 : i32
        %dma_start3A_1769 = tpu.memref_slice %arg14[%dma_start3A_1760, %dma_start3A_1767, %dma_start3A_1768] : memref<8x16x128xf32, #tpu.memory_space<vmem>> -> memref<1x16x128xf32, #tpu.memory_space<vmem>>
        %dma_start3A_1770 = tpu.memref_squeeze %dma_start3A_1769 : memref<1x16x128xf32, #tpu.memory_space<vmem>> -> memref<16x128xf32, #tpu.memory_space<vmem>>
        %dma_start3A_1771 = arith.constant 0 : i32
        %dma_start3A_1772 = tpu.memref_slice %arg4[%dma_start3A_1771, %multiple_of3A_1759] : memref<16x1000000xf32, #tpu.memory_space<hbm>> -> memref<16x128xf32, #tpu.memory_space<hbm>>
        tpu.enqueue_dma source(%dma_start3A_1772 : memref<16x128xf32, #tpu.memory_space<hbm>>) target(%dma_start3A_1770 : memref<16x128xf32, #tpu.memory_space<vmem>>) target_semaphore(%arg22 : memref<!tpu.dma_semaphore, #tpu.memory_space<semaphore_mem>>)
        %dma_start3A_1773 = arith.constant 4 : i32
        %dma_start3A_1774 = arith.constant 0 : i32
        %dma_start3A_1775 = arith.constant 0 : i32
        %dma_start3A_1776 = tpu.memref_slice %arg15[%dma_start3A_1773, %dma_start3A_1774, %dma_start3A_1775] : memref<8x64x128xf32, #tpu.memory_space<vmem>> -> memref<1x64x128xf32, #tpu.memory_space<vmem>>
        %dma_start3A_1777 = tpu.memref_squeeze %dma_start3A_1776 : memref<1x64x128xf32, #tpu.memory_space<vmem>> -> memref<64x128xf32, #tpu.memory_space<vmem>>
        %dma_start3A_1778 = arith.constant 0 : i32
        %dma_start3A_1779 = tpu.memref_slice %arg6[%dma_start3A_1778, %multiple_of3A_1759] : memref<64x1000000xf32, #tpu.memory_space<hbm>> -> memref<64x128xf32, #tpu.memory_space<hbm>>
        %dma_start3A_1780 = arith.constant 0 : i32
        %dma_start3A_1781 = arith.constant 0 : i32
        %dma_start3A_1782 = tpu.memref_slice %arg15[%dma_start3A_1773, %dma_start3A_1780, %dma_start3A_1781] : memref<8x64x128xf32, #tpu.memory_space<vmem>> -> memref<1x64x128xf32, #tpu.memory_space<vmem>>
        %dma_start3A_1783 = tpu.memref_squeeze %dma_start3A_1782 : memref<1x64x128xf32, #tpu.memory_space<vmem>> -> memref<64x128xf32, #tpu.memory_space<vmem>>
        %dma_start3A_1784 = arith.constant 0 : i32
        %dma_start3A_1785 = tpu.memref_slice %arg6[%dma_start3A_1784, %multiple_of3A_1759] : memref<64x1000000xf32, #tpu.memory_space<hbm>> -> memref<64x128xf32, #tpu.memory_space<hbm>>
        tpu.enqueue_dma source(%dma_start3A_1785 : memref<64x128xf32, #tpu.memory_space<hbm>>) target(%dma_start3A_1783 : memref<64x128xf32, #tpu.memory_space<vmem>>) target_semaphore(%arg22 : memref<!tpu.dma_semaphore, #tpu.memory_space<semaphore_mem>>)
        %mul3A_1786 = arith.constant 8 : i32
        %mul3A_1787 = arith.muli %scan3A_722, %mul3A_1786 : i32
        %add3A_1788 = arith.constant 5 : i32
        %add3A_1789 = arith.addi %mul3A_1787, %add3A_1788 : i32
        %shift_right_arithmetic3A_1790 = arith.constant 4 : i32
        %shift_right_arithmetic3A_1791 = arith.shrsi %add3A_1789, %shift_right_arithmetic3A_1790 : i32
        %shift_left3A_1792 = arith.constant 4 : i32
        %shift_left3A_1793 = arith.shli %shift_right_arithmetic3A_1791, %shift_left3A_1792 : i32
        %multiple_of3A_1794 = tpu.assume_multiple %shift_left3A_1793, 16 : i32
        %get3A_1795 = arith.index_cast %multiple_of3A_1794 : i32 to index
        %get3A_1796 = tpu.vector_load %arg12[%get3A_1795] {strides = array<i32>} : memref<512xi32, #tpu.memory_space<vmem>>, vector<16xi32>,
        %and3A_1797 = arith.constant 15 : i32
        %and3A_1798 = arith.andi %add3A_1789, %and3A_1797 : i32
        %eq3A_1799 = vector.broadcast %and3A_1798 : i32 to vector<16xi32>
        %eq3A_1800 = arith.cmpi eq, %iota3A, %eq3A_1799 : vector<16xi32>
        %jit3A_1801 = arith.constant 0 : i32
        %broadcast_in_dim3A_1802 = vector.broadcast %jit3A_1801 : i32 to vector<16xi32>
        %select_n3A_1803 = arith.select %eq3A_1800, %get3A_1796, %broadcast_in_dim3A_1802 : vector<16xi1>, vector<16xi32>
        %reduce_sum3A_1804 = arith.constant true
        %reduce_sum3A_1805 = vector.broadcast %reduce_sum3A_1804 : i1 to vector<16xi1>
        %reduce_sum3A_1806 = tpu.scan <sum>, %select_n3A_1803 masked %reduce_sum3A_1805 : vector<16xi32>, vector<16xi1> -> vector<16xi32>
        %reduce_sum3A_1807 = vector.extract %reduce_sum3A_1806[15] : i32 from vector<16xi32>
        %shift_right_arithmetic3A_1808 = arith.constant 7 : i32
        %shift_right_arithmetic3A_1809 = arith.shrsi %reduce_sum3A_1807, %shift_right_arithmetic3A_1808 : i32
        %shift_left3A_1810 = arith.constant 7 : i32
        %shift_left3A_1811 = arith.shli %shift_right_arithmetic3A_1809, %shift_left3A_1810 : i32
        %multiple_of3A_1812 = tpu.assume_multiple %shift_left3A_1811, 128 : i32
        %dma_start3A_1813 = arith.constant 5 : i32
        %dma_start3A_1814 = arith.constant 0 : i32
        %dma_start3A_1815 = arith.constant 0 : i32
        %dma_start3A_1816 = tpu.memref_slice %arg14[%dma_start3A_1813, %dma_start3A_1814, %dma_start3A_1815] : memref<8x16x128xf32, #tpu.memory_space<vmem>> -> memref<1x16x128xf32, #tpu.memory_space<vmem>>
        %dma_start3A_1817 = tpu.memref_squeeze %dma_start3A_1816 : memref<1x16x128xf32, #tpu.memory_space<vmem>> -> memref<16x128xf32, #tpu.memory_space<vmem>>
        %dma_start3A_1818 = arith.constant 0 : i32
        %dma_start3A_1819 = tpu.memref_slice %arg4[%dma_start3A_1818, %multiple_of3A_1812] : memref<16x1000000xf32, #tpu.memory_space<hbm>> -> memref<16x128xf32, #tpu.memory_space<hbm>>
        %dma_start3A_1820 = arith.constant 0 : i32
        %dma_start3A_1821 = arith.constant 0 : i32
        %dma_start3A_1822 = tpu.memref_slice %arg14[%dma_start3A_1813, %dma_start3A_1820, %dma_start3A_1821] : memref<8x16x128xf32, #tpu.memory_space<vmem>> -> memref<1x16x128xf32, #tpu.memory_space<vmem>>
        %dma_start3A_1823 = tpu.memref_squeeze %dma_start3A_1822 : memref<1x16x128xf32, #tpu.memory_space<vmem>> -> memref<16x128xf32, #tpu.memory_space<vmem>>
        %dma_start3A_1824 = arith.constant 0 : i32
        %dma_start3A_1825 = tpu.memref_slice %arg4[%dma_start3A_1824, %multiple_of3A_1812] : memref<16x1000000xf32, #tpu.memory_space<hbm>> -> memref<16x128xf32, #tpu.memory_space<hbm>>
        tpu.enqueue_dma source(%dma_start3A_1825 : memref<16x128xf32, #tpu.memory_space<hbm>>) target(%dma_start3A_1823 : memref<16x128xf32, #tpu.memory_space<vmem>>) target_semaphore(%arg23 : memref<!tpu.dma_semaphore, #tpu.memory_space<semaphore_mem>>)
        %dma_start3A_1826 = arith.constant 5 : i32
        %dma_start3A_1827 = arith.constant 0 : i32
        %dma_start3A_1828 = arith.constant 0 : i32
        %dma_start3A_1829 = tpu.memref_slice %arg15[%dma_start3A_1826, %dma_start3A_1827, %dma_start3A_1828] : memref<8x64x128xf32, #tpu.memory_space<vmem>> -> memref<1x64x128xf32, #tpu.memory_space<vmem>>
        %dma_start3A_1830 = tpu.memref_squeeze %dma_start3A_1829 : memref<1x64x128xf32, #tpu.memory_space<vmem>> -> memref<64x128xf32, #tpu.memory_space<vmem>>
        %dma_start3A_1831 = arith.constant 0 : i32
        %dma_start3A_1832 = tpu.memref_slice %arg6[%dma_start3A_1831, %multiple_of3A_1812] : memref<64x1000000xf32, #tpu.memory_space<hbm>> -> memref<64x128xf32, #tpu.memory_space<hbm>>
        %dma_start3A_1833 = arith.constant 0 : i32
        %dma_start3A_1834 = arith.constant 0 : i32
        %dma_start3A_1835 = tpu.memref_slice %arg15[%dma_start3A_1826, %dma_start3A_1833, %dma_start3A_1834] : memref<8x64x128xf32, #tpu.memory_space<vmem>> -> memref<1x64x128xf32, #tpu.memory_space<vmem>>
        %dma_start3A_1836 = tpu.memref_squeeze %dma_start3A_1835 : memref<1x64x128xf32, #tpu.memory_space<vmem>> -> memref<64x128xf32, #tpu.memory_space<vmem>>
        %dma_start3A_1837 = arith.constant 0 : i32
        %dma_start3A_1838 = tpu.memref_slice %arg6[%dma_start3A_1837, %multiple_of3A_1812] : memref<64x1000000xf32, #tpu.memory_space<hbm>> -> memref<64x128xf32, #tpu.memory_space<hbm>>
        tpu.enqueue_dma source(%dma_start3A_1838 : memref<64x128xf32, #tpu.memory_space<hbm>>) target(%dma_start3A_1836 : memref<64x128xf32, #tpu.memory_space<vmem>>) target_semaphore(%arg23 : memref<!tpu.dma_semaphore, #tpu.memory_space<semaphore_mem>>)
        %mul3A_1839 = arith.constant 8 : i32
        %mul3A_1840 = arith.muli %scan3A_722, %mul3A_1839 : i32
        %add3A_1841 = arith.constant 6 : i32
        %add3A_1842 = arith.addi %mul3A_1840, %add3A_1841 : i32
        %shift_right_arithmetic3A_1843 = arith.constant 4 : i32
        %shift_right_arithmetic3A_1844 = arith.shrsi %add3A_1842, %shift_right_arithmetic3A_1843 : i32
        %shift_left3A_1845 = arith.constant 4 : i32
        %shift_left3A_1846 = arith.shli %shift_right_arithmetic3A_1844, %shift_left3A_1845 : i32
        %multiple_of3A_1847 = tpu.assume_multiple %shift_left3A_1846, 16 : i32
        %get3A_1848 = arith.index_cast %multiple_of3A_1847 : i32 to index
        %get3A_1849 = tpu.vector_load %arg12[%get3A_1848] {strides = array<i32>} : memref<512xi32, #tpu.memory_space<vmem>>, vector<16xi32>,
        %and3A_1850 = arith.constant 15 : i32
        %and3A_1851 = arith.andi %add3A_1842, %and3A_1850 : i32
        %eq3A_1852 = vector.broadcast %and3A_1851 : i32 to vector<16xi32>
        %eq3A_1853 = arith.cmpi eq, %iota3A, %eq3A_1852 : vector<16xi32>
        %jit3A_1854 = arith.constant 0 : i32
        %broadcast_in_dim3A_1855 = vector.broadcast %jit3A_1854 : i32 to vector<16xi32>
        %select_n3A_1856 = arith.select %eq3A_1853, %get3A_1849, %broadcast_in_dim3A_1855 : vector<16xi1>, vector<16xi32>
        %reduce_sum3A_1857 = arith.constant true
        %reduce_sum3A_1858 = vector.broadcast %reduce_sum3A_1857 : i1 to vector<16xi1>
        %reduce_sum3A_1859 = tpu.scan <sum>, %select_n3A_1856 masked %reduce_sum3A_1858 : vector<16xi32>, vector<16xi1> -> vector<16xi32>
        %reduce_sum3A_1860 = vector.extract %reduce_sum3A_1859[15] : i32 from vector<16xi32>
        %shift_right_arithmetic3A_1861 = arith.constant 7 : i32
        %shift_right_arithmetic3A_1862 = arith.shrsi %reduce_sum3A_1860, %shift_right_arithmetic3A_1861 : i32
        %shift_left3A_1863 = arith.constant 7 : i32
        %shift_left3A_1864 = arith.shli %shift_right_arithmetic3A_1862, %shift_left3A_1863 : i32
        %multiple_of3A_1865 = tpu.assume_multiple %shift_left3A_1864, 128 : i32
        %dma_start3A_1866 = arith.constant 6 : i32
        %dma_start3A_1867 = arith.constant 0 : i32
        %dma_start3A_1868 = arith.constant 0 : i32
        %dma_start3A_1869 = tpu.memref_slice %arg14[%dma_start3A_1866, %dma_start3A_1867, %dma_start3A_1868] : memref<8x16x128xf32, #tpu.memory_space<vmem>> -> memref<1x16x128xf32, #tpu.memory_space<vmem>>
        %dma_start3A_1870 = tpu.memref_squeeze %dma_start3A_1869 : memref<1x16x128xf32, #tpu.memory_space<vmem>> -> memref<16x128xf32, #tpu.memory_space<vmem>>
        %dma_start3A_1871 = arith.constant 0 : i32
        %dma_start3A_1872 = tpu.memref_slice %arg4[%dma_start3A_1871, %multiple_of3A_1865] : memref<16x1000000xf32, #tpu.memory_space<hbm>> -> memref<16x128xf32, #tpu.memory_space<hbm>>
        %dma_start3A_1873 = arith.constant 0 : i32
        %dma_start3A_1874 = arith.constant 0 : i32
        %dma_start3A_1875 = tpu.memref_slice %arg14[%dma_start3A_1866, %dma_start3A_1873, %dma_start3A_1874] : memref<8x16x128xf32, #tpu.memory_space<vmem>> -> memref<1x16x128xf32, #tpu.memory_space<vmem>>
        %dma_start3A_1876 = tpu.memref_squeeze %dma_start3A_1875 : memref<1x16x128xf32, #tpu.memory_space<vmem>> -> memref<16x128xf32, #tpu.memory_space<vmem>>
        %dma_start3A_1877 = arith.constant 0 : i32
        %dma_start3A_1878 = tpu.memref_slice %arg4[%dma_start3A_1877, %multiple_of3A_1865] : memref<16x1000000xf32, #tpu.memory_space<hbm>> -> memref<16x128xf32, #tpu.memory_space<hbm>>
        tpu.enqueue_dma source(%dma_start3A_1878 : memref<16x128xf32, #tpu.memory_space<hbm>>) target(%dma_start3A_1876 : memref<16x128xf32, #tpu.memory_space<vmem>>) target_semaphore(%arg24 : memref<!tpu.dma_semaphore, #tpu.memory_space<semaphore_mem>>)
        %dma_start3A_1879 = arith.constant 6 : i32
        %dma_start3A_1880 = arith.constant 0 : i32
        %dma_start3A_1881 = arith.constant 0 : i32
        %dma_start3A_1882 = tpu.memref_slice %arg15[%dma_start3A_1879, %dma_start3A_1880, %dma_start3A_1881] : memref<8x64x128xf32, #tpu.memory_space<vmem>> -> memref<1x64x128xf32, #tpu.memory_space<vmem>>
        %dma_start3A_1883 = tpu.memref_squeeze %dma_start3A_1882 : memref<1x64x128xf32, #tpu.memory_space<vmem>> -> memref<64x128xf32, #tpu.memory_space<vmem>>
        %dma_start3A_1884 = arith.constant 0 : i32
        %dma_start3A_1885 = tpu.memref_slice %arg6[%dma_start3A_1884, %multiple_of3A_1865] : memref<64x1000000xf32, #tpu.memory_space<hbm>> -> memref<64x128xf32, #tpu.memory_space<hbm>>
        %dma_start3A_1886 = arith.constant 0 : i32
        %dma_start3A_1887 = arith.constant 0 : i32
        %dma_start3A_1888 = tpu.memref_slice %arg15[%dma_start3A_1879, %dma_start3A_1886, %dma_start3A_1887] : memref<8x64x128xf32, #tpu.memory_space<vmem>> -> memref<1x64x128xf32, #tpu.memory_space<vmem>>
        %dma_start3A_1889 = tpu.memref_squeeze %dma_start3A_1888 : memref<1x64x128xf32, #tpu.memory_space<vmem>> -> memref<64x128xf32, #tpu.memory_space<vmem>>
        %dma_start3A_1890 = arith.constant 0 : i32
        %dma_start3A_1891 = tpu.memref_slice %arg6[%dma_start3A_1890, %multiple_of3A_1865] : memref<64x1000000xf32, #tpu.memory_space<hbm>> -> memref<64x128xf32, #tpu.memory_space<hbm>>
        tpu.enqueue_dma source(%dma_start3A_1891 : memref<64x128xf32, #tpu.memory_space<hbm>>) target(%dma_start3A_1889 : memref<64x128xf32, #tpu.memory_space<vmem>>) target_semaphore(%arg24 : memref<!tpu.dma_semaphore, #tpu.memory_space<semaphore_mem>>)
        %mul3A_1892 = arith.constant 8 : i32
        %mul3A_1893 = arith.muli %scan3A_722, %mul3A_1892 : i32
        %add3A_1894 = arith.constant 7 : i32
        %add3A_1895 = arith.addi %mul3A_1893, %add3A_1894 : i32
        %shift_right_arithmetic3A_1896 = arith.constant 4 : i32
        %shift_right_arithmetic3A_1897 = arith.shrsi %add3A_1895, %shift_right_arithmetic3A_1896 : i32
        %shift_left3A_1898 = arith.constant 4 : i32
        %shift_left3A_1899 = arith.shli %shift_right_arithmetic3A_1897, %shift_left3A_1898 : i32
        %multiple_of3A_1900 = tpu.assume_multiple %shift_left3A_1899, 16 : i32
        %get3A_1901 = arith.index_cast %multiple_of3A_1900 : i32 to index
        %get3A_1902 = tpu.vector_load %arg12[%get3A_1901] {strides = array<i32>} : memref<512xi32, #tpu.memory_space<vmem>>, vector<16xi32>,
        %and3A_1903 = arith.constant 15 : i32
        %and3A_1904 = arith.andi %add3A_1895, %and3A_1903 : i32
        %eq3A_1905 = vector.broadcast %and3A_1904 : i32 to vector<16xi32>
        %eq3A_1906 = arith.cmpi eq, %iota3A, %eq3A_1905 : vector<16xi32>
        %jit3A_1907 = arith.constant 0 : i32
        %broadcast_in_dim3A_1908 = vector.broadcast %jit3A_1907 : i32 to vector<16xi32>
        %select_n3A_1909 = arith.select %eq3A_1906, %get3A_1902, %broadcast_in_dim3A_1908 : vector<16xi1>, vector<16xi32>
        %reduce_sum3A_1910 = arith.constant true
        %reduce_sum3A_1911 = vector.broadcast %reduce_sum3A_1910 : i1 to vector<16xi1>
        %reduce_sum3A_1912 = tpu.scan <sum>, %select_n3A_1909 masked %reduce_sum3A_1911 : vector<16xi32>, vector<16xi1> -> vector<16xi32>
        %reduce_sum3A_1913 = vector.extract %reduce_sum3A_1912[15] : i32 from vector<16xi32>
        %shift_right_arithmetic3A_1914 = arith.constant 7 : i32
        %shift_right_arithmetic3A_1915 = arith.shrsi %reduce_sum3A_1913, %shift_right_arithmetic3A_1914 : i32
        %shift_left3A_1916 = arith.constant 7 : i32
        %shift_left3A_1917 = arith.shli %shift_right_arithmetic3A_1915, %shift_left3A_1916 : i32
        %multiple_of3A_1918 = tpu.assume_multiple %shift_left3A_1917, 128 : i32
        %dma_start3A_1919 = arith.constant 7 : i32
        %dma_start3A_1920 = arith.constant 0 : i32
        %dma_start3A_1921 = arith.constant 0 : i32
        %dma_start3A_1922 = tpu.memref_slice %arg14[%dma_start3A_1919, %dma_start3A_1920, %dma_start3A_1921] : memref<8x16x128xf32, #tpu.memory_space<vmem>> -> memref<1x16x128xf32, #tpu.memory_space<vmem>>
        %dma_start3A_1923 = tpu.memref_squeeze %dma_start3A_1922 : memref<1x16x128xf32, #tpu.memory_space<vmem>> -> memref<16x128xf32, #tpu.memory_space<vmem>>
        %dma_start3A_1924 = arith.constant 0 : i32
        %dma_start3A_1925 = tpu.memref_slice %arg4[%dma_start3A_1924, %multiple_of3A_1918] : memref<16x1000000xf32, #tpu.memory_space<hbm>> -> memref<16x128xf32, #tpu.memory_space<hbm>>
        %dma_start3A_1926 = arith.constant 0 : i32
        %dma_start3A_1927 = arith.constant 0 : i32
        %dma_start3A_1928 = tpu.memref_slice %arg14[%dma_start3A_1919, %dma_start3A_1926, %dma_start3A_1927] : memref<8x16x128xf32, #tpu.memory_space<vmem>> -> memref<1x16x128xf32, #tpu.memory_space<vmem>>
        %dma_start3A_1929 = tpu.memref_squeeze %dma_start3A_1928 : memref<1x16x128xf32, #tpu.memory_space<vmem>> -> memref<16x128xf32, #tpu.memory_space<vmem>>
        %dma_start3A_1930 = arith.constant 0 : i32
        %dma_start3A_1931 = tpu.memref_slice %arg4[%dma_start3A_1930, %multiple_of3A_1918] : memref<16x1000000xf32, #tpu.memory_space<hbm>> -> memref<16x128xf32, #tpu.memory_space<hbm>>
        tpu.enqueue_dma source(%dma_start3A_1931 : memref<16x128xf32, #tpu.memory_space<hbm>>) target(%dma_start3A_1929 : memref<16x128xf32, #tpu.memory_space<vmem>>) target_semaphore(%arg25 : memref<!tpu.dma_semaphore, #tpu.memory_space<semaphore_mem>>)
        %dma_start3A_1932 = arith.constant 7 : i32
        %dma_start3A_1933 = arith.constant 0 : i32
        %dma_start3A_1934 = arith.constant 0 : i32
        %dma_start3A_1935 = tpu.memref_slice %arg15[%dma_start3A_1932, %dma_start3A_1933, %dma_start3A_1934] : memref<8x64x128xf32, #tpu.memory_space<vmem>> -> memref<1x64x128xf32, #tpu.memory_space<vmem>>
        %dma_start3A_1936 = tpu.memref_squeeze %dma_start3A_1935 : memref<1x64x128xf32, #tpu.memory_space<vmem>> -> memref<64x128xf32, #tpu.memory_space<vmem>>
        %dma_start3A_1937 = arith.constant 0 : i32
        %dma_start3A_1938 = tpu.memref_slice %arg6[%dma_start3A_1937, %multiple_of3A_1918] : memref<64x1000000xf32, #tpu.memory_space<hbm>> -> memref<64x128xf32, #tpu.memory_space<hbm>>
        %dma_start3A_1939 = arith.constant 0 : i32
        %dma_start3A_1940 = arith.constant 0 : i32
        %dma_start3A_1941 = tpu.memref_slice %arg15[%dma_start3A_1932, %dma_start3A_1939, %dma_start3A_1940] : memref<8x64x128xf32, #tpu.memory_space<vmem>> -> memref<1x64x128xf32, #tpu.memory_space<vmem>>
        %dma_start3A_1942 = tpu.memref_squeeze %dma_start3A_1941 : memref<1x64x128xf32, #tpu.memory_space<vmem>> -> memref<64x128xf32, #tpu.memory_space<vmem>>
        %dma_start3A_1943 = arith.constant 0 : i32
        %dma_start3A_1944 = tpu.memref_slice %arg6[%dma_start3A_1943, %multiple_of3A_1918] : memref<64x1000000xf32, #tpu.memory_space<hbm>> -> memref<64x128xf32, #tpu.memory_space<hbm>>
        tpu.enqueue_dma source(%dma_start3A_1944 : memref<64x128xf32, #tpu.memory_space<hbm>>) target(%dma_start3A_1942 : memref<64x128xf32, #tpu.memory_space<vmem>>) target_semaphore(%arg25 : memref<!tpu.dma_semaphore, #tpu.memory_space<semaphore_mem>>)
      } else {
      }
    }
    %scan3A_356 = arith.constant 64 : i32
    "tpu.region"() ({
      %run_scoped3A = tpu.sem_alloc : memref<!tpu.dma_semaphore, #tpu.memory_space<semaphore_mem>>
      %dma_start3A_722 = arith.constant 0 : i32
      %dma_start3A_723 = tpu.memref_slice %arg8[%dma_start3A_722, %mul3A_2] : memref<16x16384xf32, #tpu.memory_space<hbm>> -> memref<16x512xf32, #tpu.memory_space<hbm>>
      %dma_start3A_724 = arith.constant 0 : i32
      %dma_start3A_725 = tpu.memref_slice %arg8[%dma_start3A_724, %mul3A_2] : memref<16x16384xf32, #tpu.memory_space<hbm>> -> memref<16x512xf32, #tpu.memory_space<hbm>>
      tpu.enqueue_dma source(%arg16 : memref<16x512xf32, #tpu.memory_space<vmem>>) target(%dma_start3A_725 : memref<16x512xf32, #tpu.memory_space<hbm>>) target_semaphore(%run_scoped3A : memref<!tpu.dma_semaphore, #tpu.memory_space<semaphore_mem>>)
      %dma_wait3A = arith.constant 0 : i32
      %dma_wait3A_726 = tpu.memref_slice %arg8[%dma_wait3A, %mul3A_2] : memref<16x16384xf32, #tpu.memory_space<hbm>> -> memref<16x512xf32, #tpu.memory_space<hbm>>
      %dma_wait3A_727 = arith.constant 0 : i32
      %dma_wait3A_728 = tpu.memref_slice %arg8[%dma_wait3A_727, %mul3A_2] : memref<16x16384xf32, #tpu.memory_space<hbm>> -> memref<16x512xf32, #tpu.memory_space<hbm>>
      tpu.wait_dma2 semaphore(%run_scoped3A : memref<!tpu.dma_semaphore, #tpu.memory_space<semaphore_mem>>) src(%arg16 : memref<16x512xf32, #tpu.memory_space<vmem>>) dst(%dma_wait3A_728 : memref<16x512xf32, #tpu.memory_space<hbm>>)
      tpu.yield
    }) : () -> ()
    "tpu.region"() ({
      %run_scoped3A = tpu.sem_alloc : memref<!tpu.dma_semaphore, #tpu.memory_space<semaphore_mem>>
      %dma_start3A_722 = arith.constant 0 : i32
      %dma_start3A_723 = tpu.memref_slice %arg10[%dma_start3A_722, %mul3A_2] : memref<64x16384xf32, #tpu.memory_space<hbm>> -> memref<64x512xf32, #tpu.memory_space<hbm>>
      %dma_start3A_724 = arith.constant 0 : i32
      %dma_start3A_725 = tpu.memref_slice %arg10[%dma_start3A_724, %mul3A_2] : memref<64x16384xf32, #tpu.memory_space<hbm>> -> memref<64x512xf32, #tpu.memory_space<hbm>>
      tpu.enqueue_dma source(%arg17 : memref<64x512xf32, #tpu.memory_space<vmem>>) target(%dma_start3A_725 : memref<64x512xf32, #tpu.memory_space<hbm>>) target_semaphore(%run_scoped3A : memref<!tpu.dma_semaphore, #tpu.memory_space<semaphore_mem>>)
      %dma_wait3A = arith.constant 0 : i32
      %dma_wait3A_726 = tpu.memref_slice %arg10[%dma_wait3A, %mul3A_2] : memref<64x16384xf32, #tpu.memory_space<hbm>> -> memref<64x512xf32, #tpu.memory_space<hbm>>
      %dma_wait3A_727 = arith.constant 0 : i32
      %dma_wait3A_728 = tpu.memref_slice %arg10[%dma_wait3A_727, %mul3A_2] : memref<64x16384xf32, #tpu.memory_space<hbm>> -> memref<64x512xf32, #tpu.memory_space<hbm>>
      tpu.wait_dma2 semaphore(%run_scoped3A : memref<!tpu.dma_semaphore, #tpu.memory_space<semaphore_mem>>) src(%arg17 : memref<64x512xf32, #tpu.memory_space<vmem>>) dst(%dma_wait3A_728 : memref<64x512xf32, #tpu.memory_space<hbm>>)
      tpu.yield
    }) : () -> ()
    %multiple_of3A_357 = arith.constant 0 : i32
    %multiple_of3A_358 = tpu.assume_multiple %multiple_of3A_357, 16 : i32
    %get3A_359 = arith.index_cast %multiple_of3A_358 : i32 to index
    %get3A_360 = tpu.vector_load %arg13[%get3A_359] {strides = array<i32>} : memref<512xi32, #tpu.memory_space<vmem>>, vector<16xi32>,
    %eq3A_361 = arith.constant 0 : i32
    %eq3A_362 = vector.broadcast %eq3A_361 : i32 to vector<16xi32>
    %eq3A_363 = arith.cmpi eq, %iota3A, %eq3A_362 : vector<16xi32>
    %jit3A_364 = arith.constant 0 : i32
    %broadcast_in_dim3A_365 = vector.broadcast %jit3A_364 : i32 to vector<16xi32>
    %select_n3A_366 = arith.select %eq3A_363, %get3A_360, %broadcast_in_dim3A_365 : vector<16xi1>, vector<16xi32>
    %reduce_sum3A_367 = arith.constant true
    %reduce_sum3A_368 = vector.broadcast %reduce_sum3A_367 : i1 to vector<16xi1>
    %reduce_sum3A_369 = tpu.scan <sum>, %select_n3A_366 masked %reduce_sum3A_368 : vector<16xi32>, vector<16xi1> -> vector<16xi32>
    %reduce_sum3A_370 = vector.extract %reduce_sum3A_369[15] : i32 from vector<16xi32>
    %shift_right_arithmetic3A_371 = arith.constant 7 : i32
    %shift_right_arithmetic3A_372 = arith.shrsi %reduce_sum3A_370, %shift_right_arithmetic3A_371 : i32
    %shift_left3A_373 = arith.constant 7 : i32
    %shift_left3A_374 = arith.shli %shift_right_arithmetic3A_372, %shift_left3A_373 : i32
    %multiple_of3A_375 = tpu.assume_multiple %shift_left3A_374, 128 : i32
    %dma_start3A_376 = arith.constant 0 : i32
    %dma_start3A_377 = arith.constant 0 : i32
    %dma_start3A_378 = arith.constant 0 : i32
    %dma_start3A_379 = tpu.memref_slice %arg14[%dma_start3A_376, %dma_start3A_377, %dma_start3A_378] : memref<8x16x128xf32, #tpu.memory_space<vmem>> -> memref<1x16x128xf32, #tpu.memory_space<vmem>>
    %dma_start3A_380 = tpu.memref_squeeze %dma_start3A_379 : memref<1x16x128xf32, #tpu.memory_space<vmem>> -> memref<16x128xf32, #tpu.memory_space<vmem>>
    %dma_start3A_381 = arith.constant 0 : i32
    %dma_start3A_382 = tpu.memref_slice %arg5[%dma_start3A_381, %multiple_of3A_375] : memref<16x1000000xf32, #tpu.memory_space<hbm>> -> memref<16x128xf32, #tpu.memory_space<hbm>>
    %dma_start3A_383 = arith.constant 0 : i32
    %dma_start3A_384 = arith.constant 0 : i32
    %dma_start3A_385 = tpu.memref_slice %arg14[%dma_start3A_376, %dma_start3A_383, %dma_start3A_384] : memref<8x16x128xf32, #tpu.memory_space<vmem>> -> memref<1x16x128xf32, #tpu.memory_space<vmem>>
    %dma_start3A_386 = tpu.memref_squeeze %dma_start3A_385 : memref<1x16x128xf32, #tpu.memory_space<vmem>> -> memref<16x128xf32, #tpu.memory_space<vmem>>
    %dma_start3A_387 = arith.constant 0 : i32
    %dma_start3A_388 = tpu.memref_slice %arg5[%dma_start3A_387, %multiple_of3A_375] : memref<16x1000000xf32, #tpu.memory_space<hbm>> -> memref<16x128xf32, #tpu.memory_space<hbm>>
    tpu.enqueue_dma source(%dma_start3A_388 : memref<16x128xf32, #tpu.memory_space<hbm>>) target(%dma_start3A_386 : memref<16x128xf32, #tpu.memory_space<vmem>>) target_semaphore(%arg18 : memref<!tpu.dma_semaphore, #tpu.memory_space<semaphore_mem>>)
    %dma_start3A_389 = arith.constant 0 : i32
    %dma_start3A_390 = arith.constant 0 : i32
    %dma_start3A_391 = arith.constant 0 : i32
    %dma_start3A_392 = tpu.memref_slice %arg15[%dma_start3A_389, %dma_start3A_390, %dma_start3A_391] : memref<8x64x128xf32, #tpu.memory_space<vmem>> -> memref<1x64x128xf32, #tpu.memory_space<vmem>>
    %dma_start3A_393 = tpu.memref_squeeze %dma_start3A_392 : memref<1x64x128xf32, #tpu.memory_space<vmem>> -> memref<64x128xf32, #tpu.memory_space<vmem>>
    %dma_start3A_394 = arith.constant 0 : i32
    %dma_start3A_395 = tpu.memref_slice %arg7[%dma_start3A_394, %multiple_of3A_375] : memref<64x1000000xf32, #tpu.memory_space<hbm>> -> memref<64x128xf32, #tpu.memory_space<hbm>>
    %dma_start3A_396 = arith.constant 0 : i32
    %dma_start3A_397 = arith.constant 0 : i32
    %dma_start3A_398 = tpu.memref_slice %arg15[%dma_start3A_389, %dma_start3A_396, %dma_start3A_397] : memref<8x64x128xf32, #tpu.memory_space<vmem>> -> memref<1x64x128xf32, #tpu.memory_space<vmem>>
    %dma_start3A_399 = tpu.memref_squeeze %dma_start3A_398 : memref<1x64x128xf32, #tpu.memory_space<vmem>> -> memref<64x128xf32, #tpu.memory_space<vmem>>
    %dma_start3A_400 = arith.constant 0 : i32
    %dma_start3A_401 = tpu.memref_slice %arg7[%dma_start3A_400, %multiple_of3A_375] : memref<64x1000000xf32, #tpu.memory_space<hbm>> -> memref<64x128xf32, #tpu.memory_space<hbm>>
    tpu.enqueue_dma source(%dma_start3A_401 : memref<64x128xf32, #tpu.memory_space<hbm>>) target(%dma_start3A_399 : memref<64x128xf32, #tpu.memory_space<vmem>>) target_semaphore(%arg18 : memref<!tpu.dma_semaphore, #tpu.memory_space<semaphore_mem>>)
    %multiple_of3A_402 = arith.constant 0 : i32
    %multiple_of3A_403 = tpu.assume_multiple %multiple_of3A_402, 16 : i32
    %get3A_404 = arith.index_cast %multiple_of3A_403 : i32 to index
    %get3A_405 = tpu.vector_load %arg13[%get3A_404] {strides = array<i32>} : memref<512xi32, #tpu.memory_space<vmem>>, vector<16xi32>,
    %eq3A_406 = arith.constant 1 : i32
    %eq3A_407 = vector.broadcast %eq3A_406 : i32 to vector<16xi32>
    %eq3A_408 = arith.cmpi eq, %iota3A, %eq3A_407 : vector<16xi32>
    %jit3A_409 = arith.constant 0 : i32
    %broadcast_in_dim3A_410 = vector.broadcast %jit3A_409 : i32 to vector<16xi32>
    %select_n3A_411 = arith.select %eq3A_408, %get3A_405, %broadcast_in_dim3A_410 : vector<16xi1>, vector<16xi32>
    %reduce_sum3A_412 = arith.constant true
    %reduce_sum3A_413 = vector.broadcast %reduce_sum3A_412 : i1 to vector<16xi1>
    %reduce_sum3A_414 = tpu.scan <sum>, %select_n3A_411 masked %reduce_sum3A_413 : vector<16xi32>, vector<16xi1> -> vector<16xi32>
    %reduce_sum3A_415 = vector.extract %reduce_sum3A_414[15] : i32 from vector<16xi32>
    %shift_right_arithmetic3A_416 = arith.constant 7 : i32
    %shift_right_arithmetic3A_417 = arith.shrsi %reduce_sum3A_415, %shift_right_arithmetic3A_416 : i32
    %shift_left3A_418 = arith.constant 7 : i32
    %shift_left3A_419 = arith.shli %shift_right_arithmetic3A_417, %shift_left3A_418 : i32
    %multiple_of3A_420 = tpu.assume_multiple %shift_left3A_419, 128 : i32
    %dma_start3A_421 = arith.constant 1 : i32
    %dma_start3A_422 = arith.constant 0 : i32
    %dma_start3A_423 = arith.constant 0 : i32
    %dma_start3A_424 = tpu.memref_slice %arg14[%dma_start3A_421, %dma_start3A_422, %dma_start3A_423] : memref<8x16x128xf32, #tpu.memory_space<vmem>> -> memref<1x16x128xf32, #tpu.memory_space<vmem>>
    %dma_start3A_425 = tpu.memref_squeeze %dma_start3A_424 : memref<1x16x128xf32, #tpu.memory_space<vmem>> -> memref<16x128xf32, #tpu.memory_space<vmem>>
    %dma_start3A_426 = arith.constant 0 : i32
    %dma_start3A_427 = tpu.memref_slice %arg5[%dma_start3A_426, %multiple_of3A_420] : memref<16x1000000xf32, #tpu.memory_space<hbm>> -> memref<16x128xf32, #tpu.memory_space<hbm>>
    %dma_start3A_428 = arith.constant 0 : i32
    %dma_start3A_429 = arith.constant 0 : i32
    %dma_start3A_430 = tpu.memref_slice %arg14[%dma_start3A_421, %dma_start3A_428, %dma_start3A_429] : memref<8x16x128xf32, #tpu.memory_space<vmem>> -> memref<1x16x128xf32, #tpu.memory_space<vmem>>
    %dma_start3A_431 = tpu.memref_squeeze %dma_start3A_430 : memref<1x16x128xf32, #tpu.memory_space<vmem>> -> memref<16x128xf32, #tpu.memory_space<vmem>>
    %dma_start3A_432 = arith.constant 0 : i32
    %dma_start3A_433 = tpu.memref_slice %arg5[%dma_start3A_432, %multiple_of3A_420] : memref<16x1000000xf32, #tpu.memory_space<hbm>> -> memref<16x128xf32, #tpu.memory_space<hbm>>
    tpu.enqueue_dma source(%dma_start3A_433 : memref<16x128xf32, #tpu.memory_space<hbm>>) target(%dma_start3A_431 : memref<16x128xf32, #tpu.memory_space<vmem>>) target_semaphore(%arg19 : memref<!tpu.dma_semaphore, #tpu.memory_space<semaphore_mem>>)
    %dma_start3A_434 = arith.constant 1 : i32
    %dma_start3A_435 = arith.constant 0 : i32
    %dma_start3A_436 = arith.constant 0 : i32
    %dma_start3A_437 = tpu.memref_slice %arg15[%dma_start3A_434, %dma_start3A_435, %dma_start3A_436] : memref<8x64x128xf32, #tpu.memory_space<vmem>> -> memref<1x64x128xf32, #tpu.memory_space<vmem>>
    %dma_start3A_438 = tpu.memref_squeeze %dma_start3A_437 : memref<1x64x128xf32, #tpu.memory_space<vmem>> -> memref<64x128xf32, #tpu.memory_space<vmem>>
    %dma_start3A_439 = arith.constant 0 : i32
    %dma_start3A_440 = tpu.memref_slice %arg7[%dma_start3A_439, %multiple_of3A_420] : memref<64x1000000xf32, #tpu.memory_space<hbm>> -> memref<64x128xf32, #tpu.memory_space<hbm>>
    %dma_start3A_441 = arith.constant 0 : i32
    %dma_start3A_442 = arith.constant 0 : i32
    %dma_start3A_443 = tpu.memref_slice %arg15[%dma_start3A_434, %dma_start3A_441, %dma_start3A_442] : memref<8x64x128xf32, #tpu.memory_space<vmem>> -> memref<1x64x128xf32, #tpu.memory_space<vmem>>
    %dma_start3A_444 = tpu.memref_squeeze %dma_start3A_443 : memref<1x64x128xf32, #tpu.memory_space<vmem>> -> memref<64x128xf32, #tpu.memory_space<vmem>>
    %dma_start3A_445 = arith.constant 0 : i32
    %dma_start3A_446 = tpu.memref_slice %arg7[%dma_start3A_445, %multiple_of3A_420] : memref<64x1000000xf32, #tpu.memory_space<hbm>> -> memref<64x128xf32, #tpu.memory_space<hbm>>
    tpu.enqueue_dma source(%dma_start3A_446 : memref<64x128xf32, #tpu.memory_space<hbm>>) target(%dma_start3A_444 : memref<64x128xf32, #tpu.memory_space<vmem>>) target_semaphore(%arg19 : memref<!tpu.dma_semaphore, #tpu.memory_space<semaphore_mem>>)
    %multiple_of3A_447 = arith.constant 0 : i32
    %multiple_of3A_448 = tpu.assume_multiple %multiple_of3A_447, 16 : i32
    %get3A_449 = arith.index_cast %multiple_of3A_448 : i32 to index
    %get3A_450 = tpu.vector_load %arg13[%get3A_449] {strides = array<i32>} : memref<512xi32, #tpu.memory_space<vmem>>, vector<16xi32>,
    %eq3A_451 = arith.constant 2 : i32
    %eq3A_452 = vector.broadcast %eq3A_451 : i32 to vector<16xi32>
    %eq3A_453 = arith.cmpi eq, %iota3A, %eq3A_452 : vector<16xi32>
    %jit3A_454 = arith.constant 0 : i32
    %broadcast_in_dim3A_455 = vector.broadcast %jit3A_454 : i32 to vector<16xi32>
    %select_n3A_456 = arith.select %eq3A_453, %get3A_450, %broadcast_in_dim3A_455 : vector<16xi1>, vector<16xi32>
    %reduce_sum3A_457 = arith.constant true
    %reduce_sum3A_458 = vector.broadcast %reduce_sum3A_457 : i1 to vector<16xi1>
    %reduce_sum3A_459 = tpu.scan <sum>, %select_n3A_456 masked %reduce_sum3A_458 : vector<16xi32>, vector<16xi1> -> vector<16xi32>
    %reduce_sum3A_460 = vector.extract %reduce_sum3A_459[15] : i32 from vector<16xi32>
    %shift_right_arithmetic3A_461 = arith.constant 7 : i32
    %shift_right_arithmetic3A_462 = arith.shrsi %reduce_sum3A_460, %shift_right_arithmetic3A_461 : i32
    %shift_left3A_463 = arith.constant 7 : i32
    %shift_left3A_464 = arith.shli %shift_right_arithmetic3A_462, %shift_left3A_463 : i32
    %multiple_of3A_465 = tpu.assume_multiple %shift_left3A_464, 128 : i32
    %dma_start3A_466 = arith.constant 2 : i32
    %dma_start3A_467 = arith.constant 0 : i32
    %dma_start3A_468 = arith.constant 0 : i32
    %dma_start3A_469 = tpu.memref_slice %arg14[%dma_start3A_466, %dma_start3A_467, %dma_start3A_468] : memref<8x16x128xf32, #tpu.memory_space<vmem>> -> memref<1x16x128xf32, #tpu.memory_space<vmem>>
    %dma_start3A_470 = tpu.memref_squeeze %dma_start3A_469 : memref<1x16x128xf32, #tpu.memory_space<vmem>> -> memref<16x128xf32, #tpu.memory_space<vmem>>
    %dma_start3A_471 = arith.constant 0 : i32
    %dma_start3A_472 = tpu.memref_slice %arg5[%dma_start3A_471, %multiple_of3A_465] : memref<16x1000000xf32, #tpu.memory_space<hbm>> -> memref<16x128xf32, #tpu.memory_space<hbm>>
    %dma_start3A_473 = arith.constant 0 : i32
    %dma_start3A_474 = arith.constant 0 : i32
    %dma_start3A_475 = tpu.memref_slice %arg14[%dma_start3A_466, %dma_start3A_473, %dma_start3A_474] : memref<8x16x128xf32, #tpu.memory_space<vmem>> -> memref<1x16x128xf32, #tpu.memory_space<vmem>>
    %dma_start3A_476 = tpu.memref_squeeze %dma_start3A_475 : memref<1x16x128xf32, #tpu.memory_space<vmem>> -> memref<16x128xf32, #tpu.memory_space<vmem>>
    %dma_start3A_477 = arith.constant 0 : i32
    %dma_start3A_478 = tpu.memref_slice %arg5[%dma_start3A_477, %multiple_of3A_465] : memref<16x1000000xf32, #tpu.memory_space<hbm>> -> memref<16x128xf32, #tpu.memory_space<hbm>>
    tpu.enqueue_dma source(%dma_start3A_478 : memref<16x128xf32, #tpu.memory_space<hbm>>) target(%dma_start3A_476 : memref<16x128xf32, #tpu.memory_space<vmem>>) target_semaphore(%arg20 : memref<!tpu.dma_semaphore, #tpu.memory_space<semaphore_mem>>)
    %dma_start3A_479 = arith.constant 2 : i32
    %dma_start3A_480 = arith.constant 0 : i32
    %dma_start3A_481 = arith.constant 0 : i32
    %dma_start3A_482 = tpu.memref_slice %arg15[%dma_start3A_479, %dma_start3A_480, %dma_start3A_481] : memref<8x64x128xf32, #tpu.memory_space<vmem>> -> memref<1x64x128xf32, #tpu.memory_space<vmem>>
    %dma_start3A_483 = tpu.memref_squeeze %dma_start3A_482 : memref<1x64x128xf32, #tpu.memory_space<vmem>> -> memref<64x128xf32, #tpu.memory_space<vmem>>
    %dma_start3A_484 = arith.constant 0 : i32
    %dma_start3A_485 = tpu.memref_slice %arg7[%dma_start3A_484, %multiple_of3A_465] : memref<64x1000000xf32, #tpu.memory_space<hbm>> -> memref<64x128xf32, #tpu.memory_space<hbm>>
    %dma_start3A_486 = arith.constant 0 : i32
    %dma_start3A_487 = arith.constant 0 : i32
    %dma_start3A_488 = tpu.memref_slice %arg15[%dma_start3A_479, %dma_start3A_486, %dma_start3A_487] : memref<8x64x128xf32, #tpu.memory_space<vmem>> -> memref<1x64x128xf32, #tpu.memory_space<vmem>>
    %dma_start3A_489 = tpu.memref_squeeze %dma_start3A_488 : memref<1x64x128xf32, #tpu.memory_space<vmem>> -> memref<64x128xf32, #tpu.memory_space<vmem>>
    %dma_start3A_490 = arith.constant 0 : i32
    %dma_start3A_491 = tpu.memref_slice %arg7[%dma_start3A_490, %multiple_of3A_465] : memref<64x1000000xf32, #tpu.memory_space<hbm>> -> memref<64x128xf32, #tpu.memory_space<hbm>>
    tpu.enqueue_dma source(%dma_start3A_491 : memref<64x128xf32, #tpu.memory_space<hbm>>) target(%dma_start3A_489 : memref<64x128xf32, #tpu.memory_space<vmem>>) target_semaphore(%arg20 : memref<!tpu.dma_semaphore, #tpu.memory_space<semaphore_mem>>)
    %multiple_of3A_492 = arith.constant 0 : i32
    %multiple_of3A_493 = tpu.assume_multiple %multiple_of3A_492, 16 : i32
    %get3A_494 = arith.index_cast %multiple_of3A_493 : i32 to index
    %get3A_495 = tpu.vector_load %arg13[%get3A_494] {strides = array<i32>} : memref<512xi32, #tpu.memory_space<vmem>>, vector<16xi32>,
    %eq3A_496 = arith.constant 3 : i32
    %eq3A_497 = vector.broadcast %eq3A_496 : i32 to vector<16xi32>
    %eq3A_498 = arith.cmpi eq, %iota3A, %eq3A_497 : vector<16xi32>
    %jit3A_499 = arith.constant 0 : i32
    %broadcast_in_dim3A_500 = vector.broadcast %jit3A_499 : i32 to vector<16xi32>
    %select_n3A_501 = arith.select %eq3A_498, %get3A_495, %broadcast_in_dim3A_500 : vector<16xi1>, vector<16xi32>
    %reduce_sum3A_502 = arith.constant true
    %reduce_sum3A_503 = vector.broadcast %reduce_sum3A_502 : i1 to vector<16xi1>
    %reduce_sum3A_504 = tpu.scan <sum>, %select_n3A_501 masked %reduce_sum3A_503 : vector<16xi32>, vector<16xi1> -> vector<16xi32>
    %reduce_sum3A_505 = vector.extract %reduce_sum3A_504[15] : i32 from vector<16xi32>
    %shift_right_arithmetic3A_506 = arith.constant 7 : i32
    %shift_right_arithmetic3A_507 = arith.shrsi %reduce_sum3A_505, %shift_right_arithmetic3A_506 : i32
    %shift_left3A_508 = arith.constant 7 : i32
    %shift_left3A_509 = arith.shli %shift_right_arithmetic3A_507, %shift_left3A_508 : i32
    %multiple_of3A_510 = tpu.assume_multiple %shift_left3A_509, 128 : i32
    %dma_start3A_511 = arith.constant 3 : i32
    %dma_start3A_512 = arith.constant 0 : i32
    %dma_start3A_513 = arith.constant 0 : i32
    %dma_start3A_514 = tpu.memref_slice %arg14[%dma_start3A_511, %dma_start3A_512, %dma_start3A_513] : memref<8x16x128xf32, #tpu.memory_space<vmem>> -> memref<1x16x128xf32, #tpu.memory_space<vmem>>
    %dma_start3A_515 = tpu.memref_squeeze %dma_start3A_514 : memref<1x16x128xf32, #tpu.memory_space<vmem>> -> memref<16x128xf32, #tpu.memory_space<vmem>>
    %dma_start3A_516 = arith.constant 0 : i32
    %dma_start3A_517 = tpu.memref_slice %arg5[%dma_start3A_516, %multiple_of3A_510] : memref<16x1000000xf32, #tpu.memory_space<hbm>> -> memref<16x128xf32, #tpu.memory_space<hbm>>
    %dma_start3A_518 = arith.constant 0 : i32
    %dma_start3A_519 = arith.constant 0 : i32
    %dma_start3A_520 = tpu.memref_slice %arg14[%dma_start3A_511, %dma_start3A_518, %dma_start3A_519] : memref<8x16x128xf32, #tpu.memory_space<vmem>> -> memref<1x16x128xf32, #tpu.memory_space<vmem>>
    %dma_start3A_521 = tpu.memref_squeeze %dma_start3A_520 : memref<1x16x128xf32, #tpu.memory_space<vmem>> -> memref<16x128xf32, #tpu.memory_space<vmem>>
    %dma_start3A_522 = arith.constant 0 : i32
    %dma_start3A_523 = tpu.memref_slice %arg5[%dma_start3A_522, %multiple_of3A_510] : memref<16x1000000xf32, #tpu.memory_space<hbm>> -> memref<16x128xf32, #tpu.memory_space<hbm>>
    tpu.enqueue_dma source(%dma_start3A_523 : memref<16x128xf32, #tpu.memory_space<hbm>>) target(%dma_start3A_521 : memref<16x128xf32, #tpu.memory_space<vmem>>) target_semaphore(%arg21 : memref<!tpu.dma_semaphore, #tpu.memory_space<semaphore_mem>>)
    %dma_start3A_524 = arith.constant 3 : i32
    %dma_start3A_525 = arith.constant 0 : i32
    %dma_start3A_526 = arith.constant 0 : i32
    %dma_start3A_527 = tpu.memref_slice %arg15[%dma_start3A_524, %dma_start3A_525, %dma_start3A_526] : memref<8x64x128xf32, #tpu.memory_space<vmem>> -> memref<1x64x128xf32, #tpu.memory_space<vmem>>
    %dma_start3A_528 = tpu.memref_squeeze %dma_start3A_527 : memref<1x64x128xf32, #tpu.memory_space<vmem>> -> memref<64x128xf32, #tpu.memory_space<vmem>>
    %dma_start3A_529 = arith.constant 0 : i32
    %dma_start3A_530 = tpu.memref_slice %arg7[%dma_start3A_529, %multiple_of3A_510] : memref<64x1000000xf32, #tpu.memory_space<hbm>> -> memref<64x128xf32, #tpu.memory_space<hbm>>
    %dma_start3A_531 = arith.constant 0 : i32
    %dma_start3A_532 = arith.constant 0 : i32
    %dma_start3A_533 = tpu.memref_slice %arg15[%dma_start3A_524, %dma_start3A_531, %dma_start3A_532] : memref<8x64x128xf32, #tpu.memory_space<vmem>> -> memref<1x64x128xf32, #tpu.memory_space<vmem>>
    %dma_start3A_534 = tpu.memref_squeeze %dma_start3A_533 : memref<1x64x128xf32, #tpu.memory_space<vmem>> -> memref<64x128xf32, #tpu.memory_space<vmem>>
    %dma_start3A_535 = arith.constant 0 : i32
    %dma_start3A_536 = tpu.memref_slice %arg7[%dma_start3A_535, %multiple_of3A_510] : memref<64x1000000xf32, #tpu.memory_space<hbm>> -> memref<64x128xf32, #tpu.memory_space<hbm>>
    tpu.enqueue_dma source(%dma_start3A_536 : memref<64x128xf32, #tpu.memory_space<hbm>>) target(%dma_start3A_534 : memref<64x128xf32, #tpu.memory_space<vmem>>) target_semaphore(%arg21 : memref<!tpu.dma_semaphore, #tpu.memory_space<semaphore_mem>>)
    %multiple_of3A_537 = arith.constant 0 : i32
    %multiple_of3A_538 = tpu.assume_multiple %multiple_of3A_537, 16 : i32
    %get3A_539 = arith.index_cast %multiple_of3A_538 : i32 to index
    %get3A_540 = tpu.vector_load %arg13[%get3A_539] {strides = array<i32>} : memref<512xi32, #tpu.memory_space<vmem>>, vector<16xi32>,
    %eq3A_541 = arith.constant 4 : i32
    %eq3A_542 = vector.broadcast %eq3A_541 : i32 to vector<16xi32>
    %eq3A_543 = arith.cmpi eq, %iota3A, %eq3A_542 : vector<16xi32>
    %jit3A_544 = arith.constant 0 : i32
    %broadcast_in_dim3A_545 = vector.broadcast %jit3A_544 : i32 to vector<16xi32>
    %select_n3A_546 = arith.select %eq3A_543, %get3A_540, %broadcast_in_dim3A_545 : vector<16xi1>, vector<16xi32>
    %reduce_sum3A_547 = arith.constant true
    %reduce_sum3A_548 = vector.broadcast %reduce_sum3A_547 : i1 to vector<16xi1>
    %reduce_sum3A_549 = tpu.scan <sum>, %select_n3A_546 masked %reduce_sum3A_548 : vector<16xi32>, vector<16xi1> -> vector<16xi32>
    %reduce_sum3A_550 = vector.extract %reduce_sum3A_549[15] : i32 from vector<16xi32>
    %shift_right_arithmetic3A_551 = arith.constant 7 : i32
    %shift_right_arithmetic3A_552 = arith.shrsi %reduce_sum3A_550, %shift_right_arithmetic3A_551 : i32
    %shift_left3A_553 = arith.constant 7 : i32
    %shift_left3A_554 = arith.shli %shift_right_arithmetic3A_552, %shift_left3A_553 : i32
    %multiple_of3A_555 = tpu.assume_multiple %shift_left3A_554, 128 : i32
    %dma_start3A_556 = arith.constant 4 : i32
    %dma_start3A_557 = arith.constant 0 : i32
    %dma_start3A_558 = arith.constant 0 : i32
    %dma_start3A_559 = tpu.memref_slice %arg14[%dma_start3A_556, %dma_start3A_557, %dma_start3A_558] : memref<8x16x128xf32, #tpu.memory_space<vmem>> -> memref<1x16x128xf32, #tpu.memory_space<vmem>>
    %dma_start3A_560 = tpu.memref_squeeze %dma_start3A_559 : memref<1x16x128xf32, #tpu.memory_space<vmem>> -> memref<16x128xf32, #tpu.memory_space<vmem>>
    %dma_start3A_561 = arith.constant 0 : i32
    %dma_start3A_562 = tpu.memref_slice %arg5[%dma_start3A_561, %multiple_of3A_555] : memref<16x1000000xf32, #tpu.memory_space<hbm>> -> memref<16x128xf32, #tpu.memory_space<hbm>>
    %dma_start3A_563 = arith.constant 0 : i32
    %dma_start3A_564 = arith.constant 0 : i32
    %dma_start3A_565 = tpu.memref_slice %arg14[%dma_start3A_556, %dma_start3A_563, %dma_start3A_564] : memref<8x16x128xf32, #tpu.memory_space<vmem>> -> memref<1x16x128xf32, #tpu.memory_space<vmem>>
    %dma_start3A_566 = tpu.memref_squeeze %dma_start3A_565 : memref<1x16x128xf32, #tpu.memory_space<vmem>> -> memref<16x128xf32, #tpu.memory_space<vmem>>
    %dma_start3A_567 = arith.constant 0 : i32
    %dma_start3A_568 = tpu.memref_slice %arg5[%dma_start3A_567, %multiple_of3A_555] : memref<16x1000000xf32, #tpu.memory_space<hbm>> -> memref<16x128xf32, #tpu.memory_space<hbm>>
    tpu.enqueue_dma source(%dma_start3A_568 : memref<16x128xf32, #tpu.memory_space<hbm>>) target(%dma_start3A_566 : memref<16x128xf32, #tpu.memory_space<vmem>>) target_semaphore(%arg22 : memref<!tpu.dma_semaphore, #tpu.memory_space<semaphore_mem>>)
    %dma_start3A_569 = arith.constant 4 : i32
    %dma_start3A_570 = arith.constant 0 : i32
    %dma_start3A_571 = arith.constant 0 : i32
    %dma_start3A_572 = tpu.memref_slice %arg15[%dma_start3A_569, %dma_start3A_570, %dma_start3A_571] : memref<8x64x128xf32, #tpu.memory_space<vmem>> -> memref<1x64x128xf32, #tpu.memory_space<vmem>>
    %dma_start3A_573 = tpu.memref_squeeze %dma_start3A_572 : memref<1x64x128xf32, #tpu.memory_space<vmem>> -> memref<64x128xf32, #tpu.memory_space<vmem>>
    %dma_start3A_574 = arith.constant 0 : i32
    %dma_start3A_575 = tpu.memref_slice %arg7[%dma_start3A_574, %multiple_of3A_555] : memref<64x1000000xf32, #tpu.memory_space<hbm>> -> memref<64x128xf32, #tpu.memory_space<hbm>>
    %dma_start3A_576 = arith.constant 0 : i32
    %dma_start3A_577 = arith.constant 0 : i32
    %dma_start3A_578 = tpu.memref_slice %arg15[%dma_start3A_569, %dma_start3A_576, %dma_start3A_577] : memref<8x64x128xf32, #tpu.memory_space<vmem>> -> memref<1x64x128xf32, #tpu.memory_space<vmem>>
    %dma_start3A_579 = tpu.memref_squeeze %dma_start3A_578 : memref<1x64x128xf32, #tpu.memory_space<vmem>> -> memref<64x128xf32, #tpu.memory_space<vmem>>
    %dma_start3A_580 = arith.constant 0 : i32
    %dma_start3A_581 = tpu.memref_slice %arg7[%dma_start3A_580, %multiple_of3A_555] : memref<64x1000000xf32, #tpu.memory_space<hbm>> -> memref<64x128xf32, #tpu.memory_space<hbm>>
    tpu.enqueue_dma source(%dma_start3A_581 : memref<64x128xf32, #tpu.memory_space<hbm>>) target(%dma_start3A_579 : memref<64x128xf32, #tpu.memory_space<vmem>>) target_semaphore(%arg22 : memref<!tpu.dma_semaphore, #tpu.memory_space<semaphore_mem>>)
    %multiple_of3A_582 = arith.constant 0 : i32
    %multiple_of3A_583 = tpu.assume_multiple %multiple_of3A_582, 16 : i32
    %get3A_584 = arith.index_cast %multiple_of3A_583 : i32 to index
    %get3A_585 = tpu.vector_load %arg13[%get3A_584] {strides = array<i32>} : memref<512xi32, #tpu.memory_space<vmem>>, vector<16xi32>,
    %eq3A_586 = arith.constant 5 : i32
    %eq3A_587 = vector.broadcast %eq3A_586 : i32 to vector<16xi32>
    %eq3A_588 = arith.cmpi eq, %iota3A, %eq3A_587 : vector<16xi32>
    %jit3A_589 = arith.constant 0 : i32
    %broadcast_in_dim3A_590 = vector.broadcast %jit3A_589 : i32 to vector<16xi32>
    %select_n3A_591 = arith.select %eq3A_588, %get3A_585, %broadcast_in_dim3A_590 : vector<16xi1>, vector<16xi32>
    %reduce_sum3A_592 = arith.constant true
    %reduce_sum3A_593 = vector.broadcast %reduce_sum3A_592 : i1 to vector<16xi1>
    %reduce_sum3A_594 = tpu.scan <sum>, %select_n3A_591 masked %reduce_sum3A_593 : vector<16xi32>, vector<16xi1> -> vector<16xi32>
    %reduce_sum3A_595 = vector.extract %reduce_sum3A_594[15] : i32 from vector<16xi32>
    %shift_right_arithmetic3A_596 = arith.constant 7 : i32
    %shift_right_arithmetic3A_597 = arith.shrsi %reduce_sum3A_595, %shift_right_arithmetic3A_596 : i32
    %shift_left3A_598 = arith.constant 7 : i32
    %shift_left3A_599 = arith.shli %shift_right_arithmetic3A_597, %shift_left3A_598 : i32
    %multiple_of3A_600 = tpu.assume_multiple %shift_left3A_599, 128 : i32
    %dma_start3A_601 = arith.constant 5 : i32
    %dma_start3A_602 = arith.constant 0 : i32
    %dma_start3A_603 = arith.constant 0 : i32
    %dma_start3A_604 = tpu.memref_slice %arg14[%dma_start3A_601, %dma_start3A_602, %dma_start3A_603] : memref<8x16x128xf32, #tpu.memory_space<vmem>> -> memref<1x16x128xf32, #tpu.memory_space<vmem>>
    %dma_start3A_605 = tpu.memref_squeeze %dma_start3A_604 : memref<1x16x128xf32, #tpu.memory_space<vmem>> -> memref<16x128xf32, #tpu.memory_space<vmem>>
    %dma_start3A_606 = arith.constant 0 : i32
    %dma_start3A_607 = tpu.memref_slice %arg5[%dma_start3A_606, %multiple_of3A_600] : memref<16x1000000xf32, #tpu.memory_space<hbm>> -> memref<16x128xf32, #tpu.memory_space<hbm>>
    %dma_start3A_608 = arith.constant 0 : i32
    %dma_start3A_609 = arith.constant 0 : i32
    %dma_start3A_610 = tpu.memref_slice %arg14[%dma_start3A_601, %dma_start3A_608, %dma_start3A_609] : memref<8x16x128xf32, #tpu.memory_space<vmem>> -> memref<1x16x128xf32, #tpu.memory_space<vmem>>
    %dma_start3A_611 = tpu.memref_squeeze %dma_start3A_610 : memref<1x16x128xf32, #tpu.memory_space<vmem>> -> memref<16x128xf32, #tpu.memory_space<vmem>>
    %dma_start3A_612 = arith.constant 0 : i32
    %dma_start3A_613 = tpu.memref_slice %arg5[%dma_start3A_612, %multiple_of3A_600] : memref<16x1000000xf32, #tpu.memory_space<hbm>> -> memref<16x128xf32, #tpu.memory_space<hbm>>
    tpu.enqueue_dma source(%dma_start3A_613 : memref<16x128xf32, #tpu.memory_space<hbm>>) target(%dma_start3A_611 : memref<16x128xf32, #tpu.memory_space<vmem>>) target_semaphore(%arg23 : memref<!tpu.dma_semaphore, #tpu.memory_space<semaphore_mem>>)
    %dma_start3A_614 = arith.constant 5 : i32
    %dma_start3A_615 = arith.constant 0 : i32
    %dma_start3A_616 = arith.constant 0 : i32
    %dma_start3A_617 = tpu.memref_slice %arg15[%dma_start3A_614, %dma_start3A_615, %dma_start3A_616] : memref<8x64x128xf32, #tpu.memory_space<vmem>> -> memref<1x64x128xf32, #tpu.memory_space<vmem>>
    %dma_start3A_618 = tpu.memref_squeeze %dma_start3A_617 : memref<1x64x128xf32, #tpu.memory_space<vmem>> -> memref<64x128xf32, #tpu.memory_space<vmem>>
    %dma_start3A_619 = arith.constant 0 : i32
    %dma_start3A_620 = tpu.memref_slice %arg7[%dma_start3A_619, %multiple_of3A_600] : memref<64x1000000xf32, #tpu.memory_space<hbm>> -> memref<64x128xf32, #tpu.memory_space<hbm>>
    %dma_start3A_621 = arith.constant 0 : i32
    %dma_start3A_622 = arith.constant 0 : i32
    %dma_start3A_623 = tpu.memref_slice %arg15[%dma_start3A_614, %dma_start3A_621, %dma_start3A_622] : memref<8x64x128xf32, #tpu.memory_space<vmem>> -> memref<1x64x128xf32, #tpu.memory_space<vmem>>
    %dma_start3A_624 = tpu.memref_squeeze %dma_start3A_623 : memref<1x64x128xf32, #tpu.memory_space<vmem>> -> memref<64x128xf32, #tpu.memory_space<vmem>>
    %dma_start3A_625 = arith.constant 0 : i32
    %dma_start3A_626 = tpu.memref_slice %arg7[%dma_start3A_625, %multiple_of3A_600] : memref<64x1000000xf32, #tpu.memory_space<hbm>> -> memref<64x128xf32, #tpu.memory_space<hbm>>
    tpu.enqueue_dma source(%dma_start3A_626 : memref<64x128xf32, #tpu.memory_space<hbm>>) target(%dma_start3A_624 : memref<64x128xf32, #tpu.memory_space<vmem>>) target_semaphore(%arg23 : memref<!tpu.dma_semaphore, #tpu.memory_space<semaphore_mem>>)
    %multiple_of3A_627 = arith.constant 0 : i32
    %multiple_of3A_628 = tpu.assume_multiple %multiple_of3A_627, 16 : i32
    %get3A_629 = arith.index_cast %multiple_of3A_628 : i32 to index
    %get3A_630 = tpu.vector_load %arg13[%get3A_629] {strides = array<i32>} : memref<512xi32, #tpu.memory_space<vmem>>, vector<16xi32>,
    %eq3A_631 = arith.constant 6 : i32
    %eq3A_632 = vector.broadcast %eq3A_631 : i32 to vector<16xi32>
    %eq3A_633 = arith.cmpi eq, %iota3A, %eq3A_632 : vector<16xi32>
    %jit3A_634 = arith.constant 0 : i32
    %broadcast_in_dim3A_635 = vector.broadcast %jit3A_634 : i32 to vector<16xi32>
    %select_n3A_636 = arith.select %eq3A_633, %get3A_630, %broadcast_in_dim3A_635 : vector<16xi1>, vector<16xi32>
    %reduce_sum3A_637 = arith.constant true
    %reduce_sum3A_638 = vector.broadcast %reduce_sum3A_637 : i1 to vector<16xi1>
    %reduce_sum3A_639 = tpu.scan <sum>, %select_n3A_636 masked %reduce_sum3A_638 : vector<16xi32>, vector<16xi1> -> vector<16xi32>
    %reduce_sum3A_640 = vector.extract %reduce_sum3A_639[15] : i32 from vector<16xi32>
    %shift_right_arithmetic3A_641 = arith.constant 7 : i32
    %shift_right_arithmetic3A_642 = arith.shrsi %reduce_sum3A_640, %shift_right_arithmetic3A_641 : i32
    %shift_left3A_643 = arith.constant 7 : i32
    %shift_left3A_644 = arith.shli %shift_right_arithmetic3A_642, %shift_left3A_643 : i32
    %multiple_of3A_645 = tpu.assume_multiple %shift_left3A_644, 128 : i32
    %dma_start3A_646 = arith.constant 6 : i32
    %dma_start3A_647 = arith.constant 0 : i32
    %dma_start3A_648 = arith.constant 0 : i32
    %dma_start3A_649 = tpu.memref_slice %arg14[%dma_start3A_646, %dma_start3A_647, %dma_start3A_648] : memref<8x16x128xf32, #tpu.memory_space<vmem>> -> memref<1x16x128xf32, #tpu.memory_space<vmem>>
    %dma_start3A_650 = tpu.memref_squeeze %dma_start3A_649 : memref<1x16x128xf32, #tpu.memory_space<vmem>> -> memref<16x128xf32, #tpu.memory_space<vmem>>
    %dma_start3A_651 = arith.constant 0 : i32
    %dma_start3A_652 = tpu.memref_slice %arg5[%dma_start3A_651, %multiple_of3A_645] : memref<16x1000000xf32, #tpu.memory_space<hbm>> -> memref<16x128xf32, #tpu.memory_space<hbm>>
    %dma_start3A_653 = arith.constant 0 : i32
    %dma_start3A_654 = arith.constant 0 : i32
    %dma_start3A_655 = tpu.memref_slice %arg14[%dma_start3A_646, %dma_start3A_653, %dma_start3A_654] : memref<8x16x128xf32, #tpu.memory_space<vmem>> -> memref<1x16x128xf32, #tpu.memory_space<vmem>>
    %dma_start3A_656 = tpu.memref_squeeze %dma_start3A_655 : memref<1x16x128xf32, #tpu.memory_space<vmem>> -> memref<16x128xf32, #tpu.memory_space<vmem>>
    %dma_start3A_657 = arith.constant 0 : i32
    %dma_start3A_658 = tpu.memref_slice %arg5[%dma_start3A_657, %multiple_of3A_645] : memref<16x1000000xf32, #tpu.memory_space<hbm>> -> memref<16x128xf32, #tpu.memory_space<hbm>>
    tpu.enqueue_dma source(%dma_start3A_658 : memref<16x128xf32, #tpu.memory_space<hbm>>) target(%dma_start3A_656 : memref<16x128xf32, #tpu.memory_space<vmem>>) target_semaphore(%arg24 : memref<!tpu.dma_semaphore, #tpu.memory_space<semaphore_mem>>)
    %dma_start3A_659 = arith.constant 6 : i32
    %dma_start3A_660 = arith.constant 0 : i32
    %dma_start3A_661 = arith.constant 0 : i32
    %dma_start3A_662 = tpu.memref_slice %arg15[%dma_start3A_659, %dma_start3A_660, %dma_start3A_661] : memref<8x64x128xf32, #tpu.memory_space<vmem>> -> memref<1x64x128xf32, #tpu.memory_space<vmem>>
    %dma_start3A_663 = tpu.memref_squeeze %dma_start3A_662 : memref<1x64x128xf32, #tpu.memory_space<vmem>> -> memref<64x128xf32, #tpu.memory_space<vmem>>
    %dma_start3A_664 = arith.constant 0 : i32
    %dma_start3A_665 = tpu.memref_slice %arg7[%dma_start3A_664, %multiple_of3A_645] : memref<64x1000000xf32, #tpu.memory_space<hbm>> -> memref<64x128xf32, #tpu.memory_space<hbm>>
    %dma_start3A_666 = arith.constant 0 : i32
    %dma_start3A_667 = arith.constant 0 : i32
    %dma_start3A_668 = tpu.memref_slice %arg15[%dma_start3A_659, %dma_start3A_666, %dma_start3A_667] : memref<8x64x128xf32, #tpu.memory_space<vmem>> -> memref<1x64x128xf32, #tpu.memory_space<vmem>>
    %dma_start3A_669 = tpu.memref_squeeze %dma_start3A_668 : memref<1x64x128xf32, #tpu.memory_space<vmem>> -> memref<64x128xf32, #tpu.memory_space<vmem>>
    %dma_start3A_670 = arith.constant 0 : i32
    %dma_start3A_671 = tpu.memref_slice %arg7[%dma_start3A_670, %multiple_of3A_645] : memref<64x1000000xf32, #tpu.memory_space<hbm>> -> memref<64x128xf32, #tpu.memory_space<hbm>>
    tpu.enqueue_dma source(%dma_start3A_671 : memref<64x128xf32, #tpu.memory_space<hbm>>) target(%dma_start3A_669 : memref<64x128xf32, #tpu.memory_space<vmem>>) target_semaphore(%arg24 : memref<!tpu.dma_semaphore, #tpu.memory_space<semaphore_mem>>)
    %multiple_of3A_672 = arith.constant 0 : i32
    %multiple_of3A_673 = tpu.assume_multiple %multiple_of3A_672, 16 : i32
    %get3A_674 = arith.index_cast %multiple_of3A_673 : i32 to index
    %get3A_675 = tpu.vector_load %arg13[%get3A_674] {strides = array<i32>} : memref<512xi32, #tpu.memory_space<vmem>>, vector<16xi32>,
    %eq3A_676 = arith.constant 7 : i32
    %eq3A_677 = vector.broadcast %eq3A_676 : i32 to vector<16xi32>
    %eq3A_678 = arith.cmpi eq, %iota3A, %eq3A_677 : vector<16xi32>
    %jit3A_679 = arith.constant 0 : i32
    %broadcast_in_dim3A_680 = vector.broadcast %jit3A_679 : i32 to vector<16xi32>
    %select_n3A_681 = arith.select %eq3A_678, %get3A_675, %broadcast_in_dim3A_680 : vector<16xi1>, vector<16xi32>
    %reduce_sum3A_682 = arith.constant true
    %reduce_sum3A_683 = vector.broadcast %reduce_sum3A_682 : i1 to vector<16xi1>
    %reduce_sum3A_684 = tpu.scan <sum>, %select_n3A_681 masked %reduce_sum3A_683 : vector<16xi32>, vector<16xi1> -> vector<16xi32>
    %reduce_sum3A_685 = vector.extract %reduce_sum3A_684[15] : i32 from vector<16xi32>
    %shift_right_arithmetic3A_686 = arith.constant 7 : i32
    %shift_right_arithmetic3A_687 = arith.shrsi %reduce_sum3A_685, %shift_right_arithmetic3A_686 : i32
    %shift_left3A_688 = arith.constant 7 : i32
    %shift_left3A_689 = arith.shli %shift_right_arithmetic3A_687, %shift_left3A_688 : i32
    %multiple_of3A_690 = tpu.assume_multiple %shift_left3A_689, 128 : i32
    %dma_start3A_691 = arith.constant 7 : i32
    %dma_start3A_692 = arith.constant 0 : i32
    %dma_start3A_693 = arith.constant 0 : i32
    %dma_start3A_694 = tpu.memref_slice %arg14[%dma_start3A_691, %dma_start3A_692, %dma_start3A_693] : memref<8x16x128xf32, #tpu.memory_space<vmem>> -> memref<1x16x128xf32, #tpu.memory_space<vmem>>
    %dma_start3A_695 = tpu.memref_squeeze %dma_start3A_694 : memref<1x16x128xf32, #tpu.memory_space<vmem>> -> memref<16x128xf32, #tpu.memory_space<vmem>>
    %dma_start3A_696 = arith.constant 0 : i32
    %dma_start3A_697 = tpu.memref_slice %arg5[%dma_start3A_696, %multiple_of3A_690] : memref<16x1000000xf32, #tpu.memory_space<hbm>> -> memref<16x128xf32, #tpu.memory_space<hbm>>
    %dma_start3A_698 = arith.constant 0 : i32
    %dma_start3A_699 = arith.constant 0 : i32
    %dma_start3A_700 = tpu.memref_slice %arg14[%dma_start3A_691, %dma_start3A_698, %dma_start3A_699] : memref<8x16x128xf32, #tpu.memory_space<vmem>> -> memref<1x16x128xf32, #tpu.memory_space<vmem>>
    %dma_start3A_701 = tpu.memref_squeeze %dma_start3A_700 : memref<1x16x128xf32, #tpu.memory_space<vmem>> -> memref<16x128xf32, #tpu.memory_space<vmem>>
    %dma_start3A_702 = arith.constant 0 : i32
    %dma_start3A_703 = tpu.memref_slice %arg5[%dma_start3A_702, %multiple_of3A_690] : memref<16x1000000xf32, #tpu.memory_space<hbm>> -> memref<16x128xf32, #tpu.memory_space<hbm>>
    tpu.enqueue_dma source(%dma_start3A_703 : memref<16x128xf32, #tpu.memory_space<hbm>>) target(%dma_start3A_701 : memref<16x128xf32, #tpu.memory_space<vmem>>) target_semaphore(%arg25 : memref<!tpu.dma_semaphore, #tpu.memory_space<semaphore_mem>>)
    %dma_start3A_704 = arith.constant 7 : i32
    %dma_start3A_705 = arith.constant 0 : i32
    %dma_start3A_706 = arith.constant 0 : i32
    %dma_start3A_707 = tpu.memref_slice %arg15[%dma_start3A_704, %dma_start3A_705, %dma_start3A_706] : memref<8x64x128xf32, #tpu.memory_space<vmem>> -> memref<1x64x128xf32, #tpu.memory_space<vmem>>
    %dma_start3A_708 = tpu.memref_squeeze %dma_start3A_707 : memref<1x64x128xf32, #tpu.memory_space<vmem>> -> memref<64x128xf32, #tpu.memory_space<vmem>>
    %dma_start3A_709 = arith.constant 0 : i32
    %dma_start3A_710 = tpu.memref_slice %arg7[%dma_start3A_709, %multiple_of3A_690] : memref<64x1000000xf32, #tpu.memory_space<hbm>> -> memref<64x128xf32, #tpu.memory_space<hbm>>
    %dma_start3A_711 = arith.constant 0 : i32
    %dma_start3A_712 = arith.constant 0 : i32
    %dma_start3A_713 = tpu.memref_slice %arg15[%dma_start3A_704, %dma_start3A_711, %dma_start3A_712] : memref<8x64x128xf32, #tpu.memory_space<vmem>> -> memref<1x64x128xf32, #tpu.memory_space<vmem>>
    %dma_start3A_714 = tpu.memref_squeeze %dma_start3A_713 : memref<1x64x128xf32, #tpu.memory_space<vmem>> -> memref<64x128xf32, #tpu.memory_space<vmem>>
    %dma_start3A_715 = arith.constant 0 : i32
    %dma_start3A_716 = tpu.memref_slice %arg7[%dma_start3A_715, %multiple_of3A_690] : memref<64x1000000xf32, #tpu.memory_space<hbm>> -> memref<64x128xf32, #tpu.memory_space<hbm>>
    tpu.enqueue_dma source(%dma_start3A_716 : memref<64x128xf32, #tpu.memory_space<hbm>>) target(%dma_start3A_714 : memref<64x128xf32, #tpu.memory_space<vmem>>) target_semaphore(%arg25 : memref<!tpu.dma_semaphore, #tpu.memory_space<semaphore_mem>>)
    %scan3A_717 = arith.constant 1 : i32
    %scan3A_718 = arith.constant 64 : i32
    %scan3A_719 = arith.addi %scan3A_717, %scan3A_718 : i32
    %scan3A_720 = arith.constant 1 : i32
    scf.for %scan3A_722 = %scan3A_717 to %scan3A_719 step %scan3A_720  : i32 {
      %sub3A = arith.constant 1 : i32
      %sub3A_723 = arith.subi %scan3A_722, %sub3A : i32
      %mul3A_724 = arith.constant 8 : i32
      %mul3A_725 = arith.muli %sub3A_723, %mul3A_724 : i32
      %add3A_726 = arith.constant 0 : i32
      %add3A_727 = arith.addi %mul3A_725, %add3A_726 : i32
      %dma_wait3A = arith.constant 0 : i32
      %dma_wait3A_728 = arith.constant 0 : i32
      %dma_wait3A_729 = arith.constant 0 : i32
      %dma_wait3A_730 = tpu.memref_slice %arg14[%dma_wait3A, %dma_wait3A_728, %dma_wait3A_729] : memref<8x16x128xf32, #tpu.memory_space<vmem>> -> memref<1x16x128xf32, #tpu.memory_space<vmem>>
      %dma_wait3A_731 = tpu.memref_squeeze %dma_wait3A_730 : memref<1x16x128xf32, #tpu.memory_space<vmem>> -> memref<16x128xf32, #tpu.memory_space<vmem>>
      %dma_wait3A_732 = arith.constant 0 : i32
      %dma_wait3A_733 = arith.constant 0 : i32
      %dma_wait3A_734 = tpu.memref_slice %arg5[%dma_wait3A_732, %dma_wait3A_733] : memref<16x1000000xf32, #tpu.memory_space<hbm>> -> memref<16x128xf32, #tpu.memory_space<hbm>>
      %dma_wait3A_735 = arith.constant 0 : i32
      %dma_wait3A_736 = arith.constant 0 : i32
      %dma_wait3A_737 = tpu.memref_slice %arg14[%dma_wait3A, %dma_wait3A_735, %dma_wait3A_736] : memref<8x16x128xf32, #tpu.memory_space<vmem>> -> memref<1x16x128xf32, #tpu.memory_space<vmem>>
      %dma_wait3A_738 = tpu.memref_squeeze %dma_wait3A_737 : memref<1x16x128xf32, #tpu.memory_space<vmem>> -> memref<16x128xf32, #tpu.memory_space<vmem>>
      %dma_wait3A_739 = arith.constant 0 : i32
      %dma_wait3A_740 = arith.constant 0 : i32
      %dma_wait3A_741 = tpu.memref_slice %arg5[%dma_wait3A_739, %dma_wait3A_740] : memref<16x1000000xf32, #tpu.memory_space<hbm>> -> memref<16x128xf32, #tpu.memory_space<hbm>>
      tpu.wait_dma2 semaphore(%arg18 : memref<!tpu.dma_semaphore, #tpu.memory_space<semaphore_mem>>) src(%dma_wait3A_741 : memref<16x128xf32, #tpu.memory_space<hbm>>) dst(%dma_wait3A_738 : memref<16x128xf32, #tpu.memory_space<vmem>>)
      %dma_wait3A_742 = arith.constant 0 : i32
      %dma_wait3A_743 = arith.constant 0 : i32
      %dma_wait3A_744 = arith.constant 0 : i32
      %dma_wait3A_745 = tpu.memref_slice %arg15[%dma_wait3A_742, %dma_wait3A_743, %dma_wait3A_744] : memref<8x64x128xf32, #tpu.memory_space<vmem>> -> memref<1x64x128xf32, #tpu.memory_space<vmem>>
      %dma_wait3A_746 = tpu.memref_squeeze %dma_wait3A_745 : memref<1x64x128xf32, #tpu.memory_space<vmem>> -> memref<64x128xf32, #tpu.memory_space<vmem>>
      %dma_wait3A_747 = arith.constant 0 : i32
      %dma_wait3A_748 = arith.constant 0 : i32
      %dma_wait3A_749 = tpu.memref_slice %arg7[%dma_wait3A_747, %dma_wait3A_748] : memref<64x1000000xf32, #tpu.memory_space<hbm>> -> memref<64x128xf32, #tpu.memory_space<hbm>>
      %dma_wait3A_750 = arith.constant 0 : i32
      %dma_wait3A_751 = arith.constant 0 : i32
      %dma_wait3A_752 = tpu.memref_slice %arg15[%dma_wait3A_742, %dma_wait3A_750, %dma_wait3A_751] : memref<8x64x128xf32, #tpu.memory_space<vmem>> -> memref<1x64x128xf32, #tpu.memory_space<vmem>>
      %dma_wait3A_753 = tpu.memref_squeeze %dma_wait3A_752 : memref<1x64x128xf32, #tpu.memory_space<vmem>> -> memref<64x128xf32, #tpu.memory_space<vmem>>
      %dma_wait3A_754 = arith.constant 0 : i32
      %dma_wait3A_755 = arith.constant 0 : i32
      %dma_wait3A_756 = tpu.memref_slice %arg7[%dma_wait3A_754, %dma_wait3A_755] : memref<64x1000000xf32, #tpu.memory_space<hbm>> -> memref<64x128xf32, #tpu.memory_space<hbm>>
      tpu.wait_dma2 semaphore(%arg18 : memref<!tpu.dma_semaphore, #tpu.memory_space<semaphore_mem>>) src(%dma_wait3A_756 : memref<64x128xf32, #tpu.memory_space<hbm>>) dst(%dma_wait3A_753 : memref<64x128xf32, #tpu.memory_space<vmem>>)
      %shift_right_arithmetic3A_757 = arith.constant 4 : i32
      %shift_right_arithmetic3A_758 = arith.shrsi %add3A_727, %shift_right_arithmetic3A_757 : i32
      %shift_left3A_759 = arith.constant 4 : i32
      %shift_left3A_760 = arith.shli %shift_right_arithmetic3A_758, %shift_left3A_759 : i32
      %multiple_of3A_761 = tpu.assume_multiple %shift_left3A_760, 16 : i32
      %get3A_762 = arith.index_cast %multiple_of3A_761 : i32 to index
      %get3A_763 = tpu.vector_load %arg13[%get3A_762] {strides = array<i32>} : memref<512xi32, #tpu.memory_space<vmem>>, vector<16xi32>,
      %and3A = arith.constant 15 : i32
      %and3A_764 = arith.andi %add3A_727, %and3A : i32
      %eq3A_765 = vector.broadcast %and3A_764 : i32 to vector<16xi32>
      %eq3A_766 = arith.cmpi eq, %iota3A, %eq3A_765 : vector<16xi32>
      %jit3A_767 = arith.constant 0 : i32
      %broadcast_in_dim3A_768 = vector.broadcast %jit3A_767 : i32 to vector<16xi32>
      %select_n3A_769 = arith.select %eq3A_766, %get3A_763, %broadcast_in_dim3A_768 : vector<16xi1>, vector<16xi32>
      %reduce_sum3A_770 = arith.constant true
      %reduce_sum3A_771 = vector.broadcast %reduce_sum3A_770 : i1 to vector<16xi1>
      %reduce_sum3A_772 = tpu.scan <sum>, %select_n3A_769 masked %reduce_sum3A_771 : vector<16xi32>, vector<16xi1> -> vector<16xi32>
      %reduce_sum3A_773 = vector.extract %reduce_sum3A_772[15] : i32 from vector<16xi32>
      %and3A_774 = arith.constant 127 : i32
      %and3A_775 = arith.andi %reduce_sum3A_773, %and3A_774 : i32
      %broadcast_in_dim3A_776 = vector.broadcast %and3A_775 : i32 to vector<16xi32>
      %broadcast_in_dim3A_777 = vector.broadcast %add3A_727 : i32 to vector<16xi32>
      %gather3A = arith.constant 0 : i32
      %gather3A_778 = arith.constant 0 : i32
      %gather3A_779 = arith.constant 0 : i32
      %gather3A_780 = tpu.memref_slice %arg14[%gather3A, %gather3A_778, %gather3A_779] : memref<8x16x128xf32, #tpu.memory_space<vmem>> -> memref<1x16x128xf32, #tpu.memory_space<vmem>>
      %gather3A_781 = tpu.memref_squeeze %gather3A_780 : memref<1x16x128xf32, #tpu.memory_space<vmem>> -> memref<16x128xf32, #tpu.memory_space<vmem>>
      %gather3A_782 = tpu.vector_load_idx %gather3A_781[%iota3A, %broadcast_in_dim3A_776] : memref<16x128xf32, #tpu.memory_space<vmem>>[vector<16xi32>, vector<16xi32>], vector<16xf32>,
      tpu.vector_store_idx %arg16[%iota3A, %broadcast_in_dim3A_777], %gather3A_782 : memref<16x512xf32, #tpu.memory_space<vmem>>[vector<16xi32>, vector<16xi32>], vector<16xf32>,
      %add3A_783 = arith.constant 0 : i32
      %add3A_784 = vector.broadcast %add3A_783 : i32 to vector<16xi32>
      %add3A_785 = arith.addi %iota3A, %add3A_784 : vector<16xi32>
      %gather3A_786 = arith.constant 0 : i32
      %gather3A_787 = arith.constant 0 : i32
      %gather3A_788 = arith.constant 0 : i32
      %gather3A_789 = tpu.memref_slice %arg15[%gather3A_786, %gather3A_787, %gather3A_788] : memref<8x64x128xf32, #tpu.memory_space<vmem>> -> memref<1x64x128xf32, #tpu.memory_space<vmem>>
      %gather3A_790 = tpu.memref_squeeze %gather3A_789 : memref<1x64x128xf32, #tpu.memory_space<vmem>> -> memref<64x128xf32, #tpu.memory_space<vmem>>
      %gather3A_791 = tpu.vector_load_idx %gather3A_790[%add3A_785, %broadcast_in_dim3A_776] : memref<64x128xf32, #tpu.memory_space<vmem>>[vector<16xi32>, vector<16xi32>], vector<16xf32>,
      tpu.vector_store_idx %arg17[%add3A_785, %broadcast_in_dim3A_777], %gather3A_791 : memref<64x512xf32, #tpu.memory_space<vmem>>[vector<16xi32>, vector<16xi32>], vector<16xf32>,
      %add3A_792 = arith.constant 16 : i32
      %add3A_793 = vector.broadcast %add3A_792 : i32 to vector<16xi32>
      %add3A_794 = arith.addi %iota3A, %add3A_793 : vector<16xi32>
      %gather3A_795 = arith.constant 0 : i32
      %gather3A_796 = arith.constant 0 : i32
      %gather3A_797 = arith.constant 0 : i32
      %gather3A_798 = tpu.memref_slice %arg15[%gather3A_795, %gather3A_796, %gather3A_797] : memref<8x64x128xf32, #tpu.memory_space<vmem>> -> memref<1x64x128xf32, #tpu.memory_space<vmem>>
      %gather3A_799 = tpu.memref_squeeze %gather3A_798 : memref<1x64x128xf32, #tpu.memory_space<vmem>> -> memref<64x128xf32, #tpu.memory_space<vmem>>
      %gather3A_800 = tpu.vector_load_idx %gather3A_799[%add3A_794, %broadcast_in_dim3A_776] : memref<64x128xf32, #tpu.memory_space<vmem>>[vector<16xi32>, vector<16xi32>], vector<16xf32>,
      tpu.vector_store_idx %arg17[%add3A_794, %broadcast_in_dim3A_777], %gather3A_800 : memref<64x512xf32, #tpu.memory_space<vmem>>[vector<16xi32>, vector<16xi32>], vector<16xf32>,
      %add3A_801 = arith.constant 32 : i32
      %add3A_802 = vector.broadcast %add3A_801 : i32 to vector<16xi32>
      %add3A_803 = arith.addi %iota3A, %add3A_802 : vector<16xi32>
      %gather3A_804 = arith.constant 0 : i32
      %gather3A_805 = arith.constant 0 : i32
      %gather3A_806 = arith.constant 0 : i32
      %gather3A_807 = tpu.memref_slice %arg15[%gather3A_804, %gather3A_805, %gather3A_806] : memref<8x64x128xf32, #tpu.memory_space<vmem>> -> memref<1x64x128xf32, #tpu.memory_space<vmem>>
      %gather3A_808 = tpu.memref_squeeze %gather3A_807 : memref<1x64x128xf32, #tpu.memory_space<vmem>> -> memref<64x128xf32, #tpu.memory_space<vmem>>
      %gather3A_809 = tpu.vector_load_idx %gather3A_808[%add3A_803, %broadcast_in_dim3A_776] : memref<64x128xf32, #tpu.memory_space<vmem>>[vector<16xi32>, vector<16xi32>], vector<16xf32>,
      tpu.vector_store_idx %arg17[%add3A_803, %broadcast_in_dim3A_777], %gather3A_809 : memref<64x512xf32, #tpu.memory_space<vmem>>[vector<16xi32>, vector<16xi32>], vector<16xf32>,
      %add3A_810 = arith.constant 48 : i32
      %add3A_811 = vector.broadcast %add3A_810 : i32 to vector<16xi32>
      %add3A_812 = arith.addi %iota3A, %add3A_811 : vector<16xi32>
      %gather3A_813 = arith.constant 0 : i32
      %gather3A_814 = arith.constant 0 : i32
      %gather3A_815 = arith.constant 0 : i32
      %gather3A_816 = tpu.memref_slice %arg15[%gather3A_813, %gather3A_814, %gather3A_815] : memref<8x64x128xf32, #tpu.memory_space<vmem>> -> memref<1x64x128xf32, #tpu.memory_space<vmem>>
      %gather3A_817 = tpu.memref_squeeze %gather3A_816 : memref<1x64x128xf32, #tpu.memory_space<vmem>> -> memref<64x128xf32, #tpu.memory_space<vmem>>
      %gather3A_818 = tpu.vector_load_idx %gather3A_817[%add3A_812, %broadcast_in_dim3A_776] : memref<64x128xf32, #tpu.memory_space<vmem>>[vector<16xi32>, vector<16xi32>], vector<16xf32>,
      tpu.vector_store_idx %arg17[%add3A_812, %broadcast_in_dim3A_777], %gather3A_818 : memref<64x512xf32, #tpu.memory_space<vmem>>[vector<16xi32>, vector<16xi32>], vector<16xf32>,
      %sub3A_819 = arith.constant 1 : i32
      %sub3A_820 = arith.subi %scan3A_722, %sub3A_819 : i32
      %mul3A_821 = arith.constant 8 : i32
      %mul3A_822 = arith.muli %sub3A_820, %mul3A_821 : i32
      %add3A_823 = arith.constant 1 : i32
      %add3A_824 = arith.addi %mul3A_822, %add3A_823 : i32
      %dma_wait3A_825 = arith.constant 1 : i32
      %dma_wait3A_826 = arith.constant 0 : i32
      %dma_wait3A_827 = arith.constant 0 : i32
      %dma_wait3A_828 = tpu.memref_slice %arg14[%dma_wait3A_825, %dma_wait3A_826, %dma_wait3A_827] : memref<8x16x128xf32, #tpu.memory_space<vmem>> -> memref<1x16x128xf32, #tpu.memory_space<vmem>>
      %dma_wait3A_829 = tpu.memref_squeeze %dma_wait3A_828 : memref<1x16x128xf32, #tpu.memory_space<vmem>> -> memref<16x128xf32, #tpu.memory_space<vmem>>
      %dma_wait3A_830 = arith.constant 0 : i32
      %dma_wait3A_831 = arith.constant 0 : i32
      %dma_wait3A_832 = tpu.memref_slice %arg5[%dma_wait3A_830, %dma_wait3A_831] : memref<16x1000000xf32, #tpu.memory_space<hbm>> -> memref<16x128xf32, #tpu.memory_space<hbm>>
      %dma_wait3A_833 = arith.constant 0 : i32
      %dma_wait3A_834 = arith.constant 0 : i32
      %dma_wait3A_835 = tpu.memref_slice %arg14[%dma_wait3A_825, %dma_wait3A_833, %dma_wait3A_834] : memref<8x16x128xf32, #tpu.memory_space<vmem>> -> memref<1x16x128xf32, #tpu.memory_space<vmem>>
      %dma_wait3A_836 = tpu.memref_squeeze %dma_wait3A_835 : memref<1x16x128xf32, #tpu.memory_space<vmem>> -> memref<16x128xf32, #tpu.memory_space<vmem>>
      %dma_wait3A_837 = arith.constant 0 : i32
      %dma_wait3A_838 = arith.constant 0 : i32
      %dma_wait3A_839 = tpu.memref_slice %arg5[%dma_wait3A_837, %dma_wait3A_838] : memref<16x1000000xf32, #tpu.memory_space<hbm>> -> memref<16x128xf32, #tpu.memory_space<hbm>>
      tpu.wait_dma2 semaphore(%arg19 : memref<!tpu.dma_semaphore, #tpu.memory_space<semaphore_mem>>) src(%dma_wait3A_839 : memref<16x128xf32, #tpu.memory_space<hbm>>) dst(%dma_wait3A_836 : memref<16x128xf32, #tpu.memory_space<vmem>>)
      %dma_wait3A_840 = arith.constant 1 : i32
      %dma_wait3A_841 = arith.constant 0 : i32
      %dma_wait3A_842 = arith.constant 0 : i32
      %dma_wait3A_843 = tpu.memref_slice %arg15[%dma_wait3A_840, %dma_wait3A_841, %dma_wait3A_842] : memref<8x64x128xf32, #tpu.memory_space<vmem>> -> memref<1x64x128xf32, #tpu.memory_space<vmem>>
      %dma_wait3A_844 = tpu.memref_squeeze %dma_wait3A_843 : memref<1x64x128xf32, #tpu.memory_space<vmem>> -> memref<64x128xf32, #tpu.memory_space<vmem>>
      %dma_wait3A_845 = arith.constant 0 : i32
      %dma_wait3A_846 = arith.constant 0 : i32
      %dma_wait3A_847 = tpu.memref_slice %arg7[%dma_wait3A_845, %dma_wait3A_846] : memref<64x1000000xf32, #tpu.memory_space<hbm>> -> memref<64x128xf32, #tpu.memory_space<hbm>>
      %dma_wait3A_848 = arith.constant 0 : i32
      %dma_wait3A_849 = arith.constant 0 : i32
      %dma_wait3A_850 = tpu.memref_slice %arg15[%dma_wait3A_840, %dma_wait3A_848, %dma_wait3A_849] : memref<8x64x128xf32, #tpu.memory_space<vmem>> -> memref<1x64x128xf32, #tpu.memory_space<vmem>>
      %dma_wait3A_851 = tpu.memref_squeeze %dma_wait3A_850 : memref<1x64x128xf32, #tpu.memory_space<vmem>> -> memref<64x128xf32, #tpu.memory_space<vmem>>
      %dma_wait3A_852 = arith.constant 0 : i32
      %dma_wait3A_853 = arith.constant 0 : i32
      %dma_wait3A_854 = tpu.memref_slice %arg7[%dma_wait3A_852, %dma_wait3A_853] : memref<64x1000000xf32, #tpu.memory_space<hbm>> -> memref<64x128xf32, #tpu.memory_space<hbm>>
      tpu.wait_dma2 semaphore(%arg19 : memref<!tpu.dma_semaphore, #tpu.memory_space<semaphore_mem>>) src(%dma_wait3A_854 : memref<64x128xf32, #tpu.memory_space<hbm>>) dst(%dma_wait3A_851 : memref<64x128xf32, #tpu.memory_space<vmem>>)
      %shift_right_arithmetic3A_855 = arith.constant 4 : i32
      %shift_right_arithmetic3A_856 = arith.shrsi %add3A_824, %shift_right_arithmetic3A_855 : i32
      %shift_left3A_857 = arith.constant 4 : i32
      %shift_left3A_858 = arith.shli %shift_right_arithmetic3A_856, %shift_left3A_857 : i32
      %multiple_of3A_859 = tpu.assume_multiple %shift_left3A_858, 16 : i32
      %get3A_860 = arith.index_cast %multiple_of3A_859 : i32 to index
      %get3A_861 = tpu.vector_load %arg13[%get3A_860] {strides = array<i32>} : memref<512xi32, #tpu.memory_space<vmem>>, vector<16xi32>,
      %and3A_862 = arith.constant 15 : i32
      %and3A_863 = arith.andi %add3A_824, %and3A_862 : i32
      %eq3A_864 = vector.broadcast %and3A_863 : i32 to vector<16xi32>
      %eq3A_865 = arith.cmpi eq, %iota3A, %eq3A_864 : vector<16xi32>
      %jit3A_866 = arith.constant 0 : i32
      %broadcast_in_dim3A_867 = vector.broadcast %jit3A_866 : i32 to vector<16xi32>
      %select_n3A_868 = arith.select %eq3A_865, %get3A_861, %broadcast_in_dim3A_867 : vector<16xi1>, vector<16xi32>
      %reduce_sum3A_869 = arith.constant true
      %reduce_sum3A_870 = vector.broadcast %reduce_sum3A_869 : i1 to vector<16xi1>
      %reduce_sum3A_871 = tpu.scan <sum>, %select_n3A_868 masked %reduce_sum3A_870 : vector<16xi32>, vector<16xi1> -> vector<16xi32>
      %reduce_sum3A_872 = vector.extract %reduce_sum3A_871[15] : i32 from vector<16xi32>
      %and3A_873 = arith.constant 127 : i32
      %and3A_874 = arith.andi %reduce_sum3A_872, %and3A_873 : i32
      %broadcast_in_dim3A_875 = vector.broadcast %and3A_874 : i32 to vector<16xi32>
      %broadcast_in_dim3A_876 = vector.broadcast %add3A_824 : i32 to vector<16xi32>
      %gather3A_877 = arith.constant 1 : i32
      %gather3A_878 = arith.constant 0 : i32
      %gather3A_879 = arith.constant 0 : i32
      %gather3A_880 = tpu.memref_slice %arg14[%gather3A_877, %gather3A_878, %gather3A_879] : memref<8x16x128xf32, #tpu.memory_space<vmem>> -> memref<1x16x128xf32, #tpu.memory_space<vmem>>
      %gather3A_881 = tpu.memref_squeeze %gather3A_880 : memref<1x16x128xf32, #tpu.memory_space<vmem>> -> memref<16x128xf32, #tpu.memory_space<vmem>>
      %gather3A_882 = tpu.vector_load_idx %gather3A_881[%iota3A, %broadcast_in_dim3A_875] : memref<16x128xf32, #tpu.memory_space<vmem>>[vector<16xi32>, vector<16xi32>], vector<16xf32>,
      tpu.vector_store_idx %arg16[%iota3A, %broadcast_in_dim3A_876], %gather3A_882 : memref<16x512xf32, #tpu.memory_space<vmem>>[vector<16xi32>, vector<16xi32>], vector<16xf32>,
      %add3A_883 = arith.constant 0 : i32
      %add3A_884 = vector.broadcast %add3A_883 : i32 to vector<16xi32>
      %add3A_885 = arith.addi %iota3A, %add3A_884 : vector<16xi32>
      %gather3A_886 = arith.constant 1 : i32
      %gather3A_887 = arith.constant 0 : i32
      %gather3A_888 = arith.constant 0 : i32
      %gather3A_889 = tpu.memref_slice %arg15[%gather3A_886, %gather3A_887, %gather3A_888] : memref<8x64x128xf32, #tpu.memory_space<vmem>> -> memref<1x64x128xf32, #tpu.memory_space<vmem>>
      %gather3A_890 = tpu.memref_squeeze %gather3A_889 : memref<1x64x128xf32, #tpu.memory_space<vmem>> -> memref<64x128xf32, #tpu.memory_space<vmem>>
      %gather3A_891 = tpu.vector_load_idx %gather3A_890[%add3A_885, %broadcast_in_dim3A_875] : memref<64x128xf32, #tpu.memory_space<vmem>>[vector<16xi32>, vector<16xi32>], vector<16xf32>,
      tpu.vector_store_idx %arg17[%add3A_885, %broadcast_in_dim3A_876], %gather3A_891 : memref<64x512xf32, #tpu.memory_space<vmem>>[vector<16xi32>, vector<16xi32>], vector<16xf32>,
      %add3A_892 = arith.constant 16 : i32
      %add3A_893 = vector.broadcast %add3A_892 : i32 to vector<16xi32>
      %add3A_894 = arith.addi %iota3A, %add3A_893 : vector<16xi32>
      %gather3A_895 = arith.constant 1 : i32
      %gather3A_896 = arith.constant 0 : i32
      %gather3A_897 = arith.constant 0 : i32
      %gather3A_898 = tpu.memref_slice %arg15[%gather3A_895, %gather3A_896, %gather3A_897] : memref<8x64x128xf32, #tpu.memory_space<vmem>> -> memref<1x64x128xf32, #tpu.memory_space<vmem>>
      %gather3A_899 = tpu.memref_squeeze %gather3A_898 : memref<1x64x128xf32, #tpu.memory_space<vmem>> -> memref<64x128xf32, #tpu.memory_space<vmem>>
      %gather3A_900 = tpu.vector_load_idx %gather3A_899[%add3A_894, %broadcast_in_dim3A_875] : memref<64x128xf32, #tpu.memory_space<vmem>>[vector<16xi32>, vector<16xi32>], vector<16xf32>,
      tpu.vector_store_idx %arg17[%add3A_894, %broadcast_in_dim3A_876], %gather3A_900 : memref<64x512xf32, #tpu.memory_space<vmem>>[vector<16xi32>, vector<16xi32>], vector<16xf32>,
      %add3A_901 = arith.constant 32 : i32
      %add3A_902 = vector.broadcast %add3A_901 : i32 to vector<16xi32>
      %add3A_903 = arith.addi %iota3A, %add3A_902 : vector<16xi32>
      %gather3A_904 = arith.constant 1 : i32
      %gather3A_905 = arith.constant 0 : i32
      %gather3A_906 = arith.constant 0 : i32
      %gather3A_907 = tpu.memref_slice %arg15[%gather3A_904, %gather3A_905, %gather3A_906] : memref<8x64x128xf32, #tpu.memory_space<vmem>> -> memref<1x64x128xf32, #tpu.memory_space<vmem>>
      %gather3A_908 = tpu.memref_squeeze %gather3A_907 : memref<1x64x128xf32, #tpu.memory_space<vmem>> -> memref<64x128xf32, #tpu.memory_space<vmem>>
      %gather3A_909 = tpu.vector_load_idx %gather3A_908[%add3A_903, %broadcast_in_dim3A_875] : memref<64x128xf32, #tpu.memory_space<vmem>>[vector<16xi32>, vector<16xi32>], vector<16xf32>,
      tpu.vector_store_idx %arg17[%add3A_903, %broadcast_in_dim3A_876], %gather3A_909 : memref<64x512xf32, #tpu.memory_space<vmem>>[vector<16xi32>, vector<16xi32>], vector<16xf32>,
      %add3A_910 = arith.constant 48 : i32
      %add3A_911 = vector.broadcast %add3A_910 : i32 to vector<16xi32>
      %add3A_912 = arith.addi %iota3A, %add3A_911 : vector<16xi32>
      %gather3A_913 = arith.constant 1 : i32
      %gather3A_914 = arith.constant 0 : i32
      %gather3A_915 = arith.constant 0 : i32
      %gather3A_916 = tpu.memref_slice %arg15[%gather3A_913, %gather3A_914, %gather3A_915] : memref<8x64x128xf32, #tpu.memory_space<vmem>> -> memref<1x64x128xf32, #tpu.memory_space<vmem>>
      %gather3A_917 = tpu.memref_squeeze %gather3A_916 : memref<1x64x128xf32, #tpu.memory_space<vmem>> -> memref<64x128xf32, #tpu.memory_space<vmem>>
      %gather3A_918 = tpu.vector_load_idx %gather3A_917[%add3A_912, %broadcast_in_dim3A_875] : memref<64x128xf32, #tpu.memory_space<vmem>>[vector<16xi32>, vector<16xi32>], vector<16xf32>,
      tpu.vector_store_idx %arg17[%add3A_912, %broadcast_in_dim3A_876], %gather3A_918 : memref<64x512xf32, #tpu.memory_space<vmem>>[vector<16xi32>, vector<16xi32>], vector<16xf32>,
      %sub3A_919 = arith.constant 1 : i32
      %sub3A_920 = arith.subi %scan3A_722, %sub3A_919 : i32
      %mul3A_921 = arith.constant 8 : i32
      %mul3A_922 = arith.muli %sub3A_920, %mul3A_921 : i32
      %add3A_923 = arith.constant 2 : i32
      %add3A_924 = arith.addi %mul3A_922, %add3A_923 : i32
      %dma_wait3A_925 = arith.constant 2 : i32
      %dma_wait3A_926 = arith.constant 0 : i32
      %dma_wait3A_927 = arith.constant 0 : i32
      %dma_wait3A_928 = tpu.memref_slice %arg14[%dma_wait3A_925, %dma_wait3A_926, %dma_wait3A_927] : memref<8x16x128xf32, #tpu.memory_space<vmem>> -> memref<1x16x128xf32, #tpu.memory_space<vmem>>
      %dma_wait3A_929 = tpu.memref_squeeze %dma_wait3A_928 : memref<1x16x128xf32, #tpu.memory_space<vmem>> -> memref<16x128xf32, #tpu.memory_space<vmem>>
      %dma_wait3A_930 = arith.constant 0 : i32
      %dma_wait3A_931 = arith.constant 0 : i32
      %dma_wait3A_932 = tpu.memref_slice %arg5[%dma_wait3A_930, %dma_wait3A_931] : memref<16x1000000xf32, #tpu.memory_space<hbm>> -> memref<16x128xf32, #tpu.memory_space<hbm>>
      %dma_wait3A_933 = arith.constant 0 : i32
      %dma_wait3A_934 = arith.constant 0 : i32
      %dma_wait3A_935 = tpu.memref_slice %arg14[%dma_wait3A_925, %dma_wait3A_933, %dma_wait3A_934] : memref<8x16x128xf32, #tpu.memory_space<vmem>> -> memref<1x16x128xf32, #tpu.memory_space<vmem>>
      %dma_wait3A_936 = tpu.memref_squeeze %dma_wait3A_935 : memref<1x16x128xf32, #tpu.memory_space<vmem>> -> memref<16x128xf32, #tpu.memory_space<vmem>>
      %dma_wait3A_937 = arith.constant 0 : i32
      %dma_wait3A_938 = arith.constant 0 : i32
      %dma_wait3A_939 = tpu.memref_slice %arg5[%dma_wait3A_937, %dma_wait3A_938] : memref<16x1000000xf32, #tpu.memory_space<hbm>> -> memref<16x128xf32, #tpu.memory_space<hbm>>
      tpu.wait_dma2 semaphore(%arg20 : memref<!tpu.dma_semaphore, #tpu.memory_space<semaphore_mem>>) src(%dma_wait3A_939 : memref<16x128xf32, #tpu.memory_space<hbm>>) dst(%dma_wait3A_936 : memref<16x128xf32, #tpu.memory_space<vmem>>)
      %dma_wait3A_940 = arith.constant 2 : i32
      %dma_wait3A_941 = arith.constant 0 : i32
      %dma_wait3A_942 = arith.constant 0 : i32
      %dma_wait3A_943 = tpu.memref_slice %arg15[%dma_wait3A_940, %dma_wait3A_941, %dma_wait3A_942] : memref<8x64x128xf32, #tpu.memory_space<vmem>> -> memref<1x64x128xf32, #tpu.memory_space<vmem>>
      %dma_wait3A_944 = tpu.memref_squeeze %dma_wait3A_943 : memref<1x64x128xf32, #tpu.memory_space<vmem>> -> memref<64x128xf32, #tpu.memory_space<vmem>>
      %dma_wait3A_945 = arith.constant 0 : i32
      %dma_wait3A_946 = arith.constant 0 : i32
      %dma_wait3A_947 = tpu.memref_slice %arg7[%dma_wait3A_945, %dma_wait3A_946] : memref<64x1000000xf32, #tpu.memory_space<hbm>> -> memref<64x128xf32, #tpu.memory_space<hbm>>
      %dma_wait3A_948 = arith.constant 0 : i32
      %dma_wait3A_949 = arith.constant 0 : i32
      %dma_wait3A_950 = tpu.memref_slice %arg15[%dma_wait3A_940, %dma_wait3A_948, %dma_wait3A_949] : memref<8x64x128xf32, #tpu.memory_space<vmem>> -> memref<1x64x128xf32, #tpu.memory_space<vmem>>
      %dma_wait3A_951 = tpu.memref_squeeze %dma_wait3A_950 : memref<1x64x128xf32, #tpu.memory_space<vmem>> -> memref<64x128xf32, #tpu.memory_space<vmem>>
      %dma_wait3A_952 = arith.constant 0 : i32
      %dma_wait3A_953 = arith.constant 0 : i32
      %dma_wait3A_954 = tpu.memref_slice %arg7[%dma_wait3A_952, %dma_wait3A_953] : memref<64x1000000xf32, #tpu.memory_space<hbm>> -> memref<64x128xf32, #tpu.memory_space<hbm>>
      tpu.wait_dma2 semaphore(%arg20 : memref<!tpu.dma_semaphore, #tpu.memory_space<semaphore_mem>>) src(%dma_wait3A_954 : memref<64x128xf32, #tpu.memory_space<hbm>>) dst(%dma_wait3A_951 : memref<64x128xf32, #tpu.memory_space<vmem>>)
      %shift_right_arithmetic3A_955 = arith.constant 4 : i32
      %shift_right_arithmetic3A_956 = arith.shrsi %add3A_924, %shift_right_arithmetic3A_955 : i32
      %shift_left3A_957 = arith.constant 4 : i32
      %shift_left3A_958 = arith.shli %shift_right_arithmetic3A_956, %shift_left3A_957 : i32
      %multiple_of3A_959 = tpu.assume_multiple %shift_left3A_958, 16 : i32
      %get3A_960 = arith.index_cast %multiple_of3A_959 : i32 to index
      %get3A_961 = tpu.vector_load %arg13[%get3A_960] {strides = array<i32>} : memref<512xi32, #tpu.memory_space<vmem>>, vector<16xi32>,
      %and3A_962 = arith.constant 15 : i32
      %and3A_963 = arith.andi %add3A_924, %and3A_962 : i32
      %eq3A_964 = vector.broadcast %and3A_963 : i32 to vector<16xi32>
      %eq3A_965 = arith.cmpi eq, %iota3A, %eq3A_964 : vector<16xi32>
      %jit3A_966 = arith.constant 0 : i32
      %broadcast_in_dim3A_967 = vector.broadcast %jit3A_966 : i32 to vector<16xi32>
      %select_n3A_968 = arith.select %eq3A_965, %get3A_961, %broadcast_in_dim3A_967 : vector<16xi1>, vector<16xi32>
      %reduce_sum3A_969 = arith.constant true
      %reduce_sum3A_970 = vector.broadcast %reduce_sum3A_969 : i1 to vector<16xi1>
      %reduce_sum3A_971 = tpu.scan <sum>, %select_n3A_968 masked %reduce_sum3A_970 : vector<16xi32>, vector<16xi1> -> vector<16xi32>
      %reduce_sum3A_972 = vector.extract %reduce_sum3A_971[15] : i32 from vector<16xi32>
      %and3A_973 = arith.constant 127 : i32
      %and3A_974 = arith.andi %reduce_sum3A_972, %and3A_973 : i32
      %broadcast_in_dim3A_975 = vector.broadcast %and3A_974 : i32 to vector<16xi32>
      %broadcast_in_dim3A_976 = vector.broadcast %add3A_924 : i32 to vector<16xi32>
      %gather3A_977 = arith.constant 2 : i32
      %gather3A_978 = arith.constant 0 : i32
      %gather3A_979 = arith.constant 0 : i32
      %gather3A_980 = tpu.memref_slice %arg14[%gather3A_977, %gather3A_978, %gather3A_979] : memref<8x16x128xf32, #tpu.memory_space<vmem>> -> memref<1x16x128xf32, #tpu.memory_space<vmem>>
      %gather3A_981 = tpu.memref_squeeze %gather3A_980 : memref<1x16x128xf32, #tpu.memory_space<vmem>> -> memref<16x128xf32, #tpu.memory_space<vmem>>
      %gather3A_982 = tpu.vector_load_idx %gather3A_981[%iota3A, %broadcast_in_dim3A_975] : memref<16x128xf32, #tpu.memory_space<vmem>>[vector<16xi32>, vector<16xi32>], vector<16xf32>,
      tpu.vector_store_idx %arg16[%iota3A, %broadcast_in_dim3A_976], %gather3A_982 : memref<16x512xf32, #tpu.memory_space<vmem>>[vector<16xi32>, vector<16xi32>], vector<16xf32>,
      %add3A_983 = arith.constant 0 : i32
      %add3A_984 = vector.broadcast %add3A_983 : i32 to vector<16xi32>
      %add3A_985 = arith.addi %iota3A, %add3A_984 : vector<16xi32>
      %gather3A_986 = arith.constant 2 : i32
      %gather3A_987 = arith.constant 0 : i32
      %gather3A_988 = arith.constant 0 : i32
      %gather3A_989 = tpu.memref_slice %arg15[%gather3A_986, %gather3A_987, %gather3A_988] : memref<8x64x128xf32, #tpu.memory_space<vmem>> -> memref<1x64x128xf32, #tpu.memory_space<vmem>>
      %gather3A_990 = tpu.memref_squeeze %gather3A_989 : memref<1x64x128xf32, #tpu.memory_space<vmem>> -> memref<64x128xf32, #tpu.memory_space<vmem>>
      %gather3A_991 = tpu.vector_load_idx %gather3A_990[%add3A_985, %broadcast_in_dim3A_975] : memref<64x128xf32, #tpu.memory_space<vmem>>[vector<16xi32>, vector<16xi32>], vector<16xf32>,
      tpu.vector_store_idx %arg17[%add3A_985, %broadcast_in_dim3A_976], %gather3A_991 : memref<64x512xf32, #tpu.memory_space<vmem>>[vector<16xi32>, vector<16xi32>], vector<16xf32>,
      %add3A_992 = arith.constant 16 : i32
      %add3A_993 = vector.broadcast %add3A_992 : i32 to vector<16xi32>
      %add3A_994 = arith.addi %iota3A, %add3A_993 : vector<16xi32>
      %gather3A_995 = arith.constant 2 : i32
      %gather3A_996 = arith.constant 0 : i32
      %gather3A_997 = arith.constant 0 : i32
      %gather3A_998 = tpu.memref_slice %arg15[%gather3A_995, %gather3A_996, %gather3A_997] : memref<8x64x128xf32, #tpu.memory_space<vmem>> -> memref<1x64x128xf32, #tpu.memory_space<vmem>>
      %gather3A_999 = tpu.memref_squeeze %gather3A_998 : memref<1x64x128xf32, #tpu.memory_space<vmem>> -> memref<64x128xf32, #tpu.memory_space<vmem>>
      %gather3A_1000 = tpu.vector_load_idx %gather3A_999[%add3A_994, %broadcast_in_dim3A_975] : memref<64x128xf32, #tpu.memory_space<vmem>>[vector<16xi32>, vector<16xi32>], vector<16xf32>,
      tpu.vector_store_idx %arg17[%add3A_994, %broadcast_in_dim3A_976], %gather3A_1000 : memref<64x512xf32, #tpu.memory_space<vmem>>[vector<16xi32>, vector<16xi32>], vector<16xf32>,
      %add3A_1001 = arith.constant 32 : i32
      %add3A_1002 = vector.broadcast %add3A_1001 : i32 to vector<16xi32>
      %add3A_1003 = arith.addi %iota3A, %add3A_1002 : vector<16xi32>
      %gather3A_1004 = arith.constant 2 : i32
      %gather3A_1005 = arith.constant 0 : i32
      %gather3A_1006 = arith.constant 0 : i32
      %gather3A_1007 = tpu.memref_slice %arg15[%gather3A_1004, %gather3A_1005, %gather3A_1006] : memref<8x64x128xf32, #tpu.memory_space<vmem>> -> memref<1x64x128xf32, #tpu.memory_space<vmem>>
      %gather3A_1008 = tpu.memref_squeeze %gather3A_1007 : memref<1x64x128xf32, #tpu.memory_space<vmem>> -> memref<64x128xf32, #tpu.memory_space<vmem>>
      %gather3A_1009 = tpu.vector_load_idx %gather3A_1008[%add3A_1003, %broadcast_in_dim3A_975] : memref<64x128xf32, #tpu.memory_space<vmem>>[vector<16xi32>, vector<16xi32>], vector<16xf32>,
      tpu.vector_store_idx %arg17[%add3A_1003, %broadcast_in_dim3A_976], %gather3A_1009 : memref<64x512xf32, #tpu.memory_space<vmem>>[vector<16xi32>, vector<16xi32>], vector<16xf32>,
      %add3A_1010 = arith.constant 48 : i32
      %add3A_1011 = vector.broadcast %add3A_1010 : i32 to vector<16xi32>
      %add3A_1012 = arith.addi %iota3A, %add3A_1011 : vector<16xi32>
      %gather3A_1013 = arith.constant 2 : i32
      %gather3A_1014 = arith.constant 0 : i32
      %gather3A_1015 = arith.constant 0 : i32
      %gather3A_1016 = tpu.memref_slice %arg15[%gather3A_1013, %gather3A_1014, %gather3A_1015] : memref<8x64x128xf32, #tpu.memory_space<vmem>> -> memref<1x64x128xf32, #tpu.memory_space<vmem>>
      %gather3A_1017 = tpu.memref_squeeze %gather3A_1016 : memref<1x64x128xf32, #tpu.memory_space<vmem>> -> memref<64x128xf32, #tpu.memory_space<vmem>>
      %gather3A_1018 = tpu.vector_load_idx %gather3A_1017[%add3A_1012, %broadcast_in_dim3A_975] : memref<64x128xf32, #tpu.memory_space<vmem>>[vector<16xi32>, vector<16xi32>], vector<16xf32>,
      tpu.vector_store_idx %arg17[%add3A_1012, %broadcast_in_dim3A_976], %gather3A_1018 : memref<64x512xf32, #tpu.memory_space<vmem>>[vector<16xi32>, vector<16xi32>], vector<16xf32>,
      %sub3A_1019 = arith.constant 1 : i32
      %sub3A_1020 = arith.subi %scan3A_722, %sub3A_1019 : i32
      %mul3A_1021 = arith.constant 8 : i32
      %mul3A_1022 = arith.muli %sub3A_1020, %mul3A_1021 : i32
      %add3A_1023 = arith.constant 3 : i32
      %add3A_1024 = arith.addi %mul3A_1022, %add3A_1023 : i32
      %dma_wait3A_1025 = arith.constant 3 : i32
      %dma_wait3A_1026 = arith.constant 0 : i32
      %dma_wait3A_1027 = arith.constant 0 : i32
      %dma_wait3A_1028 = tpu.memref_slice %arg14[%dma_wait3A_1025, %dma_wait3A_1026, %dma_wait3A_1027] : memref<8x16x128xf32, #tpu.memory_space<vmem>> -> memref<1x16x128xf32, #tpu.memory_space<vmem>>
      %dma_wait3A_1029 = tpu.memref_squeeze %dma_wait3A_1028 : memref<1x16x128xf32, #tpu.memory_space<vmem>> -> memref<16x128xf32, #tpu.memory_space<vmem>>
      %dma_wait3A_1030 = arith.constant 0 : i32
      %dma_wait3A_1031 = arith.constant 0 : i32
      %dma_wait3A_1032 = tpu.memref_slice %arg5[%dma_wait3A_1030, %dma_wait3A_1031] : memref<16x1000000xf32, #tpu.memory_space<hbm>> -> memref<16x128xf32, #tpu.memory_space<hbm>>
      %dma_wait3A_1033 = arith.constant 0 : i32
      %dma_wait3A_1034 = arith.constant 0 : i32
      %dma_wait3A_1035 = tpu.memref_slice %arg14[%dma_wait3A_1025, %dma_wait3A_1033, %dma_wait3A_1034] : memref<8x16x128xf32, #tpu.memory_space<vmem>> -> memref<1x16x128xf32, #tpu.memory_space<vmem>>
      %dma_wait3A_1036 = tpu.memref_squeeze %dma_wait3A_1035 : memref<1x16x128xf32, #tpu.memory_space<vmem>> -> memref<16x128xf32, #tpu.memory_space<vmem>>
      %dma_wait3A_1037 = arith.constant 0 : i32
      %dma_wait3A_1038 = arith.constant 0 : i32
      %dma_wait3A_1039 = tpu.memref_slice %arg5[%dma_wait3A_1037, %dma_wait3A_1038] : memref<16x1000000xf32, #tpu.memory_space<hbm>> -> memref<16x128xf32, #tpu.memory_space<hbm>>
      tpu.wait_dma2 semaphore(%arg21 : memref<!tpu.dma_semaphore, #tpu.memory_space<semaphore_mem>>) src(%dma_wait3A_1039 : memref<16x128xf32, #tpu.memory_space<hbm>>) dst(%dma_wait3A_1036 : memref<16x128xf32, #tpu.memory_space<vmem>>)
      %dma_wait3A_1040 = arith.constant 3 : i32
      %dma_wait3A_1041 = arith.constant 0 : i32
      %dma_wait3A_1042 = arith.constant 0 : i32
      %dma_wait3A_1043 = tpu.memref_slice %arg15[%dma_wait3A_1040, %dma_wait3A_1041, %dma_wait3A_1042] : memref<8x64x128xf32, #tpu.memory_space<vmem>> -> memref<1x64x128xf32, #tpu.memory_space<vmem>>
      %dma_wait3A_1044 = tpu.memref_squeeze %dma_wait3A_1043 : memref<1x64x128xf32, #tpu.memory_space<vmem>> -> memref<64x128xf32, #tpu.memory_space<vmem>>
      %dma_wait3A_1045 = arith.constant 0 : i32
      %dma_wait3A_1046 = arith.constant 0 : i32
      %dma_wait3A_1047 = tpu.memref_slice %arg7[%dma_wait3A_1045, %dma_wait3A_1046] : memref<64x1000000xf32, #tpu.memory_space<hbm>> -> memref<64x128xf32, #tpu.memory_space<hbm>>
      %dma_wait3A_1048 = arith.constant 0 : i32
      %dma_wait3A_1049 = arith.constant 0 : i32
      %dma_wait3A_1050 = tpu.memref_slice %arg15[%dma_wait3A_1040, %dma_wait3A_1048, %dma_wait3A_1049] : memref<8x64x128xf32, #tpu.memory_space<vmem>> -> memref<1x64x128xf32, #tpu.memory_space<vmem>>
      %dma_wait3A_1051 = tpu.memref_squeeze %dma_wait3A_1050 : memref<1x64x128xf32, #tpu.memory_space<vmem>> -> memref<64x128xf32, #tpu.memory_space<vmem>>
      %dma_wait3A_1052 = arith.constant 0 : i32
      %dma_wait3A_1053 = arith.constant 0 : i32
      %dma_wait3A_1054 = tpu.memref_slice %arg7[%dma_wait3A_1052, %dma_wait3A_1053] : memref<64x1000000xf32, #tpu.memory_space<hbm>> -> memref<64x128xf32, #tpu.memory_space<hbm>>
      tpu.wait_dma2 semaphore(%arg21 : memref<!tpu.dma_semaphore, #tpu.memory_space<semaphore_mem>>) src(%dma_wait3A_1054 : memref<64x128xf32, #tpu.memory_space<hbm>>) dst(%dma_wait3A_1051 : memref<64x128xf32, #tpu.memory_space<vmem>>)
      %shift_right_arithmetic3A_1055 = arith.constant 4 : i32
      %shift_right_arithmetic3A_1056 = arith.shrsi %add3A_1024, %shift_right_arithmetic3A_1055 : i32
      %shift_left3A_1057 = arith.constant 4 : i32
      %shift_left3A_1058 = arith.shli %shift_right_arithmetic3A_1056, %shift_left3A_1057 : i32
      %multiple_of3A_1059 = tpu.assume_multiple %shift_left3A_1058, 16 : i32
      %get3A_1060 = arith.index_cast %multiple_of3A_1059 : i32 to index
      %get3A_1061 = tpu.vector_load %arg13[%get3A_1060] {strides = array<i32>} : memref<512xi32, #tpu.memory_space<vmem>>, vector<16xi32>,
      %and3A_1062 = arith.constant 15 : i32
      %and3A_1063 = arith.andi %add3A_1024, %and3A_1062 : i32
      %eq3A_1064 = vector.broadcast %and3A_1063 : i32 to vector<16xi32>
      %eq3A_1065 = arith.cmpi eq, %iota3A, %eq3A_1064 : vector<16xi32>
      %jit3A_1066 = arith.constant 0 : i32
      %broadcast_in_dim3A_1067 = vector.broadcast %jit3A_1066 : i32 to vector<16xi32>
      %select_n3A_1068 = arith.select %eq3A_1065, %get3A_1061, %broadcast_in_dim3A_1067 : vector<16xi1>, vector<16xi32>
      %reduce_sum3A_1069 = arith.constant true
      %reduce_sum3A_1070 = vector.broadcast %reduce_sum3A_1069 : i1 to vector<16xi1>
      %reduce_sum3A_1071 = tpu.scan <sum>, %select_n3A_1068 masked %reduce_sum3A_1070 : vector<16xi32>, vector<16xi1> -> vector<16xi32>
      %reduce_sum3A_1072 = vector.extract %reduce_sum3A_1071[15] : i32 from vector<16xi32>
      %and3A_1073 = arith.constant 127 : i32
      %and3A_1074 = arith.andi %reduce_sum3A_1072, %and3A_1073 : i32
      %broadcast_in_dim3A_1075 = vector.broadcast %and3A_1074 : i32 to vector<16xi32>
      %broadcast_in_dim3A_1076 = vector.broadcast %add3A_1024 : i32 to vector<16xi32>
      %gather3A_1077 = arith.constant 3 : i32
      %gather3A_1078 = arith.constant 0 : i32
      %gather3A_1079 = arith.constant 0 : i32
      %gather3A_1080 = tpu.memref_slice %arg14[%gather3A_1077, %gather3A_1078, %gather3A_1079] : memref<8x16x128xf32, #tpu.memory_space<vmem>> -> memref<1x16x128xf32, #tpu.memory_space<vmem>>
      %gather3A_1081 = tpu.memref_squeeze %gather3A_1080 : memref<1x16x128xf32, #tpu.memory_space<vmem>> -> memref<16x128xf32, #tpu.memory_space<vmem>>
      %gather3A_1082 = tpu.vector_load_idx %gather3A_1081[%iota3A, %broadcast_in_dim3A_1075] : memref<16x128xf32, #tpu.memory_space<vmem>>[vector<16xi32>, vector<16xi32>], vector<16xf32>,
      tpu.vector_store_idx %arg16[%iota3A, %broadcast_in_dim3A_1076], %gather3A_1082 : memref<16x512xf32, #tpu.memory_space<vmem>>[vector<16xi32>, vector<16xi32>], vector<16xf32>,
      %add3A_1083 = arith.constant 0 : i32
      %add3A_1084 = vector.broadcast %add3A_1083 : i32 to vector<16xi32>
      %add3A_1085 = arith.addi %iota3A, %add3A_1084 : vector<16xi32>
      %gather3A_1086 = arith.constant 3 : i32
      %gather3A_1087 = arith.constant 0 : i32
      %gather3A_1088 = arith.constant 0 : i32
      %gather3A_1089 = tpu.memref_slice %arg15[%gather3A_1086, %gather3A_1087, %gather3A_1088] : memref<8x64x128xf32, #tpu.memory_space<vmem>> -> memref<1x64x128xf32, #tpu.memory_space<vmem>>
      %gather3A_1090 = tpu.memref_squeeze %gather3A_1089 : memref<1x64x128xf32, #tpu.memory_space<vmem>> -> memref<64x128xf32, #tpu.memory_space<vmem>>
      %gather3A_1091 = tpu.vector_load_idx %gather3A_1090[%add3A_1085, %broadcast_in_dim3A_1075] : memref<64x128xf32, #tpu.memory_space<vmem>>[vector<16xi32>, vector<16xi32>], vector<16xf32>,
      tpu.vector_store_idx %arg17[%add3A_1085, %broadcast_in_dim3A_1076], %gather3A_1091 : memref<64x512xf32, #tpu.memory_space<vmem>>[vector<16xi32>, vector<16xi32>], vector<16xf32>,
      %add3A_1092 = arith.constant 16 : i32
      %add3A_1093 = vector.broadcast %add3A_1092 : i32 to vector<16xi32>
      %add3A_1094 = arith.addi %iota3A, %add3A_1093 : vector<16xi32>
      %gather3A_1095 = arith.constant 3 : i32
      %gather3A_1096 = arith.constant 0 : i32
      %gather3A_1097 = arith.constant 0 : i32
      %gather3A_1098 = tpu.memref_slice %arg15[%gather3A_1095, %gather3A_1096, %gather3A_1097] : memref<8x64x128xf32, #tpu.memory_space<vmem>> -> memref<1x64x128xf32, #tpu.memory_space<vmem>>
      %gather3A_1099 = tpu.memref_squeeze %gather3A_1098 : memref<1x64x128xf32, #tpu.memory_space<vmem>> -> memref<64x128xf32, #tpu.memory_space<vmem>>
      %gather3A_1100 = tpu.vector_load_idx %gather3A_1099[%add3A_1094, %broadcast_in_dim3A_1075] : memref<64x128xf32, #tpu.memory_space<vmem>>[vector<16xi32>, vector<16xi32>], vector<16xf32>,
      tpu.vector_store_idx %arg17[%add3A_1094, %broadcast_in_dim3A_1076], %gather3A_1100 : memref<64x512xf32, #tpu.memory_space<vmem>>[vector<16xi32>, vector<16xi32>], vector<16xf32>,
      %add3A_1101 = arith.constant 32 : i32
      %add3A_1102 = vector.broadcast %add3A_1101 : i32 to vector<16xi32>
      %add3A_1103 = arith.addi %iota3A, %add3A_1102 : vector<16xi32>
      %gather3A_1104 = arith.constant 3 : i32
      %gather3A_1105 = arith.constant 0 : i32
      %gather3A_1106 = arith.constant 0 : i32
      %gather3A_1107 = tpu.memref_slice %arg15[%gather3A_1104, %gather3A_1105, %gather3A_1106] : memref<8x64x128xf32, #tpu.memory_space<vmem>> -> memref<1x64x128xf32, #tpu.memory_space<vmem>>
      %gather3A_1108 = tpu.memref_squeeze %gather3A_1107 : memref<1x64x128xf32, #tpu.memory_space<vmem>> -> memref<64x128xf32, #tpu.memory_space<vmem>>
      %gather3A_1109 = tpu.vector_load_idx %gather3A_1108[%add3A_1103, %broadcast_in_dim3A_1075] : memref<64x128xf32, #tpu.memory_space<vmem>>[vector<16xi32>, vector<16xi32>], vector<16xf32>,
      tpu.vector_store_idx %arg17[%add3A_1103, %broadcast_in_dim3A_1076], %gather3A_1109 : memref<64x512xf32, #tpu.memory_space<vmem>>[vector<16xi32>, vector<16xi32>], vector<16xf32>,
      %add3A_1110 = arith.constant 48 : i32
      %add3A_1111 = vector.broadcast %add3A_1110 : i32 to vector<16xi32>
      %add3A_1112 = arith.addi %iota3A, %add3A_1111 : vector<16xi32>
      %gather3A_1113 = arith.constant 3 : i32
      %gather3A_1114 = arith.constant 0 : i32
      %gather3A_1115 = arith.constant 0 : i32
      %gather3A_1116 = tpu.memref_slice %arg15[%gather3A_1113, %gather3A_1114, %gather3A_1115] : memref<8x64x128xf32, #tpu.memory_space<vmem>> -> memref<1x64x128xf32, #tpu.memory_space<vmem>>
      %gather3A_1117 = tpu.memref_squeeze %gather3A_1116 : memref<1x64x128xf32, #tpu.memory_space<vmem>> -> memref<64x128xf32, #tpu.memory_space<vmem>>
      %gather3A_1118 = tpu.vector_load_idx %gather3A_1117[%add3A_1112, %broadcast_in_dim3A_1075] : memref<64x128xf32, #tpu.memory_space<vmem>>[vector<16xi32>, vector<16xi32>], vector<16xf32>,
      tpu.vector_store_idx %arg17[%add3A_1112, %broadcast_in_dim3A_1076], %gather3A_1118 : memref<64x512xf32, #tpu.memory_space<vmem>>[vector<16xi32>, vector<16xi32>], vector<16xf32>,
      %sub3A_1119 = arith.constant 1 : i32
      %sub3A_1120 = arith.subi %scan3A_722, %sub3A_1119 : i32
      %mul3A_1121 = arith.constant 8 : i32
      %mul3A_1122 = arith.muli %sub3A_1120, %mul3A_1121 : i32
      %add3A_1123 = arith.constant 4 : i32
      %add3A_1124 = arith.addi %mul3A_1122, %add3A_1123 : i32
      %dma_wait3A_1125 = arith.constant 4 : i32
      %dma_wait3A_1126 = arith.constant 0 : i32
      %dma_wait3A_1127 = arith.constant 0 : i32
      %dma_wait3A_1128 = tpu.memref_slice %arg14[%dma_wait3A_1125, %dma_wait3A_1126, %dma_wait3A_1127] : memref<8x16x128xf32, #tpu.memory_space<vmem>> -> memref<1x16x128xf32, #tpu.memory_space<vmem>>
      %dma_wait3A_1129 = tpu.memref_squeeze %dma_wait3A_1128 : memref<1x16x128xf32, #tpu.memory_space<vmem>> -> memref<16x128xf32, #tpu.memory_space<vmem>>
      %dma_wait3A_1130 = arith.constant 0 : i32
      %dma_wait3A_1131 = arith.constant 0 : i32
      %dma_wait3A_1132 = tpu.memref_slice %arg5[%dma_wait3A_1130, %dma_wait3A_1131] : memref<16x1000000xf32, #tpu.memory_space<hbm>> -> memref<16x128xf32, #tpu.memory_space<hbm>>
      %dma_wait3A_1133 = arith.constant 0 : i32
      %dma_wait3A_1134 = arith.constant 0 : i32
      %dma_wait3A_1135 = tpu.memref_slice %arg14[%dma_wait3A_1125, %dma_wait3A_1133, %dma_wait3A_1134] : memref<8x16x128xf32, #tpu.memory_space<vmem>> -> memref<1x16x128xf32, #tpu.memory_space<vmem>>
      %dma_wait3A_1136 = tpu.memref_squeeze %dma_wait3A_1135 : memref<1x16x128xf32, #tpu.memory_space<vmem>> -> memref<16x128xf32, #tpu.memory_space<vmem>>
      %dma_wait3A_1137 = arith.constant 0 : i32
      %dma_wait3A_1138 = arith.constant 0 : i32
      %dma_wait3A_1139 = tpu.memref_slice %arg5[%dma_wait3A_1137, %dma_wait3A_1138] : memref<16x1000000xf32, #tpu.memory_space<hbm>> -> memref<16x128xf32, #tpu.memory_space<hbm>>
      tpu.wait_dma2 semaphore(%arg22 : memref<!tpu.dma_semaphore, #tpu.memory_space<semaphore_mem>>) src(%dma_wait3A_1139 : memref<16x128xf32, #tpu.memory_space<hbm>>) dst(%dma_wait3A_1136 : memref<16x128xf32, #tpu.memory_space<vmem>>)
      %dma_wait3A_1140 = arith.constant 4 : i32
      %dma_wait3A_1141 = arith.constant 0 : i32
      %dma_wait3A_1142 = arith.constant 0 : i32
      %dma_wait3A_1143 = tpu.memref_slice %arg15[%dma_wait3A_1140, %dma_wait3A_1141, %dma_wait3A_1142] : memref<8x64x128xf32, #tpu.memory_space<vmem>> -> memref<1x64x128xf32, #tpu.memory_space<vmem>>
      %dma_wait3A_1144 = tpu.memref_squeeze %dma_wait3A_1143 : memref<1x64x128xf32, #tpu.memory_space<vmem>> -> memref<64x128xf32, #tpu.memory_space<vmem>>
      %dma_wait3A_1145 = arith.constant 0 : i32
      %dma_wait3A_1146 = arith.constant 0 : i32
      %dma_wait3A_1147 = tpu.memref_slice %arg7[%dma_wait3A_1145, %dma_wait3A_1146] : memref<64x1000000xf32, #tpu.memory_space<hbm>> -> memref<64x128xf32, #tpu.memory_space<hbm>>
      %dma_wait3A_1148 = arith.constant 0 : i32
      %dma_wait3A_1149 = arith.constant 0 : i32
      %dma_wait3A_1150 = tpu.memref_slice %arg15[%dma_wait3A_1140, %dma_wait3A_1148, %dma_wait3A_1149] : memref<8x64x128xf32, #tpu.memory_space<vmem>> -> memref<1x64x128xf32, #tpu.memory_space<vmem>>
      %dma_wait3A_1151 = tpu.memref_squeeze %dma_wait3A_1150 : memref<1x64x128xf32, #tpu.memory_space<vmem>> -> memref<64x128xf32, #tpu.memory_space<vmem>>
      %dma_wait3A_1152 = arith.constant 0 : i32
      %dma_wait3A_1153 = arith.constant 0 : i32
      %dma_wait3A_1154 = tpu.memref_slice %arg7[%dma_wait3A_1152, %dma_wait3A_1153] : memref<64x1000000xf32, #tpu.memory_space<hbm>> -> memref<64x128xf32, #tpu.memory_space<hbm>>
      tpu.wait_dma2 semaphore(%arg22 : memref<!tpu.dma_semaphore, #tpu.memory_space<semaphore_mem>>) src(%dma_wait3A_1154 : memref<64x128xf32, #tpu.memory_space<hbm>>) dst(%dma_wait3A_1151 : memref<64x128xf32, #tpu.memory_space<vmem>>)
      %shift_right_arithmetic3A_1155 = arith.constant 4 : i32
      %shift_right_arithmetic3A_1156 = arith.shrsi %add3A_1124, %shift_right_arithmetic3A_1155 : i32
      %shift_left3A_1157 = arith.constant 4 : i32
      %shift_left3A_1158 = arith.shli %shift_right_arithmetic3A_1156, %shift_left3A_1157 : i32
      %multiple_of3A_1159 = tpu.assume_multiple %shift_left3A_1158, 16 : i32
      %get3A_1160 = arith.index_cast %multiple_of3A_1159 : i32 to index
      %get3A_1161 = tpu.vector_load %arg13[%get3A_1160] {strides = array<i32>} : memref<512xi32, #tpu.memory_space<vmem>>, vector<16xi32>,
      %and3A_1162 = arith.constant 15 : i32
      %and3A_1163 = arith.andi %add3A_1124, %and3A_1162 : i32
      %eq3A_1164 = vector.broadcast %and3A_1163 : i32 to vector<16xi32>
      %eq3A_1165 = arith.cmpi eq, %iota3A, %eq3A_1164 : vector<16xi32>
      %jit3A_1166 = arith.constant 0 : i32
      %broadcast_in_dim3A_1167 = vector.broadcast %jit3A_1166 : i32 to vector<16xi32>
      %select_n3A_1168 = arith.select %eq3A_1165, %get3A_1161, %broadcast_in_dim3A_1167 : vector<16xi1>, vector<16xi32>
      %reduce_sum3A_1169 = arith.constant true
      %reduce_sum3A_1170 = vector.broadcast %reduce_sum3A_1169 : i1 to vector<16xi1>
      %reduce_sum3A_1171 = tpu.scan <sum>, %select_n3A_1168 masked %reduce_sum3A_1170 : vector<16xi32>, vector<16xi1> -> vector<16xi32>
      %reduce_sum3A_1172 = vector.extract %reduce_sum3A_1171[15] : i32 from vector<16xi32>
      %and3A_1173 = arith.constant 127 : i32
      %and3A_1174 = arith.andi %reduce_sum3A_1172, %and3A_1173 : i32
      %broadcast_in_dim3A_1175 = vector.broadcast %and3A_1174 : i32 to vector<16xi32>
      %broadcast_in_dim3A_1176 = vector.broadcast %add3A_1124 : i32 to vector<16xi32>
      %gather3A_1177 = arith.constant 4 : i32
      %gather3A_1178 = arith.constant 0 : i32
      %gather3A_1179 = arith.constant 0 : i32
      %gather3A_1180 = tpu.memref_slice %arg14[%gather3A_1177, %gather3A_1178, %gather3A_1179] : memref<8x16x128xf32, #tpu.memory_space<vmem>> -> memref<1x16x128xf32, #tpu.memory_space<vmem>>
      %gather3A_1181 = tpu.memref_squeeze %gather3A_1180 : memref<1x16x128xf32, #tpu.memory_space<vmem>> -> memref<16x128xf32, #tpu.memory_space<vmem>>
      %gather3A_1182 = tpu.vector_load_idx %gather3A_1181[%iota3A, %broadcast_in_dim3A_1175] : memref<16x128xf32, #tpu.memory_space<vmem>>[vector<16xi32>, vector<16xi32>], vector<16xf32>,
      tpu.vector_store_idx %arg16[%iota3A, %broadcast_in_dim3A_1176], %gather3A_1182 : memref<16x512xf32, #tpu.memory_space<vmem>>[vector<16xi32>, vector<16xi32>], vector<16xf32>,
      %add3A_1183 = arith.constant 0 : i32
      %add3A_1184 = vector.broadcast %add3A_1183 : i32 to vector<16xi32>
      %add3A_1185 = arith.addi %iota3A, %add3A_1184 : vector<16xi32>
      %gather3A_1186 = arith.constant 4 : i32
      %gather3A_1187 = arith.constant 0 : i32
      %gather3A_1188 = arith.constant 0 : i32
      %gather3A_1189 = tpu.memref_slice %arg15[%gather3A_1186, %gather3A_1187, %gather3A_1188] : memref<8x64x128xf32, #tpu.memory_space<vmem>> -> memref<1x64x128xf32, #tpu.memory_space<vmem>>
      %gather3A_1190 = tpu.memref_squeeze %gather3A_1189 : memref<1x64x128xf32, #tpu.memory_space<vmem>> -> memref<64x128xf32, #tpu.memory_space<vmem>>
      %gather3A_1191 = tpu.vector_load_idx %gather3A_1190[%add3A_1185, %broadcast_in_dim3A_1175] : memref<64x128xf32, #tpu.memory_space<vmem>>[vector<16xi32>, vector<16xi32>], vector<16xf32>,
      tpu.vector_store_idx %arg17[%add3A_1185, %broadcast_in_dim3A_1176], %gather3A_1191 : memref<64x512xf32, #tpu.memory_space<vmem>>[vector<16xi32>, vector<16xi32>], vector<16xf32>,
      %add3A_1192 = arith.constant 16 : i32
      %add3A_1193 = vector.broadcast %add3A_1192 : i32 to vector<16xi32>
      %add3A_1194 = arith.addi %iota3A, %add3A_1193 : vector<16xi32>
      %gather3A_1195 = arith.constant 4 : i32
      %gather3A_1196 = arith.constant 0 : i32
      %gather3A_1197 = arith.constant 0 : i32
      %gather3A_1198 = tpu.memref_slice %arg15[%gather3A_1195, %gather3A_1196, %gather3A_1197] : memref<8x64x128xf32, #tpu.memory_space<vmem>> -> memref<1x64x128xf32, #tpu.memory_space<vmem>>
      %gather3A_1199 = tpu.memref_squeeze %gather3A_1198 : memref<1x64x128xf32, #tpu.memory_space<vmem>> -> memref<64x128xf32, #tpu.memory_space<vmem>>
      %gather3A_1200 = tpu.vector_load_idx %gather3A_1199[%add3A_1194, %broadcast_in_dim3A_1175] : memref<64x128xf32, #tpu.memory_space<vmem>>[vector<16xi32>, vector<16xi32>], vector<16xf32>,
      tpu.vector_store_idx %arg17[%add3A_1194, %broadcast_in_dim3A_1176], %gather3A_1200 : memref<64x512xf32, #tpu.memory_space<vmem>>[vector<16xi32>, vector<16xi32>], vector<16xf32>,
      %add3A_1201 = arith.constant 32 : i32
      %add3A_1202 = vector.broadcast %add3A_1201 : i32 to vector<16xi32>
      %add3A_1203 = arith.addi %iota3A, %add3A_1202 : vector<16xi32>
      %gather3A_1204 = arith.constant 4 : i32
      %gather3A_1205 = arith.constant 0 : i32
      %gather3A_1206 = arith.constant 0 : i32
      %gather3A_1207 = tpu.memref_slice %arg15[%gather3A_1204, %gather3A_1205, %gather3A_1206] : memref<8x64x128xf32, #tpu.memory_space<vmem>> -> memref<1x64x128xf32, #tpu.memory_space<vmem>>
      %gather3A_1208 = tpu.memref_squeeze %gather3A_1207 : memref<1x64x128xf32, #tpu.memory_space<vmem>> -> memref<64x128xf32, #tpu.memory_space<vmem>>
      %gather3A_1209 = tpu.vector_load_idx %gather3A_1208[%add3A_1203, %broadcast_in_dim3A_1175] : memref<64x128xf32, #tpu.memory_space<vmem>>[vector<16xi32>, vector<16xi32>], vector<16xf32>,
      tpu.vector_store_idx %arg17[%add3A_1203, %broadcast_in_dim3A_1176], %gather3A_1209 : memref<64x512xf32, #tpu.memory_space<vmem>>[vector<16xi32>, vector<16xi32>], vector<16xf32>,
      %add3A_1210 = arith.constant 48 : i32
      %add3A_1211 = vector.broadcast %add3A_1210 : i32 to vector<16xi32>
      %add3A_1212 = arith.addi %iota3A, %add3A_1211 : vector<16xi32>
      %gather3A_1213 = arith.constant 4 : i32
      %gather3A_1214 = arith.constant 0 : i32
      %gather3A_1215 = arith.constant 0 : i32
      %gather3A_1216 = tpu.memref_slice %arg15[%gather3A_1213, %gather3A_1214, %gather3A_1215] : memref<8x64x128xf32, #tpu.memory_space<vmem>> -> memref<1x64x128xf32, #tpu.memory_space<vmem>>
      %gather3A_1217 = tpu.memref_squeeze %gather3A_1216 : memref<1x64x128xf32, #tpu.memory_space<vmem>> -> memref<64x128xf32, #tpu.memory_space<vmem>>
      %gather3A_1218 = tpu.vector_load_idx %gather3A_1217[%add3A_1212, %broadcast_in_dim3A_1175] : memref<64x128xf32, #tpu.memory_space<vmem>>[vector<16xi32>, vector<16xi32>], vector<16xf32>,
      tpu.vector_store_idx %arg17[%add3A_1212, %broadcast_in_dim3A_1176], %gather3A_1218 : memref<64x512xf32, #tpu.memory_space<vmem>>[vector<16xi32>, vector<16xi32>], vector<16xf32>,
      %sub3A_1219 = arith.constant 1 : i32
      %sub3A_1220 = arith.subi %scan3A_722, %sub3A_1219 : i32
      %mul3A_1221 = arith.constant 8 : i32
      %mul3A_1222 = arith.muli %sub3A_1220, %mul3A_1221 : i32
      %add3A_1223 = arith.constant 5 : i32
      %add3A_1224 = arith.addi %mul3A_1222, %add3A_1223 : i32
      %dma_wait3A_1225 = arith.constant 5 : i32
      %dma_wait3A_1226 = arith.constant 0 : i32
      %dma_wait3A_1227 = arith.constant 0 : i32
      %dma_wait3A_1228 = tpu.memref_slice %arg14[%dma_wait3A_1225, %dma_wait3A_1226, %dma_wait3A_1227] : memref<8x16x128xf32, #tpu.memory_space<vmem>> -> memref<1x16x128xf32, #tpu.memory_space<vmem>>
      %dma_wait3A_1229 = tpu.memref_squeeze %dma_wait3A_1228 : memref<1x16x128xf32, #tpu.memory_space<vmem>> -> memref<16x128xf32, #tpu.memory_space<vmem>>
      %dma_wait3A_1230 = arith.constant 0 : i32
      %dma_wait3A_1231 = arith.constant 0 : i32
      %dma_wait3A_1232 = tpu.memref_slice %arg5[%dma_wait3A_1230, %dma_wait3A_1231] : memref<16x1000000xf32, #tpu.memory_space<hbm>> -> memref<16x128xf32, #tpu.memory_space<hbm>>
      %dma_wait3A_1233 = arith.constant 0 : i32
      %dma_wait3A_1234 = arith.constant 0 : i32
      %dma_wait3A_1235 = tpu.memref_slice %arg14[%dma_wait3A_1225, %dma_wait3A_1233, %dma_wait3A_1234] : memref<8x16x128xf32, #tpu.memory_space<vmem>> -> memref<1x16x128xf32, #tpu.memory_space<vmem>>
      %dma_wait3A_1236 = tpu.memref_squeeze %dma_wait3A_1235 : memref<1x16x128xf32, #tpu.memory_space<vmem>> -> memref<16x128xf32, #tpu.memory_space<vmem>>
      %dma_wait3A_1237 = arith.constant 0 : i32
      %dma_wait3A_1238 = arith.constant 0 : i32
      %dma_wait3A_1239 = tpu.memref_slice %arg5[%dma_wait3A_1237, %dma_wait3A_1238] : memref<16x1000000xf32, #tpu.memory_space<hbm>> -> memref<16x128xf32, #tpu.memory_space<hbm>>
      tpu.wait_dma2 semaphore(%arg23 : memref<!tpu.dma_semaphore, #tpu.memory_space<semaphore_mem>>) src(%dma_wait3A_1239 : memref<16x128xf32, #tpu.memory_space<hbm>>) dst(%dma_wait3A_1236 : memref<16x128xf32, #tpu.memory_space<vmem>>)
      %dma_wait3A_1240 = arith.constant 5 : i32
      %dma_wait3A_1241 = arith.constant 0 : i32
      %dma_wait3A_1242 = arith.constant 0 : i32
      %dma_wait3A_1243 = tpu.memref_slice %arg15[%dma_wait3A_1240, %dma_wait3A_1241, %dma_wait3A_1242] : memref<8x64x128xf32, #tpu.memory_space<vmem>> -> memref<1x64x128xf32, #tpu.memory_space<vmem>>
      %dma_wait3A_1244 = tpu.memref_squeeze %dma_wait3A_1243 : memref<1x64x128xf32, #tpu.memory_space<vmem>> -> memref<64x128xf32, #tpu.memory_space<vmem>>
      %dma_wait3A_1245 = arith.constant 0 : i32
      %dma_wait3A_1246 = arith.constant 0 : i32
      %dma_wait3A_1247 = tpu.memref_slice %arg7[%dma_wait3A_1245, %dma_wait3A_1246] : memref<64x1000000xf32, #tpu.memory_space<hbm>> -> memref<64x128xf32, #tpu.memory_space<hbm>>
      %dma_wait3A_1248 = arith.constant 0 : i32
      %dma_wait3A_1249 = arith.constant 0 : i32
      %dma_wait3A_1250 = tpu.memref_slice %arg15[%dma_wait3A_1240, %dma_wait3A_1248, %dma_wait3A_1249] : memref<8x64x128xf32, #tpu.memory_space<vmem>> -> memref<1x64x128xf32, #tpu.memory_space<vmem>>
      %dma_wait3A_1251 = tpu.memref_squeeze %dma_wait3A_1250 : memref<1x64x128xf32, #tpu.memory_space<vmem>> -> memref<64x128xf32, #tpu.memory_space<vmem>>
      %dma_wait3A_1252 = arith.constant 0 : i32
      %dma_wait3A_1253 = arith.constant 0 : i32
      %dma_wait3A_1254 = tpu.memref_slice %arg7[%dma_wait3A_1252, %dma_wait3A_1253] : memref<64x1000000xf32, #tpu.memory_space<hbm>> -> memref<64x128xf32, #tpu.memory_space<hbm>>
      tpu.wait_dma2 semaphore(%arg23 : memref<!tpu.dma_semaphore, #tpu.memory_space<semaphore_mem>>) src(%dma_wait3A_1254 : memref<64x128xf32, #tpu.memory_space<hbm>>) dst(%dma_wait3A_1251 : memref<64x128xf32, #tpu.memory_space<vmem>>)
      %shift_right_arithmetic3A_1255 = arith.constant 4 : i32
      %shift_right_arithmetic3A_1256 = arith.shrsi %add3A_1224, %shift_right_arithmetic3A_1255 : i32
      %shift_left3A_1257 = arith.constant 4 : i32
      %shift_left3A_1258 = arith.shli %shift_right_arithmetic3A_1256, %shift_left3A_1257 : i32
      %multiple_of3A_1259 = tpu.assume_multiple %shift_left3A_1258, 16 : i32
      %get3A_1260 = arith.index_cast %multiple_of3A_1259 : i32 to index
      %get3A_1261 = tpu.vector_load %arg13[%get3A_1260] {strides = array<i32>} : memref<512xi32, #tpu.memory_space<vmem>>, vector<16xi32>,
      %and3A_1262 = arith.constant 15 : i32
      %and3A_1263 = arith.andi %add3A_1224, %and3A_1262 : i32
      %eq3A_1264 = vector.broadcast %and3A_1263 : i32 to vector<16xi32>
      %eq3A_1265 = arith.cmpi eq, %iota3A, %eq3A_1264 : vector<16xi32>
      %jit3A_1266 = arith.constant 0 : i32
      %broadcast_in_dim3A_1267 = vector.broadcast %jit3A_1266 : i32 to vector<16xi32>
      %select_n3A_1268 = arith.select %eq3A_1265, %get3A_1261, %broadcast_in_dim3A_1267 : vector<16xi1>, vector<16xi32>
      %reduce_sum3A_1269 = arith.constant true
      %reduce_sum3A_1270 = vector.broadcast %reduce_sum3A_1269 : i1 to vector<16xi1>
      %reduce_sum3A_1271 = tpu.scan <sum>, %select_n3A_1268 masked %reduce_sum3A_1270 : vector<16xi32>, vector<16xi1> -> vector<16xi32>
      %reduce_sum3A_1272 = vector.extract %reduce_sum3A_1271[15] : i32 from vector<16xi32>
      %and3A_1273 = arith.constant 127 : i32
      %and3A_1274 = arith.andi %reduce_sum3A_1272, %and3A_1273 : i32
      %broadcast_in_dim3A_1275 = vector.broadcast %and3A_1274 : i32 to vector<16xi32>
      %broadcast_in_dim3A_1276 = vector.broadcast %add3A_1224 : i32 to vector<16xi32>
      %gather3A_1277 = arith.constant 5 : i32
      %gather3A_1278 = arith.constant 0 : i32
      %gather3A_1279 = arith.constant 0 : i32
      %gather3A_1280 = tpu.memref_slice %arg14[%gather3A_1277, %gather3A_1278, %gather3A_1279] : memref<8x16x128xf32, #tpu.memory_space<vmem>> -> memref<1x16x128xf32, #tpu.memory_space<vmem>>
      %gather3A_1281 = tpu.memref_squeeze %gather3A_1280 : memref<1x16x128xf32, #tpu.memory_space<vmem>> -> memref<16x128xf32, #tpu.memory_space<vmem>>
      %gather3A_1282 = tpu.vector_load_idx %gather3A_1281[%iota3A, %broadcast_in_dim3A_1275] : memref<16x128xf32, #tpu.memory_space<vmem>>[vector<16xi32>, vector<16xi32>], vector<16xf32>,
      tpu.vector_store_idx %arg16[%iota3A, %broadcast_in_dim3A_1276], %gather3A_1282 : memref<16x512xf32, #tpu.memory_space<vmem>>[vector<16xi32>, vector<16xi32>], vector<16xf32>,
      %add3A_1283 = arith.constant 0 : i32
      %add3A_1284 = vector.broadcast %add3A_1283 : i32 to vector<16xi32>
      %add3A_1285 = arith.addi %iota3A, %add3A_1284 : vector<16xi32>
      %gather3A_1286 = arith.constant 5 : i32
      %gather3A_1287 = arith.constant 0 : i32
      %gather3A_1288 = arith.constant 0 : i32
      %gather3A_1289 = tpu.memref_slice %arg15[%gather3A_1286, %gather3A_1287, %gather3A_1288] : memref<8x64x128xf32, #tpu.memory_space<vmem>> -> memref<1x64x128xf32, #tpu.memory_space<vmem>>
      %gather3A_1290 = tpu.memref_squeeze %gather3A_1289 : memref<1x64x128xf32, #tpu.memory_space<vmem>> -> memref<64x128xf32, #tpu.memory_space<vmem>>
      %gather3A_1291 = tpu.vector_load_idx %gather3A_1290[%add3A_1285, %broadcast_in_dim3A_1275] : memref<64x128xf32, #tpu.memory_space<vmem>>[vector<16xi32>, vector<16xi32>], vector<16xf32>,
      tpu.vector_store_idx %arg17[%add3A_1285, %broadcast_in_dim3A_1276], %gather3A_1291 : memref<64x512xf32, #tpu.memory_space<vmem>>[vector<16xi32>, vector<16xi32>], vector<16xf32>,
      %add3A_1292 = arith.constant 16 : i32
      %add3A_1293 = vector.broadcast %add3A_1292 : i32 to vector<16xi32>
      %add3A_1294 = arith.addi %iota3A, %add3A_1293 : vector<16xi32>
      %gather3A_1295 = arith.constant 5 : i32
      %gather3A_1296 = arith.constant 0 : i32
      %gather3A_1297 = arith.constant 0 : i32
      %gather3A_1298 = tpu.memref_slice %arg15[%gather3A_1295, %gather3A_1296, %gather3A_1297] : memref<8x64x128xf32, #tpu.memory_space<vmem>> -> memref<1x64x128xf32, #tpu.memory_space<vmem>>
      %gather3A_1299 = tpu.memref_squeeze %gather3A_1298 : memref<1x64x128xf32, #tpu.memory_space<vmem>> -> memref<64x128xf32, #tpu.memory_space<vmem>>
      %gather3A_1300 = tpu.vector_load_idx %gather3A_1299[%add3A_1294, %broadcast_in_dim3A_1275] : memref<64x128xf32, #tpu.memory_space<vmem>>[vector<16xi32>, vector<16xi32>], vector<16xf32>,
      tpu.vector_store_idx %arg17[%add3A_1294, %broadcast_in_dim3A_1276], %gather3A_1300 : memref<64x512xf32, #tpu.memory_space<vmem>>[vector<16xi32>, vector<16xi32>], vector<16xf32>,
      %add3A_1301 = arith.constant 32 : i32
      %add3A_1302 = vector.broadcast %add3A_1301 : i32 to vector<16xi32>
      %add3A_1303 = arith.addi %iota3A, %add3A_1302 : vector<16xi32>
      %gather3A_1304 = arith.constant 5 : i32
      %gather3A_1305 = arith.constant 0 : i32
      %gather3A_1306 = arith.constant 0 : i32
      %gather3A_1307 = tpu.memref_slice %arg15[%gather3A_1304, %gather3A_1305, %gather3A_1306] : memref<8x64x128xf32, #tpu.memory_space<vmem>> -> memref<1x64x128xf32, #tpu.memory_space<vmem>>
      %gather3A_1308 = tpu.memref_squeeze %gather3A_1307 : memref<1x64x128xf32, #tpu.memory_space<vmem>> -> memref<64x128xf32, #tpu.memory_space<vmem>>
      %gather3A_1309 = tpu.vector_load_idx %gather3A_1308[%add3A_1303, %broadcast_in_dim3A_1275] : memref<64x128xf32, #tpu.memory_space<vmem>>[vector<16xi32>, vector<16xi32>], vector<16xf32>,
      tpu.vector_store_idx %arg17[%add3A_1303, %broadcast_in_dim3A_1276], %gather3A_1309 : memref<64x512xf32, #tpu.memory_space<vmem>>[vector<16xi32>, vector<16xi32>], vector<16xf32>,
      %add3A_1310 = arith.constant 48 : i32
      %add3A_1311 = vector.broadcast %add3A_1310 : i32 to vector<16xi32>
      %add3A_1312 = arith.addi %iota3A, %add3A_1311 : vector<16xi32>
      %gather3A_1313 = arith.constant 5 : i32
      %gather3A_1314 = arith.constant 0 : i32
      %gather3A_1315 = arith.constant 0 : i32
      %gather3A_1316 = tpu.memref_slice %arg15[%gather3A_1313, %gather3A_1314, %gather3A_1315] : memref<8x64x128xf32, #tpu.memory_space<vmem>> -> memref<1x64x128xf32, #tpu.memory_space<vmem>>
      %gather3A_1317 = tpu.memref_squeeze %gather3A_1316 : memref<1x64x128xf32, #tpu.memory_space<vmem>> -> memref<64x128xf32, #tpu.memory_space<vmem>>
      %gather3A_1318 = tpu.vector_load_idx %gather3A_1317[%add3A_1312, %broadcast_in_dim3A_1275] : memref<64x128xf32, #tpu.memory_space<vmem>>[vector<16xi32>, vector<16xi32>], vector<16xf32>,
      tpu.vector_store_idx %arg17[%add3A_1312, %broadcast_in_dim3A_1276], %gather3A_1318 : memref<64x512xf32, #tpu.memory_space<vmem>>[vector<16xi32>, vector<16xi32>], vector<16xf32>,
      %sub3A_1319 = arith.constant 1 : i32
      %sub3A_1320 = arith.subi %scan3A_722, %sub3A_1319 : i32
      %mul3A_1321 = arith.constant 8 : i32
      %mul3A_1322 = arith.muli %sub3A_1320, %mul3A_1321 : i32
      %add3A_1323 = arith.constant 6 : i32
      %add3A_1324 = arith.addi %mul3A_1322, %add3A_1323 : i32
      %dma_wait3A_1325 = arith.constant 6 : i32
      %dma_wait3A_1326 = arith.constant 0 : i32
      %dma_wait3A_1327 = arith.constant 0 : i32
      %dma_wait3A_1328 = tpu.memref_slice %arg14[%dma_wait3A_1325, %dma_wait3A_1326, %dma_wait3A_1327] : memref<8x16x128xf32, #tpu.memory_space<vmem>> -> memref<1x16x128xf32, #tpu.memory_space<vmem>>
      %dma_wait3A_1329 = tpu.memref_squeeze %dma_wait3A_1328 : memref<1x16x128xf32, #tpu.memory_space<vmem>> -> memref<16x128xf32, #tpu.memory_space<vmem>>
      %dma_wait3A_1330 = arith.constant 0 : i32
      %dma_wait3A_1331 = arith.constant 0 : i32
      %dma_wait3A_1332 = tpu.memref_slice %arg5[%dma_wait3A_1330, %dma_wait3A_1331] : memref<16x1000000xf32, #tpu.memory_space<hbm>> -> memref<16x128xf32, #tpu.memory_space<hbm>>
      %dma_wait3A_1333 = arith.constant 0 : i32
      %dma_wait3A_1334 = arith.constant 0 : i32
      %dma_wait3A_1335 = tpu.memref_slice %arg14[%dma_wait3A_1325, %dma_wait3A_1333, %dma_wait3A_1334] : memref<8x16x128xf32, #tpu.memory_space<vmem>> -> memref<1x16x128xf32, #tpu.memory_space<vmem>>
      %dma_wait3A_1336 = tpu.memref_squeeze %dma_wait3A_1335 : memref<1x16x128xf32, #tpu.memory_space<vmem>> -> memref<16x128xf32, #tpu.memory_space<vmem>>
      %dma_wait3A_1337 = arith.constant 0 : i32
      %dma_wait3A_1338 = arith.constant 0 : i32
      %dma_wait3A_1339 = tpu.memref_slice %arg5[%dma_wait3A_1337, %dma_wait3A_1338] : memref<16x1000000xf32, #tpu.memory_space<hbm>> -> memref<16x128xf32, #tpu.memory_space<hbm>>
      tpu.wait_dma2 semaphore(%arg24 : memref<!tpu.dma_semaphore, #tpu.memory_space<semaphore_mem>>) src(%dma_wait3A_1339 : memref<16x128xf32, #tpu.memory_space<hbm>>) dst(%dma_wait3A_1336 : memref<16x128xf32, #tpu.memory_space<vmem>>)
      %dma_wait3A_1340 = arith.constant 6 : i32
      %dma_wait3A_1341 = arith.constant 0 : i32
      %dma_wait3A_1342 = arith.constant 0 : i32
      %dma_wait3A_1343 = tpu.memref_slice %arg15[%dma_wait3A_1340, %dma_wait3A_1341, %dma_wait3A_1342] : memref<8x64x128xf32, #tpu.memory_space<vmem>> -> memref<1x64x128xf32, #tpu.memory_space<vmem>>
      %dma_wait3A_1344 = tpu.memref_squeeze %dma_wait3A_1343 : memref<1x64x128xf32, #tpu.memory_space<vmem>> -> memref<64x128xf32, #tpu.memory_space<vmem>>
      %dma_wait3A_1345 = arith.constant 0 : i32
      %dma_wait3A_1346 = arith.constant 0 : i32
      %dma_wait3A_1347 = tpu.memref_slice %arg7[%dma_wait3A_1345, %dma_wait3A_1346] : memref<64x1000000xf32, #tpu.memory_space<hbm>> -> memref<64x128xf32, #tpu.memory_space<hbm>>
      %dma_wait3A_1348 = arith.constant 0 : i32
      %dma_wait3A_1349 = arith.constant 0 : i32
      %dma_wait3A_1350 = tpu.memref_slice %arg15[%dma_wait3A_1340, %dma_wait3A_1348, %dma_wait3A_1349] : memref<8x64x128xf32, #tpu.memory_space<vmem>> -> memref<1x64x128xf32, #tpu.memory_space<vmem>>
      %dma_wait3A_1351 = tpu.memref_squeeze %dma_wait3A_1350 : memref<1x64x128xf32, #tpu.memory_space<vmem>> -> memref<64x128xf32, #tpu.memory_space<vmem>>
      %dma_wait3A_1352 = arith.constant 0 : i32
      %dma_wait3A_1353 = arith.constant 0 : i32
      %dma_wait3A_1354 = tpu.memref_slice %arg7[%dma_wait3A_1352, %dma_wait3A_1353] : memref<64x1000000xf32, #tpu.memory_space<hbm>> -> memref<64x128xf32, #tpu.memory_space<hbm>>
      tpu.wait_dma2 semaphore(%arg24 : memref<!tpu.dma_semaphore, #tpu.memory_space<semaphore_mem>>) src(%dma_wait3A_1354 : memref<64x128xf32, #tpu.memory_space<hbm>>) dst(%dma_wait3A_1351 : memref<64x128xf32, #tpu.memory_space<vmem>>)
      %shift_right_arithmetic3A_1355 = arith.constant 4 : i32
      %shift_right_arithmetic3A_1356 = arith.shrsi %add3A_1324, %shift_right_arithmetic3A_1355 : i32
      %shift_left3A_1357 = arith.constant 4 : i32
      %shift_left3A_1358 = arith.shli %shift_right_arithmetic3A_1356, %shift_left3A_1357 : i32
      %multiple_of3A_1359 = tpu.assume_multiple %shift_left3A_1358, 16 : i32
      %get3A_1360 = arith.index_cast %multiple_of3A_1359 : i32 to index
      %get3A_1361 = tpu.vector_load %arg13[%get3A_1360] {strides = array<i32>} : memref<512xi32, #tpu.memory_space<vmem>>, vector<16xi32>,
      %and3A_1362 = arith.constant 15 : i32
      %and3A_1363 = arith.andi %add3A_1324, %and3A_1362 : i32
      %eq3A_1364 = vector.broadcast %and3A_1363 : i32 to vector<16xi32>
      %eq3A_1365 = arith.cmpi eq, %iota3A, %eq3A_1364 : vector<16xi32>
      %jit3A_1366 = arith.constant 0 : i32
      %broadcast_in_dim3A_1367 = vector.broadcast %jit3A_1366 : i32 to vector<16xi32>
      %select_n3A_1368 = arith.select %eq3A_1365, %get3A_1361, %broadcast_in_dim3A_1367 : vector<16xi1>, vector<16xi32>
      %reduce_sum3A_1369 = arith.constant true
      %reduce_sum3A_1370 = vector.broadcast %reduce_sum3A_1369 : i1 to vector<16xi1>
      %reduce_sum3A_1371 = tpu.scan <sum>, %select_n3A_1368 masked %reduce_sum3A_1370 : vector<16xi32>, vector<16xi1> -> vector<16xi32>
      %reduce_sum3A_1372 = vector.extract %reduce_sum3A_1371[15] : i32 from vector<16xi32>
      %and3A_1373 = arith.constant 127 : i32
      %and3A_1374 = arith.andi %reduce_sum3A_1372, %and3A_1373 : i32
      %broadcast_in_dim3A_1375 = vector.broadcast %and3A_1374 : i32 to vector<16xi32>
      %broadcast_in_dim3A_1376 = vector.broadcast %add3A_1324 : i32 to vector<16xi32>
      %gather3A_1377 = arith.constant 6 : i32
      %gather3A_1378 = arith.constant 0 : i32
      %gather3A_1379 = arith.constant 0 : i32
      %gather3A_1380 = tpu.memref_slice %arg14[%gather3A_1377, %gather3A_1378, %gather3A_1379] : memref<8x16x128xf32, #tpu.memory_space<vmem>> -> memref<1x16x128xf32, #tpu.memory_space<vmem>>
      %gather3A_1381 = tpu.memref_squeeze %gather3A_1380 : memref<1x16x128xf32, #tpu.memory_space<vmem>> -> memref<16x128xf32, #tpu.memory_space<vmem>>
      %gather3A_1382 = tpu.vector_load_idx %gather3A_1381[%iota3A, %broadcast_in_dim3A_1375] : memref<16x128xf32, #tpu.memory_space<vmem>>[vector<16xi32>, vector<16xi32>], vector<16xf32>,
      tpu.vector_store_idx %arg16[%iota3A, %broadcast_in_dim3A_1376], %gather3A_1382 : memref<16x512xf32, #tpu.memory_space<vmem>>[vector<16xi32>, vector<16xi32>], vector<16xf32>,
      %add3A_1383 = arith.constant 0 : i32
      %add3A_1384 = vector.broadcast %add3A_1383 : i32 to vector<16xi32>
      %add3A_1385 = arith.addi %iota3A, %add3A_1384 : vector<16xi32>
      %gather3A_1386 = arith.constant 6 : i32
      %gather3A_1387 = arith.constant 0 : i32
      %gather3A_1388 = arith.constant 0 : i32
      %gather3A_1389 = tpu.memref_slice %arg15[%gather3A_1386, %gather3A_1387, %gather3A_1388] : memref<8x64x128xf32, #tpu.memory_space<vmem>> -> memref<1x64x128xf32, #tpu.memory_space<vmem>>
      %gather3A_1390 = tpu.memref_squeeze %gather3A_1389 : memref<1x64x128xf32, #tpu.memory_space<vmem>> -> memref<64x128xf32, #tpu.memory_space<vmem>>
      %gather3A_1391 = tpu.vector_load_idx %gather3A_1390[%add3A_1385, %broadcast_in_dim3A_1375] : memref<64x128xf32, #tpu.memory_space<vmem>>[vector<16xi32>, vector<16xi32>], vector<16xf32>,
      tpu.vector_store_idx %arg17[%add3A_1385, %broadcast_in_dim3A_1376], %gather3A_1391 : memref<64x512xf32, #tpu.memory_space<vmem>>[vector<16xi32>, vector<16xi32>], vector<16xf32>,
      %add3A_1392 = arith.constant 16 : i32
      %add3A_1393 = vector.broadcast %add3A_1392 : i32 to vector<16xi32>
      %add3A_1394 = arith.addi %iota3A, %add3A_1393 : vector<16xi32>
      %gather3A_1395 = arith.constant 6 : i32
      %gather3A_1396 = arith.constant 0 : i32
      %gather3A_1397 = arith.constant 0 : i32
      %gather3A_1398 = tpu.memref_slice %arg15[%gather3A_1395, %gather3A_1396, %gather3A_1397] : memref<8x64x128xf32, #tpu.memory_space<vmem>> -> memref<1x64x128xf32, #tpu.memory_space<vmem>>
      %gather3A_1399 = tpu.memref_squeeze %gather3A_1398 : memref<1x64x128xf32, #tpu.memory_space<vmem>> -> memref<64x128xf32, #tpu.memory_space<vmem>>
      %gather3A_1400 = tpu.vector_load_idx %gather3A_1399[%add3A_1394, %broadcast_in_dim3A_1375] : memref<64x128xf32, #tpu.memory_space<vmem>>[vector<16xi32>, vector<16xi32>], vector<16xf32>,
      tpu.vector_store_idx %arg17[%add3A_1394, %broadcast_in_dim3A_1376], %gather3A_1400 : memref<64x512xf32, #tpu.memory_space<vmem>>[vector<16xi32>, vector<16xi32>], vector<16xf32>,
      %add3A_1401 = arith.constant 32 : i32
      %add3A_1402 = vector.broadcast %add3A_1401 : i32 to vector<16xi32>
      %add3A_1403 = arith.addi %iota3A, %add3A_1402 : vector<16xi32>
      %gather3A_1404 = arith.constant 6 : i32
      %gather3A_1405 = arith.constant 0 : i32
      %gather3A_1406 = arith.constant 0 : i32
      %gather3A_1407 = tpu.memref_slice %arg15[%gather3A_1404, %gather3A_1405, %gather3A_1406] : memref<8x64x128xf32, #tpu.memory_space<vmem>> -> memref<1x64x128xf32, #tpu.memory_space<vmem>>
      %gather3A_1408 = tpu.memref_squeeze %gather3A_1407 : memref<1x64x128xf32, #tpu.memory_space<vmem>> -> memref<64x128xf32, #tpu.memory_space<vmem>>
      %gather3A_1409 = tpu.vector_load_idx %gather3A_1408[%add3A_1403, %broadcast_in_dim3A_1375] : memref<64x128xf32, #tpu.memory_space<vmem>>[vector<16xi32>, vector<16xi32>], vector<16xf32>,
      tpu.vector_store_idx %arg17[%add3A_1403, %broadcast_in_dim3A_1376], %gather3A_1409 : memref<64x512xf32, #tpu.memory_space<vmem>>[vector<16xi32>, vector<16xi32>], vector<16xf32>,
      %add3A_1410 = arith.constant 48 : i32
      %add3A_1411 = vector.broadcast %add3A_1410 : i32 to vector<16xi32>
      %add3A_1412 = arith.addi %iota3A, %add3A_1411 : vector<16xi32>
      %gather3A_1413 = arith.constant 6 : i32
      %gather3A_1414 = arith.constant 0 : i32
      %gather3A_1415 = arith.constant 0 : i32
      %gather3A_1416 = tpu.memref_slice %arg15[%gather3A_1413, %gather3A_1414, %gather3A_1415] : memref<8x64x128xf32, #tpu.memory_space<vmem>> -> memref<1x64x128xf32, #tpu.memory_space<vmem>>
      %gather3A_1417 = tpu.memref_squeeze %gather3A_1416 : memref<1x64x128xf32, #tpu.memory_space<vmem>> -> memref<64x128xf32, #tpu.memory_space<vmem>>
      %gather3A_1418 = tpu.vector_load_idx %gather3A_1417[%add3A_1412, %broadcast_in_dim3A_1375] : memref<64x128xf32, #tpu.memory_space<vmem>>[vector<16xi32>, vector<16xi32>], vector<16xf32>,
      tpu.vector_store_idx %arg17[%add3A_1412, %broadcast_in_dim3A_1376], %gather3A_1418 : memref<64x512xf32, #tpu.memory_space<vmem>>[vector<16xi32>, vector<16xi32>], vector<16xf32>,
      %sub3A_1419 = arith.constant 1 : i32
      %sub3A_1420 = arith.subi %scan3A_722, %sub3A_1419 : i32
      %mul3A_1421 = arith.constant 8 : i32
      %mul3A_1422 = arith.muli %sub3A_1420, %mul3A_1421 : i32
      %add3A_1423 = arith.constant 7 : i32
      %add3A_1424 = arith.addi %mul3A_1422, %add3A_1423 : i32
      %dma_wait3A_1425 = arith.constant 7 : i32
      %dma_wait3A_1426 = arith.constant 0 : i32
      %dma_wait3A_1427 = arith.constant 0 : i32
      %dma_wait3A_1428 = tpu.memref_slice %arg14[%dma_wait3A_1425, %dma_wait3A_1426, %dma_wait3A_1427] : memref<8x16x128xf32, #tpu.memory_space<vmem>> -> memref<1x16x128xf32, #tpu.memory_space<vmem>>
      %dma_wait3A_1429 = tpu.memref_squeeze %dma_wait3A_1428 : memref<1x16x128xf32, #tpu.memory_space<vmem>> -> memref<16x128xf32, #tpu.memory_space<vmem>>
      %dma_wait3A_1430 = arith.constant 0 : i32
      %dma_wait3A_1431 = arith.constant 0 : i32
      %dma_wait3A_1432 = tpu.memref_slice %arg5[%dma_wait3A_1430, %dma_wait3A_1431] : memref<16x1000000xf32, #tpu.memory_space<hbm>> -> memref<16x128xf32, #tpu.memory_space<hbm>>
      %dma_wait3A_1433 = arith.constant 0 : i32
      %dma_wait3A_1434 = arith.constant 0 : i32
      %dma_wait3A_1435 = tpu.memref_slice %arg14[%dma_wait3A_1425, %dma_wait3A_1433, %dma_wait3A_1434] : memref<8x16x128xf32, #tpu.memory_space<vmem>> -> memref<1x16x128xf32, #tpu.memory_space<vmem>>
      %dma_wait3A_1436 = tpu.memref_squeeze %dma_wait3A_1435 : memref<1x16x128xf32, #tpu.memory_space<vmem>> -> memref<16x128xf32, #tpu.memory_space<vmem>>
      %dma_wait3A_1437 = arith.constant 0 : i32
      %dma_wait3A_1438 = arith.constant 0 : i32
      %dma_wait3A_1439 = tpu.memref_slice %arg5[%dma_wait3A_1437, %dma_wait3A_1438] : memref<16x1000000xf32, #tpu.memory_space<hbm>> -> memref<16x128xf32, #tpu.memory_space<hbm>>
      tpu.wait_dma2 semaphore(%arg25 : memref<!tpu.dma_semaphore, #tpu.memory_space<semaphore_mem>>) src(%dma_wait3A_1439 : memref<16x128xf32, #tpu.memory_space<hbm>>) dst(%dma_wait3A_1436 : memref<16x128xf32, #tpu.memory_space<vmem>>)
      %dma_wait3A_1440 = arith.constant 7 : i32
      %dma_wait3A_1441 = arith.constant 0 : i32
      %dma_wait3A_1442 = arith.constant 0 : i32
      %dma_wait3A_1443 = tpu.memref_slice %arg15[%dma_wait3A_1440, %dma_wait3A_1441, %dma_wait3A_1442] : memref<8x64x128xf32, #tpu.memory_space<vmem>> -> memref<1x64x128xf32, #tpu.memory_space<vmem>>
      %dma_wait3A_1444 = tpu.memref_squeeze %dma_wait3A_1443 : memref<1x64x128xf32, #tpu.memory_space<vmem>> -> memref<64x128xf32, #tpu.memory_space<vmem>>
      %dma_wait3A_1445 = arith.constant 0 : i32
      %dma_wait3A_1446 = arith.constant 0 : i32
      %dma_wait3A_1447 = tpu.memref_slice %arg7[%dma_wait3A_1445, %dma_wait3A_1446] : memref<64x1000000xf32, #tpu.memory_space<hbm>> -> memref<64x128xf32, #tpu.memory_space<hbm>>
      %dma_wait3A_1448 = arith.constant 0 : i32
      %dma_wait3A_1449 = arith.constant 0 : i32
      %dma_wait3A_1450 = tpu.memref_slice %arg15[%dma_wait3A_1440, %dma_wait3A_1448, %dma_wait3A_1449] : memref<8x64x128xf32, #tpu.memory_space<vmem>> -> memref<1x64x128xf32, #tpu.memory_space<vmem>>
      %dma_wait3A_1451 = tpu.memref_squeeze %dma_wait3A_1450 : memref<1x64x128xf32, #tpu.memory_space<vmem>> -> memref<64x128xf32, #tpu.memory_space<vmem>>
      %dma_wait3A_1452 = arith.constant 0 : i32
      %dma_wait3A_1453 = arith.constant 0 : i32
      %dma_wait3A_1454 = tpu.memref_slice %arg7[%dma_wait3A_1452, %dma_wait3A_1453] : memref<64x1000000xf32, #tpu.memory_space<hbm>> -> memref<64x128xf32, #tpu.memory_space<hbm>>
      tpu.wait_dma2 semaphore(%arg25 : memref<!tpu.dma_semaphore, #tpu.memory_space<semaphore_mem>>) src(%dma_wait3A_1454 : memref<64x128xf32, #tpu.memory_space<hbm>>) dst(%dma_wait3A_1451 : memref<64x128xf32, #tpu.memory_space<vmem>>)
      %shift_right_arithmetic3A_1455 = arith.constant 4 : i32
      %shift_right_arithmetic3A_1456 = arith.shrsi %add3A_1424, %shift_right_arithmetic3A_1455 : i32
      %shift_left3A_1457 = arith.constant 4 : i32
      %shift_left3A_1458 = arith.shli %shift_right_arithmetic3A_1456, %shift_left3A_1457 : i32
      %multiple_of3A_1459 = tpu.assume_multiple %shift_left3A_1458, 16 : i32
      %get3A_1460 = arith.index_cast %multiple_of3A_1459 : i32 to index
      %get3A_1461 = tpu.vector_load %arg13[%get3A_1460] {strides = array<i32>} : memref<512xi32, #tpu.memory_space<vmem>>, vector<16xi32>,
      %and3A_1462 = arith.constant 15 : i32
      %and3A_1463 = arith.andi %add3A_1424, %and3A_1462 : i32
      %eq3A_1464 = vector.broadcast %and3A_1463 : i32 to vector<16xi32>
      %eq3A_1465 = arith.cmpi eq, %iota3A, %eq3A_1464 : vector<16xi32>
      %jit3A_1466 = arith.constant 0 : i32
      %broadcast_in_dim3A_1467 = vector.broadcast %jit3A_1466 : i32 to vector<16xi32>
      %select_n3A_1468 = arith.select %eq3A_1465, %get3A_1461, %broadcast_in_dim3A_1467 : vector<16xi1>, vector<16xi32>
      %reduce_sum3A_1469 = arith.constant true
      %reduce_sum3A_1470 = vector.broadcast %reduce_sum3A_1469 : i1 to vector<16xi1>
      %reduce_sum3A_1471 = tpu.scan <sum>, %select_n3A_1468 masked %reduce_sum3A_1470 : vector<16xi32>, vector<16xi1> -> vector<16xi32>
      %reduce_sum3A_1472 = vector.extract %reduce_sum3A_1471[15] : i32 from vector<16xi32>
      %and3A_1473 = arith.constant 127 : i32
      %and3A_1474 = arith.andi %reduce_sum3A_1472, %and3A_1473 : i32
      %broadcast_in_dim3A_1475 = vector.broadcast %and3A_1474 : i32 to vector<16xi32>
      %broadcast_in_dim3A_1476 = vector.broadcast %add3A_1424 : i32 to vector<16xi32>
      %gather3A_1477 = arith.constant 7 : i32
      %gather3A_1478 = arith.constant 0 : i32
      %gather3A_1479 = arith.constant 0 : i32
      %gather3A_1480 = tpu.memref_slice %arg14[%gather3A_1477, %gather3A_1478, %gather3A_1479] : memref<8x16x128xf32, #tpu.memory_space<vmem>> -> memref<1x16x128xf32, #tpu.memory_space<vmem>>
      %gather3A_1481 = tpu.memref_squeeze %gather3A_1480 : memref<1x16x128xf32, #tpu.memory_space<vmem>> -> memref<16x128xf32, #tpu.memory_space<vmem>>
      %gather3A_1482 = tpu.vector_load_idx %gather3A_1481[%iota3A, %broadcast_in_dim3A_1475] : memref<16x128xf32, #tpu.memory_space<vmem>>[vector<16xi32>, vector<16xi32>], vector<16xf32>,
      tpu.vector_store_idx %arg16[%iota3A, %broadcast_in_dim3A_1476], %gather3A_1482 : memref<16x512xf32, #tpu.memory_space<vmem>>[vector<16xi32>, vector<16xi32>], vector<16xf32>,
      %add3A_1483 = arith.constant 0 : i32
      %add3A_1484 = vector.broadcast %add3A_1483 : i32 to vector<16xi32>
      %add3A_1485 = arith.addi %iota3A, %add3A_1484 : vector<16xi32>
      %gather3A_1486 = arith.constant 7 : i32
      %gather3A_1487 = arith.constant 0 : i32
      %gather3A_1488 = arith.constant 0 : i32
      %gather3A_1489 = tpu.memref_slice %arg15[%gather3A_1486, %gather3A_1487, %gather3A_1488] : memref<8x64x128xf32, #tpu.memory_space<vmem>> -> memref<1x64x128xf32, #tpu.memory_space<vmem>>
      %gather3A_1490 = tpu.memref_squeeze %gather3A_1489 : memref<1x64x128xf32, #tpu.memory_space<vmem>> -> memref<64x128xf32, #tpu.memory_space<vmem>>
      %gather3A_1491 = tpu.vector_load_idx %gather3A_1490[%add3A_1485, %broadcast_in_dim3A_1475] : memref<64x128xf32, #tpu.memory_space<vmem>>[vector<16xi32>, vector<16xi32>], vector<16xf32>,
      tpu.vector_store_idx %arg17[%add3A_1485, %broadcast_in_dim3A_1476], %gather3A_1491 : memref<64x512xf32, #tpu.memory_space<vmem>>[vector<16xi32>, vector<16xi32>], vector<16xf32>,
      %add3A_1492 = arith.constant 16 : i32
      %add3A_1493 = vector.broadcast %add3A_1492 : i32 to vector<16xi32>
      %add3A_1494 = arith.addi %iota3A, %add3A_1493 : vector<16xi32>
      %gather3A_1495 = arith.constant 7 : i32
      %gather3A_1496 = arith.constant 0 : i32
      %gather3A_1497 = arith.constant 0 : i32
      %gather3A_1498 = tpu.memref_slice %arg15[%gather3A_1495, %gather3A_1496, %gather3A_1497] : memref<8x64x128xf32, #tpu.memory_space<vmem>> -> memref<1x64x128xf32, #tpu.memory_space<vmem>>
      %gather3A_1499 = tpu.memref_squeeze %gather3A_1498 : memref<1x64x128xf32, #tpu.memory_space<vmem>> -> memref<64x128xf32, #tpu.memory_space<vmem>>
      %gather3A_1500 = tpu.vector_load_idx %gather3A_1499[%add3A_1494, %broadcast_in_dim3A_1475] : memref<64x128xf32, #tpu.memory_space<vmem>>[vector<16xi32>, vector<16xi32>], vector<16xf32>,
      tpu.vector_store_idx %arg17[%add3A_1494, %broadcast_in_dim3A_1476], %gather3A_1500 : memref<64x512xf32, #tpu.memory_space<vmem>>[vector<16xi32>, vector<16xi32>], vector<16xf32>,
      %add3A_1501 = arith.constant 32 : i32
      %add3A_1502 = vector.broadcast %add3A_1501 : i32 to vector<16xi32>
      %add3A_1503 = arith.addi %iota3A, %add3A_1502 : vector<16xi32>
      %gather3A_1504 = arith.constant 7 : i32
      %gather3A_1505 = arith.constant 0 : i32
      %gather3A_1506 = arith.constant 0 : i32
      %gather3A_1507 = tpu.memref_slice %arg15[%gather3A_1504, %gather3A_1505, %gather3A_1506] : memref<8x64x128xf32, #tpu.memory_space<vmem>> -> memref<1x64x128xf32, #tpu.memory_space<vmem>>
      %gather3A_1508 = tpu.memref_squeeze %gather3A_1507 : memref<1x64x128xf32, #tpu.memory_space<vmem>> -> memref<64x128xf32, #tpu.memory_space<vmem>>
      %gather3A_1509 = tpu.vector_load_idx %gather3A_1508[%add3A_1503, %broadcast_in_dim3A_1475] : memref<64x128xf32, #tpu.memory_space<vmem>>[vector<16xi32>, vector<16xi32>], vector<16xf32>,
      tpu.vector_store_idx %arg17[%add3A_1503, %broadcast_in_dim3A_1476], %gather3A_1509 : memref<64x512xf32, #tpu.memory_space<vmem>>[vector<16xi32>, vector<16xi32>], vector<16xf32>,
      %add3A_1510 = arith.constant 48 : i32
      %add3A_1511 = vector.broadcast %add3A_1510 : i32 to vector<16xi32>
      %add3A_1512 = arith.addi %iota3A, %add3A_1511 : vector<16xi32>
      %gather3A_1513 = arith.constant 7 : i32
      %gather3A_1514 = arith.constant 0 : i32
      %gather3A_1515 = arith.constant 0 : i32
      %gather3A_1516 = tpu.memref_slice %arg15[%gather3A_1513, %gather3A_1514, %gather3A_1515] : memref<8x64x128xf32, #tpu.memory_space<vmem>> -> memref<1x64x128xf32, #tpu.memory_space<vmem>>
      %gather3A_1517 = tpu.memref_squeeze %gather3A_1516 : memref<1x64x128xf32, #tpu.memory_space<vmem>> -> memref<64x128xf32, #tpu.memory_space<vmem>>
      %gather3A_1518 = tpu.vector_load_idx %gather3A_1517[%add3A_1512, %broadcast_in_dim3A_1475] : memref<64x128xf32, #tpu.memory_space<vmem>>[vector<16xi32>, vector<16xi32>], vector<16xf32>,
      tpu.vector_store_idx %arg17[%add3A_1512, %broadcast_in_dim3A_1476], %gather3A_1518 : memref<64x512xf32, #tpu.memory_space<vmem>>[vector<16xi32>, vector<16xi32>], vector<16xf32>,
      %lt3A = arith.constant 64 : i32
      %lt3A_1519 = arith.cmpi slt, %scan3A_722, %lt3A : i32
      %convert_element_type3A = arith.extui %lt3A_1519 : i1 to i32
      %cond3A = arith.constant 0 : i32
      %cond3A_1520 = arith.cmpi ne, %convert_element_type3A, %cond3A : i32
      scf.if %cond3A_1520 {
        %mul3A_1521 = arith.constant 8 : i32
        %mul3A_1522 = arith.muli %scan3A_722, %mul3A_1521 : i32
        %add3A_1523 = arith.constant 0 : i32
        %add3A_1524 = arith.addi %mul3A_1522, %add3A_1523 : i32
        %shift_right_arithmetic3A_1525 = arith.constant 4 : i32
        %shift_right_arithmetic3A_1526 = arith.shrsi %add3A_1524, %shift_right_arithmetic3A_1525 : i32
        %shift_left3A_1527 = arith.constant 4 : i32
        %shift_left3A_1528 = arith.shli %shift_right_arithmetic3A_1526, %shift_left3A_1527 : i32
        %multiple_of3A_1529 = tpu.assume_multiple %shift_left3A_1528, 16 : i32
        %get3A_1530 = arith.index_cast %multiple_of3A_1529 : i32 to index
        %get3A_1531 = tpu.vector_load %arg13[%get3A_1530] {strides = array<i32>} : memref<512xi32, #tpu.memory_space<vmem>>, vector<16xi32>,
        %and3A_1532 = arith.constant 15 : i32
        %and3A_1533 = arith.andi %add3A_1524, %and3A_1532 : i32
        %eq3A_1534 = vector.broadcast %and3A_1533 : i32 to vector<16xi32>
        %eq3A_1535 = arith.cmpi eq, %iota3A, %eq3A_1534 : vector<16xi32>
        %jit3A_1536 = arith.constant 0 : i32
        %broadcast_in_dim3A_1537 = vector.broadcast %jit3A_1536 : i32 to vector<16xi32>
        %select_n3A_1538 = arith.select %eq3A_1535, %get3A_1531, %broadcast_in_dim3A_1537 : vector<16xi1>, vector<16xi32>
        %reduce_sum3A_1539 = arith.constant true
        %reduce_sum3A_1540 = vector.broadcast %reduce_sum3A_1539 : i1 to vector<16xi1>
        %reduce_sum3A_1541 = tpu.scan <sum>, %select_n3A_1538 masked %reduce_sum3A_1540 : vector<16xi32>, vector<16xi1> -> vector<16xi32>
        %reduce_sum3A_1542 = vector.extract %reduce_sum3A_1541[15] : i32 from vector<16xi32>
        %shift_right_arithmetic3A_1543 = arith.constant 7 : i32
        %shift_right_arithmetic3A_1544 = arith.shrsi %reduce_sum3A_1542, %shift_right_arithmetic3A_1543 : i32
        %shift_left3A_1545 = arith.constant 7 : i32
        %shift_left3A_1546 = arith.shli %shift_right_arithmetic3A_1544, %shift_left3A_1545 : i32
        %multiple_of3A_1547 = tpu.assume_multiple %shift_left3A_1546, 128 : i32
        %dma_start3A_1548 = arith.constant 0 : i32
        %dma_start3A_1549 = arith.constant 0 : i32
        %dma_start3A_1550 = arith.constant 0 : i32
        %dma_start3A_1551 = tpu.memref_slice %arg14[%dma_start3A_1548, %dma_start3A_1549, %dma_start3A_1550] : memref<8x16x128xf32, #tpu.memory_space<vmem>> -> memref<1x16x128xf32, #tpu.memory_space<vmem>>
        %dma_start3A_1552 = tpu.memref_squeeze %dma_start3A_1551 : memref<1x16x128xf32, #tpu.memory_space<vmem>> -> memref<16x128xf32, #tpu.memory_space<vmem>>
        %dma_start3A_1553 = arith.constant 0 : i32
        %dma_start3A_1554 = tpu.memref_slice %arg5[%dma_start3A_1553, %multiple_of3A_1547] : memref<16x1000000xf32, #tpu.memory_space<hbm>> -> memref<16x128xf32, #tpu.memory_space<hbm>>
        %dma_start3A_1555 = arith.constant 0 : i32
        %dma_start3A_1556 = arith.constant 0 : i32
        %dma_start3A_1557 = tpu.memref_slice %arg14[%dma_start3A_1548, %dma_start3A_1555, %dma_start3A_1556] : memref<8x16x128xf32, #tpu.memory_space<vmem>> -> memref<1x16x128xf32, #tpu.memory_space<vmem>>
        %dma_start3A_1558 = tpu.memref_squeeze %dma_start3A_1557 : memref<1x16x128xf32, #tpu.memory_space<vmem>> -> memref<16x128xf32, #tpu.memory_space<vmem>>
        %dma_start3A_1559 = arith.constant 0 : i32
        %dma_start3A_1560 = tpu.memref_slice %arg5[%dma_start3A_1559, %multiple_of3A_1547] : memref<16x1000000xf32, #tpu.memory_space<hbm>> -> memref<16x128xf32, #tpu.memory_space<hbm>>
        tpu.enqueue_dma source(%dma_start3A_1560 : memref<16x128xf32, #tpu.memory_space<hbm>>) target(%dma_start3A_1558 : memref<16x128xf32, #tpu.memory_space<vmem>>) target_semaphore(%arg18 : memref<!tpu.dma_semaphore, #tpu.memory_space<semaphore_mem>>)
        %dma_start3A_1561 = arith.constant 0 : i32
        %dma_start3A_1562 = arith.constant 0 : i32
        %dma_start3A_1563 = arith.constant 0 : i32
        %dma_start3A_1564 = tpu.memref_slice %arg15[%dma_start3A_1561, %dma_start3A_1562, %dma_start3A_1563] : memref<8x64x128xf32, #tpu.memory_space<vmem>> -> memref<1x64x128xf32, #tpu.memory_space<vmem>>
        %dma_start3A_1565 = tpu.memref_squeeze %dma_start3A_1564 : memref<1x64x128xf32, #tpu.memory_space<vmem>> -> memref<64x128xf32, #tpu.memory_space<vmem>>
        %dma_start3A_1566 = arith.constant 0 : i32
        %dma_start3A_1567 = tpu.memref_slice %arg7[%dma_start3A_1566, %multiple_of3A_1547] : memref<64x1000000xf32, #tpu.memory_space<hbm>> -> memref<64x128xf32, #tpu.memory_space<hbm>>
        %dma_start3A_1568 = arith.constant 0 : i32
        %dma_start3A_1569 = arith.constant 0 : i32
        %dma_start3A_1570 = tpu.memref_slice %arg15[%dma_start3A_1561, %dma_start3A_1568, %dma_start3A_1569] : memref<8x64x128xf32, #tpu.memory_space<vmem>> -> memref<1x64x128xf32, #tpu.memory_space<vmem>>
        %dma_start3A_1571 = tpu.memref_squeeze %dma_start3A_1570 : memref<1x64x128xf32, #tpu.memory_space<vmem>> -> memref<64x128xf32, #tpu.memory_space<vmem>>
        %dma_start3A_1572 = arith.constant 0 : i32
        %dma_start3A_1573 = tpu.memref_slice %arg7[%dma_start3A_1572, %multiple_of3A_1547] : memref<64x1000000xf32, #tpu.memory_space<hbm>> -> memref<64x128xf32, #tpu.memory_space<hbm>>
        tpu.enqueue_dma source(%dma_start3A_1573 : memref<64x128xf32, #tpu.memory_space<hbm>>) target(%dma_start3A_1571 : memref<64x128xf32, #tpu.memory_space<vmem>>) target_semaphore(%arg18 : memref<!tpu.dma_semaphore, #tpu.memory_space<semaphore_mem>>)
        %mul3A_1574 = arith.constant 8 : i32
        %mul3A_1575 = arith.muli %scan3A_722, %mul3A_1574 : i32
        %add3A_1576 = arith.constant 1 : i32
        %add3A_1577 = arith.addi %mul3A_1575, %add3A_1576 : i32
        %shift_right_arithmetic3A_1578 = arith.constant 4 : i32
        %shift_right_arithmetic3A_1579 = arith.shrsi %add3A_1577, %shift_right_arithmetic3A_1578 : i32
        %shift_left3A_1580 = arith.constant 4 : i32
        %shift_left3A_1581 = arith.shli %shift_right_arithmetic3A_1579, %shift_left3A_1580 : i32
        %multiple_of3A_1582 = tpu.assume_multiple %shift_left3A_1581, 16 : i32
        %get3A_1583 = arith.index_cast %multiple_of3A_1582 : i32 to index
        %get3A_1584 = tpu.vector_load %arg13[%get3A_1583] {strides = array<i32>} : memref<512xi32, #tpu.memory_space<vmem>>, vector<16xi32>,
        %and3A_1585 = arith.constant 15 : i32
        %and3A_1586 = arith.andi %add3A_1577, %and3A_1585 : i32
        %eq3A_1587 = vector.broadcast %and3A_1586 : i32 to vector<16xi32>
        %eq3A_1588 = arith.cmpi eq, %iota3A, %eq3A_1587 : vector<16xi32>
        %jit3A_1589 = arith.constant 0 : i32
        %broadcast_in_dim3A_1590 = vector.broadcast %jit3A_1589 : i32 to vector<16xi32>
        %select_n3A_1591 = arith.select %eq3A_1588, %get3A_1584, %broadcast_in_dim3A_1590 : vector<16xi1>, vector<16xi32>
        %reduce_sum3A_1592 = arith.constant true
        %reduce_sum3A_1593 = vector.broadcast %reduce_sum3A_1592 : i1 to vector<16xi1>
        %reduce_sum3A_1594 = tpu.scan <sum>, %select_n3A_1591 masked %reduce_sum3A_1593 : vector<16xi32>, vector<16xi1> -> vector<16xi32>
        %reduce_sum3A_1595 = vector.extract %reduce_sum3A_1594[15] : i32 from vector<16xi32>
        %shift_right_arithmetic3A_1596 = arith.constant 7 : i32
        %shift_right_arithmetic3A_1597 = arith.shrsi %reduce_sum3A_1595, %shift_right_arithmetic3A_1596 : i32
        %shift_left3A_1598 = arith.constant 7 : i32
        %shift_left3A_1599 = arith.shli %shift_right_arithmetic3A_1597, %shift_left3A_1598 : i32
        %multiple_of3A_1600 = tpu.assume_multiple %shift_left3A_1599, 128 : i32
        %dma_start3A_1601 = arith.constant 1 : i32
        %dma_start3A_1602 = arith.constant 0 : i32
        %dma_start3A_1603 = arith.constant 0 : i32
        %dma_start3A_1604 = tpu.memref_slice %arg14[%dma_start3A_1601, %dma_start3A_1602, %dma_start3A_1603] : memref<8x16x128xf32, #tpu.memory_space<vmem>> -> memref<1x16x128xf32, #tpu.memory_space<vmem>>
        %dma_start3A_1605 = tpu.memref_squeeze %dma_start3A_1604 : memref<1x16x128xf32, #tpu.memory_space<vmem>> -> memref<16x128xf32, #tpu.memory_space<vmem>>
        %dma_start3A_1606 = arith.constant 0 : i32
        %dma_start3A_1607 = tpu.memref_slice %arg5[%dma_start3A_1606, %multiple_of3A_1600] : memref<16x1000000xf32, #tpu.memory_space<hbm>> -> memref<16x128xf32, #tpu.memory_space<hbm>>
        %dma_start3A_1608 = arith.constant 0 : i32
        %dma_start3A_1609 = arith.constant 0 : i32
        %dma_start3A_1610 = tpu.memref_slice %arg14[%dma_start3A_1601, %dma_start3A_1608, %dma_start3A_1609] : memref<8x16x128xf32, #tpu.memory_space<vmem>> -> memref<1x16x128xf32, #tpu.memory_space<vmem>>
        %dma_start3A_1611 = tpu.memref_squeeze %dma_start3A_1610 : memref<1x16x128xf32, #tpu.memory_space<vmem>> -> memref<16x128xf32, #tpu.memory_space<vmem>>
        %dma_start3A_1612 = arith.constant 0 : i32
        %dma_start3A_1613 = tpu.memref_slice %arg5[%dma_start3A_1612, %multiple_of3A_1600] : memref<16x1000000xf32, #tpu.memory_space<hbm>> -> memref<16x128xf32, #tpu.memory_space<hbm>>
        tpu.enqueue_dma source(%dma_start3A_1613 : memref<16x128xf32, #tpu.memory_space<hbm>>) target(%dma_start3A_1611 : memref<16x128xf32, #tpu.memory_space<vmem>>) target_semaphore(%arg19 : memref<!tpu.dma_semaphore, #tpu.memory_space<semaphore_mem>>)
        %dma_start3A_1614 = arith.constant 1 : i32
        %dma_start3A_1615 = arith.constant 0 : i32
        %dma_start3A_1616 = arith.constant 0 : i32
        %dma_start3A_1617 = tpu.memref_slice %arg15[%dma_start3A_1614, %dma_start3A_1615, %dma_start3A_1616] : memref<8x64x128xf32, #tpu.memory_space<vmem>> -> memref<1x64x128xf32, #tpu.memory_space<vmem>>
        %dma_start3A_1618 = tpu.memref_squeeze %dma_start3A_1617 : memref<1x64x128xf32, #tpu.memory_space<vmem>> -> memref<64x128xf32, #tpu.memory_space<vmem>>
        %dma_start3A_1619 = arith.constant 0 : i32
        %dma_start3A_1620 = tpu.memref_slice %arg7[%dma_start3A_1619, %multiple_of3A_1600] : memref<64x1000000xf32, #tpu.memory_space<hbm>> -> memref<64x128xf32, #tpu.memory_space<hbm>>
        %dma_start3A_1621 = arith.constant 0 : i32
        %dma_start3A_1622 = arith.constant 0 : i32
        %dma_start3A_1623 = tpu.memref_slice %arg15[%dma_start3A_1614, %dma_start3A_1621, %dma_start3A_1622] : memref<8x64x128xf32, #tpu.memory_space<vmem>> -> memref<1x64x128xf32, #tpu.memory_space<vmem>>
        %dma_start3A_1624 = tpu.memref_squeeze %dma_start3A_1623 : memref<1x64x128xf32, #tpu.memory_space<vmem>> -> memref<64x128xf32, #tpu.memory_space<vmem>>
        %dma_start3A_1625 = arith.constant 0 : i32
        %dma_start3A_1626 = tpu.memref_slice %arg7[%dma_start3A_1625, %multiple_of3A_1600] : memref<64x1000000xf32, #tpu.memory_space<hbm>> -> memref<64x128xf32, #tpu.memory_space<hbm>>
        tpu.enqueue_dma source(%dma_start3A_1626 : memref<64x128xf32, #tpu.memory_space<hbm>>) target(%dma_start3A_1624 : memref<64x128xf32, #tpu.memory_space<vmem>>) target_semaphore(%arg19 : memref<!tpu.dma_semaphore, #tpu.memory_space<semaphore_mem>>)
        %mul3A_1627 = arith.constant 8 : i32
        %mul3A_1628 = arith.muli %scan3A_722, %mul3A_1627 : i32
        %add3A_1629 = arith.constant 2 : i32
        %add3A_1630 = arith.addi %mul3A_1628, %add3A_1629 : i32
        %shift_right_arithmetic3A_1631 = arith.constant 4 : i32
        %shift_right_arithmetic3A_1632 = arith.shrsi %add3A_1630, %shift_right_arithmetic3A_1631 : i32
        %shift_left3A_1633 = arith.constant 4 : i32
        %shift_left3A_1634 = arith.shli %shift_right_arithmetic3A_1632, %shift_left3A_1633 : i32
        %multiple_of3A_1635 = tpu.assume_multiple %shift_left3A_1634, 16 : i32
        %get3A_1636 = arith.index_cast %multiple_of3A_1635 : i32 to index
        %get3A_1637 = tpu.vector_load %arg13[%get3A_1636] {strides = array<i32>} : memref<512xi32, #tpu.memory_space<vmem>>, vector<16xi32>,
        %and3A_1638 = arith.constant 15 : i32
        %and3A_1639 = arith.andi %add3A_1630, %and3A_1638 : i32
        %eq3A_1640 = vector.broadcast %and3A_1639 : i32 to vector<16xi32>
        %eq3A_1641 = arith.cmpi eq, %iota3A, %eq3A_1640 : vector<16xi32>
        %jit3A_1642 = arith.constant 0 : i32
        %broadcast_in_dim3A_1643 = vector.broadcast %jit3A_1642 : i32 to vector<16xi32>
        %select_n3A_1644 = arith.select %eq3A_1641, %get3A_1637, %broadcast_in_dim3A_1643 : vector<16xi1>, vector<16xi32>
        %reduce_sum3A_1645 = arith.constant true
        %reduce_sum3A_1646 = vector.broadcast %reduce_sum3A_1645 : i1 to vector<16xi1>
        %reduce_sum3A_1647 = tpu.scan <sum>, %select_n3A_1644 masked %reduce_sum3A_1646 : vector<16xi32>, vector<16xi1> -> vector<16xi32>
        %reduce_sum3A_1648 = vector.extract %reduce_sum3A_1647[15] : i32 from vector<16xi32>
        %shift_right_arithmetic3A_1649 = arith.constant 7 : i32
        %shift_right_arithmetic3A_1650 = arith.shrsi %reduce_sum3A_1648, %shift_right_arithmetic3A_1649 : i32
        %shift_left3A_1651 = arith.constant 7 : i32
        %shift_left3A_1652 = arith.shli %shift_right_arithmetic3A_1650, %shift_left3A_1651 : i32
        %multiple_of3A_1653 = tpu.assume_multiple %shift_left3A_1652, 128 : i32
        %dma_start3A_1654 = arith.constant 2 : i32
        %dma_start3A_1655 = arith.constant 0 : i32
        %dma_start3A_1656 = arith.constant 0 : i32
        %dma_start3A_1657 = tpu.memref_slice %arg14[%dma_start3A_1654, %dma_start3A_1655, %dma_start3A_1656] : memref<8x16x128xf32, #tpu.memory_space<vmem>> -> memref<1x16x128xf32, #tpu.memory_space<vmem>>
        %dma_start3A_1658 = tpu.memref_squeeze %dma_start3A_1657 : memref<1x16x128xf32, #tpu.memory_space<vmem>> -> memref<16x128xf32, #tpu.memory_space<vmem>>
        %dma_start3A_1659 = arith.constant 0 : i32
        %dma_start3A_1660 = tpu.memref_slice %arg5[%dma_start3A_1659, %multiple_of3A_1653] : memref<16x1000000xf32, #tpu.memory_space<hbm>> -> memref<16x128xf32, #tpu.memory_space<hbm>>
        %dma_start3A_1661 = arith.constant 0 : i32
        %dma_start3A_1662 = arith.constant 0 : i32
        %dma_start3A_1663 = tpu.memref_slice %arg14[%dma_start3A_1654, %dma_start3A_1661, %dma_start3A_1662] : memref<8x16x128xf32, #tpu.memory_space<vmem>> -> memref<1x16x128xf32, #tpu.memory_space<vmem>>
        %dma_start3A_1664 = tpu.memref_squeeze %dma_start3A_1663 : memref<1x16x128xf32, #tpu.memory_space<vmem>> -> memref<16x128xf32, #tpu.memory_space<vmem>>
        %dma_start3A_1665 = arith.constant 0 : i32
        %dma_start3A_1666 = tpu.memref_slice %arg5[%dma_start3A_1665, %multiple_of3A_1653] : memref<16x1000000xf32, #tpu.memory_space<hbm>> -> memref<16x128xf32, #tpu.memory_space<hbm>>
        tpu.enqueue_dma source(%dma_start3A_1666 : memref<16x128xf32, #tpu.memory_space<hbm>>) target(%dma_start3A_1664 : memref<16x128xf32, #tpu.memory_space<vmem>>) target_semaphore(%arg20 : memref<!tpu.dma_semaphore, #tpu.memory_space<semaphore_mem>>)
        %dma_start3A_1667 = arith.constant 2 : i32
        %dma_start3A_1668 = arith.constant 0 : i32
        %dma_start3A_1669 = arith.constant 0 : i32
        %dma_start3A_1670 = tpu.memref_slice %arg15[%dma_start3A_1667, %dma_start3A_1668, %dma_start3A_1669] : memref<8x64x128xf32, #tpu.memory_space<vmem>> -> memref<1x64x128xf32, #tpu.memory_space<vmem>>
        %dma_start3A_1671 = tpu.memref_squeeze %dma_start3A_1670 : memref<1x64x128xf32, #tpu.memory_space<vmem>> -> memref<64x128xf32, #tpu.memory_space<vmem>>
        %dma_start3A_1672 = arith.constant 0 : i32
        %dma_start3A_1673 = tpu.memref_slice %arg7[%dma_start3A_1672, %multiple_of3A_1653] : memref<64x1000000xf32, #tpu.memory_space<hbm>> -> memref<64x128xf32, #tpu.memory_space<hbm>>
        %dma_start3A_1674 = arith.constant 0 : i32
        %dma_start3A_1675 = arith.constant 0 : i32
        %dma_start3A_1676 = tpu.memref_slice %arg15[%dma_start3A_1667, %dma_start3A_1674, %dma_start3A_1675] : memref<8x64x128xf32, #tpu.memory_space<vmem>> -> memref<1x64x128xf32, #tpu.memory_space<vmem>>
        %dma_start3A_1677 = tpu.memref_squeeze %dma_start3A_1676 : memref<1x64x128xf32, #tpu.memory_space<vmem>> -> memref<64x128xf32, #tpu.memory_space<vmem>>
        %dma_start3A_1678 = arith.constant 0 : i32
        %dma_start3A_1679 = tpu.memref_slice %arg7[%dma_start3A_1678, %multiple_of3A_1653] : memref<64x1000000xf32, #tpu.memory_space<hbm>> -> memref<64x128xf32, #tpu.memory_space<hbm>>
        tpu.enqueue_dma source(%dma_start3A_1679 : memref<64x128xf32, #tpu.memory_space<hbm>>) target(%dma_start3A_1677 : memref<64x128xf32, #tpu.memory_space<vmem>>) target_semaphore(%arg20 : memref<!tpu.dma_semaphore, #tpu.memory_space<semaphore_mem>>)
        %mul3A_1680 = arith.constant 8 : i32
        %mul3A_1681 = arith.muli %scan3A_722, %mul3A_1680 : i32
        %add3A_1682 = arith.constant 3 : i32
        %add3A_1683 = arith.addi %mul3A_1681, %add3A_1682 : i32
        %shift_right_arithmetic3A_1684 = arith.constant 4 : i32
        %shift_right_arithmetic3A_1685 = arith.shrsi %add3A_1683, %shift_right_arithmetic3A_1684 : i32
        %shift_left3A_1686 = arith.constant 4 : i32
        %shift_left3A_1687 = arith.shli %shift_right_arithmetic3A_1685, %shift_left3A_1686 : i32
        %multiple_of3A_1688 = tpu.assume_multiple %shift_left3A_1687, 16 : i32
        %get3A_1689 = arith.index_cast %multiple_of3A_1688 : i32 to index
        %get3A_1690 = tpu.vector_load %arg13[%get3A_1689] {strides = array<i32>} : memref<512xi32, #tpu.memory_space<vmem>>, vector<16xi32>,
        %and3A_1691 = arith.constant 15 : i32
        %and3A_1692 = arith.andi %add3A_1683, %and3A_1691 : i32
        %eq3A_1693 = vector.broadcast %and3A_1692 : i32 to vector<16xi32>
        %eq3A_1694 = arith.cmpi eq, %iota3A, %eq3A_1693 : vector<16xi32>
        %jit3A_1695 = arith.constant 0 : i32
        %broadcast_in_dim3A_1696 = vector.broadcast %jit3A_1695 : i32 to vector<16xi32>
        %select_n3A_1697 = arith.select %eq3A_1694, %get3A_1690, %broadcast_in_dim3A_1696 : vector<16xi1>, vector<16xi32>
        %reduce_sum3A_1698 = arith.constant true
        %reduce_sum3A_1699 = vector.broadcast %reduce_sum3A_1698 : i1 to vector<16xi1>
        %reduce_sum3A_1700 = tpu.scan <sum>, %select_n3A_1697 masked %reduce_sum3A_1699 : vector<16xi32>, vector<16xi1> -> vector<16xi32>
        %reduce_sum3A_1701 = vector.extract %reduce_sum3A_1700[15] : i32 from vector<16xi32>
        %shift_right_arithmetic3A_1702 = arith.constant 7 : i32
        %shift_right_arithmetic3A_1703 = arith.shrsi %reduce_sum3A_1701, %shift_right_arithmetic3A_1702 : i32
        %shift_left3A_1704 = arith.constant 7 : i32
        %shift_left3A_1705 = arith.shli %shift_right_arithmetic3A_1703, %shift_left3A_1704 : i32
        %multiple_of3A_1706 = tpu.assume_multiple %shift_left3A_1705, 128 : i32
        %dma_start3A_1707 = arith.constant 3 : i32
        %dma_start3A_1708 = arith.constant 0 : i32
        %dma_start3A_1709 = arith.constant 0 : i32
        %dma_start3A_1710 = tpu.memref_slice %arg14[%dma_start3A_1707, %dma_start3A_1708, %dma_start3A_1709] : memref<8x16x128xf32, #tpu.memory_space<vmem>> -> memref<1x16x128xf32, #tpu.memory_space<vmem>>
        %dma_start3A_1711 = tpu.memref_squeeze %dma_start3A_1710 : memref<1x16x128xf32, #tpu.memory_space<vmem>> -> memref<16x128xf32, #tpu.memory_space<vmem>>
        %dma_start3A_1712 = arith.constant 0 : i32
        %dma_start3A_1713 = tpu.memref_slice %arg5[%dma_start3A_1712, %multiple_of3A_1706] : memref<16x1000000xf32, #tpu.memory_space<hbm>> -> memref<16x128xf32, #tpu.memory_space<hbm>>
        %dma_start3A_1714 = arith.constant 0 : i32
        %dma_start3A_1715 = arith.constant 0 : i32
        %dma_start3A_1716 = tpu.memref_slice %arg14[%dma_start3A_1707, %dma_start3A_1714, %dma_start3A_1715] : memref<8x16x128xf32, #tpu.memory_space<vmem>> -> memref<1x16x128xf32, #tpu.memory_space<vmem>>
        %dma_start3A_1717 = tpu.memref_squeeze %dma_start3A_1716 : memref<1x16x128xf32, #tpu.memory_space<vmem>> -> memref<16x128xf32, #tpu.memory_space<vmem>>
        %dma_start3A_1718 = arith.constant 0 : i32
        %dma_start3A_1719 = tpu.memref_slice %arg5[%dma_start3A_1718, %multiple_of3A_1706] : memref<16x1000000xf32, #tpu.memory_space<hbm>> -> memref<16x128xf32, #tpu.memory_space<hbm>>
        tpu.enqueue_dma source(%dma_start3A_1719 : memref<16x128xf32, #tpu.memory_space<hbm>>) target(%dma_start3A_1717 : memref<16x128xf32, #tpu.memory_space<vmem>>) target_semaphore(%arg21 : memref<!tpu.dma_semaphore, #tpu.memory_space<semaphore_mem>>)
        %dma_start3A_1720 = arith.constant 3 : i32
        %dma_start3A_1721 = arith.constant 0 : i32
        %dma_start3A_1722 = arith.constant 0 : i32
        %dma_start3A_1723 = tpu.memref_slice %arg15[%dma_start3A_1720, %dma_start3A_1721, %dma_start3A_1722] : memref<8x64x128xf32, #tpu.memory_space<vmem>> -> memref<1x64x128xf32, #tpu.memory_space<vmem>>
        %dma_start3A_1724 = tpu.memref_squeeze %dma_start3A_1723 : memref<1x64x128xf32, #tpu.memory_space<vmem>> -> memref<64x128xf32, #tpu.memory_space<vmem>>
        %dma_start3A_1725 = arith.constant 0 : i32
        %dma_start3A_1726 = tpu.memref_slice %arg7[%dma_start3A_1725, %multiple_of3A_1706] : memref<64x1000000xf32, #tpu.memory_space<hbm>> -> memref<64x128xf32, #tpu.memory_space<hbm>>
        %dma_start3A_1727 = arith.constant 0 : i32
        %dma_start3A_1728 = arith.constant 0 : i32
        %dma_start3A_1729 = tpu.memref_slice %arg15[%dma_start3A_1720, %dma_start3A_1727, %dma_start3A_1728] : memref<8x64x128xf32, #tpu.memory_space<vmem>> -> memref<1x64x128xf32, #tpu.memory_space<vmem>>
        %dma_start3A_1730 = tpu.memref_squeeze %dma_start3A_1729 : memref<1x64x128xf32, #tpu.memory_space<vmem>> -> memref<64x128xf32, #tpu.memory_space<vmem>>
        %dma_start3A_1731 = arith.constant 0 : i32
        %dma_start3A_1732 = tpu.memref_slice %arg7[%dma_start3A_1731, %multiple_of3A_1706] : memref<64x1000000xf32, #tpu.memory_space<hbm>> -> memref<64x128xf32, #tpu.memory_space<hbm>>
        tpu.enqueue_dma source(%dma_start3A_1732 : memref<64x128xf32, #tpu.memory_space<hbm>>) target(%dma_start3A_1730 : memref<64x128xf32, #tpu.memory_space<vmem>>) target_semaphore(%arg21 : memref<!tpu.dma_semaphore, #tpu.memory_space<semaphore_mem>>)
        %mul3A_1733 = arith.constant 8 : i32
        %mul3A_1734 = arith.muli %scan3A_722, %mul3A_1733 : i32
        %add3A_1735 = arith.constant 4 : i32
        %add3A_1736 = arith.addi %mul3A_1734, %add3A_1735 : i32
        %shift_right_arithmetic3A_1737 = arith.constant 4 : i32
        %shift_right_arithmetic3A_1738 = arith.shrsi %add3A_1736, %shift_right_arithmetic3A_1737 : i32
        %shift_left3A_1739 = arith.constant 4 : i32
        %shift_left3A_1740 = arith.shli %shift_right_arithmetic3A_1738, %shift_left3A_1739 : i32
        %multiple_of3A_1741 = tpu.assume_multiple %shift_left3A_1740, 16 : i32
        %get3A_1742 = arith.index_cast %multiple_of3A_1741 : i32 to index
        %get3A_1743 = tpu.vector_load %arg13[%get3A_1742] {strides = array<i32>} : memref<512xi32, #tpu.memory_space<vmem>>, vector<16xi32>,
        %and3A_1744 = arith.constant 15 : i32
        %and3A_1745 = arith.andi %add3A_1736, %and3A_1744 : i32
        %eq3A_1746 = vector.broadcast %and3A_1745 : i32 to vector<16xi32>
        %eq3A_1747 = arith.cmpi eq, %iota3A, %eq3A_1746 : vector<16xi32>
        %jit3A_1748 = arith.constant 0 : i32
        %broadcast_in_dim3A_1749 = vector.broadcast %jit3A_1748 : i32 to vector<16xi32>
        %select_n3A_1750 = arith.select %eq3A_1747, %get3A_1743, %broadcast_in_dim3A_1749 : vector<16xi1>, vector<16xi32>
        %reduce_sum3A_1751 = arith.constant true
        %reduce_sum3A_1752 = vector.broadcast %reduce_sum3A_1751 : i1 to vector<16xi1>
        %reduce_sum3A_1753 = tpu.scan <sum>, %select_n3A_1750 masked %reduce_sum3A_1752 : vector<16xi32>, vector<16xi1> -> vector<16xi32>
        %reduce_sum3A_1754 = vector.extract %reduce_sum3A_1753[15] : i32 from vector<16xi32>
        %shift_right_arithmetic3A_1755 = arith.constant 7 : i32
        %shift_right_arithmetic3A_1756 = arith.shrsi %reduce_sum3A_1754, %shift_right_arithmetic3A_1755 : i32
        %shift_left3A_1757 = arith.constant 7 : i32
        %shift_left3A_1758 = arith.shli %shift_right_arithmetic3A_1756, %shift_left3A_1757 : i32
        %multiple_of3A_1759 = tpu.assume_multiple %shift_left3A_1758, 128 : i32
        %dma_start3A_1760 = arith.constant 4 : i32
        %dma_start3A_1761 = arith.constant 0 : i32
        %dma_start3A_1762 = arith.constant 0 : i32
        %dma_start3A_1763 = tpu.memref_slice %arg14[%dma_start3A_1760, %dma_start3A_1761, %dma_start3A_1762] : memref<8x16x128xf32, #tpu.memory_space<vmem>> -> memref<1x16x128xf32, #tpu.memory_space<vmem>>
        %dma_start3A_1764 = tpu.memref_squeeze %dma_start3A_1763 : memref<1x16x128xf32, #tpu.memory_space<vmem>> -> memref<16x128xf32, #tpu.memory_space<vmem>>
        %dma_start3A_1765 = arith.constant 0 : i32
        %dma_start3A_1766 = tpu.memref_slice %arg5[%dma_start3A_1765, %multiple_of3A_1759] : memref<16x1000000xf32, #tpu.memory_space<hbm>> -> memref<16x128xf32, #tpu.memory_space<hbm>>
        %dma_start3A_1767 = arith.constant 0 : i32
        %dma_start3A_1768 = arith.constant 0 : i32
        %dma_start3A_1769 = tpu.memref_slice %arg14[%dma_start3A_1760, %dma_start3A_1767, %dma_start3A_1768] : memref<8x16x128xf32, #tpu.memory_space<vmem>> -> memref<1x16x128xf32, #tpu.memory_space<vmem>>
        %dma_start3A_1770 = tpu.memref_squeeze %dma_start3A_1769 : memref<1x16x128xf32, #tpu.memory_space<vmem>> -> memref<16x128xf32, #tpu.memory_space<vmem>>
        %dma_start3A_1771 = arith.constant 0 : i32
        %dma_start3A_1772 = tpu.memref_slice %arg5[%dma_start3A_1771, %multiple_of3A_1759] : memref<16x1000000xf32, #tpu.memory_space<hbm>> -> memref<16x128xf32, #tpu.memory_space<hbm>>
        tpu.enqueue_dma source(%dma_start3A_1772 : memref<16x128xf32, #tpu.memory_space<hbm>>) target(%dma_start3A_1770 : memref<16x128xf32, #tpu.memory_space<vmem>>) target_semaphore(%arg22 : memref<!tpu.dma_semaphore, #tpu.memory_space<semaphore_mem>>)
        %dma_start3A_1773 = arith.constant 4 : i32
        %dma_start3A_1774 = arith.constant 0 : i32
        %dma_start3A_1775 = arith.constant 0 : i32
        %dma_start3A_1776 = tpu.memref_slice %arg15[%dma_start3A_1773, %dma_start3A_1774, %dma_start3A_1775] : memref<8x64x128xf32, #tpu.memory_space<vmem>> -> memref<1x64x128xf32, #tpu.memory_space<vmem>>
        %dma_start3A_1777 = tpu.memref_squeeze %dma_start3A_1776 : memref<1x64x128xf32, #tpu.memory_space<vmem>> -> memref<64x128xf32, #tpu.memory_space<vmem>>
        %dma_start3A_1778 = arith.constant 0 : i32
        %dma_start3A_1779 = tpu.memref_slice %arg7[%dma_start3A_1778, %multiple_of3A_1759] : memref<64x1000000xf32, #tpu.memory_space<hbm>> -> memref<64x128xf32, #tpu.memory_space<hbm>>
        %dma_start3A_1780 = arith.constant 0 : i32
        %dma_start3A_1781 = arith.constant 0 : i32
        %dma_start3A_1782 = tpu.memref_slice %arg15[%dma_start3A_1773, %dma_start3A_1780, %dma_start3A_1781] : memref<8x64x128xf32, #tpu.memory_space<vmem>> -> memref<1x64x128xf32, #tpu.memory_space<vmem>>
        %dma_start3A_1783 = tpu.memref_squeeze %dma_start3A_1782 : memref<1x64x128xf32, #tpu.memory_space<vmem>> -> memref<64x128xf32, #tpu.memory_space<vmem>>
        %dma_start3A_1784 = arith.constant 0 : i32
        %dma_start3A_1785 = tpu.memref_slice %arg7[%dma_start3A_1784, %multiple_of3A_1759] : memref<64x1000000xf32, #tpu.memory_space<hbm>> -> memref<64x128xf32, #tpu.memory_space<hbm>>
        tpu.enqueue_dma source(%dma_start3A_1785 : memref<64x128xf32, #tpu.memory_space<hbm>>) target(%dma_start3A_1783 : memref<64x128xf32, #tpu.memory_space<vmem>>) target_semaphore(%arg22 : memref<!tpu.dma_semaphore, #tpu.memory_space<semaphore_mem>>)
        %mul3A_1786 = arith.constant 8 : i32
        %mul3A_1787 = arith.muli %scan3A_722, %mul3A_1786 : i32
        %add3A_1788 = arith.constant 5 : i32
        %add3A_1789 = arith.addi %mul3A_1787, %add3A_1788 : i32
        %shift_right_arithmetic3A_1790 = arith.constant 4 : i32
        %shift_right_arithmetic3A_1791 = arith.shrsi %add3A_1789, %shift_right_arithmetic3A_1790 : i32
        %shift_left3A_1792 = arith.constant 4 : i32
        %shift_left3A_1793 = arith.shli %shift_right_arithmetic3A_1791, %shift_left3A_1792 : i32
        %multiple_of3A_1794 = tpu.assume_multiple %shift_left3A_1793, 16 : i32
        %get3A_1795 = arith.index_cast %multiple_of3A_1794 : i32 to index
        %get3A_1796 = tpu.vector_load %arg13[%get3A_1795] {strides = array<i32>} : memref<512xi32, #tpu.memory_space<vmem>>, vector<16xi32>,
        %and3A_1797 = arith.constant 15 : i32
        %and3A_1798 = arith.andi %add3A_1789, %and3A_1797 : i32
        %eq3A_1799 = vector.broadcast %and3A_1798 : i32 to vector<16xi32>
        %eq3A_1800 = arith.cmpi eq, %iota3A, %eq3A_1799 : vector<16xi32>
        %jit3A_1801 = arith.constant 0 : i32
        %broadcast_in_dim3A_1802 = vector.broadcast %jit3A_1801 : i32 to vector<16xi32>
        %select_n3A_1803 = arith.select %eq3A_1800, %get3A_1796, %broadcast_in_dim3A_1802 : vector<16xi1>, vector<16xi32>
        %reduce_sum3A_1804 = arith.constant true
        %reduce_sum3A_1805 = vector.broadcast %reduce_sum3A_1804 : i1 to vector<16xi1>
        %reduce_sum3A_1806 = tpu.scan <sum>, %select_n3A_1803 masked %reduce_sum3A_1805 : vector<16xi32>, vector<16xi1> -> vector<16xi32>
        %reduce_sum3A_1807 = vector.extract %reduce_sum3A_1806[15] : i32 from vector<16xi32>
        %shift_right_arithmetic3A_1808 = arith.constant 7 : i32
        %shift_right_arithmetic3A_1809 = arith.shrsi %reduce_sum3A_1807, %shift_right_arithmetic3A_1808 : i32
        %shift_left3A_1810 = arith.constant 7 : i32
        %shift_left3A_1811 = arith.shli %shift_right_arithmetic3A_1809, %shift_left3A_1810 : i32
        %multiple_of3A_1812 = tpu.assume_multiple %shift_left3A_1811, 128 : i32
        %dma_start3A_1813 = arith.constant 5 : i32
        %dma_start3A_1814 = arith.constant 0 : i32
        %dma_start3A_1815 = arith.constant 0 : i32
        %dma_start3A_1816 = tpu.memref_slice %arg14[%dma_start3A_1813, %dma_start3A_1814, %dma_start3A_1815] : memref<8x16x128xf32, #tpu.memory_space<vmem>> -> memref<1x16x128xf32, #tpu.memory_space<vmem>>
        %dma_start3A_1817 = tpu.memref_squeeze %dma_start3A_1816 : memref<1x16x128xf32, #tpu.memory_space<vmem>> -> memref<16x128xf32, #tpu.memory_space<vmem>>
        %dma_start3A_1818 = arith.constant 0 : i32
        %dma_start3A_1819 = tpu.memref_slice %arg5[%dma_start3A_1818, %multiple_of3A_1812] : memref<16x1000000xf32, #tpu.memory_space<hbm>> -> memref<16x128xf32, #tpu.memory_space<hbm>>
        %dma_start3A_1820 = arith.constant 0 : i32
        %dma_start3A_1821 = arith.constant 0 : i32
        %dma_start3A_1822 = tpu.memref_slice %arg14[%dma_start3A_1813, %dma_start3A_1820, %dma_start3A_1821] : memref<8x16x128xf32, #tpu.memory_space<vmem>> -> memref<1x16x128xf32, #tpu.memory_space<vmem>>
        %dma_start3A_1823 = tpu.memref_squeeze %dma_start3A_1822 : memref<1x16x128xf32, #tpu.memory_space<vmem>> -> memref<16x128xf32, #tpu.memory_space<vmem>>
        %dma_start3A_1824 = arith.constant 0 : i32
        %dma_start3A_1825 = tpu.memref_slice %arg5[%dma_start3A_1824, %multiple_of3A_1812] : memref<16x1000000xf32, #tpu.memory_space<hbm>> -> memref<16x128xf32, #tpu.memory_space<hbm>>
        tpu.enqueue_dma source(%dma_start3A_1825 : memref<16x128xf32, #tpu.memory_space<hbm>>) target(%dma_start3A_1823 : memref<16x128xf32, #tpu.memory_space<vmem>>) target_semaphore(%arg23 : memref<!tpu.dma_semaphore, #tpu.memory_space<semaphore_mem>>)
        %dma_start3A_1826 = arith.constant 5 : i32
        %dma_start3A_1827 = arith.constant 0 : i32
        %dma_start3A_1828 = arith.constant 0 : i32
        %dma_start3A_1829 = tpu.memref_slice %arg15[%dma_start3A_1826, %dma_start3A_1827, %dma_start3A_1828] : memref<8x64x128xf32, #tpu.memory_space<vmem>> -> memref<1x64x128xf32, #tpu.memory_space<vmem>>
        %dma_start3A_1830 = tpu.memref_squeeze %dma_start3A_1829 : memref<1x64x128xf32, #tpu.memory_space<vmem>> -> memref<64x128xf32, #tpu.memory_space<vmem>>
        %dma_start3A_1831 = arith.constant 0 : i32
        %dma_start3A_1832 = tpu.memref_slice %arg7[%dma_start3A_1831, %multiple_of3A_1812] : memref<64x1000000xf32, #tpu.memory_space<hbm>> -> memref<64x128xf32, #tpu.memory_space<hbm>>
        %dma_start3A_1833 = arith.constant 0 : i32
        %dma_start3A_1834 = arith.constant 0 : i32
        %dma_start3A_1835 = tpu.memref_slice %arg15[%dma_start3A_1826, %dma_start3A_1833, %dma_start3A_1834] : memref<8x64x128xf32, #tpu.memory_space<vmem>> -> memref<1x64x128xf32, #tpu.memory_space<vmem>>
        %dma_start3A_1836 = tpu.memref_squeeze %dma_start3A_1835 : memref<1x64x128xf32, #tpu.memory_space<vmem>> -> memref<64x128xf32, #tpu.memory_space<vmem>>
        %dma_start3A_1837 = arith.constant 0 : i32
        %dma_start3A_1838 = tpu.memref_slice %arg7[%dma_start3A_1837, %multiple_of3A_1812] : memref<64x1000000xf32, #tpu.memory_space<hbm>> -> memref<64x128xf32, #tpu.memory_space<hbm>>
        tpu.enqueue_dma source(%dma_start3A_1838 : memref<64x128xf32, #tpu.memory_space<hbm>>) target(%dma_start3A_1836 : memref<64x128xf32, #tpu.memory_space<vmem>>) target_semaphore(%arg23 : memref<!tpu.dma_semaphore, #tpu.memory_space<semaphore_mem>>)
        %mul3A_1839 = arith.constant 8 : i32
        %mul3A_1840 = arith.muli %scan3A_722, %mul3A_1839 : i32
        %add3A_1841 = arith.constant 6 : i32
        %add3A_1842 = arith.addi %mul3A_1840, %add3A_1841 : i32
        %shift_right_arithmetic3A_1843 = arith.constant 4 : i32
        %shift_right_arithmetic3A_1844 = arith.shrsi %add3A_1842, %shift_right_arithmetic3A_1843 : i32
        %shift_left3A_1845 = arith.constant 4 : i32
        %shift_left3A_1846 = arith.shli %shift_right_arithmetic3A_1844, %shift_left3A_1845 : i32
        %multiple_of3A_1847 = tpu.assume_multiple %shift_left3A_1846, 16 : i32
        %get3A_1848 = arith.index_cast %multiple_of3A_1847 : i32 to index
        %get3A_1849 = tpu.vector_load %arg13[%get3A_1848] {strides = array<i32>} : memref<512xi32, #tpu.memory_space<vmem>>, vector<16xi32>,
        %and3A_1850 = arith.constant 15 : i32
        %and3A_1851 = arith.andi %add3A_1842, %and3A_1850 : i32
        %eq3A_1852 = vector.broadcast %and3A_1851 : i32 to vector<16xi32>
        %eq3A_1853 = arith.cmpi eq, %iota3A, %eq3A_1852 : vector<16xi32>
        %jit3A_1854 = arith.constant 0 : i32
        %broadcast_in_dim3A_1855 = vector.broadcast %jit3A_1854 : i32 to vector<16xi32>
        %select_n3A_1856 = arith.select %eq3A_1853, %get3A_1849, %broadcast_in_dim3A_1855 : vector<16xi1>, vector<16xi32>
        %reduce_sum3A_1857 = arith.constant true
        %reduce_sum3A_1858 = vector.broadcast %reduce_sum3A_1857 : i1 to vector<16xi1>
        %reduce_sum3A_1859 = tpu.scan <sum>, %select_n3A_1856 masked %reduce_sum3A_1858 : vector<16xi32>, vector<16xi1> -> vector<16xi32>
        %reduce_sum3A_1860 = vector.extract %reduce_sum3A_1859[15] : i32 from vector<16xi32>
        %shift_right_arithmetic3A_1861 = arith.constant 7 : i32
        %shift_right_arithmetic3A_1862 = arith.shrsi %reduce_sum3A_1860, %shift_right_arithmetic3A_1861 : i32
        %shift_left3A_1863 = arith.constant 7 : i32
        %shift_left3A_1864 = arith.shli %shift_right_arithmetic3A_1862, %shift_left3A_1863 : i32
        %multiple_of3A_1865 = tpu.assume_multiple %shift_left3A_1864, 128 : i32
        %dma_start3A_1866 = arith.constant 6 : i32
        %dma_start3A_1867 = arith.constant 0 : i32
        %dma_start3A_1868 = arith.constant 0 : i32
        %dma_start3A_1869 = tpu.memref_slice %arg14[%dma_start3A_1866, %dma_start3A_1867, %dma_start3A_1868] : memref<8x16x128xf32, #tpu.memory_space<vmem>> -> memref<1x16x128xf32, #tpu.memory_space<vmem>>
        %dma_start3A_1870 = tpu.memref_squeeze %dma_start3A_1869 : memref<1x16x128xf32, #tpu.memory_space<vmem>> -> memref<16x128xf32, #tpu.memory_space<vmem>>
        %dma_start3A_1871 = arith.constant 0 : i32
        %dma_start3A_1872 = tpu.memref_slice %arg5[%dma_start3A_1871, %multiple_of3A_1865] : memref<16x1000000xf32, #tpu.memory_space<hbm>> -> memref<16x128xf32, #tpu.memory_space<hbm>>
        %dma_start3A_1873 = arith.constant 0 : i32
        %dma_start3A_1874 = arith.constant 0 : i32
        %dma_start3A_1875 = tpu.memref_slice %arg14[%dma_start3A_1866, %dma_start3A_1873, %dma_start3A_1874] : memref<8x16x128xf32, #tpu.memory_space<vmem>> -> memref<1x16x128xf32, #tpu.memory_space<vmem>>
        %dma_start3A_1876 = tpu.memref_squeeze %dma_start3A_1875 : memref<1x16x128xf32, #tpu.memory_space<vmem>> -> memref<16x128xf32, #tpu.memory_space<vmem>>
        %dma_start3A_1877 = arith.constant 0 : i32
        %dma_start3A_1878 = tpu.memref_slice %arg5[%dma_start3A_1877, %multiple_of3A_1865] : memref<16x1000000xf32, #tpu.memory_space<hbm>> -> memref<16x128xf32, #tpu.memory_space<hbm>>
        tpu.enqueue_dma source(%dma_start3A_1878 : memref<16x128xf32, #tpu.memory_space<hbm>>) target(%dma_start3A_1876 : memref<16x128xf32, #tpu.memory_space<vmem>>) target_semaphore(%arg24 : memref<!tpu.dma_semaphore, #tpu.memory_space<semaphore_mem>>)
        %dma_start3A_1879 = arith.constant 6 : i32
        %dma_start3A_1880 = arith.constant 0 : i32
        %dma_start3A_1881 = arith.constant 0 : i32
        %dma_start3A_1882 = tpu.memref_slice %arg15[%dma_start3A_1879, %dma_start3A_1880, %dma_start3A_1881] : memref<8x64x128xf32, #tpu.memory_space<vmem>> -> memref<1x64x128xf32, #tpu.memory_space<vmem>>
        %dma_start3A_1883 = tpu.memref_squeeze %dma_start3A_1882 : memref<1x64x128xf32, #tpu.memory_space<vmem>> -> memref<64x128xf32, #tpu.memory_space<vmem>>
        %dma_start3A_1884 = arith.constant 0 : i32
        %dma_start3A_1885 = tpu.memref_slice %arg7[%dma_start3A_1884, %multiple_of3A_1865] : memref<64x1000000xf32, #tpu.memory_space<hbm>> -> memref<64x128xf32, #tpu.memory_space<hbm>>
        %dma_start3A_1886 = arith.constant 0 : i32
        %dma_start3A_1887 = arith.constant 0 : i32
        %dma_start3A_1888 = tpu.memref_slice %arg15[%dma_start3A_1879, %dma_start3A_1886, %dma_start3A_1887] : memref<8x64x128xf32, #tpu.memory_space<vmem>> -> memref<1x64x128xf32, #tpu.memory_space<vmem>>
        %dma_start3A_1889 = tpu.memref_squeeze %dma_start3A_1888 : memref<1x64x128xf32, #tpu.memory_space<vmem>> -> memref<64x128xf32, #tpu.memory_space<vmem>>
        %dma_start3A_1890 = arith.constant 0 : i32
        %dma_start3A_1891 = tpu.memref_slice %arg7[%dma_start3A_1890, %multiple_of3A_1865] : memref<64x1000000xf32, #tpu.memory_space<hbm>> -> memref<64x128xf32, #tpu.memory_space<hbm>>
        tpu.enqueue_dma source(%dma_start3A_1891 : memref<64x128xf32, #tpu.memory_space<hbm>>) target(%dma_start3A_1889 : memref<64x128xf32, #tpu.memory_space<vmem>>) target_semaphore(%arg24 : memref<!tpu.dma_semaphore, #tpu.memory_space<semaphore_mem>>)
        %mul3A_1892 = arith.constant 8 : i32
        %mul3A_1893 = arith.muli %scan3A_722, %mul3A_1892 : i32
        %add3A_1894 = arith.constant 7 : i32
        %add3A_1895 = arith.addi %mul3A_1893, %add3A_1894 : i32
        %shift_right_arithmetic3A_1896 = arith.constant 4 : i32
        %shift_right_arithmetic3A_1897 = arith.shrsi %add3A_1895, %shift_right_arithmetic3A_1896 : i32
        %shift_left3A_1898 = arith.constant 4 : i32
        %shift_left3A_1899 = arith.shli %shift_right_arithmetic3A_1897, %shift_left3A_1898 : i32
        %multiple_of3A_1900 = tpu.assume_multiple %shift_left3A_1899, 16 : i32
        %get3A_1901 = arith.index_cast %multiple_of3A_1900 : i32 to index
        %get3A_1902 = tpu.vector_load %arg13[%get3A_1901] {strides = array<i32>} : memref<512xi32, #tpu.memory_space<vmem>>, vector<16xi32>,
        %and3A_1903 = arith.constant 15 : i32
        %and3A_1904 = arith.andi %add3A_1895, %and3A_1903 : i32
        %eq3A_1905 = vector.broadcast %and3A_1904 : i32 to vector<16xi32>
        %eq3A_1906 = arith.cmpi eq, %iota3A, %eq3A_1905 : vector<16xi32>
        %jit3A_1907 = arith.constant 0 : i32
        %broadcast_in_dim3A_1908 = vector.broadcast %jit3A_1907 : i32 to vector<16xi32>
        %select_n3A_1909 = arith.select %eq3A_1906, %get3A_1902, %broadcast_in_dim3A_1908 : vector<16xi1>, vector<16xi32>
        %reduce_sum3A_1910 = arith.constant true
        %reduce_sum3A_1911 = vector.broadcast %reduce_sum3A_1910 : i1 to vector<16xi1>
        %reduce_sum3A_1912 = tpu.scan <sum>, %select_n3A_1909 masked %reduce_sum3A_1911 : vector<16xi32>, vector<16xi1> -> vector<16xi32>
        %reduce_sum3A_1913 = vector.extract %reduce_sum3A_1912[15] : i32 from vector<16xi32>
        %shift_right_arithmetic3A_1914 = arith.constant 7 : i32
        %shift_right_arithmetic3A_1915 = arith.shrsi %reduce_sum3A_1913, %shift_right_arithmetic3A_1914 : i32
        %shift_left3A_1916 = arith.constant 7 : i32
        %shift_left3A_1917 = arith.shli %shift_right_arithmetic3A_1915, %shift_left3A_1916 : i32
        %multiple_of3A_1918 = tpu.assume_multiple %shift_left3A_1917, 128 : i32
        %dma_start3A_1919 = arith.constant 7 : i32
        %dma_start3A_1920 = arith.constant 0 : i32
        %dma_start3A_1921 = arith.constant 0 : i32
        %dma_start3A_1922 = tpu.memref_slice %arg14[%dma_start3A_1919, %dma_start3A_1920, %dma_start3A_1921] : memref<8x16x128xf32, #tpu.memory_space<vmem>> -> memref<1x16x128xf32, #tpu.memory_space<vmem>>
        %dma_start3A_1923 = tpu.memref_squeeze %dma_start3A_1922 : memref<1x16x128xf32, #tpu.memory_space<vmem>> -> memref<16x128xf32, #tpu.memory_space<vmem>>
        %dma_start3A_1924 = arith.constant 0 : i32
        %dma_start3A_1925 = tpu.memref_slice %arg5[%dma_start3A_1924, %multiple_of3A_1918] : memref<16x1000000xf32, #tpu.memory_space<hbm>> -> memref<16x128xf32, #tpu.memory_space<hbm>>
        %dma_start3A_1926 = arith.constant 0 : i32
        %dma_start3A_1927 = arith.constant 0 : i32
        %dma_start3A_1928 = tpu.memref_slice %arg14[%dma_start3A_1919, %dma_start3A_1926, %dma_start3A_1927] : memref<8x16x128xf32, #tpu.memory_space<vmem>> -> memref<1x16x128xf32, #tpu.memory_space<vmem>>
        %dma_start3A_1929 = tpu.memref_squeeze %dma_start3A_1928 : memref<1x16x128xf32, #tpu.memory_space<vmem>> -> memref<16x128xf32, #tpu.memory_space<vmem>>
        %dma_start3A_1930 = arith.constant 0 : i32
        %dma_start3A_1931 = tpu.memref_slice %arg5[%dma_start3A_1930, %multiple_of3A_1918] : memref<16x1000000xf32, #tpu.memory_space<hbm>> -> memref<16x128xf32, #tpu.memory_space<hbm>>
        tpu.enqueue_dma source(%dma_start3A_1931 : memref<16x128xf32, #tpu.memory_space<hbm>>) target(%dma_start3A_1929 : memref<16x128xf32, #tpu.memory_space<vmem>>) target_semaphore(%arg25 : memref<!tpu.dma_semaphore, #tpu.memory_space<semaphore_mem>>)
        %dma_start3A_1932 = arith.constant 7 : i32
        %dma_start3A_1933 = arith.constant 0 : i32
        %dma_start3A_1934 = arith.constant 0 : i32
        %dma_start3A_1935 = tpu.memref_slice %arg15[%dma_start3A_1932, %dma_start3A_1933, %dma_start3A_1934] : memref<8x64x128xf32, #tpu.memory_space<vmem>> -> memref<1x64x128xf32, #tpu.memory_space<vmem>>
        %dma_start3A_1936 = tpu.memref_squeeze %dma_start3A_1935 : memref<1x64x128xf32, #tpu.memory_space<vmem>> -> memref<64x128xf32, #tpu.memory_space<vmem>>
        %dma_start3A_1937 = arith.constant 0 : i32
        %dma_start3A_1938 = tpu.memref_slice %arg7[%dma_start3A_1937, %multiple_of3A_1918] : memref<64x1000000xf32, #tpu.memory_space<hbm>> -> memref<64x128xf32, #tpu.memory_space<hbm>>
        %dma_start3A_1939 = arith.constant 0 : i32
        %dma_start3A_1940 = arith.constant 0 : i32
        %dma_start3A_1941 = tpu.memref_slice %arg15[%dma_start3A_1932, %dma_start3A_1939, %dma_start3A_1940] : memref<8x64x128xf32, #tpu.memory_space<vmem>> -> memref<1x64x128xf32, #tpu.memory_space<vmem>>
        %dma_start3A_1942 = tpu.memref_squeeze %dma_start3A_1941 : memref<1x64x128xf32, #tpu.memory_space<vmem>> -> memref<64x128xf32, #tpu.memory_space<vmem>>
        %dma_start3A_1943 = arith.constant 0 : i32
        %dma_start3A_1944 = tpu.memref_slice %arg7[%dma_start3A_1943, %multiple_of3A_1918] : memref<64x1000000xf32, #tpu.memory_space<hbm>> -> memref<64x128xf32, #tpu.memory_space<hbm>>
        tpu.enqueue_dma source(%dma_start3A_1944 : memref<64x128xf32, #tpu.memory_space<hbm>>) target(%dma_start3A_1942 : memref<64x128xf32, #tpu.memory_space<vmem>>) target_semaphore(%arg25 : memref<!tpu.dma_semaphore, #tpu.memory_space<semaphore_mem>>)
      } else {
      }
    }
    %scan3A_721 = arith.constant 64 : i32
    "tpu.region"() ({
      %run_scoped3A = tpu.sem_alloc : memref<!tpu.dma_semaphore, #tpu.memory_space<semaphore_mem>>
      %dma_start3A_722 = arith.constant 0 : i32
      %dma_start3A_723 = tpu.memref_slice %arg9[%dma_start3A_722, %mul3A_2] : memref<16x16384xf32, #tpu.memory_space<hbm>> -> memref<16x512xf32, #tpu.memory_space<hbm>>
      %dma_start3A_724 = arith.constant 0 : i32
      %dma_start3A_725 = tpu.memref_slice %arg9[%dma_start3A_724, %mul3A_2] : memref<16x16384xf32, #tpu.memory_space<hbm>> -> memref<16x512xf32, #tpu.memory_space<hbm>>
      tpu.enqueue_dma source(%arg16 : memref<16x512xf32, #tpu.memory_space<vmem>>) target(%dma_start3A_725 : memref<16x512xf32, #tpu.memory_space<hbm>>) target_semaphore(%run_scoped3A : memref<!tpu.dma_semaphore, #tpu.memory_space<semaphore_mem>>)
      %dma_wait3A = arith.constant 0 : i32
      %dma_wait3A_726 = tpu.memref_slice %arg9[%dma_wait3A, %mul3A_2] : memref<16x16384xf32, #tpu.memory_space<hbm>> -> memref<16x512xf32, #tpu.memory_space<hbm>>
      %dma_wait3A_727 = arith.constant 0 : i32
      %dma_wait3A_728 = tpu.memref_slice %arg9[%dma_wait3A_727, %mul3A_2] : memref<16x16384xf32, #tpu.memory_space<hbm>> -> memref<16x512xf32, #tpu.memory_space<hbm>>
      tpu.wait_dma2 semaphore(%run_scoped3A : memref<!tpu.dma_semaphore, #tpu.memory_space<semaphore_mem>>) src(%arg16 : memref<16x512xf32, #tpu.memory_space<vmem>>) dst(%dma_wait3A_728 : memref<16x512xf32, #tpu.memory_space<hbm>>)
      tpu.yield
    }) : () -> ()
    "tpu.region"() ({
      %run_scoped3A = tpu.sem_alloc : memref<!tpu.dma_semaphore, #tpu.memory_space<semaphore_mem>>
      %dma_start3A_722 = arith.constant 0 : i32
      %dma_start3A_723 = tpu.memref_slice %arg11[%dma_start3A_722, %mul3A_2] : memref<64x16384xf32, #tpu.memory_space<hbm>> -> memref<64x512xf32, #tpu.memory_space<hbm>>
      %dma_start3A_724 = arith.constant 0 : i32
      %dma_start3A_725 = tpu.memref_slice %arg11[%dma_start3A_724, %mul3A_2] : memref<64x16384xf32, #tpu.memory_space<hbm>> -> memref<64x512xf32, #tpu.memory_space<hbm>>
      tpu.enqueue_dma source(%arg17 : memref<64x512xf32, #tpu.memory_space<vmem>>) target(%dma_start3A_725 : memref<64x512xf32, #tpu.memory_space<hbm>>) target_semaphore(%run_scoped3A : memref<!tpu.dma_semaphore, #tpu.memory_space<semaphore_mem>>)
      %dma_wait3A = arith.constant 0 : i32
      %dma_wait3A_726 = tpu.memref_slice %arg11[%dma_wait3A, %mul3A_2] : memref<64x16384xf32, #tpu.memory_space<hbm>> -> memref<64x512xf32, #tpu.memory_space<hbm>>
      %dma_wait3A_727 = arith.constant 0 : i32
      %dma_wait3A_728 = tpu.memref_slice %arg11[%dma_wait3A_727, %mul3A_2] : memref<64x16384xf32, #tpu.memory_space<hbm>> -> memref<64x512xf32, #tpu.memory_space<hbm>>
      tpu.wait_dma2 semaphore(%run_scoped3A : memref<!tpu.dma_semaphore, #tpu.memory_space<semaphore_mem>>) src(%arg17 : memref<64x512xf32, #tpu.memory_space<vmem>>) dst(%dma_wait3A_728 : memref<64x512xf32, #tpu.memory_space<hbm>>)
      tpu.yield
    }) : () -> ()
    return
  }
}

module attributes {stable_mosaic.version = 14 : i64} {
  func.func @_mlp_body(%arg0: i32, %arg1: memref<16x2048xf32, #tpu.memory_space<vmem>>, %arg2: memref<16x2048xf32, #tpu.memory_space<vmem>>, %arg3: memref<64x2048xf32, #tpu.memory_space<vmem>>, %arg4: memref<64x2048xf32, #tpu.memory_space<vmem>>, %arg5: memref<64x64xf32, #tpu.memory_space<vmem>>, %arg6: memref<64x64xf32, #tpu.memory_space<vmem>>, %arg7: memref<64x1xf32, #tpu.memory_space<vmem>>, %arg8: memref<32x64xf32, #tpu.memory_space<vmem>>, %arg9: memref<32x1xf32, #tpu.memory_space<vmem>>, %arg10: memref<16x32xf32, #tpu.memory_space<vmem>>, %arg11: memref<16x1xf32, #tpu.memory_space<vmem>>, %arg12: memref<16x1xf32, #tpu.memory_space<vmem>>, %arg13: memref<16x1xf32, #tpu.memory_space<vmem>>, %arg14: memref<1xf32, #tpu.memory_space<vmem>>, %arg15: memref<2048xf32, #tpu.memory_space<vmem>>) attributes {dimension_semantics = [#tpu.dimension_semantics<arbitrary>], iteration_bounds = array<i64: 8>, scalar_prefetch = 0 : i64, scratch_operands = 0 : i64, tpu.core_type = #tpu.core_type<tc>, window_params = [{transform_indices = @transform_0, window_bounds = array<i64: 16, 2048>}, {transform_indices = @transform_1, window_bounds = array<i64: 16, 2048>}, {transform_indices = @transform_2, window_bounds = array<i64: 64, 2048>}, {transform_indices = @transform_3, window_bounds = array<i64: 64, 2048>}, {pipeline_mode = #tpu.pipeline_mode<synchronous>, transform_indices = @transform_4, window_bounds = array<i64: 64, 64>}, {pipeline_mode = #tpu.pipeline_mode<synchronous>, transform_indices = @transform_5, window_bounds = array<i64: 64, 64>}, {pipeline_mode = #tpu.pipeline_mode<synchronous>, transform_indices = @transform_6, window_bounds = array<i64: 64, 1>}, {pipeline_mode = #tpu.pipeline_mode<synchronous>, transform_indices = @transform_7, window_bounds = array<i64: 32, 64>}, {pipeline_mode = #tpu.pipeline_mode<synchronous>, transform_indices = @transform_8, window_bounds = array<i64: 32, 1>}, {pipeline_mode = #tpu.pipeline_mode<synchronous>, transform_indices = @transform_9, window_bounds = array<i64: 16, 32>}, {pipeline_mode = #tpu.pipeline_mode<synchronous>, transform_indices = @transform_10, window_bounds = array<i64: 16, 1>}, {pipeline_mode = #tpu.pipeline_mode<synchronous>, transform_indices = @transform_11, window_bounds = array<i64: 16, 1>}, {pipeline_mode = #tpu.pipeline_mode<synchronous>, transform_indices = @transform_12, window_bounds = array<i64: 16, 1>}, {pipeline_mode = #tpu.pipeline_mode<synchronous>, transform_indices = @transform_13, window_bounds = array<i64: 1>}, {transform_indices = @transform_14, window_bounds = array<i64: 2048>}]} {
    %get3A = arith.constant 0 : index
    %get3A_0 = arith.constant 0 : index
    %get3A_1 = vector.load %arg5[%get3A, %get3A_0] : memref<64x64xf32, #tpu.memory_space<vmem>>, vector<64x64xf32>
    %get3A_2 = arith.constant 0 : index
    %get3A_3 = arith.constant 0 : index
    %get3A_4 = vector.load %arg3[%get3A_2, %get3A_3] : memref<64x2048xf32, #tpu.memory_space<vmem>>, vector<64x2048xf32>
    %dot_general3A = arith.constant dense<0.000000e+00> : vector<64x2048xf32>
    %dot_general3A_5 = tpu.matmul %get3A_1, %get3A_4, %dot_general3A {dimension_numbers = #tpu.dot_dimension_numbers<[1], [0], [0], [1], [0, 0, 1, 1], [], []>, transpose_lhs_hint = false} : vector<64x64xf32>, vector<64x2048xf32>, vector<64x2048xf32> -> vector<64x2048xf32>
    %get3A_6 = arith.constant 0 : index
    %get3A_7 = arith.constant 0 : index
    %get3A_8 = vector.load %arg6[%get3A_6, %get3A_7] : memref<64x64xf32, #tpu.memory_space<vmem>>, vector<64x64xf32>
    %get3A_9 = arith.constant 0 : index
    %get3A_10 = arith.constant 0 : index
    %get3A_11 = vector.load %arg4[%get3A_9, %get3A_10] : memref<64x2048xf32, #tpu.memory_space<vmem>>, vector<64x2048xf32>
    %dot_general3A_12 = arith.constant dense<0.000000e+00> : vector<64x2048xf32>
    %dot_general3A_13 = tpu.matmul %get3A_8, %get3A_11, %dot_general3A_12 {dimension_numbers = #tpu.dot_dimension_numbers<[1], [0], [0], [1], [0, 0, 1, 1], [], []>, transpose_lhs_hint = false} : vector<64x64xf32>, vector<64x2048xf32>, vector<64x2048xf32> -> vector<64x2048xf32>
    %add3A = arith.addf %dot_general3A_5, %dot_general3A_13 : vector<64x2048xf32>
    %get3A_14 = arith.constant 0 : index
    %get3A_15 = arith.constant 0 : index
    %get3A_16 = vector.load %arg7[%get3A_14, %get3A_15] : memref<64x1xf32, #tpu.memory_space<vmem>>, vector<64x1xf32>
    %add3A_17 = vector.broadcast %get3A_16 : vector<64x1xf32> to vector<64x2048xf32>
    %add3A_18 = arith.addf %add3A, %add3A_17 : vector<64x2048xf32>
    %max3A = arith.constant 0.000000e+00 : f32
    %max3A_19 = vector.broadcast %max3A : f32 to vector<64x2048xf32>
    %max3A_20 = arith.maximumf %add3A_18, %max3A_19 : vector<64x2048xf32>
    %get3A_21 = arith.constant 0 : index
    %get3A_22 = arith.constant 0 : index
    %get3A_23 = vector.load %arg8[%get3A_21, %get3A_22] : memref<32x64xf32, #tpu.memory_space<vmem>>, vector<32x64xf32>
    %dot_general3A_24 = arith.constant dense<0.000000e+00> : vector<32x2048xf32>
    %dot_general3A_25 = tpu.matmul %get3A_23, %max3A_20, %dot_general3A_24 {dimension_numbers = #tpu.dot_dimension_numbers<[1], [0], [0], [1], [0, 0, 1, 1], [], []>, transpose_lhs_hint = false} : vector<32x64xf32>, vector<64x2048xf32>, vector<32x2048xf32> -> vector<32x2048xf32>
    %get3A_26 = arith.constant 0 : index
    %get3A_27 = arith.constant 0 : index
    %get3A_28 = vector.load %arg9[%get3A_26, %get3A_27] : memref<32x1xf32, #tpu.memory_space<vmem>>, vector<32x1xf32>
    %add3A_29 = vector.broadcast %get3A_28 : vector<32x1xf32> to vector<32x2048xf32>
    %add3A_30 = arith.addf %dot_general3A_25, %add3A_29 : vector<32x2048xf32>
    %max3A_31 = arith.constant 0.000000e+00 : f32
    %max3A_32 = vector.broadcast %max3A_31 : f32 to vector<32x2048xf32>
    %max3A_33 = arith.maximumf %add3A_30, %max3A_32 : vector<32x2048xf32>
    %get3A_34 = arith.constant 0 : index
    %get3A_35 = arith.constant 0 : index
    %get3A_36 = vector.load %arg10[%get3A_34, %get3A_35] : memref<16x32xf32, #tpu.memory_space<vmem>>, vector<16x32xf32>
    %dot_general3A_37 = arith.constant dense<0.000000e+00> : vector<16x2048xf32>
    %dot_general3A_38 = tpu.matmul %get3A_36, %max3A_33, %dot_general3A_37 {dimension_numbers = #tpu.dot_dimension_numbers<[1], [0], [0], [1], [0, 0, 1, 1], [], []>, transpose_lhs_hint = false} : vector<16x32xf32>, vector<32x2048xf32>, vector<16x2048xf32> -> vector<16x2048xf32>
    %get3A_39 = arith.constant 0 : index
    %get3A_40 = arith.constant 0 : index
    %get3A_41 = vector.load %arg11[%get3A_39, %get3A_40] : memref<16x1xf32, #tpu.memory_space<vmem>>, vector<16x1xf32>
    %add3A_42 = vector.broadcast %get3A_41 : vector<16x1xf32> to vector<16x2048xf32>
    %add3A_43 = arith.addf %dot_general3A_38, %add3A_42 : vector<16x2048xf32>
    %max3A_44 = arith.constant 0.000000e+00 : f32
    %max3A_45 = vector.broadcast %max3A_44 : f32 to vector<16x2048xf32>
    %max3A_46 = arith.maximumf %add3A_43, %max3A_45 : vector<16x2048xf32>
    %get3A_47 = arith.constant 0 : index
    %get3A_48 = arith.constant 0 : index
    %get3A_49 = vector.load %arg1[%get3A_47, %get3A_48] : memref<16x2048xf32, #tpu.memory_space<vmem>>, vector<16x2048xf32>
    %get3A_50 = arith.constant 0 : index
    %get3A_51 = arith.constant 0 : index
    %get3A_52 = vector.load %arg2[%get3A_50, %get3A_51] : memref<16x2048xf32, #tpu.memory_space<vmem>>, vector<16x2048xf32>
    %mul3A = arith.mulf %get3A_49, %get3A_52 : vector<16x2048xf32>
    %get3A_53 = arith.constant 0 : index
    %get3A_54 = arith.constant 0 : index
    %get3A_55 = vector.load %arg12[%get3A_53, %get3A_54] : memref<16x1xf32, #tpu.memory_space<vmem>>, vector<16x1xf32>
    %mul3A_56 = vector.broadcast %get3A_55 : vector<16x1xf32> to vector<16x2048xf32>
    %mul3A_57 = arith.mulf %mul3A, %mul3A_56 : vector<16x2048xf32>
    %reduce_sum3A = arith.constant dense<0.000000e+00> : vector<2048xf32>
    %reduce_sum3A_58 = vector.multi_reduction <add>, %mul3A_57, %reduce_sum3A [0] : vector<16x2048xf32> to vector<2048xf32>
    %get3A_59 = arith.constant 0 : index
    %get3A_60 = arith.constant 0 : index
    %get3A_61 = vector.load %arg13[%get3A_59, %get3A_60] : memref<16x1xf32, #tpu.memory_space<vmem>>, vector<16x1xf32>
    %mul3A_62 = vector.broadcast %get3A_61 : vector<16x1xf32> to vector<16x2048xf32>
    %mul3A_63 = arith.mulf %max3A_46, %mul3A_62 : vector<16x2048xf32>
    %reduce_sum3A_64 = arith.constant dense<0.000000e+00> : vector<2048xf32>
    %reduce_sum3A_65 = vector.multi_reduction <add>, %mul3A_63, %reduce_sum3A_64 [0] : vector<16x2048xf32> to vector<2048xf32>
    %add3A_66 = arith.addf %reduce_sum3A_58, %reduce_sum3A_65 : vector<2048xf32>
    %get3A_67 = arith.constant 0 : index
    %get3A_68 = vector.load %arg14[%get3A_67] : memref<1xf32, #tpu.memory_space<vmem>>, vector<1xf32>
    %get3A_69 = vector.extract %get3A_68[0] : f32 from vector<1xf32>
    %add3A_70 = vector.broadcast %get3A_69 : f32 to vector<2048xf32>
    %add3A_71 = arith.addf %add3A_66, %add3A_70 : vector<2048xf32>
    %swap3A = arith.constant 0 : index
    %swap3A_72 = vector.load %arg15[%swap3A] : memref<2048xf32, #tpu.memory_space<vmem>>, vector<2048xf32>
    tpu.vector_store %arg15[%swap3A], %add3A_71 {strides = array<i32>} : memref<2048xf32, #tpu.memory_space<vmem>>, vector<2048xf32>,
    return
  }
  func.func @transform_0(%arg0: i32) -> (i32, i32) {
    %c0_i32 = arith.constant 0 : i32
    %c0_i32_0 = arith.constant 0 : i32
    return %c0_i32, %arg0 : i32, i32
  }
  func.func @transform_1(%arg0: i32) -> (i32, i32) {
    %c0_i32 = arith.constant 0 : i32
    %c0_i32_0 = arith.constant 0 : i32
    return %c0_i32, %arg0 : i32, i32
  }
  func.func @transform_2(%arg0: i32) -> (i32, i32) {
    %c0_i32 = arith.constant 0 : i32
    %c0_i32_0 = arith.constant 0 : i32
    return %c0_i32, %arg0 : i32, i32
  }
  func.func @transform_3(%arg0: i32) -> (i32, i32) {
    %c0_i32 = arith.constant 0 : i32
    %c0_i32_0 = arith.constant 0 : i32
    return %c0_i32, %arg0 : i32, i32
  }
  func.func @transform_4(%arg0: i32) -> (i32, i32) {
    %c0_i32 = arith.constant 0 : i32
    %c0_i32_0 = arith.constant 0 : i32
    %c0_i32_1 = arith.constant 0 : i32
    return %c0_i32, %c0_i32_0 : i32, i32
  }
  func.func @transform_5(%arg0: i32) -> (i32, i32) {
    %c0_i32 = arith.constant 0 : i32
    %c0_i32_0 = arith.constant 0 : i32
    %c0_i32_1 = arith.constant 0 : i32
    return %c0_i32, %c0_i32_0 : i32, i32
  }
  func.func @transform_6(%arg0: i32) -> (i32, i32) {
    %c0_i32 = arith.constant 0 : i32
    %c0_i32_0 = arith.constant 0 : i32
    %c0_i32_1 = arith.constant 0 : i32
    return %c0_i32, %c0_i32_0 : i32, i32
  }
  func.func @transform_7(%arg0: i32) -> (i32, i32) {
    %c0_i32 = arith.constant 0 : i32
    %c0_i32_0 = arith.constant 0 : i32
    %c0_i32_1 = arith.constant 0 : i32
    return %c0_i32, %c0_i32_0 : i32, i32
  }
  func.func @transform_8(%arg0: i32) -> (i32, i32) {
    %c0_i32 = arith.constant 0 : i32
    %c0_i32_0 = arith.constant 0 : i32
    %c0_i32_1 = arith.constant 0 : i32
    return %c0_i32, %c0_i32_0 : i32, i32
  }
  func.func @transform_9(%arg0: i32) -> (i32, i32) {
    %c0_i32 = arith.constant 0 : i32
    %c0_i32_0 = arith.constant 0 : i32
    %c0_i32_1 = arith.constant 0 : i32
    return %c0_i32, %c0_i32_0 : i32, i32
  }
  func.func @transform_10(%arg0: i32) -> (i32, i32) {
    %c0_i32 = arith.constant 0 : i32
    %c0_i32_0 = arith.constant 0 : i32
    %c0_i32_1 = arith.constant 0 : i32
    return %c0_i32, %c0_i32_0 : i32, i32
  }
  func.func @transform_11(%arg0: i32) -> (i32, i32) {
    %c0_i32 = arith.constant 0 : i32
    %c0_i32_0 = arith.constant 0 : i32
    %c0_i32_1 = arith.constant 0 : i32
    return %c0_i32, %c0_i32_0 : i32, i32
  }
  func.func @transform_12(%arg0: i32) -> (i32, i32) {
    %c0_i32 = arith.constant 0 : i32
    %c0_i32_0 = arith.constant 0 : i32
    %c0_i32_1 = arith.constant 0 : i32
    return %c0_i32, %c0_i32_0 : i32, i32
  }
  func.func @transform_13(%arg0: i32) -> i32 {
    %c0_i32 = arith.constant 0 : i32
    %c0_i32_0 = arith.constant 0 : i32
    return %c0_i32 : i32
  }
  func.func @transform_14(%arg0: i32) -> i32 {
    %c0_i32 = arith.constant 0 : i32
    return %arg0 : i32
  }
}

</mosaic_0001>

<sc_bundles>
// kernel: kernel.4.cloned.1.call-start
scs
__scs_entry_jumppad:
0x0: {  	(pc) =	sbr.rel $0x88, $3  }
0x1: {  	(tag) =	ssettag $0x0;
	lr =	simm.s32 $0x1  }
0x2: {  	[smem:$0x3F93] =	sst lr;
	_ =	strace $0xD0000000  }
0x3: {  	_ = 	snop  }
0x4: {  	_ = 	snop  }
0x5: {  	_ = 	snop  }
0x6: {  	_ = 	snop  }
0x7: {  	_ = 	snop  }
__scs_overlays_trampoline_lowered:
0x8: {  	[smem:$0x3FA2] =	sst s0  }
0x9: {  	[smem:$0x3FA3] =	sst s1  }
0xa: {  	[smem:$0x3FA4] =	sst s2  }
0xb: {  	[smem:$0x3FA5] =	sst s3  }
0xc: {  	[smem:$0x3FA6] =	sst s4  }
0xd: {  	[smem:$0x3FA7] =	sst s5  }
0xe: {  	[smem:$0x3FA8] =	sst s6  }
0xf: {  	[smem:$0x3FA9] =	sst s7  }
0x10: {  	[smem:$0x3FAA] =	sst s8  }
0x11: {  	[smem:$0x3FAB] =	sst s9;
	s0 =	simm.s32 @!p0 $0x0  }
0x12: {  	s1 =	sld [smem:$0x3F91];
	s0 =	simm.s32 @p0 $0x1  }
0x13: {  	[smem:$0x3FAC] =	sst s0;
	s0 =	simm.s32 @!p1 $0x0  }
0x14: {  	s2 =	sld [smem:$0x3F90];
	s0 =	simm.s32 @p1 $0x1  }
0x15: {  	[smem:$0x3FAD] =	sst s0;
	s0 =	simm.s32 @!p2 $0x0  }
0x16: {  	s3 =	sld [smem:$0x3FDB];
	s0 =	simm.s32 @p2 $0x1  }
0x17: {  	s4 =	simm.s32 $0x1BF5;
	[smem:$0x3FAF] =	sst s0  }
0x18: {  	s0 =	sld [smem:$0x3F92];
	_ =	swait.ge [sflag:s4], $0x0  }
0x19: {  	s7 =	sld [smem:$0x3F93]  }
0x1a: {  	s8 =	sadd.s32 $0xFFFFE003, lr  }
0x1b: {  	s9 =	sadd.s32 $0xFFFFFEF7, lr;
	s5 =	simm.s32 $0xFFFFFFFF;
	p2 =	slt.u32 s8, $0xFFFFF086  }
0x1c: {  	p1 =	slt.u32 s9, $0xF7A;
	s5 =	simm.s32 @!p2 $0x0  }
0x1d: {  	s5 =	simm.s32 @p1 $0x1;
	p0 =	seq.s32 s7, s2  }
0x1e: {  	s7 =	smul.u32 @!p0 $0xF7A, s2;
	p2 =	seq.s32 @!p0 s5, $0x0  }
0x1f: {  	s9 =	smul.u32 $0xF7A, s1;
	s8 =	simm.s32 @!p0 $0x1BF5;
	p2 =	por !p2, p0  }
0x20: {  	[sflag:s8] =	ssyncset.s32 @!p0 $0xFFFFF086;
	s6 =	sadd.s32 @!p0 s3, s7;
	s7 =	simm.s32 @!p0 $0x108  }
0x21: {  	s3 =	sadd.s32 s3, s9;
	s6 =	sadd.s32 @!p0 $0x88, s6;
	s7 =	simm.s32 @p2 $0x1082  }
0x22: {  	[simem:s7], [sflag:s8] =	dma.local @!p0 [hbm:s6], $0xF7A  }
0x23: {  	s9 =	sor.u32 $0xD0000000, s2;
	s6 =	simm.s32 $0x108;
	_ =	swait.ge @!p0 [sflag:s8], $0x0  }
0x24: {  	s3 =	sadd.s32 $0x88, s3;
	s6 =	simm.s32 @!p1 $0x1082;
	[sflag:s4] =	ssyncset.s32 $0xFFFFF086  }
0x25: {  	[simem:s6], [sflag:s4] =	dma.local [hbm:s3], $0xF7A  }
0x26: {  	[smem:$0x3F93] =	sst s1;
	(tag) =	ssettag s2;
	_ =	strace s9  }
0x27: {  	s1 =	sld [smem:$0x3FA3]  }
0x28: {  	s2 =	sld [smem:$0x3FA4]  }
0x29: {  	s4 =	sld [smem:$0x3FA6]  }
0x2a: {  	p0 =	seq.s32 s5, $0x0;
	s5 =	sld [smem:$0x3FA7]  }
0x2b: {  	s6 =	sld [smem:$0x3FA8]  }
0x2c: {  	s7 =	sld [smem:$0x3FA9]  }
0x2d: {  	s3 =	simm.s32 $0x108;
	s8 =	sld [smem:$0x3FAA]  }
0x2e: {  	s3 =	simm.s32 @!p0 $0x1082;
	s9 =	sld [smem:$0x3FAB]  }
0x2f: {  	lr =	sadd.s32 s0, s3;
	s0 =	sld [smem:$0x3FA2]  }
0x30: {  	s3 =	sld [smem:$0x3FA5]  }
0x31: {  	[smem:$0x3FAE] =	sst s10  }
0x32: {  	s10 =	sld [smem:$0x3FAC];
	_ =	sdelay $0x3  }
0x33: {  	p0 =	seq.s32 s10, $0x1;
	s10 =	sld [smem:$0x3FAE];
	_ =	sdelay $0x3  }
0x34: {  	[smem:$0x3FAE] =	sst s10  }
0x35: {  	s10 =	sld [smem:$0x3FAD];
	_ =	sdelay $0x3  }
0x36: {  	p1 =	seq.s32 s10, $0x1;
	s10 =	sld [smem:$0x3FAE];
	_ =	sdelay $0x3  }
0x37: {  	[smem:$0x3FAE] =	sst s10  }
0x38: {  	s10 =	sld [smem:$0x3FAF]  }
0x39: {  	_ = 	snop;
	(pc) =	sbr.ind lr, $3  }
0x3a: {  	_ = 	snop  }
0x3b: {  	_ = 	snop  }
0x3c: {  	p2 =	seq.s32 s10, $0x1;
	s10 =	sld [smem:$0x3FAE]  }
0x3d: {  	_ =	shalt  }
0x3e: {  	_ =	shalt  }
0x3f: {  	_ =	shalt  }
0x40: {  	_ =	shalt  }
0x41: {  	_ =	shalt  }
0x42: {  	_ =	shalt  }
0x43: {  	_ =	shalt  }
0x44: {  	_ =	shalt  }
0x45: {  	_ =	shalt  }
0x46: {  	_ =	shalt  }
0x47: {  	_ =	shalt  }
0x48: {  	_ =	shalt  }
0x49: {  	_ =	shalt  }
0x4a: {  	_ =	shalt  }
0x4b: {  	_ =	shalt  }
0x4c: {  	_ =	shalt  }
0x4d: {  	_ =	shalt  }
0x4e: {  	_ =	shalt  }
0x4f: {  	_ =	shalt  }
0x50: {  	_ =	shalt  }
0x51: {  	_ =	shalt  }
0x52: {  	_ =	shalt  }
0x53: {  	_ =	shalt  }
0x54: {  	_ =	shalt  }
0x55: {  	_ =	shalt  }
0x56: {  	_ =	shalt  }
0x57: {  	_ =	shalt  }
0x58: {  	_ =	shalt  }
0x59: {  	_ =	shalt  }
0x5a: {  	_ =	shalt  }
0x5b: {  	_ =	shalt  }
0x5c: {  	_ =	shalt  }
0x5d: {  	_ =	shalt  }
0x5e: {  	_ =	shalt  }
0x5f: {  	_ =	shalt  }
0x60: {  	_ =	shalt  }
0x61: {  	_ =	shalt  }
0x62: {  	_ =	shalt  }
0x63: {  	_ =	shalt  }
0x64: {  	_ =	shalt  }
0x65: {  	_ =	shalt  }
0x66: {  	_ =	shalt  }
0x67: {  	_ =	shalt  }
0x68: {  	_ =	shalt  }
0x69: {  	_ =	shalt  }
0x6a: {  	_ =	shalt  }
0x6b: {  	_ =	shalt  }
0x6c: {  	_ =	shalt  }
0x6d: {  	_ =	shalt  }
0x6e: {  	_ =	shalt  }
0x6f: {  	_ =	shalt  }
0x70: {  	_ =	shalt  }
0x71: {  	_ =	shalt  }
0x72: {  	_ =	shalt  }
0x73: {  	_ =	shalt  }
0x74: {  	_ =	shalt  }
0x75: {  	_ =	shalt  }
0x76: {  	_ =	shalt  }
0x77: {  	_ =	shalt  }
0x78: {  	_ =	shalt  }
0x79: {  	_ =	shalt  }
0x7a: {  	_ =	shalt  }
0x7b: {  	_ =	shalt  }
0x7c: {  	_ =	shalt  }
0x7d: {  	_ =	shalt  }
0x7e: {  	_ =	shalt  }
0x7f: {  	_ =	shalt  }
0x80: {  	_ =	shalt  }
0x81: {  	_ =	shalt  }
0x82: {  	_ =	shalt  }
0x83: {  	_ =	shalt  }
0x84: {  	_ =	shalt  }
0x85: {  	_ =	shalt  }
0x86: {  	_ =	shalt  }
0x87: {  	_ =	shalt  }
.Lfunc_end0:
.L_simem_size_0:
called_computation_lowered:
.L_overlay_start_0:
0x88: {  	s2 =	sld [smem:$0x3FD9]  }
0x89: {  	s3 =	sld [smem:$0x3FFE];
	_ =	sdelay $0x1  }
0x8a: {  	s1 =	srdreg.scid  }
0x8b: {  	s0 =	sand.u32 $0x1, s1  }
0x8c: {  	s17 =	sshll.u32 s0, $0xA;
	s2 =	sadd.s32 s3, s2  }
0x8d: {  	s2 =	sadd.s32 s2, s17  }
0x8e: {  	[smem:$0x3FBA] =	sst s2  }
0x8f: {  	_ = 	snop  }
0x90: {  	s2 =	sld [smem:$0x3FC9]  }
0x91: {  	s18 =	sld [smem:$0x3FC8]  }
0x92: {  	s4 =	sld [smem:$0x3FC7]  }
0x93: {  	s5 =	sld [smem:$0x3FC6]  }
0x94: {  	s6 =	sld [smem:$0x3FC5]  }
0x95: {  	s7 =	sld [smem:$0x3FC4];
	(tm) =	ssettm $0x1  }
0x96: {  	s8 =	sld [smem:$0x3FFB];
	_ =	sdelay $0x3  }
0x97: {  	_ =	strace s8  }
0x98: {  	s8 =	sld [smem:$0x3FFC];
	_ =	sdelay $0x3  }
0x99: {  	_ =	strace s8  }
0x9a: {  	s8 =	sld [smem:$0x3FFD];
	_ =	sdelay $0x3  }
0x9b: {  	_ =	strace s8  }
0x9c: {  	_ =	strace $0x8FFFFFFF  }
0x9d: {  	s19 =	sld [smem:$0x3FDB];
	_ =	sdelay $0x1  }
0x9e: {  	s9 =	simm.s32 $_scs_section_size  }
0x9f: {  	s10 =	simm.s32 $_size__tile_overlayer_lowered;
	s11 =	simm.s32 $_tile_overlayer_lowered  }
0xa0: {  	s22 =	simm.s32 $0x1BFF;
	s21 =	sshll.u32 s11, $0x1;
	s8 =	sadd.s32 s9, s19  }
0xa1: {  	s12 =	simm.s32 $0x0;
	s20 =	sshll.u32 s10, $0x1;
	s10 =	sadd.s32 s21, s8  }
0xa2: {  	[timem:s12], [sflag:s22] =	dma.local [hbm:s10], s20  }
0xa3: {  	_ =	swait.ge [sflag:s22], s20  }
0xa4: {  	s9 =	ssub.s32 $0x0, s20;
	[sflag:s22] =	ssyncset.done $0x0  }
0xa5: {  	[sflag:s22] =	ssyncadd.s32 s9;
	_ =	sdelay $0x1  }
0xa6: {  	s23 =	simm.s32 $0x1B8B  }
0xa7: {  	_ =	swait.ge [sflag:s23], $0x1  }
0xa8: {  	[sflag:s23] =	ssyncset.done $0x0  }
0xa9: {  	s25 =	simm.s32 $0x1B8E;
	s24 =	sld [smem:$0x3FFE];
	[sflag:s23] =	ssyncadd.s32 $0xFFFFFFFF  }
0xaa: {  	s26 =	simm.s32 $execute0_lowered;
	[smem:$0x3FD2] =	sst s25  }
0xab: {  	s10 =	sshll.u32 s26, $0x1;
	_ =	strace $0x80000046;
	[dreg:$0x1] =	wrdreg $0xFFFFFFFF  }
0xac: {  	s28 =	simm.s32 $_size_execute0_lowered;
	s8 =	sadd.s32 s8, s10;
	[dreg:$0x0] =	wrdreg $0x0  }
0xad: {  	s10 =	sshll.u32 s28, $0x1;
	[dreg:$0x2] =	wrdreg s8  }
0xae: {  	[dreg:$0x3] =	wrdreg s10  }
0xaf: {  	[dreg:$0x4] =	wrdreg $0xC0  }
0xb0: {  	_ =	task [dreg:s12], $0x5FFFF  }
0xb1: {  	[dreg:$0x1] =	wrdreg $0xFFFFFFFF  }
0xb2: {  	[dreg:$0x0] =	wrdreg $0x60  }
0xb3: {  	[dreg:$0x2] =	wrdreg s2  }
0xb4: {  	[dreg:$0x3] =	wrdreg s18  }
0xb5: {  	[dreg:$0x4] =	wrdreg s4  }
0xb6: {  	[dreg:$0x5] =	wrdreg s5  }
0xb7: {  	[dreg:$0x6] =	wrdreg s6  }
0xb8: {  	[dreg:$0x7] =	wrdreg s7  }
0xb9: {  	[dreg:$0x8] =	wrdreg s24  }
0xba: {  	[dreg:$0x9] =	wrdreg $0x9  }
0xbb: {  	_ =	task.clear_ibuf [dreg:s12], $0xAFFFF;
	_ =	strace $0x90000046  }
0xbc: {  	s29 =	simm.s32 $0x9;
	_ =	strace $0x80000048  }
0xbd: {  	_ =	swait.ge [sflag:s29], $0x1  }
0xbe: {  	[sflag:s29] =	ssyncadd.s32 $0xFFFFFFFF  }
0xbf: {  	_ =	strace $0x90000048  }
0xc0: {  	_ =	sfence  }
0xc1: {  	s30 =	sld [smem:$0x0];
	_ =	sdelay $0x2  }
0xc2: {  	s31 =	sshll.u32 s1, $0xD;
	s1 =	sshrl.u32 s1, $0x2  }
0xc3: {  	s3 =	sand.u32 $0x4000, s31;
	s1 =	sadd.s32 s1, s30  }
0xc4: {  	s0 =	sor.u32 s3, s0;
	s1 =	sshll.u32 s1, $0x11  }
0xc5: {  	s0 =	sor.u32 s1, s0  }
0xc6: {  	s0 =	sadd.s32 $0x8F2B, s0  }
0xc7: {  	[sflag:s0] =	ssyncadd.remote.s32 $0x1  }
0xc8: {  	_ =	sfence.sel $0xFFFF  }
0xc9: {  	[dreg:$0x0] =	wrdreg $0xFFFFFFFF;
	(pc) =	sbr.abs _section_cstart, $3  }
0xca: {  	[dreg:$0x1] =	wrdreg $0xFFFFFFFF  }
0xcb: {  	_ =	task.clear_ibuf [dreg:s12], $0x2FFFF;
	_ =	strace $0x9FFFFFFF  }
0xcc: {  	(tm) =	ssettm $0x7FFFFFFF  }
0xcd: {  	_ =	shalt  }
tec
execute0_lowered:
.L_overlay_start_1:
0x0: {  	(tag) =	ssettag $0x1  }
0x1: {  	v0 =	vimm.s32 $0x1380;
	vm1 =	vcmask $0x300  }
0x2: {  	vm6 =	vcmask $0x704;
	vm8 =	vcmask $0xB08;
	vm2 =	vcmask $0xF0C  }
0x3: {  	vm7 =	vcmask $0x1310;
	vm3 =	vcmask $0x1714;
	vm4 =	vcmask $0x1B18  }
0x4: {  	vm0 =	vmmov $0x1;
	v1 =	vimm.s32 $0x3380;
	v2 =	vimm.s32 $0x5380  }
0x5: {  	v3 =	vimm.s32 $0x7380;
	vm5 =	vcmask $0x1F1C;
	v0 =	vsel vm1, $0x0, v0  }
0x6: {  	v1 =	vsel vm1, $0x2000, v1;
	v2 =	vsel vm1, $0x4000, v2;
	v3 =	vsel vm1, $0x6000, v3  }
0x7: {  	vm1 =	vcmask $0x308;
	v0 =	vsel vm6, $0x80, v0;
	v1 =	vsel vm6, $0x2080, v1  }
0x8: {  	v2 =	vsel vm6, $0x4080, v2;
	v3 =	vsel vm6, $0x6080, v3;
	vm6 =	vcmask $0x2320  }
0x9: {  	s4 =	rddreg [dreg:$0x0];
	v0 =	vsel vm8, $0x100, v0;
	v1 =	vsel vm8, $0x2100, v1;
	v2 =	vsel vm8, $0x4100, v2  }
0xa: {  	s5 =	rddreg [dreg:$0x1];
	v3 =	vsel vm8, $0x6100, v3;
	vm8 =	vcmask $0x2B28;
	v0 =	vsel vm2, $0x180, v0  }
0xb: {  	s0 =	rddreg [dreg:$0x2];
	v1 =	vsel vm2, $0x2180, v1;
	v2 =	vsel vm2, $0x4180, v2;
	v3 =	vsel vm2, $0x6180, v3  }
0xc: {  	s1 =	rddreg [dreg:$0x4];
	vm2 =	vcmask $0x70C;
	v0 =	vsel vm7, $0x200, v0;
	v1 =	vsel vm7, $0x2200, v1  }
0xd: {  	s6 =	rddreg [dreg:$0x6];
	s8 =	simm.s32 $0x0;
	v2 =	vsel vm7, $0x4200, v2;
	v3 =	vsel vm7, $0x6200, v3;
	vm7 =	vcmask $0x2724  }
0xe: {  	s7 =	srdreg.scid;
	s19 =	stileid.u32;
	s15 =	simm.s32 $0x7A1400;
	v0 =	vsel vm3, $0x280, v0;
	v1 =	vsel vm3, $0x2280, v1;
	v2 =	vsel vm3, $0x4280, v2  }
0xf: {  	s17 =	simm.s32 $0x400;
	s3 =	simm.s32 $0x4400;
	s28 =	simm.s32 $0xC00;
	v3 =	vsel vm3, $0x6280, v3;
	vm3 =	vcmask $0xB10;
	v0 =	vsel vm4, $0x300, v0  }
0x10: {  	s30 =	simm.s32 $0x1400;
	s29 =	simm.s32 $0xE400;
	s31 =	simm.s32 $0x10400;
	v1 =	vsel vm4, $0x2300, v1;
	v2 =	vsel vm4, $0x4300, v2;
	v3 =	vsel vm4, $0x6300, v3  }
0x11: {  	s18 =	simm.s32 $0x3C00;
	s16 =	simm.s32 $0x1;
	s10 =	simm.s32 $0x4;
	vm4 =	vcmask $0xF14;
	v0 =	vsel vm5, $0x380, v0;
	v1 =	vsel vm5, $0x2380, v1  }
0x12: {  	s11 =	simm.s32 $0x5;
	s12 =	simm.s32 $0x6;
	s7 =	sand.u32 $0x1, s7;
	v2 =	vsel vm5, $0x4380, v2;
	v3 =	vsel vm5, $0x6380, v3;
	vm5 =	vcmask $0x1318  }
0x13: {  	[smem:$0x7FF] =	sst s8;
	s8 =	sshll.u32 s19, $0xA;
	s9 =	sshll.u32 s7, $0x9;
	v0 =	vsel vm6, $0x1000, v0;
	v1 =	vsel vm6, $0x3000, v1;
	v2 =	vsel vm6, $0x5000, v2  }
0x14: {  	s13 =	simm.s32 $0x7;
	s14 =	simm.s32 $0x8;
	s8 =	sor.u32 s9, s8;
	v3 =	vsel vm6, $0x7000, v3;
	vm6 =	vcmask $0x2F2C;
	v0 =	vsel vm7, $0x1080, v0  }
0x15: {  	s7 =	ssub.s32 $0x2, s7;
	s6 =	sadd.s32 s8, s6;
	s8 =	sshrl.u32 s8, $0x3;
	v1 =	vsel vm7, $0x3080, v1;
	v2 =	vsel vm7, $0x5080, v2;
	v3 =	vsel vm7, $0x7080, v3  }
0x16: {  	_ =	strace $0x80000047;
	s20 =	sshrl.u32 s7, $0x1;
	s4 =	sadd.s32 s4, s8;
	vm7 =	vcmask $0x3330;
	v0 =	vsel vm8, $0x1100, v0;
	v1 =	vsel vm8, $0x3100, v1  }
0x17: {  	s9 =	simm.s32 $0x3;
	s21 =	sadd.s32 s5, s8;
	[dreg:$0x8] =	wrdreg s4;
	v2 =	vsel vm8, $0x5100, v2;
	v3 =	vsel vm8, $0x7100, v3;
	v0 =	vsel vm6, $0x1180, v0  }
0x18: {  	s7 =	ssub.s32 s7, s20;
	s22 =	sadd.s32 $0x42200, s6;
	[dreg:$0x9] =	wrdreg s21;
	v1 =	vsel vm6, $0x3180, v1;
	v2 =	vsel vm6, $0x5180, v2;
	v3 =	vsel vm6, $0x7180, v3  }
0x19: {  	s20 =	simm.s32 $0x6400;
	s23 =	sadd.s32 $0x2200, s6;
	[dreg:$0xa] =	wrdreg s22;
	vm6 =	vcmask $0x171C;
	v4 =	vsel vm7, $0x1200, v0;
	v1 =	vsel vm7, $0x3200, v1  }
0x1a: {  	s24 =	sadd.s32 $0x4A200, s6;
	s25 =	sadd.s32 $0x22200, s6;
	[dreg:$0xb] =	wrdreg s23;
	v2 =	vsel vm7, $0x5200, v2;
	v3 =	vsel vm7, $0x7200, v3;
	vm7 =	vcmask $0x3734  }
.Ltmp0:
0x1b: {  	s26 =	smax.u32 s7, $0x1;
	[dreg:$0xc] =	wrdreg s24;
	v0 =	vlaneseq.u32;
	v4 =	vsel vm7, $0x1280, v4;
	v5 =	vsel vm7, $0x3280, v1;
	(pc) =	sbr.rel .LBB2_1-.Ltmp0, $4  }
0x1c: {  	s6 =	simm.s32 $0x12400;
	s5 =	simm.s32 $0x14400;
	[dreg:$0xd] =	wrdreg s25;
	v6 =	vsel vm7, $0x5280, v2;
	v7 =	vsel vm7, $0x7280, v3;
	vm7 =	vcmask $0x3B38  }
0x1d: {  	s7 =	simm.s32 $0x16400;
	s8 =	simm.s32 $0x2;
	[dreg:$0xe] =	wrdreg s26;
	v1 =	vmul.u32 $0x80, v0;
	v2 =	vsel vm7, $0x1300, v4;
	v3 =	vsel vm7, $0x3300, v5  }
0x1e: {  	s23 =	simm.s32 $0x9;
	s22 =	simm.s32 $0x8400;
	s24 =	simm.s32 $0xA400;
	v4 =	vsel vm7, $0x5300, v6;
	v5 =	vsel vm7, $0x7300, v7;
	vm7 =	vcmask $0x1B20  }
0x1f: {  	s4 =	simm.s32 $0x2400;
	s26 =	simm.s32 $0xC400;
	s21 =	simm.s32 $0x0;
	v6 =	vor.u32 $0x800, v1;
	v7 =	vor.u32 $0x1000, v1;
	v8 =	vor.u32 $0x1800, v1  }
.LBB2_7:
0x20: {  	s19 =	rddreg [dreg:$0xc]  }
0x21: {  	s0 =	simm.s32 $0x1000;
	s1 =	simm.s32 $0x20000;
	s23 =	simm.s32 $0x9  }
0x22: {  	[hbm4b:s19+s0] =	stream.strided.scatter [tilespmem:s5], [sflag:$0x9], $0x2000, s1, s0, $0x38;
	[tilespmem:$0x1E400] =	vst v63  }
0x23: {  	_ =	swait.ge [sflag:s23], $0x2000  }
0x24: {  	[sflag:s23] =	ssyncset.done $0x0  }
0x25: {  	s21 =	rddreg [dreg:$0xd];
	[sflag:s23] =	ssyncadd.s32 $0xFFFFE000  }
0x26: {  	[hbm4b:s21+s0] =	stream.strided.scatter [tilespmem:s7], [sflag:$0x9], $0x8000, s1, s0, $0x38;
	[tilespmem:$0x1E400] =	vst v63  }
0x27: {  	_ =	swait.ge [sflag:s23], $0x8000  }
0x28: {  	s21 =	rddreg [dreg:$0xf]  }
0x29: {  	s25 =	rddreg [dreg:$0xe];
	s21 =	sadd.s32 $0x1, s21  }
0x2a: {  	p0 =	sne.s32 s21, s25  }
.Ltmp1:
0x2b: {  	_ = 	snop;
	(pc) =	sbr.rel @!p0 .LBB2_8-.Ltmp1, $4  }
0x2c: {  	[sflag:s23] =	ssyncset.done $0x0  }
0x2d: {  	[sflag:s23] =	ssyncadd.s32 $0xFFFF8000  }
0x2e: {  	s0 =	rddreg [dreg:$0x2]  }
0x2f: {  	s4 =	simm.s32 $0x2400;
	s1 =	rddreg [dreg:$0x4]  }
.LBB2_1:
0x30: {  	[dreg:$0xf] =	wrdreg s21  }
0x31: {  	s19 =	simm.s32 $0x0;
	s25 =	rddreg [dreg:$0x8]  }
0x32: {  	[tilespmem:s19], [sflag:$0x9] =	stream.linear.gather [hbm4b:s25+s19], $0x200, $0x38;
	[tilespmem:$0x1E400] =	vst v63  }
0x33: {  	_ =	swait.ge [sflag:s23], $0x200  }
0x34: {  	[sflag:s23] =	ssyncset.done $0x0  }
0x35: {  	s25 =	simm.s32 $0x200;
	s2 =	rddreg [dreg:$0x9];
	[sflag:s23] =	ssyncadd.s32 $0xFFFFFE00  }
0x36: {  	[tilespmem:s25], [sflag:$0x9] =	stream.linear.gather [hbm4b:s2+s19], $0x200, $0x38;
	[tilespmem:$0x1E400] =	vst v63  }
0x37: {  	_ =	swait.ge [sflag:s23], $0x200  }
0x38: {  	[sflag:s23] =	ssyncset.done $0x0  }
0x39: {  	[sflag:s23] =	ssyncadd.s32 $0xFFFFFE00  }
0x3a: {  	v9 =	vld [tilespmem:$0x0];
	_ =	sdelay $0x4  }
0x3b: {  	v9 =	vnsel vm0, $0x0, v9  }
0x3c: {  	(xrf0) =	vadd.scan.msk.s32 $0xffff, v9;
	_ =	sdelay $0x5  }
0x3d: {  	v9, _, _ =	vpop (xrf0)  }
0x3e: {  	(v2sf) =	vpush v9, $0xF;
	_ =	sdelay $0xe  }
0x3f: {  	s21 =	spop (v2sf)  }
0x40: {  	s19 =	sand.u32 $0xFFFFF80, s21  }
0x41: {  	s23 =	sadd.s32 s0, s19  }
0x42: {  	[tilespmem:s17], [sflag:$0x1] =	stream.strided.gather [hbm4b:s23+s17], $0x800, s15, s17, $0x38;
	[tilespmem:$0x1E400] =	vst v63  }
0x43: {  	s19 =	sadd.s32 s1, s19  }
0x44: {  	[tilespmem:s3], [sflag:$0x1] =	stream.strided.gather [hbm4b:s19+s17], $0x2000, s15, s17, $0x38;
	[tilespmem:$0x1E400] =	vst v63  }
0x45: {  	v9 =	vld [tilespmem:$0x0];
	_ =	sdelay $0x4  }
0x46: {  	v9 =	vsel vm1, $0x0, v9  }
0x47: {  	(xrf0) =	vadd.scan.msk.s32 $0xffff, v9;
	_ =	sdelay $0x5  }
0x48: {  	v9, _, _ =	vpop (xrf0)  }
0x49: {  	(v2sf) =	vpush v9, $0xF;
	_ =	sdelay $0xe  }
0x4a: {  	s25 =	spop (v2sf)  }
0x4b: {  	s19 =	sand.u32 $0xFFFFF80, s25  }
0x4c: {  	s2 =	sadd.s32 s0, s19  }
0x4d: {  	[tilespmem:s28], [sflag:$0x2] =	stream.strided.gather [hbm4b:s2+s17], $0x800, s15, s17, $0x38;
	[tilespmem:$0x1E400] =	vst v63  }
0x4e: {  	s19 =	sadd.s32 s1, s19  }
0x4f: {  	[tilespmem:s20], [sflag:$0x2] =	stream.strided.gather [hbm4b:s19+s17], $0x2000, s15, s17, $0x38;
	[tilespmem:$0x1E400] =	vst v63  }
0x50: {  	v9 =	vld [tilespmem:$0x0];
	_ =	sdelay $0x4  }
0x51: {  	v9 =	vsel vm2, $0x0, v9  }
0x52: {  	(xrf0) =	vadd.scan.msk.s32 $0xffff, v9;
	_ =	sdelay $0x5  }
0x53: {  	v9, _, _ =	vpop (xrf0)  }
0x54: {  	(v2sf) =	vpush v9, $0xF;
	_ =	sdelay $0xe  }
0x55: {  	s21 =	spop (v2sf)  }
0x56: {  	s19 =	sand.u32 $0xFFFFF80, s21  }
0x57: {  	s23 =	sadd.s32 s0, s19  }
0x58: {  	[tilespmem:s30], [sflag:$0x3] =	stream.strided.gather [hbm4b:s23+s17], $0x800, s15, s17, $0x38;
	[tilespmem:$0x1E400] =	vst v63  }
0x59: {  	s19 =	sadd.s32 s1, s19  }
0x5a: {  	[tilespmem:s22], [sflag:$0x3] =	stream.strided.gather [hbm4b:s19+s17], $0x2000, s15, s17, $0x38;
	[tilespmem:$0x1E400] =	vst v63  }
0x5b: {  	v9 =	vld [tilespmem:$0x0];
	_ =	sdelay $0x4  }
0x5c: {  	v9 =	vsel vm3, $0x0, v9  }
0x5d: {  	(xrf0) =	vadd.scan.msk.s32 $0xffff, v9;
	_ =	sdelay $0x5  }
0x5e: {  	v9, _, _ =	vpop (xrf0)  }
0x5f: {  	(v2sf) =	vpush v9, $0xF;
	_ =	sdelay $0xe  }
0x60: {  	s25 =	spop (v2sf)  }
0x61: {  	s19 =	sand.u32 $0xFFFFF80, s25  }
0x62: {  	s25 =	simm.s32 $0x1C00;
	s2 =	sadd.s32 s0, s19  }
0x63: {  	[tilespmem:s25], [sflag:$0x4] =	stream.strided.gather [hbm4b:s2+s17], $0x800, s15, s17, $0x38;
	[tilespmem:$0x1E400] =	vst v63  }
0x64: {  	s19 =	sadd.s32 s1, s19  }
0x65: {  	[tilespmem:s24], [sflag:$0x4] =	stream.strided.gather [hbm4b:s19+s17], $0x2000, s15, s17, $0x38;
	[tilespmem:$0x1E400] =	vst v63  }
0x66: {  	v9 =	vld [tilespmem:$0x0];
	_ =	sdelay $0x4  }
0x67: {  	v9 =	vsel vm4, $0x0, v9  }
0x68: {  	(xrf0) =	vadd.scan.msk.s32 $0xffff, v9;
	_ =	sdelay $0x5  }
0x69: {  	v9, _, _ =	vpop (xrf0)  }
0x6a: {  	(v2sf) =	vpush v9, $0xF;
	_ =	sdelay $0xe  }
0x6b: {  	s23 =	spop (v2sf)  }
0x6c: {  	s19 =	sand.u32 $0xFFFFF80, s23  }
0x6d: {  	s2 =	sadd.s32 s0, s19  }
0x6e: {  	[tilespmem:s4], [sflag:$0x5] =	stream.strided.gather [hbm4b:s2+s17], $0x800, s15, s17, $0x38;
	[tilespmem:$0x1E400] =	vst v63  }
0x6f: {  	s19 =	sadd.s32 s1, s19  }
0x70: {  	[tilespmem:s26], [sflag:$0x5] =	stream.strided.gather [hbm4b:s19+s17], $0x2000, s15, s17, $0x38;
	[tilespmem:$0x1E400] =	vst v63  }
0x71: {  	v9 =	vld [tilespmem:$0x0];
	_ =	sdelay $0x4  }
0x72: {  	v9 =	vsel vm5, $0x0, v9  }
0x73: {  	(xrf0) =	vadd.scan.msk.s32 $0xffff, v9;
	_ =	sdelay $0x5  }
0x74: {  	v9, _, _ =	vpop (xrf0)  }
0x75: {  	(v2sf) =	vpush v9, $0xF;
	_ =	sdelay $0xe  }
0x76: {  	s21 =	spop (v2sf)  }
0x77: {  	s19 =	sand.u32 $0xFFFFF80, s21  }
0x78: {  	s2 =	simm.s32 $0x2C00;
	s23 =	sadd.s32 s0, s19  }
0x79: {  	[tilespmem:s2], [sflag:$0x6] =	stream.strided.gather [hbm4b:s23+s17], $0x800, s15, s17, $0x38;
	[tilespmem:$0x1E400] =	vst v63  }
0x7a: {  	s19 =	sadd.s32 s1, s19  }
0x7b: {  	[tilespmem:s29], [sflag:$0x6] =	stream.strided.gather [hbm4b:s19+s17], $0x2000, s15, s17, $0x38;
	[tilespmem:$0x1E400] =	vst v63  }
0x7c: {  	v9 =	vld [tilespmem:$0x0];
	_ =	sdelay $0x4  }
0x7d: {  	v9 =	vsel vm6, $0x0, v9  }
0x7e: {  	(xrf0) =	vadd.scan.msk.s32 $0xffff, v9;
	_ =	sdelay $0x5  }
0x7f: {  	v9, _, _ =	vpop (xrf0)  }
0x80: {  	(v2sf) =	vpush v9, $0xF;
	_ =	sdelay $0xe  }
0x81: {  	s23 =	spop (v2sf)  }
0x82: {  	s19 =	sand.u32 $0xFFFFF80, s23  }
0x83: {  	s23 =	simm.s32 $0x3400;
	s2 =	sadd.s32 s0, s19  }
0x84: {  	[tilespmem:s23], [sflag:$0x7] =	stream.strided.gather [hbm4b:s2+s17], $0x800, s15, s17, $0x38;
	[tilespmem:$0x1E400] =	vst v63  }
0x85: {  	s19 =	sadd.s32 s1, s19  }
0x86: {  	[tilespmem:s31], [sflag:$0x7] =	stream.strided.gather [hbm4b:s19+s17], $0x2000, s15, s17, $0x38;
	[tilespmem:$0x1E400] =	vst v63  }
0x87: {  	v9 =	vld [tilespmem:$0x0];
	_ =	sdelay $0x4  }
0x88: {  	v9 =	vsel vm7, $0x0, v9  }
0x89: {  	(xrf0) =	vadd.scan.msk.s32 $0xffff, v9;
	_ =	sdelay $0x5  }
0x8a: {  	v9, _, _ =	vpop (xrf0)  }
0x8b: {  	(v2sf) =	vpush v9, $0xF;
	_ =	sdelay $0xe  }
0x8c: {  	s21 =	spop (v2sf)  }
0x8d: {  	s19 =	sand.u32 $0xFFFFF80, s21  }
0x8e: {  	s23 =	sadd.s32 s0, s19  }
0x8f: {  	[tilespmem:s18], [sflag:$0x8] =	stream.strided.gather [hbm4b:s23+s17], $0x800, s15, s17, $0x38;
	[tilespmem:$0x1E400] =	vst v63  }
0x90: {  	s19 =	sadd.s32 s1, s19  }
0x91: {  	[tilespmem:s6], [sflag:$0x8] =	stream.strided.gather [hbm4b:s19+s17], $0x2000, s15, s17, $0x38;
	[tilespmem:$0x1E400] =	vst v63  }
0x92: {  	s19 =	simm.s32 $0x8  }
.LBB2_2:
0x93: {  	_ =	swait.ge [sflag:s16], $0x800  }
0x94: {  	[sflag:s16] =	ssyncset.done $0x0  }
0x95: {  	[sflag:s16] =	ssyncadd.s32 $0xFFFFF800  }
0x96: {  	_ =	swait.ge [sflag:s16], $0x2000  }
0x97: {  	s21 =	sadd.s32 $0xFFFFFFF8, s19;
	[sflag:s16] =	ssyncset.done $0x0  }
0x98: {  	s23 =	sand.u32 $0xFFFFFFF0, s21;
	[sflag:s16] =	ssyncadd.s32 $0xFFFFE000  }
0x99: {  	v9 =	vld [tilespmem:s23+$0x0];
	_ =	sdelay $0x1  }
0x9a: {  	s2 =	sand.u32 $0x8, s21  }
0x9b: {  	v10 =	vmov s2  }
0x9c: {  	vm8 =	veq.s32 v10, v0  }
0x9d: {  	v9 =	vnsel vm8, $0x0, v9  }
0x9e: {  	(xrf0) =	vadd.scan.msk.s32 $0xffff, v9;
	_ =	sdelay $0x5  }
0x9f: {  	v9, _, _ =	vpop (xrf0)  }
0xa0: {  	(v2sf) =	vpush v9, $0xF;
	_ =	sdelay $0xe  }
0xa1: {  	s2 =	spop (v2sf)  }
0xa2: {  	s23 =	sand.u32 $0x7F, s2  }
0xa3: {  	v9 =	vor.u32 s23, v1  }
0xa4: {  	v10 =	vmov s21  }
0xa5: {  	v11 =	vshll.u32 v10, $0x3  }
0xa6: {  	v10 =	vand.u32 $0x78, v10;
	v11 =	vand.u32 $0xFFFFFC00, v11  }
0xa7: {  	v10 =	vor.u32 v10, v11  }
0xa8: {  	v12 =	vadd.s32 v2, v10;
	v11 =	vld.idx.msk [tilespmem:v9+s17+$0x0], $0xffff;
	_ =	sdelay $0x4  }
0xa9: {  	[tilespmem:v12+s5+$0x0] =	vst.idx.msk $0xffff, v11  }
0xaa: {  	v9 =	vld.idx.msk [tilespmem:v9+s3+$0x0], $0xffff  }
0xab: {  	v11 =	vor.u32 s23, v6;
	_ =	sdelay $0x3  }
0xac: {  	[tilespmem:v12+s7+$0x0] =	vst.idx.msk $0xffff, v9  }
0xad: {  	v9 =	vld.idx.msk [tilespmem:v11+s3+$0x0], $0xffff;
	v11 =	vadd.s32 v3, v10  }
0xae: {  	v41 =	vor.u32 s23, v7;
	_ =	sdelay $0x3  }
0xaf: {  	[tilespmem:v11+s7+$0x0] =	vst.idx.msk $0xffff, v9  }
0xb0: {  	v11 =	vadd.s32 v4, v10;
	v9 =	vld.idx.msk [tilespmem:v41+s3+$0x0], $0xffff  }
0xb1: {  	v42 =	vor.u32 s23, v8;
	_ =	sdelay $0x3  }
0xb2: {  	[tilespmem:v11+s7+$0x0] =	vst.idx.msk $0xffff, v9  }
0xb3: {  	v10 =	vadd.s32 v5, v10;
	v9 =	vld.idx.msk [tilespmem:v42+s3+$0x0], $0xffff;
	_ =	sdelay $0x4  }
0xb4: {  	[tilespmem:v10+s7+$0x0] =	vst.idx.msk $0xffff, v9  }
0xb5: {  	_ =	swait.ge [sflag:s8], $0x800  }
0xb6: {  	[sflag:s8] =	ssyncset.done $0x0  }
0xb7: {  	[sflag:s8] =	ssyncadd.s32 $0xFFFFF800  }
0xb8: {  	_ =	swait.ge [sflag:s8], $0x2000  }
0xb9: {  	s21 =	sadd.s32 $0xFFFFFFF9, s19;
	[sflag:s8] =	ssyncset.done $0x0  }
0xba: {  	s2 =	sand.u32 $0xFFFFFFF0, s21;
	[sflag:s8] =	ssyncadd.s32 $0xFFFFE000  }
0xbb: {  	v9 =	vld [tilespmem:s2+$0x0];
	_ =	sdelay $0x1  }
0xbc: {  	s2 =	sand.u32 $0x9, s21  }
0xbd: {  	v10 =	vmov s2  }
0xbe: {  	vm8 =	veq.s32 v10, v0  }
0xbf: {  	v9 =	vnsel vm8, $0x0, v9  }
0xc0: {  	(xrf0) =	vadd.scan.msk.s32 $0xffff, v9;
	_ =	sdelay $0x5  }
0xc1: {  	v9, _, _ =	vpop (xrf0)  }
0xc2: {  	(v2sf) =	vpush v9, $0xF;
	_ =	sdelay $0xe  }
0xc3: {  	s2 =	spop (v2sf)  }
0xc4: {  	s23 =	sand.u32 $0x7F, s2  }
0xc5: {  	v9 =	vor.u32 s23, v1  }
0xc6: {  	v10 =	vmov s21  }
0xc7: {  	v11 =	vshll.u32 v10, $0x3  }
0xc8: {  	v10 =	vand.u32 $0x79, v10;
	v11 =	vand.u32 $0xFFFFFC00, v11  }
0xc9: {  	v10 =	vor.u32 v10, v11  }
0xca: {  	v43 =	vadd.s32 v2, v10;
	v11 =	vld.idx.msk [tilespmem:v9+s28+$0x0], $0xffff;
	_ =	sdelay $0x4  }
0xcb: {  	[tilespmem:v43+s5+$0x0] =	vst.idx.msk $0xffff, v11  }
0xcc: {  	v9 =	vld.idx.msk [tilespmem:v9+s20+$0x0], $0xffff  }
0xcd: {  	v11 =	vor.u32 s23, v6;
	_ =	sdelay $0x3  }
0xce: {  	[tilespmem:v43+s7+$0x0] =	vst.idx.msk $0xffff, v9  }
0xcf: {  	v9 =	vld.idx.msk [tilespmem:v11+s20+$0x0], $0xffff;
	v11 =	vadd.s32 v3, v10  }
0xd0: {  	v44 =	vor.u32 s23, v7;
	_ =	sdelay $0x3  }
0xd1: {  	[tilespmem:v11+s7+$0x0] =	vst.idx.msk $0xffff, v9  }
0xd2: {  	v11 =	vadd.s32 v4, v10;
	v9 =	vld.idx.msk [tilespmem:v44+s20+$0x0], $0xffff  }
0xd3: {  	v45 =	vor.u32 s23, v8;
	_ =	sdelay $0x3  }
0xd4: {  	[tilespmem:v11+s7+$0x0] =	vst.idx.msk $0xffff, v9  }
0xd5: {  	v10 =	vadd.s32 v5, v10;
	v9 =	vld.idx.msk [tilespmem:v45+s20+$0x0], $0xffff;
	_ =	sdelay $0x4  }
0xd6: {  	[tilespmem:v10+s7+$0x0] =	vst.idx.msk $0xffff, v9  }
0xd7: {  	_ =	swait.ge [sflag:s9], $0x800  }
0xd8: {  	[sflag:s9] =	ssyncset.done $0x0  }
0xd9: {  	[sflag:s9] =	ssyncadd.s32 $0xFFFFF800  }
0xda: {  	_ =	swait.ge [sflag:s9], $0x2000  }
0xdb: {  	s21 =	sadd.s32 $0xFFFFFFFA, s19;
	[sflag:s9] =	ssyncset.done $0x0  }
0xdc: {  	s2 =	sand.u32 $0xFFFFFFF0, s21;
	[sflag:s9] =	ssyncadd.s32 $0xFFFFE000  }
0xdd: {  	v9 =	vld [tilespmem:s2+$0x0];
	_ =	sdelay $0x1  }
0xde: {  	s2 =	sand.u32 $0xA, s21  }
0xdf: {  	v10 =	vmov s2  }
0xe0: {  	vm8 =	veq.s32 v10, v0  }
0xe1: {  	v9 =	vnsel vm8, $0x0, v9  }
0xe2: {  	(xrf0) =	vadd.scan.msk.s32 $0xffff, v9;
	_ =	sdelay $0x5  }
0xe3: {  	v9, _, _ =	vpop (xrf0)  }
0xe4: {  	(v2sf) =	vpush v9, $0xF;
	_ =	sdelay $0xe  }
0xe5: {  	s2 =	spop (v2sf)  }
0xe6: {  	s23 =	sand.u32 $0x7F, s2  }
0xe7: {  	v9 =	vor.u32 s23, v1  }
0xe8: {  	v10 =	vmov s21  }
0xe9: {  	v11 =	vshll.u32 v10, $0x3  }
0xea: {  	v10 =	vand.u32 $0x7A, v10;
	v11 =	vand.u32 $0xFFFFFC00, v11  }
0xeb: {  	v10 =	vor.u32 v10, v11  }
0xec: {  	v46 =	vadd.s32 v2, v10;
	v11 =	vld.idx.msk [tilespmem:v9+s30+$0x0], $0xffff;
	_ =	sdelay $0x4  }
0xed: {  	[tilespmem:v46+s5+$0x0] =	vst.idx.msk $0xffff, v11  }
0xee: {  	v9 =	vld.idx.msk [tilespmem:v9+s22+$0x0], $0xffff  }
0xef: {  	v11 =	vor.u32 s23, v6;
	_ =	sdelay $0x3  }
0xf0: {  	[tilespmem:v46+s7+$0x0] =	vst.idx.msk $0xffff, v9  }
0xf1: {  	v9 =	vld.idx.msk [tilespmem:v11+s22+$0x0], $0xffff;
	v11 =	vadd.s32 v3, v10  }
0xf2: {  	v47 =	vor.u32 s23, v7;
	_ =	sdelay $0x3  }
0xf3: {  	[tilespmem:v11+s7+$0x0] =	vst.idx.msk $0xffff, v9  }
0xf4: {  	v11 =	vadd.s32 v4, v10;
	v9 =	vld.idx.msk [tilespmem:v47+s22+$0x0], $0xffff  }
0xf5: {  	v48 =	vor.u32 s23, v8;
	_ =	sdelay $0x3  }
0xf6: {  	[tilespmem:v11+s7+$0x0] =	vst.idx.msk $0xffff, v9  }
0xf7: {  	v10 =	vadd.s32 v5, v10;
	v9 =	vld.idx.msk [tilespmem:v48+s22+$0x0], $0xffff;
	_ =	sdelay $0x4  }
0xf8: {  	[tilespmem:v10+s7+$0x0] =	vst.idx.msk $0xffff, v9  }
0xf9: {  	_ =	swait.ge [sflag:s10], $0x800  }
0xfa: {  	[sflag:s10] =	ssyncset.done $0x0  }
0xfb: {  	[sflag:s10] =	ssyncadd.s32 $0xFFFFF800  }
0xfc: {  	_ =	swait.ge [sflag:s10], $0x2000  }
0xfd: {  	s21 =	sadd.s32 $0xFFFFFFFB, s19;
	[sflag:s10] =	ssyncset.done $0x0  }
0xfe: {  	s2 =	sand.u32 $0xFFFFFFF0, s21;
	[sflag:s10] =	ssyncadd.s32 $0xFFFFE000  }
0xff: {  	v9 =	vld [tilespmem:s2+$0x0];
	_ =	sdelay $0x1  }
0x100: {  	s2 =	sand.u32 $0xB, s21  }
0x101: {  	v10 =	vmov s2  }
0x102: {  	vm8 =	veq.s32 v10, v0  }
0x103: {  	v9 =	vnsel vm8, $0x0, v9  }
0x104: {  	(xrf0) =	vadd.scan.msk.s32 $0xffff, v9;
	_ =	sdelay $0x5  }
0x105: {  	v9, _, _ =	vpop (xrf0)  }
0x106: {  	(v2sf) =	vpush v9, $0xF;
	_ =	sdelay $0xe  }
0x107: {  	s2 =	spop (v2sf)  }
0x108: {  	s23 =	sand.u32 $0x7F, s2  }
0x109: {  	v9 =	vor.u32 s23, v1  }
0x10a: {  	v10 =	vmov s21  }
0x10b: {  	v11 =	vshll.u32 v10, $0x3  }
0x10c: {  	v10 =	vand.u32 $0x7B, v10;
	v11 =	vand.u32 $0xFFFFFC00, v11  }
0x10d: {  	v10 =	vor.u32 v10, v11  }
0x10e: {  	v49 =	vadd.s32 v2, v10;
	v11 =	vld.idx.msk [tilespmem:v9+s25+$0x0], $0xffff;
	_ =	sdelay $0x4  }
0x10f: {  	[tilespmem:v49+s5+$0x0] =	vst.idx.msk $0xffff, v11  }
0x110: {  	v9 =	vld.idx.msk [tilespmem:v9+s24+$0x0], $0xffff  }
0x111: {  	v11 =	vor.u32 s23, v6;
	_ =	sdelay $0x3  }
0x112: {  	[tilespmem:v49+s7+$0x0] =	vst.idx.msk $0xffff, v9  }
0x113: {  	v9 =	vld.idx.msk [tilespmem:v11+s24+$0x0], $0xffff;
	v11 =	vadd.s32 v3, v10  }
0x114: {  	v50 =	vor.u32 s23, v7;
	_ =	sdelay $0x3  }
0x115: {  	[tilespmem:v11+s7+$0x0] =	vst.idx.msk $0xffff, v9  }
0x116: {  	v11 =	vadd.s32 v4, v10;
	v9 =	vld.idx.msk [tilespmem:v50+s24+$0x0], $0xffff  }
0x117: {  	v51 =	vor.u32 s23, v8;
	_ =	sdelay $0x3  }
0x118: {  	[tilespmem:v11+s7+$0x0] =	vst.idx.msk $0xffff, v9  }
0x119: {  	v10 =	vadd.s32 v5, v10;
	v9 =	vld.idx.msk [tilespmem:v51+s24+$0x0], $0xffff;
	_ =	sdelay $0x4  }
0x11a: {  	[tilespmem:v10+s7+$0x0] =	vst.idx.msk $0xffff, v9  }
0x11b: {  	_ =	swait.ge [sflag:s11], $0x800  }
0x11c: {  	[sflag:s11] =	ssyncset.done $0x0  }
0x11d: {  	[sflag:s11] =	ssyncadd.s32 $0xFFFFF800  }
0x11e: {  	_ =	swait.ge [sflag:s11], $0x2000  }
0x11f: {  	s21 =	sadd.s32 $0xFFFFFFFC, s19;
	[sflag:s11] =	ssyncset.done $0x0  }
0x120: {  	s2 =	sand.u32 $0xFFFFFFF0, s21;
	[sflag:s11] =	ssyncadd.s32 $0xFFFFE000  }
0x121: {  	v9 =	vld [tilespmem:s2+$0x0];
	_ =	sdelay $0x1  }
0x122: {  	s2 =	sand.u32 $0xC, s21  }
0x123: {  	v10 =	vmov s2  }
0x124: {  	vm8 =	veq.s32 v10, v0  }
0x125: {  	v9 =	vnsel vm8, $0x0, v9  }
0x126: {  	(xrf0) =	vadd.scan.msk.s32 $0xffff, v9;
	_ =	sdelay $0x5  }
0x127: {  	v9, _, _ =	vpop (xrf0)  }
0x128: {  	(v2sf) =	vpush v9, $0xF;
	_ =	sdelay $0xe  }
0x129: {  	s2 =	spop (v2sf)  }
0x12a: {  	s23 =	sand.u32 $0x7F, s2  }
0x12b: {  	v9 =	vor.u32 s23, v1  }
0x12c: {  	v10 =	vmov s21  }
0x12d: {  	v11 =	vshll.u32 v10, $0x3  }
0x12e: {  	v10 =	vand.u32 $0x7C, v10;
	v11 =	vand.u32 $0xFFFFFC00, v11  }
0x12f: {  	v10 =	vor.u32 v10, v11  }
0x130: {  	v52 =	vadd.s32 v2, v10;
	v11 =	vld.idx.msk [tilespmem:v9+s4+$0x0], $0xffff;
	_ =	sdelay $0x4  }
0x131: {  	[tilespmem:v52+s5+$0x0] =	vst.idx.msk $0xffff, v11  }
0x132: {  	v9 =	vld.idx.msk [tilespmem:v9+s26+$0x0], $0xffff  }
0x133: {  	v11 =	vor.u32 s23, v6;
	_ =	sdelay $0x3  }
0x134: {  	[tilespmem:v52+s7+$0x0] =	vst.idx.msk $0xffff, v9  }
0x135: {  	v9 =	vld.idx.msk [tilespmem:v11+s26+$0x0], $0xffff;
	v11 =	vadd.s32 v3, v10  }
0x136: {  	v53 =	vor.u32 s23, v7;
	_ =	sdelay $0x3  }
0x137: {  	[tilespmem:v11+s7+$0x0] =	vst.idx.msk $0xffff, v9  }
0x138: {  	v11 =	vadd.s32 v4, v10;
	v9 =	vld.idx.msk [tilespmem:v53+s26+$0x0], $0xffff  }
0x139: {  	v54 =	vor.u32 s23, v8;
	_ =	sdelay $0x3  }
0x13a: {  	[tilespmem:v11+s7+$0x0] =	vst.idx.msk $0xffff, v9  }
0x13b: {  	v10 =	vadd.s32 v5, v10;
	v9 =	vld.idx.msk [tilespmem:v54+s26+$0x0], $0xffff;
	_ =	sdelay $0x4  }
0x13c: {  	[tilespmem:v10+s7+$0x0] =	vst.idx.msk $0xffff, v9  }
0x13d: {  	_ =	swait.ge [sflag:s12], $0x800  }
0x13e: {  	[sflag:s12] =	ssyncset.done $0x0  }
0x13f: {  	[sflag:s12] =	ssyncadd.s32 $0xFFFFF800  }
0x140: {  	_ =	swait.ge [sflag:s12], $0x2000  }
0x141: {  	s21 =	sadd.s32 $0xFFFFFFFD, s19;
	[sflag:s12] =	ssyncset.done $0x0  }
0x142: {  	s2 =	sand.u32 $0xFFFFFFF0, s21;
	[sflag:s12] =	ssyncadd.s32 $0xFFFFE000  }
0x143: {  	v9 =	vld [tilespmem:s2+$0x0];
	_ =	sdelay $0x1  }
0x144: {  	s2 =	sand.u32 $0xD, s21  }
0x145: {  	v10 =	vmov s2  }
0x146: {  	vm8 =	veq.s32 v10, v0  }
0x147: {  	v9 =	vnsel vm8, $0x0, v9  }
0x148: {  	(xrf0) =	vadd.scan.msk.s32 $0xffff, v9;
	_ =	sdelay $0x5  }
0x149: {  	v9, _, _ =	vpop (xrf0)  }
0x14a: {  	(v2sf) =	vpush v9, $0xF;
	_ =	sdelay $0xe  }
0x14b: {  	s2 =	spop (v2sf)  }
0x14c: {  	s23 =	sand.u32 $0x7F, s2  }
0x14d: {  	v9 =	vor.u32 s23, v1  }
0x14e: {  	v10 =	vmov s21  }
0x14f: {  	v11 =	vshll.u32 v10, $0x3  }
0x150: {  	v10 =	vand.u32 $0x7D, v10;
	v11 =	vand.u32 $0xFFFFFC00, v11  }
0x151: {  	v10 =	vor.u32 v10, v11;
	s2 =	simm.s32 $0x2C00  }
0x152: {  	v55 =	vadd.s32 v2, v10;
	v11 =	vld.idx.msk [tilespmem:v9+s2+$0x0], $0xffff;
	_ =	sdelay $0x4  }
0x153: {  	[tilespmem:v55+s5+$0x0] =	vst.idx.msk $0xffff, v11  }
0x154: {  	v9 =	vld.idx.msk [tilespmem:v9+s29+$0x0], $0xffff  }
0x155: {  	v11 =	vor.u32 s23, v6;
	_ =	sdelay $0x3  }
0x156: {  	[tilespmem:v55+s7+$0x0] =	vst.idx.msk $0xffff, v9  }
0x157: {  	v9 =	vld.idx.msk [tilespmem:v11+s29+$0x0], $0xffff;
	v11 =	vadd.s32 v3, v10  }
0x158: {  	v56 =	vor.u32 s23, v7;
	_ =	sdelay $0x3  }
0x159: {  	[tilespmem:v11+s7+$0x0] =	vst.idx.msk $0xffff, v9  }
0x15a: {  	v11 =	vadd.s32 v4, v10;
	v9 =	vld.idx.msk [tilespmem:v56+s29+$0x0], $0xffff  }
0x15b: {  	v57 =	vor.u32 s23, v8;
	_ =	sdelay $0x3  }
0x15c: {  	[tilespmem:v11+s7+$0x0] =	vst.idx.msk $0xffff, v9  }
0x15d: {  	v10 =	vadd.s32 v5, v10;
	v9 =	vld.idx.msk [tilespmem:v57+s29+$0x0], $0xffff;
	_ =	sdelay $0x4  }
0x15e: {  	[tilespmem:v10+s7+$0x0] =	vst.idx.msk $0xffff, v9  }
0x15f: {  	_ =	swait.ge [sflag:s13], $0x800  }
0x160: {  	[sflag:s13] =	ssyncset.done $0x0  }
0x161: {  	[sflag:s13] =	ssyncadd.s32 $0xFFFFF800  }
0x162: {  	_ =	swait.ge [sflag:s13], $0x2000  }
0x163: {  	s21 =	sadd.s32 $0xFFFFFFFE, s19;
	[sflag:s13] =	ssyncset.done $0x0  }
0x164: {  	s2 =	sand.u32 $0xFFFFFFF0, s21;
	[sflag:s13] =	ssyncadd.s32 $0xFFFFE000  }
0x165: {  	v9 =	vld [tilespmem:s2+$0x0];
	_ =	sdelay $0x1  }
0x166: {  	s2 =	sand.u32 $0xE, s21  }
0x167: {  	v10 =	vmov s2  }
0x168: {  	vm8 =	veq.s32 v10, v0  }
0x169: {  	v9 =	vnsel vm8, $0x0, v9  }
0x16a: {  	(xrf0) =	vadd.scan.msk.s32 $0xffff, v9;
	_ =	sdelay $0x5  }
0x16b: {  	v9, _, _ =	vpop (xrf0)  }
0x16c: {  	(v2sf) =	vpush v9, $0xF;
	_ =	sdelay $0xe  }
0x16d: {  	s2 =	spop (v2sf)  }
0x16e: {  	s23 =	sand.u32 $0x7F, s2  }
0x16f: {  	v9 =	vor.u32 s23, v1  }
0x170: {  	v10 =	vmov s21  }
0x171: {  	v11 =	vshll.u32 v10, $0x3  }
0x172: {  	v10 =	vand.u32 $0x7E, v10;
	v11 =	vand.u32 $0xFFFFFC00, v11  }
0x173: {  	v10 =	vor.u32 v10, v11;
	s2 =	simm.s32 $0x3400  }
0x174: {  	v58 =	vadd.s32 v2, v10;
	v11 =	vld.idx.msk [tilespmem:v9+s2+$0x0], $0xffff;
	_ =	sdelay $0x4  }
0x175: {  	[tilespmem:v58+s5+$0x0] =	vst.idx.msk $0xffff, v11  }
0x176: {  	v9 =	vld.idx.msk [tilespmem:v9+s31+$0x0], $0xffff  }
0x177: {  	v11 =	vor.u32 s23, v6;
	_ =	sdelay $0x3  }
0x178: {  	[tilespmem:v58+s7+$0x0] =	vst.idx.msk $0xffff, v9  }
0x179: {  	v9 =	vld.idx.msk [tilespmem:v11+s31+$0x0], $0xffff;
	v11 =	vadd.s32 v3, v10  }
0x17a: {  	v59 =	vor.u32 s23, v7;
	_ =	sdelay $0x3  }
0x17b: {  	[tilespmem:v11+s7+$0x0] =	vst.idx.msk $0xffff, v9  }
0x17c: {  	v11 =	vadd.s32 v4, v10;
	v9 =	vld.idx.msk [tilespmem:v59+s31+$0x0], $0xffff  }
0x17d: {  	v60 =	vor.u32 s23, v8;
	_ =	sdelay $0x3  }
0x17e: {  	[tilespmem:v11+s7+$0x0] =	vst.idx.msk $0xffff, v9  }
0x17f: {  	v10 =	vadd.s32 v5, v10;
	v9 =	vld.idx.msk [tilespmem:v60+s31+$0x0], $0xffff;
	_ =	sdelay $0x4  }
0x180: {  	[tilespmem:v10+s7+$0x0] =	vst.idx.msk $0xffff, v9  }
0x181: {  	_ =	swait.ge [sflag:s14], $0x800  }
0x182: {  	[sflag:s14] =	ssyncset.done $0x0  }
0x183: {  	[sflag:s14] =	ssyncadd.s32 $0xFFFFF800  }
0x184: {  	_ =	swait.ge [sflag:s14], $0x2000  }
0x185: {  	s21 =	sadd.s32 $0xFFFFFFFF, s19;
	[sflag:s14] =	ssyncset.done $0x0  }
0x186: {  	s2 =	sand.u32 $0xFFFFFFF0, s21;
	[sflag:s14] =	ssyncadd.s32 $0xFFFFE000  }
0x187: {  	v9 =	vld [tilespmem:s2+$0x0];
	_ =	sdelay $0x1  }
0x188: {  	s2 =	sand.u32 $0xF, s21  }
0x189: {  	v10 =	vmov s2  }
0x18a: {  	vm8 =	veq.s32 v10, v0  }
0x18b: {  	v9 =	vnsel vm8, $0x0, v9  }
0x18c: {  	(xrf0) =	vadd.scan.msk.s32 $0xffff, v9;
	_ =	sdelay $0x5  }
0x18d: {  	v9, _, _ =	vpop (xrf0)  }
0x18e: {  	(v2sf) =	vpush v9, $0xF;
	_ =	sdelay $0xe  }
0x18f: {  	s2 =	spop (v2sf)  }
0x190: {  	s23 =	sand.u32 $0x7F, s2  }
0x191: {  	v9 =	vor.u32 s23, v1  }
0x192: {  	v10 =	vmov s21  }
0x193: {  	v11 =	vshll.u32 v10, $0x3  }
0x194: {  	v10 =	vand.u32 $0x7F, v10;
	v11 =	vand.u32 $0xFFFFFC00, v11  }
0x195: {  	v10 =	vor.u32 v10, v11  }
0x196: {  	v61 =	vadd.s32 v2, v10;
	v11 =	vld.idx.msk [tilespmem:v9+s18+$0x0], $0xffff;
	_ =	sdelay $0x4  }
0x197: {  	[tilespmem:v61+s5+$0x0] =	vst.idx.msk $0xffff, v11  }
0x198: {  	v9 =	vld.idx.msk [tilespmem:v9+s6+$0x0], $0xffff  }
0x199: {  	v11 =	vor.u32 s23, v6;
	_ =	sdelay $0x3  }
0x19a: {  	[tilespmem:v61+s7+$0x0] =	vst.idx.msk $0xffff, v9  }
0x19b: {  	v9 =	vld.idx.msk [tilespmem:v11+s6+$0x0], $0xffff;
	v11 =	vadd.s32 v3, v10  }
0x19c: {  	v62 =	vor.u32 s23, v7;
	_ =	sdelay $0x3  }
0x19d: {  	[tilespmem:v11+s7+$0x0] =	vst.idx.msk $0xffff, v9  }
0x19e: {  	v11 =	vadd.s32 v4, v10;
	v9 =	vld.idx.msk [tilespmem:v62+s6+$0x0], $0xffff  }
0x19f: {  	v63 =	vor.u32 s23, v8;
	_ =	sdelay $0x3  }
0x1a0: {  	[tilespmem:v11+s7+$0x0] =	vst.idx.msk $0xffff, v9  }
0x1a1: {  	p0 =	seq.s32 s19, $0x200;
	v10 =	vadd.s32 v5, v10;
	v9 =	vld.idx.msk [tilespmem:v63+s6+$0x0], $0xffff  }
.Ltmp2:
0x1a2: {  	_ = 	snop;
	(pc) =	sbr.rel @p0 .LBB2_4-.Ltmp2, $2  }
0x1a3: {  	_ =	sdelay $0x2  }
0x1a4: {  	[tilespmem:v10+s7+$0x0] =	vst.idx.msk $0xffff, v9  }
0x1a5: {  	s21 =	sand.u32 $0x3F0, s19  }
0x1a6: {  	v9 =	vld [tilespmem:s21+$0x0];
	_ =	sdelay $0x1  }
0x1a7: {  	s23 =	sand.u32 $0x8, s19  }
0x1a8: {  	v10 =	vmov s23  }
0x1a9: {  	vm8 =	veq.s32 v10, v0  }
0x1aa: {  	v9 =	vnsel vm8, $0x0, v9  }
0x1ab: {  	(xrf0) =	vadd.scan.msk.s32 $0xffff, v9;
	_ =	sdelay $0x5  }
0x1ac: {  	v9, _, _ =	vpop (xrf0)  }
0x1ad: {  	(v2sf) =	vpush v9, $0xF;
	_ =	sdelay $0xe  }
0x1ae: {  	s25 =	spop (v2sf)  }
0x1af: {  	s25 =	sand.u32 $0xFFFFF80, s25  }
0x1b0: {  	s28 =	sadd.s32 s0, s25  }
0x1b1: {  	[tilespmem:s17], [sflag:$0x1] =	stream.strided.gather [hbm4b:s28+s17], $0x800, s15, s17, $0x38;
	[tilespmem:$0x1E400] =	vst v63  }
0x1b2: {  	s25 =	sadd.s32 s1, s25  }
0x1b3: {  	[tilespmem:s3], [sflag:$0x1] =	stream.strided.gather [hbm4b:s25+s17], $0x2000, s15, s17, $0x38;
	[tilespmem:$0x1E400] =	vst v63  }
0x1b4: {  	v9 =	vld [tilespmem:s21+$0x0];
	_ =	sdelay $0x1  }
0x1b5: {  	s2 =	sor.u32 $0x1, s23  }
0x1b6: {  	v10 =	vmov s2  }
0x1b7: {  	vm8 =	veq.s32 v10, v0  }
0x1b8: {  	v9 =	vnsel vm8, $0x0, v9  }
0x1b9: {  	(xrf0) =	vadd.scan.msk.s32 $0xffff, v9;
	_ =	sdelay $0x5  }
0x1ba: {  	v9, _, _ =	vpop (xrf0)  }
0x1bb: {  	(v2sf) =	vpush v9, $0xF;
	_ =	sdelay $0xe  }
0x1bc: {  	s2 =	spop (v2sf)  }
0x1bd: {  	s25 =	sand.u32 $0xFFFFF80, s2  }
0x1be: {  	s30 =	simm.s32 $0xC00;
	s28 =	sadd.s32 s0, s25  }
0x1bf: {  	[tilespmem:s30], [sflag:$0x2] =	stream.strided.gather [hbm4b:s28+s17], $0x800, s15, s17, $0x38;
	[tilespmem:$0x1E400] =	vst v63  }
0x1c0: {  	s25 =	sadd.s32 s1, s25  }
0x1c1: {  	[tilespmem:s20], [sflag:$0x2] =	stream.strided.gather [hbm4b:s25+s17], $0x2000, s15, s17, $0x38;
	[tilespmem:$0x1E400] =	vst v63  }
0x1c2: {  	v9 =	vld [tilespmem:s21+$0x0];
	_ =	sdelay $0x1  }
0x1c3: {  	s2 =	sor.u32 $0x2, s23  }
0x1c4: {  	v10 =	vmov s2  }
0x1c5: {  	vm8 =	veq.s32 v10, v0  }
0x1c6: {  	v9 =	vnsel vm8, $0x0, v9  }
0x1c7: {  	(xrf0) =	vadd.scan.msk.s32 $0xffff, v9;
	_ =	sdelay $0x5  }
0x1c8: {  	v9, _, _ =	vpop (xrf0)  }
0x1c9: {  	(v2sf) =	vpush v9, $0xF;
	_ =	sdelay $0xe  }
0x1ca: {  	s2 =	spop (v2sf)  }
0x1cb: {  	s25 =	sand.u32 $0xFFFFF80, s2  }
0x1cc: {  	s30 =	simm.s32 $0x1400;
	s28 =	sadd.s32 s0, s25  }
0x1cd: {  	[tilespmem:s30], [sflag:$0x3] =	stream.strided.gather [hbm4b:s28+s17], $0x800, s15, s17, $0x38;
	[tilespmem:$0x1E400] =	vst v63  }
0x1ce: {  	s25 =	sadd.s32 s1, s25  }
0x1cf: {  	[tilespmem:s22], [sflag:$0x3] =	stream.strided.gather [hbm4b:s25+s17], $0x2000, s15, s17, $0x38;
	[tilespmem:$0x1E400] =	vst v63  }
0x1d0: {  	v9 =	vld [tilespmem:s21+$0x0];
	_ =	sdelay $0x1  }
0x1d1: {  	s2 =	sor.u32 $0x3, s23  }
0x1d2: {  	v10 =	vmov s2  }
0x1d3: {  	vm8 =	veq.s32 v10, v0  }
0x1d4: {  	v9 =	vnsel vm8, $0x0, v9  }
0x1d5: {  	(xrf0) =	vadd.scan.msk.s32 $0xffff, v9;
	_ =	sdelay $0x5  }
0x1d6: {  	v9, _, _ =	vpop (xrf0)  }
0x1d7: {  	(v2sf) =	vpush v9, $0xF;
	_ =	sdelay $0xe  }
0x1d8: {  	s2 =	spop (v2sf)  }
0x1d9: {  	s25 =	sand.u32 $0xFFFFF80, s2  }
0x1da: {  	s4 =	simm.s32 $0x1C00;
	s28 =	sadd.s32 s0, s25  }
0x1db: {  	[tilespmem:s4], [sflag:$0x4] =	stream.strided.gather [hbm4b:s28+s17], $0x800, s15, s17, $0x38;
	[tilespmem:$0x1E400] =	vst v63  }
0x1dc: {  	s25 =	sadd.s32 s1, s25  }
0x1dd: {  	[tilespmem:s24], [sflag:$0x4] =	stream.strided.gather [hbm4b:s25+s17], $0x2000, s15, s17, $0x38;
	[tilespmem:$0x1E400] =	vst v63  }
0x1de: {  	v9 =	vld [tilespmem:s21+$0x0];
	_ =	sdelay $0x1  }
0x1df: {  	s2 =	sor.u32 $0x4, s23  }
0x1e0: {  	v10 =	vmov s2  }
0x1e1: {  	vm8 =	veq.s32 v10, v0  }
0x1e2: {  	v9 =	vnsel vm8, $0x0, v9  }
0x1e3: {  	(xrf0) =	vadd.scan.msk.s32 $0xffff, v9;
	_ =	sdelay $0x5  }
0x1e4: {  	v9, _, _ =	vpop (xrf0)  }
0x1e5: {  	(v2sf) =	vpush v9, $0xF;
	_ =	sdelay $0xe  }
0x1e6: {  	s2 =	spop (v2sf)  }
0x1e7: {  	s25 =	sand.u32 $0xFFFFF80, s2  }
0x1e8: {  	s4 =	simm.s32 $0x2400;
	s28 =	sadd.s32 s0, s25  }
0x1e9: {  	[tilespmem:s4], [sflag:$0x5] =	stream.strided.gather [hbm4b:s28+s17], $0x800, s15, s17, $0x38;
	[tilespmem:$0x1E400] =	vst v63  }
0x1ea: {  	s25 =	sadd.s32 s1, s25  }
0x1eb: {  	[tilespmem:s26], [sflag:$0x5] =	stream.strided.gather [hbm4b:s25+s17], $0x2000, s15, s17, $0x38;
	[tilespmem:$0x1E400] =	vst v63  }
0x1ec: {  	v9 =	vld [tilespmem:s21+$0x0];
	_ =	sdelay $0x1  }
0x1ed: {  	s2 =	sor.u32 $0x5, s23  }
0x1ee: {  	v10 =	vmov s2  }
0x1ef: {  	vm8 =	veq.s32 v10, v0  }
0x1f0: {  	v9 =	vnsel vm8, $0x0, v9  }
0x1f1: {  	(xrf0) =	vadd.scan.msk.s32 $0xffff, v9;
	_ =	sdelay $0x5  }
0x1f2: {  	v9, _, _ =	vpop (xrf0)  }
0x1f3: {  	(v2sf) =	vpush v9, $0xF;
	_ =	sdelay $0xe  }
0x1f4: {  	s2 =	spop (v2sf)  }
0x1f5: {  	s25 =	sand.u32 $0xFFFFF80, s2  }
0x1f6: {  	s2 =	simm.s32 $0x2C00;
	s28 =	sadd.s32 s0, s25  }
0x1f7: {  	[tilespmem:s2], [sflag:$0x6] =	stream.strided.gather [hbm4b:s28+s17], $0x800, s15, s17, $0x38;
	[tilespmem:$0x1E400] =	vst v63  }
0x1f8: {  	s25 =	sadd.s32 s1, s25  }
0x1f9: {  	[tilespmem:s29], [sflag:$0x6] =	stream.strided.gather [hbm4b:s25+s17], $0x2000, s15, s17, $0x38;
	[tilespmem:$0x1E400] =	vst v63  }
0x1fa: {  	v9 =	vld [tilespmem:s21+$0x0];
	_ =	sdelay $0x1  }
0x1fb: {  	s2 =	sor.u32 $0x6, s23  }
0x1fc: {  	v10 =	vmov s2  }
0x1fd: {  	vm8 =	veq.s32 v10, v0  }
0x1fe: {  	v9 =	vnsel vm8, $0x0, v9  }
0x1ff: {  	(xrf0) =	vadd.scan.msk.s32 $0xffff, v9;
	_ =	sdelay $0x5  }
0x200: {  	v9, _, _ =	vpop (xrf0)  }
0x201: {  	(v2sf) =	vpush v9, $0xF;
	_ =	sdelay $0xe  }
0x202: {  	s2 =	spop (v2sf)  }
0x203: {  	s25 =	sand.u32 $0xFFFFF80, s2  }
0x204: {  	s2 =	simm.s32 $0x3400;
	s28 =	sadd.s32 s0, s25  }
0x205: {  	[tilespmem:s2], [sflag:$0x7] =	stream.strided.gather [hbm4b:s28+s17], $0x800, s15, s17, $0x38;
	[tilespmem:$0x1E400] =	vst v63  }
0x206: {  	s25 =	sadd.s32 s1, s25  }
0x207: {  	[tilespmem:s31], [sflag:$0x7] =	stream.strided.gather [hbm4b:s25+s17], $0x2000, s15, s17, $0x38;
	[tilespmem:$0x1E400] =	vst v63  }
0x208: {  	v9 =	vld [tilespmem:s21+$0x0];
	_ =	sdelay $0x1  }
0x209: {  	s2 =	sor.u32 $0x7, s23  }
0x20a: {  	v10 =	vmov s2  }
0x20b: {  	vm8 =	veq.s32 v10, v0  }
0x20c: {  	v9 =	vnsel vm8, $0x0, v9  }
0x20d: {  	(xrf0) =	vadd.scan.msk.s32 $0xffff, v9;
	_ =	sdelay $0x5  }
0x20e: {  	v9, _, _ =	vpop (xrf0)  }
0x20f: {  	(v2sf) =	vpush v9, $0xF;
	_ =	sdelay $0xe  }
0x210: {  	s23 =	spop (v2sf)  }
.Ltmp3:
0x211: {  	s21 =	sand.u32 $0xFFFFF80, s23;
	(pc) =	sbr.rel .LBB2_2-.Ltmp3, $4  }
0x212: {  	s19 =	sadd.s32 $0x8, s19;
	s2 =	sadd.s32 s0, s21  }
0x213: {  	[tilespmem:s18], [sflag:$0x8] =	stream.strided.gather [hbm4b:s2+s17], $0x800, s15, s17, $0x38;
	[tilespmem:$0x1E400] =	vst v63  }
0x214: {  	s28 =	simm.s32 $0xC00;
	s25 =	simm.s32 $0x1C00;
	s21 =	sadd.s32 s1, s21  }
0x215: {  	[tilespmem:s6], [sflag:$0x8] =	stream.strided.gather [hbm4b:s21+s17], $0x2000, s15, s17, $0x38;
	[tilespmem:$0x1E400] =	vst v63  }
.LBB2_4:
0x216: {  	s19 =	rddreg [dreg:$0xa]  }
0x217: {  	s0 =	simm.s32 $0x1000;
	s1 =	simm.s32 $0x20000;
	s21 =	simm.s32 $0x9  }
0x218: {  	[hbm4b:s19+s0] =	stream.strided.scatter [tilespmem:s5], [sflag:$0x9], $0x2000, s1, s0, $0x38;
	[tilespmem:$0x1E400] =	vst v63  }
0x219: {  	_ =	swait.ge [sflag:s21], $0x2000  }
0x21a: {  	[sflag:s21] =	ssyncset.done $0x0  }
0x21b: {  	s23 =	rddreg [dreg:$0xb];
	[sflag:s21] =	ssyncadd.s32 $0xFFFFE000  }
0x21c: {  	[hbm4b:s23+s0] =	stream.strided.scatter [tilespmem:s7], [sflag:$0x9], $0x8000, s1, s0, $0x38;
	[tilespmem:$0x1E400] =	vst v63  }
0x21d: {  	_ =	swait.ge [sflag:s21], $0x8000  }
0x21e: {  	[sflag:s21] =	ssyncset.done $0x0  }
0x21f: {  	[sflag:s21] =	ssyncadd.s32 $0xFFFF8000  }
0x220: {  	v9 =	vld [tilespmem:$0x200];
	_ =	sdelay $0x4  }
0x221: {  	v9 =	vnsel vm0, $0x0, v9  }
0x222: {  	(xrf0) =	vadd.scan.msk.s32 $0xffff, v9;
	_ =	sdelay $0x5  }
0x223: {  	v9, _, _ =	vpop (xrf0)  }
0x224: {  	(v2sf) =	vpush v9, $0xF;
	_ =	sdelay $0xe  }
0x225: {  	s1 =	spop (v2sf)  }
0x226: {  	s0 =	rddreg [dreg:$0x3];
	s19 =	sand.u32 $0xFFFFF80, s1  }
0x227: {  	s1 =	rddreg [dreg:$0x5];
	s2 =	sadd.s32 s0, s19  }
0x228: {  	[tilespmem:s17], [sflag:$0x1] =	stream.strided.gather [hbm4b:s2+s17], $0x800, s15, s17, $0x38;
	[tilespmem:$0x1E400] =	vst v63  }
0x229: {  	s19 =	sadd.s32 s1, s19  }
0x22a: {  	[tilespmem:s3], [sflag:$0x1] =	stream.strided.gather [hbm4b:s19+s17], $0x2000, s15, s17, $0x38;
	[tilespmem:$0x1E400] =	vst v63  }
0x22b: {  	v9 =	vld [tilespmem:$0x200];
	_ =	sdelay $0x4  }
0x22c: {  	v9 =	vsel vm1, $0x0, v9  }
0x22d: {  	(xrf0) =	vadd.scan.msk.s32 $0xffff, v9;
	_ =	sdelay $0x5  }
0x22e: {  	v9, _, _ =	vpop (xrf0)  }
0x22f: {  	(v2sf) =	vpush v9, $0xF;
	_ =	sdelay $0xe  }
0x230: {  	s23 =	spop (v2sf)  }
0x231: {  	s19 =	sand.u32 $0xFFFFF80, s23  }
0x232: {  	s2 =	sadd.s32 s0, s19  }
0x233: {  	[tilespmem:s28], [sflag:$0x2] =	stream.strided.gather [hbm4b:s2+s17], $0x800, s15, s17, $0x38;
	[tilespmem:$0x1E400] =	vst v63  }
0x234: {  	s19 =	sadd.s32 s1, s19  }
0x235: {  	[tilespmem:s20], [sflag:$0x2] =	stream.strided.gather [hbm4b:s19+s17], $0x2000, s15, s17, $0x38;
	[tilespmem:$0x1E400] =	vst v63  }
0x236: {  	v9 =	vld [tilespmem:$0x200];
	_ =	sdelay $0x4  }
0x237: {  	v9 =	vsel vm2, $0x0, v9  }
0x238: {  	(xrf0) =	vadd.scan.msk.s32 $0xffff, v9;
	_ =	sdelay $0x5  }
0x239: {  	v9, _, _ =	vpop (xrf0)  }
0x23a: {  	(v2sf) =	vpush v9, $0xF;
	_ =	sdelay $0xe  }
0x23b: {  	s23 =	spop (v2sf)  }
0x23c: {  	s19 =	sand.u32 $0xFFFFF80, s23  }
0x23d: {  	s2 =	sadd.s32 s0, s19  }
0x23e: {  	[tilespmem:s30], [sflag:$0x3] =	stream.strided.gather [hbm4b:s2+s17], $0x800, s15, s17, $0x38;
	[tilespmem:$0x1E400] =	vst v63  }
0x23f: {  	s19 =	sadd.s32 s1, s19  }
0x240: {  	[tilespmem:s22], [sflag:$0x3] =	stream.strided.gather [hbm4b:s19+s17], $0x2000, s15, s17, $0x38;
	[tilespmem:$0x1E400] =	vst v63  }
0x241: {  	v9 =	vld [tilespmem:$0x200];
	_ =	sdelay $0x4  }
0x242: {  	v9 =	vsel vm3, $0x0, v9  }
0x243: {  	(xrf0) =	vadd.scan.msk.s32 $0xffff, v9;
	_ =	sdelay $0x5  }
0x244: {  	v9, _, _ =	vpop (xrf0)  }
0x245: {  	(v2sf) =	vpush v9, $0xF;
	_ =	sdelay $0xe  }
0x246: {  	s23 =	spop (v2sf)  }
0x247: {  	s19 =	sand.u32 $0xFFFFF80, s23  }
0x248: {  	s2 =	sadd.s32 s0, s19  }
0x249: {  	[tilespmem:s25], [sflag:$0x4] =	stream.strided.gather [hbm4b:s2+s17], $0x800, s15, s17, $0x38;
	[tilespmem:$0x1E400] =	vst v63  }
0x24a: {  	s19 =	sadd.s32 s1, s19  }
0x24b: {  	[tilespmem:s24], [sflag:$0x4] =	stream.strided.gather [hbm4b:s19+s17], $0x2000, s15, s17, $0x38;
	[tilespmem:$0x1E400] =	vst v63  }
0x24c: {  	v9 =	vld [tilespmem:$0x200];
	_ =	sdelay $0x4  }
0x24d: {  	v9 =	vsel vm4, $0x0, v9  }
0x24e: {  	(xrf0) =	vadd.scan.msk.s32 $0xffff, v9;
	_ =	sdelay $0x5  }
0x24f: {  	v9, _, _ =	vpop (xrf0)  }
0x250: {  	(v2sf) =	vpush v9, $0xF;
	_ =	sdelay $0xe  }
0x251: {  	s23 =	spop (v2sf)  }
0x252: {  	s19 =	sand.u32 $0xFFFFF80, s23  }
0x253: {  	s2 =	sadd.s32 s0, s19  }
0x254: {  	[tilespmem:s4], [sflag:$0x5] =	stream.strided.gather [hbm4b:s2+s17], $0x800, s15, s17, $0x38;
	[tilespmem:$0x1E400] =	vst v63  }
0x255: {  	s19 =	sadd.s32 s1, s19  }
0x256: {  	[tilespmem:s26], [sflag:$0x5] =	stream.strided.gather [hbm4b:s19+s17], $0x2000, s15, s17, $0x38;
	[tilespmem:$0x1E400] =	vst v63  }
0x257: {  	v9 =	vld [tilespmem:$0x200];
	_ =	sdelay $0x4  }
0x258: {  	v9 =	vsel vm5, $0x0, v9  }
0x259: {  	(xrf0) =	vadd.scan.msk.s32 $0xffff, v9;
	_ =	sdelay $0x5  }
0x25a: {  	v9, _, _ =	vpop (xrf0)  }
0x25b: {  	(v2sf) =	vpush v9, $0xF;
	_ =	sdelay $0xe  }
0x25c: {  	s23 =	spop (v2sf)  }
0x25d: {  	s19 =	sand.u32 $0xFFFFF80, s23  }
0x25e: {  	s23 =	simm.s32 $0x2C00;
	s2 =	sadd.s32 s0, s19  }
0x25f: {  	[tilespmem:s23], [sflag:$0x6] =	stream.strided.gather [hbm4b:s2+s17], $0x800, s15, s17, $0x38;
	[tilespmem:$0x1E400] =	vst v63  }
0x260: {  	s19 =	sadd.s32 s1, s19  }
0x261: {  	[tilespmem:s29], [sflag:$0x6] =	stream.strided.gather [hbm4b:s19+s17], $0x2000, s15, s17, $0x38;
	[tilespmem:$0x1E400] =	vst v63  }
0x262: {  	v9 =	vld [tilespmem:$0x200];
	_ =	sdelay $0x4  }
0x263: {  	v9 =	vsel vm6, $0x0, v9  }
0x264: {  	(xrf0) =	vadd.scan.msk.s32 $0xffff, v9;
	_ =	sdelay $0x5  }
0x265: {  	v9, _, _ =	vpop (xrf0)  }
0x266: {  	(v2sf) =	vpush v9, $0xF;
	_ =	sdelay $0xe  }
0x267: {  	s21 =	spop (v2sf)  }
0x268: {  	s19 =	sand.u32 $0xFFFFF80, s21  }
0x269: {  	s2 =	simm.s32 $0x3400;
	s23 =	sadd.s32 s0, s19  }
0x26a: {  	[tilespmem:s2], [sflag:$0x7] =	stream.strided.gather [hbm4b:s23+s17], $0x800, s15, s17, $0x38;
	[tilespmem:$0x1E400] =	vst v63  }
0x26b: {  	s19 =	sadd.s32 s1, s19  }
0x26c: {  	[tilespmem:s31], [sflag:$0x7] =	stream.strided.gather [hbm4b:s19+s17], $0x2000, s15, s17, $0x38;
	[tilespmem:$0x1E400] =	vst v63  }
0x26d: {  	v9 =	vld [tilespmem:$0x200];
	_ =	sdelay $0x4  }
0x26e: {  	v9 =	vsel vm7, $0x0, v9  }
0x26f: {  	(xrf0) =	vadd.scan.msk.s32 $0xffff, v9;
	_ =	sdelay $0x5  }
0x270: {  	v9, _, _ =	vpop (xrf0)  }
0x271: {  	(v2sf) =	vpush v9, $0xF;
	_ =	sdelay $0xe  }
0x272: {  	s21 =	spop (v2sf)  }
0x273: {  	s19 =	sand.u32 $0xFFFFF80, s21  }
0x274: {  	s23 =	sadd.s32 s0, s19  }
0x275: {  	[tilespmem:s18], [sflag:$0x8] =	stream.strided.gather [hbm4b:s23+s17], $0x800, s15, s17, $0x38;
	[tilespmem:$0x1E400] =	vst v63  }
0x276: {  	s19 =	sadd.s32 s1, s19  }
0x277: {  	[tilespmem:s6], [sflag:$0x8] =	stream.strided.gather [hbm4b:s19+s17], $0x2000, s15, s17, $0x38;
	[tilespmem:$0x1E400] =	vst v63  }
0x278: {  	s0 =	simm.s32 $0x2C00;
	s19 =	simm.s32 $0x8  }
.LBB2_5:
0x279: {  	_ =	swait.ge [sflag:s16], $0x800  }
0x27a: {  	[sflag:s16] =	ssyncset.done $0x0  }
0x27b: {  	[sflag:s16] =	ssyncadd.s32 $0xFFFFF800  }
0x27c: {  	_ =	swait.ge [sflag:s16], $0x2000  }
0x27d: {  	s21 =	sadd.s32 $0xFFFFFFF8, s19;
	[sflag:s16] =	ssyncset.done $0x0  }
0x27e: {  	s23 =	sand.u32 $0xFFFFFFF0, s21;
	[sflag:s16] =	ssyncadd.s32 $0xFFFFE000  }
0x27f: {  	v9 =	vld [tilespmem:s23+$0x200];
	_ =	sdelay $0x1  }
0x280: {  	s2 =	sand.u32 $0x8, s21  }
0x281: {  	v10 =	vmov s2  }
0x282: {  	vm8 =	veq.s32 v10, v0  }
0x283: {  	v9 =	vnsel vm8, $0x0, v9  }
0x284: {  	(xrf0) =	vadd.scan.msk.s32 $0xffff, v9;
	_ =	sdelay $0x5  }
0x285: {  	v9, _, _ =	vpop (xrf0)  }
0x286: {  	(v2sf) =	vpush v9, $0xF;
	_ =	sdelay $0xe  }
0x287: {  	s1 =	spop (v2sf)  }
0x288: {  	s23 =	sand.u32 $0x7F, s1  }
0x289: {  	v9 =	vor.u32 s23, v1  }
0x28a: {  	v10 =	vmov s21  }
0x28b: {  	v11 =	vshll.u32 v10, $0x3  }
0x28c: {  	v10 =	vand.u32 $0x78, v10;
	v11 =	vand.u32 $0xFFFFFC00, v11  }
0x28d: {  	v10 =	vor.u32 v10, v11  }
0x28e: {  	v12 =	vadd.s32 v2, v10;
	v11 =	vld.idx.msk [tilespmem:v9+s17+$0x0], $0xffff;
	_ =	sdelay $0x4  }
0x28f: {  	[tilespmem:v12+s5+$0x0] =	vst.idx.msk $0xffff, v11  }
0x290: {  	v9 =	vld.idx.msk [tilespmem:v9+s3+$0x0], $0xffff  }
0x291: {  	v11 =	vor.u32 s23, v6;
	_ =	sdelay $0x3  }
0x292: {  	[tilespmem:v12+s7+$0x0] =	vst.idx.msk $0xffff, v9  }
0x293: {  	v9 =	vld.idx.msk [tilespmem:v11+s3+$0x0], $0xffff;
	v11 =	vadd.s32 v3, v10  }
0x294: {  	v41 =	vor.u32 s23, v7;
	_ =	sdelay $0x3  }
0x295: {  	[tilespmem:v11+s7+$0x0] =	vst.idx.msk $0xffff, v9  }
0x296: {  	v11 =	vadd.s32 v4, v10;
	v9 =	vld.idx.msk [tilespmem:v41+s3+$0x0], $0xffff  }
0x297: {  	v42 =	vor.u32 s23, v8;
	_ =	sdelay $0x3  }
0x298: {  	[tilespmem:v11+s7+$0x0] =	vst.idx.msk $0xffff, v9  }
0x299: {  	v10 =	vadd.s32 v5, v10;
	v9 =	vld.idx.msk [tilespmem:v42+s3+$0x0], $0xffff;
	_ =	sdelay $0x4  }
0x29a: {  	[tilespmem:v10+s7+$0x0] =	vst.idx.msk $0xffff, v9  }
0x29b: {  	_ =	swait.ge [sflag:s8], $0x800  }
0x29c: {  	[sflag:s8] =	ssyncset.done $0x0  }
0x29d: {  	[sflag:s8] =	ssyncadd.s32 $0xFFFFF800  }
0x29e: {  	_ =	swait.ge [sflag:s8], $0x2000  }
0x29f: {  	s21 =	sadd.s32 $0xFFFFFFF9, s19;
	[sflag:s8] =	ssyncset.done $0x0  }
0x2a0: {  	s2 =	sand.u32 $0xFFFFFFF0, s21;
	[sflag:s8] =	ssyncadd.s32 $0xFFFFE000  }
0x2a1: {  	v9 =	vld [tilespmem:s2+$0x200];
	_ =	sdelay $0x1  }
0x2a2: {  	s1 =	sand.u32 $0x9, s21  }
0x2a3: {  	v10 =	vmov s1  }
0x2a4: {  	vm8 =	veq.s32 v10, v0  }
0x2a5: {  	v9 =	vnsel vm8, $0x0, v9  }
0x2a6: {  	(xrf0) =	vadd.scan.msk.s32 $0xffff, v9;
	_ =	sdelay $0x5  }
0x2a7: {  	v9, _, _ =	vpop (xrf0)  }
0x2a8: {  	(v2sf) =	vpush v9, $0xF;
	_ =	sdelay $0xe  }
0x2a9: {  	s2 =	spop (v2sf)  }
0x2aa: {  	s23 =	sand.u32 $0x7F, s2  }
0x2ab: {  	v9 =	vor.u32 s23, v1  }
0x2ac: {  	v10 =	vmov s21  }
0x2ad: {  	v11 =	vshll.u32 v10, $0x3  }
0x2ae: {  	v10 =	vand.u32 $0x79, v10;
	v11 =	vand.u32 $0xFFFFFC00, v11  }
0x2af: {  	v10 =	vor.u32 v10, v11  }
0x2b0: {  	v43 =	vadd.s32 v2, v10;
	v11 =	vld.idx.msk [tilespmem:v9+s28+$0x0], $0xffff;
	_ =	sdelay $0x4  }
0x2b1: {  	[tilespmem:v43+s5+$0x0] =	vst.idx.msk $0xffff, v11  }
0x2b2: {  	v9 =	vld.idx.msk [tilespmem:v9+s20+$0x0], $0xffff  }
0x2b3: {  	v11 =	vor.u32 s23, v6;
	_ =	sdelay $0x3  }
0x2b4: {  	[tilespmem:v43+s7+$0x0] =	vst.idx.msk $0xffff, v9  }
0x2b5: {  	v9 =	vld.idx.msk [tilespmem:v11+s20+$0x0], $0xffff;
	v11 =	vadd.s32 v3, v10  }
0x2b6: {  	v44 =	vor.u32 s23, v7;
	_ =	sdelay $0x3  }
0x2b7: {  	[tilespmem:v11+s7+$0x0] =	vst.idx.msk $0xffff, v9  }
0x2b8: {  	v11 =	vadd.s32 v4, v10;
	v9 =	vld.idx.msk [tilespmem:v44+s20+$0x0], $0xffff  }
0x2b9: {  	v45 =	vor.u32 s23, v8;
	_ =	sdelay $0x3  }
0x2ba: {  	[tilespmem:v11+s7+$0x0] =	vst.idx.msk $0xffff, v9  }
0x2bb: {  	v10 =	vadd.s32 v5, v10;
	v9 =	vld.idx.msk [tilespmem:v45+s20+$0x0], $0xffff;
	_ =	sdelay $0x4  }
0x2bc: {  	[tilespmem:v10+s7+$0x0] =	vst.idx.msk $0xffff, v9  }
0x2bd: {  	_ =	swait.ge [sflag:s9], $0x800  }
0x2be: {  	[sflag:s9] =	ssyncset.done $0x0  }
0x2bf: {  	[sflag:s9] =	ssyncadd.s32 $0xFFFFF800  }
0x2c0: {  	_ =	swait.ge [sflag:s9], $0x2000  }
0x2c1: {  	s21 =	sadd.s32 $0xFFFFFFFA, s19;
	[sflag:s9] =	ssyncset.done $0x0  }
0x2c2: {  	s1 =	sand.u32 $0xFFFFFFF0, s21;
	[sflag:s9] =	ssyncadd.s32 $0xFFFFE000  }
0x2c3: {  	v9 =	vld [tilespmem:s1+$0x200];
	_ =	sdelay $0x1  }
0x2c4: {  	s2 =	sand.u32 $0xA, s21  }
0x2c5: {  	v10 =	vmov s2  }
0x2c6: {  	vm8 =	veq.s32 v10, v0  }
0x2c7: {  	v9 =	vnsel vm8, $0x0, v9  }
0x2c8: {  	(xrf0) =	vadd.scan.msk.s32 $0xffff, v9;
	_ =	sdelay $0x5  }
0x2c9: {  	v9, _, _ =	vpop (xrf0)  }
0x2ca: {  	(v2sf) =	vpush v9, $0xF;
	_ =	sdelay $0xe  }
0x2cb: {  	s1 =	spop (v2sf)  }
0x2cc: {  	s23 =	sand.u32 $0x7F, s1  }
0x2cd: {  	v9 =	vor.u32 s23, v1  }
0x2ce: {  	v10 =	vmov s21  }
0x2cf: {  	v11 =	vshll.u32 v10, $0x3  }
0x2d0: {  	v10 =	vand.u32 $0x7A, v10;
	v11 =	vand.u32 $0xFFFFFC00, v11  }
0x2d1: {  	v10 =	vor.u32 v10, v11  }
0x2d2: {  	v46 =	vadd.s32 v2, v10;
	v11 =	vld.idx.msk [tilespmem:v9+s30+$0x0], $0xffff;
	_ =	sdelay $0x4  }
0x2d3: {  	[tilespmem:v46+s5+$0x0] =	vst.idx.msk $0xffff, v11  }
0x2d4: {  	v9 =	vld.idx.msk [tilespmem:v9+s22+$0x0], $0xffff  }
0x2d5: {  	v11 =	vor.u32 s23, v6;
	_ =	sdelay $0x3  }
0x2d6: {  	[tilespmem:v46+s7+$0x0] =	vst.idx.msk $0xffff, v9  }
0x2d7: {  	v9 =	vld.idx.msk [tilespmem:v11+s22+$0x0], $0xffff;
	v11 =	vadd.s32 v3, v10  }
0x2d8: {  	v47 =	vor.u32 s23, v7;
	_ =	sdelay $0x3  }
0x2d9: {  	[tilespmem:v11+s7+$0x0] =	vst.idx.msk $0xffff, v9  }
0x2da: {  	v11 =	vadd.s32 v4, v10;
	v9 =	vld.idx.msk [tilespmem:v47+s22+$0x0], $0xffff  }
0x2db: {  	v48 =	vor.u32 s23, v8;
	_ =	sdelay $0x3  }
0x2dc: {  	[tilespmem:v11+s7+$0x0] =	vst.idx.msk $0xffff, v9  }
0x2dd: {  	v10 =	vadd.s32 v5, v10;
	v9 =	vld.idx.msk [tilespmem:v48+s22+$0x0], $0xffff;
	_ =	sdelay $0x4  }
0x2de: {  	[tilespmem:v10+s7+$0x0] =	vst.idx.msk $0xffff, v9  }
0x2df: {  	_ =	swait.ge [sflag:s10], $0x800  }
0x2e0: {  	[sflag:s10] =	ssyncset.done $0x0  }
0x2e1: {  	[sflag:s10] =	ssyncadd.s32 $0xFFFFF800  }
0x2e2: {  	_ =	swait.ge [sflag:s10], $0x2000  }
0x2e3: {  	s21 =	sadd.s32 $0xFFFFFFFB, s19;
	[sflag:s10] =	ssyncset.done $0x0  }
0x2e4: {  	s2 =	sand.u32 $0xFFFFFFF0, s21;
	[sflag:s10] =	ssyncadd.s32 $0xFFFFE000  }
0x2e5: {  	v9 =	vld [tilespmem:s2+$0x200];
	_ =	sdelay $0x1  }
0x2e6: {  	s1 =	sand.u32 $0xB, s21  }
0x2e7: {  	v10 =	vmov s1  }
0x2e8: {  	vm8 =	veq.s32 v10, v0  }
0x2e9: {  	v9 =	vnsel vm8, $0x0, v9  }
0x2ea: {  	(xrf0) =	vadd.scan.msk.s32 $0xffff, v9;
	_ =	sdelay $0x5  }
0x2eb: {  	v9, _, _ =	vpop (xrf0)  }
0x2ec: {  	(v2sf) =	vpush v9, $0xF;
	_ =	sdelay $0xe  }
0x2ed: {  	s2 =	spop (v2sf)  }
0x2ee: {  	s23 =	sand.u32 $0x7F, s2  }
0x2ef: {  	v9 =	vor.u32 s23, v1  }
0x2f0: {  	v10 =	vmov s21  }
0x2f1: {  	v11 =	vshll.u32 v10, $0x3  }
0x2f2: {  	v10 =	vand.u32 $0x7B, v10;
	v11 =	vand.u32 $0xFFFFFC00, v11  }
0x2f3: {  	v10 =	vor.u32 v10, v11  }
0x2f4: {  	v49 =	vadd.s32 v2, v10;
	v11 =	vld.idx.msk [tilespmem:v9+s25+$0x0], $0xffff;
	_ =	sdelay $0x4  }
0x2f5: {  	[tilespmem:v49+s5+$0x0] =	vst.idx.msk $0xffff, v11  }
0x2f6: {  	v9 =	vld.idx.msk [tilespmem:v9+s24+$0x0], $0xffff  }
0x2f7: {  	v11 =	vor.u32 s23, v6;
	_ =	sdelay $0x3  }
0x2f8: {  	[tilespmem:v49+s7+$0x0] =	vst.idx.msk $0xffff, v9  }
0x2f9: {  	v9 =	vld.idx.msk [tilespmem:v11+s24+$0x0], $0xffff;
	v11 =	vadd.s32 v3, v10  }
0x2fa: {  	v50 =	vor.u32 s23, v7;
	_ =	sdelay $0x3  }
0x2fb: {  	[tilespmem:v11+s7+$0x0] =	vst.idx.msk $0xffff, v9  }
0x2fc: {  	v11 =	vadd.s32 v4, v10;
	v9 =	vld.idx.msk [tilespmem:v50+s24+$0x0], $0xffff  }
0x2fd: {  	v51 =	vor.u32 s23, v8;
	_ =	sdelay $0x3  }
0x2fe: {  	[tilespmem:v11+s7+$0x0] =	vst.idx.msk $0xffff, v9  }
0x2ff: {  	v10 =	vadd.s32 v5, v10;
	v9 =	vld.idx.msk [tilespmem:v51+s24+$0x0], $0xffff;
	_ =	sdelay $0x4  }
0x300: {  	[tilespmem:v10+s7+$0x0] =	vst.idx.msk $0xffff, v9  }
0x301: {  	_ =	swait.ge [sflag:s11], $0x800  }
0x302: {  	[sflag:s11] =	ssyncset.done $0x0  }
0x303: {  	[sflag:s11] =	ssyncadd.s32 $0xFFFFF800  }
0x304: {  	_ =	swait.ge [sflag:s11], $0x2000  }
0x305: {  	s21 =	sadd.s32 $0xFFFFFFFC, s19;
	[sflag:s11] =	ssyncset.done $0x0  }
0x306: {  	s1 =	sand.u32 $0xFFFFFFF0, s21;
	[sflag:s11] =	ssyncadd.s32 $0xFFFFE000  }
0x307: {  	v9 =	vld [tilespmem:s1+$0x200];
	_ =	sdelay $0x1  }
0x308: {  	s2 =	sand.u32 $0xC, s21  }
0x309: {  	v10 =	vmov s2  }
0x30a: {  	vm8 =	veq.s32 v10, v0  }
0x30b: {  	v9 =	vnsel vm8, $0x0, v9  }
0x30c: {  	(xrf0) =	vadd.scan.msk.s32 $0xffff, v9;
	_ =	sdelay $0x5  }
0x30d: {  	v9, _, _ =	vpop (xrf0)  }
0x30e: {  	(v2sf) =	vpush v9, $0xF;
	_ =	sdelay $0xe  }
0x30f: {  	s25 =	spop (v2sf)  }
0x310: {  	s23 =	sand.u32 $0x7F, s25  }
0x311: {  	v9 =	vor.u32 s23, v1  }
0x312: {  	v10 =	vmov s21  }
0x313: {  	v11 =	vshll.u32 v10, $0x3  }
0x314: {  	v10 =	vand.u32 $0x7C, v10;
	v11 =	vand.u32 $0xFFFFFC00, v11  }
0x315: {  	v10 =	vor.u32 v10, v11  }
0x316: {  	v52 =	vadd.s32 v2, v10;
	v11 =	vld.idx.msk [tilespmem:v9+s4+$0x0], $0xffff;
	_ =	sdelay $0x4  }
0x317: {  	[tilespmem:v52+s5+$0x0] =	vst.idx.msk $0xffff, v11  }
0x318: {  	v9 =	vld.idx.msk [tilespmem:v9+s26+$0x0], $0xffff  }
0x319: {  	v11 =	vor.u32 s23, v6;
	_ =	sdelay $0x3  }
0x31a: {  	[tilespmem:v52+s7+$0x0] =	vst.idx.msk $0xffff, v9  }
0x31b: {  	v9 =	vld.idx.msk [tilespmem:v11+s26+$0x0], $0xffff;
	v11 =	vadd.s32 v3, v10  }
0x31c: {  	v53 =	vor.u32 s23, v7;
	_ =	sdelay $0x3  }
0x31d: {  	[tilespmem:v11+s7+$0x0] =	vst.idx.msk $0xffff, v9  }
0x31e: {  	v11 =	vadd.s32 v4, v10;
	v9 =	vld.idx.msk [tilespmem:v53+s26+$0x0], $0xffff  }
0x31f: {  	v54 =	vor.u32 s23, v8;
	_ =	sdelay $0x3  }
0x320: {  	[tilespmem:v11+s7+$0x0] =	vst.idx.msk $0xffff, v9  }
0x321: {  	v10 =	vadd.s32 v5, v10;
	v9 =	vld.idx.msk [tilespmem:v54+s26+$0x0], $0xffff;
	_ =	sdelay $0x4  }
0x322: {  	[tilespmem:v10+s7+$0x0] =	vst.idx.msk $0xffff, v9  }
0x323: {  	_ =	swait.ge [sflag:s12], $0x800  }
0x324: {  	[sflag:s12] =	ssyncset.done $0x0  }
0x325: {  	[sflag:s12] =	ssyncadd.s32 $0xFFFFF800  }
0x326: {  	_ =	swait.ge [sflag:s12], $0x2000  }
0x327: {  	s1 =	sadd.s32 $0xFFFFFFFD, s19;
	[sflag:s12] =	ssyncset.done $0x0  }
0x328: {  	s2 =	sand.u32 $0xFFFFFFF0, s1;
	[sflag:s12] =	ssyncadd.s32 $0xFFFFE000  }
0x329: {  	v9 =	vld [tilespmem:s2+$0x200];
	_ =	sdelay $0x1  }
0x32a: {  	s4 =	sand.u32 $0xD, s1  }
0x32b: {  	v10 =	vmov s4  }
0x32c: {  	vm8 =	veq.s32 v10, v0  }
0x32d: {  	v9 =	vnsel vm8, $0x0, v9  }
0x32e: {  	(xrf0) =	vadd.scan.msk.s32 $0xffff, v9;
	_ =	sdelay $0x5  }
0x32f: {  	v9, _, _ =	vpop (xrf0)  }
0x330: {  	(v2sf) =	vpush v9, $0xF;
	_ =	sdelay $0xe  }
0x331: {  	s25 =	spop (v2sf)  }
0x332: {  	s23 =	sand.u32 $0x7F, s25  }
0x333: {  	v9 =	vor.u32 s23, v1  }
0x334: {  	v10 =	vmov s1  }
0x335: {  	v11 =	vshll.u32 v10, $0x3  }
0x336: {  	v10 =	vand.u32 $0x7D, v10;
	v11 =	vand.u32 $0xFFFFFC00, v11  }
0x337: {  	v10 =	vor.u32 v10, v11  }
0x338: {  	v55 =	vadd.s32 v2, v10;
	v11 =	vld.idx.msk [tilespmem:v9+s0+$0x0], $0xffff;
	_ =	sdelay $0x4  }
0x339: {  	[tilespmem:v55+s5+$0x0] =	vst.idx.msk $0xffff, v11  }
0x33a: {  	v9 =	vld.idx.msk [tilespmem:v9+s29+$0x0], $0xffff  }
0x33b: {  	v11 =	vor.u32 s23, v6;
	_ =	sdelay $0x3  }
0x33c: {  	[tilespmem:v55+s7+$0x0] =	vst.idx.msk $0xffff, v9  }
0x33d: {  	v9 =	vld.idx.msk [tilespmem:v11+s29+$0x0], $0xffff;
	v11 =	vadd.s32 v3, v10  }
0x33e: {  	v56 =	vor.u32 s23, v7;
	_ =	sdelay $0x3  }
0x33f: {  	[tilespmem:v11+s7+$0x0] =	vst.idx.msk $0xffff, v9  }
0x340: {  	v11 =	vadd.s32 v4, v10;
	v9 =	vld.idx.msk [tilespmem:v56+s29+$0x0], $0xffff  }
0x341: {  	v57 =	vor.u32 s23, v8;
	_ =	sdelay $0x3  }
0x342: {  	[tilespmem:v11+s7+$0x0] =	vst.idx.msk $0xffff, v9  }
0x343: {  	v10 =	vadd.s32 v5, v10;
	v9 =	vld.idx.msk [tilespmem:v57+s29+$0x0], $0xffff;
	_ =	sdelay $0x4  }
0x344: {  	[tilespmem:v10+s7+$0x0] =	vst.idx.msk $0xffff, v9  }
0x345: {  	_ =	swait.ge [sflag:s13], $0x800  }
0x346: {  	[sflag:s13] =	ssyncset.done $0x0  }
0x347: {  	[sflag:s13] =	ssyncadd.s32 $0xFFFFF800  }
0x348: {  	_ =	swait.ge [sflag:s13], $0x2000  }
0x349: {  	s0 =	sadd.s32 $0xFFFFFFFE, s19;
	[sflag:s13] =	ssyncset.done $0x0  }
0x34a: {  	s1 =	sand.u32 $0xFFFFFFF0, s0;
	[sflag:s13] =	ssyncadd.s32 $0xFFFFE000  }
0x34b: {  	v9 =	vld [tilespmem:s1+$0x200];
	_ =	sdelay $0x1  }
0x34c: {  	s2 =	sand.u32 $0xE, s0  }
0x34d: {  	v10 =	vmov s2  }
0x34e: {  	vm8 =	veq.s32 v10, v0  }
0x34f: {  	v9 =	vnsel vm8, $0x0, v9  }
0x350: {  	(xrf0) =	vadd.scan.msk.s32 $0xffff, v9;
	_ =	sdelay $0x5  }
0x351: {  	v9, _, _ =	vpop (xrf0)  }
0x352: {  	(v2sf) =	vpush v9, $0xF;
	_ =	sdelay $0xe  }
0x353: {  	s4 =	spop (v2sf)  }
0x354: {  	s23 =	sand.u32 $0x7F, s4  }
0x355: {  	v9 =	vor.u32 s23, v1  }
0x356: {  	v10 =	vmov s0  }
0x357: {  	v11 =	vshll.u32 v10, $0x3  }
0x358: {  	v10 =	vand.u32 $0x7E, v10;
	v11 =	vand.u32 $0xFFFFFC00, v11  }
0x359: {  	s25 =	simm.s32 $0x3400;
	v10 =	vor.u32 v10, v11  }
0x35a: {  	v58 =	vadd.s32 v2, v10;
	v11 =	vld.idx.msk [tilespmem:v9+s25+$0x0], $0xffff;
	_ =	sdelay $0x4  }
0x35b: {  	[tilespmem:v58+s5+$0x0] =	vst.idx.msk $0xffff, v11  }
0x35c: {  	v9 =	vld.idx.msk [tilespmem:v9+s31+$0x0], $0xffff  }
0x35d: {  	v11 =	vor.u32 s23, v6;
	_ =	sdelay $0x3  }
0x35e: {  	[tilespmem:v58+s7+$0x0] =	vst.idx.msk $0xffff, v9  }
0x35f: {  	v9 =	vld.idx.msk [tilespmem:v11+s31+$0x0], $0xffff;
	v11 =	vadd.s32 v3, v10  }
0x360: {  	v59 =	vor.u32 s23, v7;
	_ =	sdelay $0x3  }
0x361: {  	[tilespmem:v11+s7+$0x0] =	vst.idx.msk $0xffff, v9  }
0x362: {  	v11 =	vadd.s32 v4, v10;
	v9 =	vld.idx.msk [tilespmem:v59+s31+$0x0], $0xffff  }
0x363: {  	v60 =	vor.u32 s23, v8;
	_ =	sdelay $0x3  }
0x364: {  	[tilespmem:v11+s7+$0x0] =	vst.idx.msk $0xffff, v9  }
0x365: {  	v10 =	vadd.s32 v5, v10;
	v9 =	vld.idx.msk [tilespmem:v60+s31+$0x0], $0xffff;
	_ =	sdelay $0x4  }
0x366: {  	[tilespmem:v10+s7+$0x0] =	vst.idx.msk $0xffff, v9  }
0x367: {  	_ =	swait.ge [sflag:s14], $0x800  }
0x368: {  	[sflag:s14] =	ssyncset.done $0x0  }
0x369: {  	[sflag:s14] =	ssyncadd.s32 $0xFFFFF800  }
0x36a: {  	_ =	swait.ge [sflag:s14], $0x2000  }
0x36b: {  	s1 =	sadd.s32 $0xFFFFFFFF, s19;
	[sflag:s14] =	ssyncset.done $0x0  }
0x36c: {  	s2 =	sand.u32 $0xFFFFFFF0, s1;
	[sflag:s14] =	ssyncadd.s32 $0xFFFFE000  }
0x36d: {  	v9 =	vld [tilespmem:s2+$0x200];
	_ =	sdelay $0x1  }
0x36e: {  	s4 =	sand.u32 $0xF, s1  }
0x36f: {  	v10 =	vmov s4  }
0x370: {  	vm8 =	veq.s32 v10, v0  }
0x371: {  	v9 =	vnsel vm8, $0x0, v9  }
0x372: {  	(xrf0) =	vadd.scan.msk.s32 $0xffff, v9;
	_ =	sdelay $0x5  }
0x373: {  	v9, _, _ =	vpop (xrf0)  }
0x374: {  	(v2sf) =	vpush v9, $0xF;
	_ =	sdelay $0xe  }
0x375: {  	s25 =	spop (v2sf)  }
0x376: {  	s23 =	sand.u32 $0x7F, s25  }
0x377: {  	v9 =	vor.u32 s23, v1  }
0x378: {  	v10 =	vmov s1  }
0x379: {  	v11 =	vshll.u32 v10, $0x3  }
0x37a: {  	v10 =	vand.u32 $0x7F, v10;
	v11 =	vand.u32 $0xFFFFFC00, v11  }
0x37b: {  	v10 =	vor.u32 v10, v11  }
0x37c: {  	v61 =	vadd.s32 v2, v10;
	v11 =	vld.idx.msk [tilespmem:v9+s18+$0x0], $0xffff;
	_ =	sdelay $0x4  }
0x37d: {  	[tilespmem:v61+s5+$0x0] =	vst.idx.msk $0xffff, v11  }
0x37e: {  	v9 =	vld.idx.msk [tilespmem:v9+s6+$0x0], $0xffff  }
0x37f: {  	v11 =	vor.u32 s23, v6;
	_ =	sdelay $0x3  }
0x380: {  	[tilespmem:v61+s7+$0x0] =	vst.idx.msk $0xffff, v9  }
0x381: {  	v9 =	vld.idx.msk [tilespmem:v11+s6+$0x0], $0xffff;
	v11 =	vadd.s32 v3, v10  }
0x382: {  	v62 =	vor.u32 s23, v7;
	_ =	sdelay $0x3  }
0x383: {  	[tilespmem:v11+s7+$0x0] =	vst.idx.msk $0xffff, v9  }
0x384: {  	v11 =	vadd.s32 v4, v10;
	v9 =	vld.idx.msk [tilespmem:v62+s6+$0x0], $0xffff  }
0x385: {  	v63 =	vor.u32 s23, v8;
	_ =	sdelay $0x3  }
0x386: {  	[tilespmem:v11+s7+$0x0] =	vst.idx.msk $0xffff, v9  }
0x387: {  	p0 =	seq.s32 s19, $0x200;
	v10 =	vadd.s32 v5, v10;
	v9 =	vld.idx.msk [tilespmem:v63+s6+$0x0], $0xffff  }
.Ltmp4:
0x388: {  	_ = 	snop;
	(pc) =	sbr.rel @p0 .LBB2_7-.Ltmp4, $2  }
0x389: {  	_ =	sdelay $0x2  }
0x38a: {  	s0 =	simm.s32 $0x2400;
	s4 =	simm.s32 $0x1C00;
	s1 =	simm.s32 $0x2C00;
	[tilespmem:v10+s7+$0x0] =	vst.idx.msk $0xffff, v9  }
0x38b: {  	s21 =	sand.u32 $0x3F0, s19  }
0x38c: {  	v9 =	vld [tilespmem:s21+$0x200];
	_ =	sdelay $0x1  }
0x38d: {  	s23 =	sand.u32 $0x8, s19  }
0x38e: {  	v10 =	vmov s23  }
0x38f: {  	vm8 =	veq.s32 v10, v0  }
0x390: {  	v9 =	vnsel vm8, $0x0, v9  }
0x391: {  	(xrf0) =	vadd.scan.msk.s32 $0xffff, v9;
	_ =	sdelay $0x5  }
0x392: {  	v9, _, _ =	vpop (xrf0)  }
0x393: {  	(v2sf) =	vpush v9, $0xF;
	_ =	sdelay $0xe  }
0x394: {  	s25 =	spop (v2sf)  }
0x395: {  	s2 =	rddreg [dreg:$0x3];
	s25 =	sand.u32 $0xFFFFF80, s25  }
0x396: {  	s18 =	rddreg [dreg:$0x5];
	s28 =	sadd.s32 s2, s25  }
0x397: {  	[tilespmem:s17], [sflag:$0x1] =	stream.strided.gather [hbm4b:s28+s17], $0x800, s15, s17, $0x38;
	[tilespmem:$0x1E400] =	vst v63  }
0x398: {  	s20 =	simm.s32 $0x4400;
	s25 =	sadd.s32 s18, s25  }
0x399: {  	[tilespmem:s20], [sflag:$0x1] =	stream.strided.gather [hbm4b:s25+s17], $0x2000, s15, s17, $0x38;
	[tilespmem:$0x1E400] =	vst v63  }
0x39a: {  	v9 =	vld [tilespmem:s21+$0x200];
	_ =	sdelay $0x1  }
0x39b: {  	s25 =	sor.u32 $0x1, s23  }
0x39c: {  	v10 =	vmov s25  }
0x39d: {  	vm8 =	veq.s32 v10, v0  }
0x39e: {  	v9 =	vnsel vm8, $0x0, v9  }
0x39f: {  	(xrf0) =	vadd.scan.msk.s32 $0xffff, v9;
	_ =	sdelay $0x5  }
0x3a0: {  	v9, _, _ =	vpop (xrf0)  }
0x3a1: {  	(v2sf) =	vpush v9, $0xF;
	_ =	sdelay $0xe  }
0x3a2: {  	s25 =	spop (v2sf)  }
0x3a3: {  	s25 =	sand.u32 $0xFFFFF80, s25  }
0x3a4: {  	s30 =	simm.s32 $0xC00;
	s28 =	sadd.s32 s2, s25  }
0x3a5: {  	[tilespmem:s30], [sflag:$0x2] =	stream.strided.gather [hbm4b:s28+s17], $0x800, s15, s17, $0x38;
	[tilespmem:$0x1E400] =	vst v63  }
0x3a6: {  	s20 =	simm.s32 $0x6400;
	s25 =	sadd.s32 s18, s25  }
0x3a7: {  	[tilespmem:s20], [sflag:$0x2] =	stream.strided.gather [hbm4b:s25+s17], $0x2000, s15, s17, $0x38;
	[tilespmem:$0x1E400] =	vst v63  }
0x3a8: {  	v9 =	vld [tilespmem:s21+$0x200];
	_ =	sdelay $0x1  }
0x3a9: {  	s25 =	sor.u32 $0x2, s23  }
0x3aa: {  	v10 =	vmov s25  }
0x3ab: {  	vm8 =	veq.s32 v10, v0  }
0x3ac: {  	v9 =	vnsel vm8, $0x0, v9  }
0x3ad: {  	(xrf0) =	vadd.scan.msk.s32 $0xffff, v9;
	_ =	sdelay $0x5  }
0x3ae: {  	v9, _, _ =	vpop (xrf0)  }
0x3af: {  	(v2sf) =	vpush v9, $0xF;
	_ =	sdelay $0xe  }
0x3b0: {  	s25 =	spop (v2sf)  }
0x3b1: {  	s25 =	sand.u32 $0xFFFFF80, s25  }
0x3b2: {  	s30 =	simm.s32 $0x1400;
	s28 =	sadd.s32 s2, s25  }
0x3b3: {  	[tilespmem:s30], [sflag:$0x3] =	stream.strided.gather [hbm4b:s28+s17], $0x800, s15, s17, $0x38;
	[tilespmem:$0x1E400] =	vst v63  }
0x3b4: {  	s24 =	simm.s32 $0x8400;
	s25 =	sadd.s32 s18, s25  }
0x3b5: {  	[tilespmem:s24], [sflag:$0x3] =	stream.strided.gather [hbm4b:s25+s17], $0x2000, s15, s17, $0x38;
	[tilespmem:$0x1E400] =	vst v63  }
0x3b6: {  	v9 =	vld [tilespmem:s21+$0x200];
	_ =	sdelay $0x1  }
0x3b7: {  	s25 =	sor.u32 $0x3, s23  }
0x3b8: {  	v10 =	vmov s25  }
0x3b9: {  	vm8 =	veq.s32 v10, v0  }
0x3ba: {  	v9 =	vnsel vm8, $0x0, v9  }
0x3bb: {  	(xrf0) =	vadd.scan.msk.s32 $0xffff, v9;
	_ =	sdelay $0x5  }
0x3bc: {  	v9, _, _ =	vpop (xrf0)  }
0x3bd: {  	(v2sf) =	vpush v9, $0xF;
	_ =	sdelay $0xe  }
0x3be: {  	s25 =	spop (v2sf)  }
0x3bf: {  	s25 =	sand.u32 $0xFFFFF80, s25  }
0x3c0: {  	s28 =	sadd.s32 s2, s25  }
0x3c1: {  	[tilespmem:s4], [sflag:$0x4] =	stream.strided.gather [hbm4b:s28+s17], $0x800, s15, s17, $0x38;
	[tilespmem:$0x1E400] =	vst v63  }
0x3c2: {  	s24 =	simm.s32 $0xA400;
	s25 =	sadd.s32 s18, s25  }
0x3c3: {  	[tilespmem:s24], [sflag:$0x4] =	stream.strided.gather [hbm4b:s25+s17], $0x2000, s15, s17, $0x38;
	[tilespmem:$0x1E400] =	vst v63  }
0x3c4: {  	v9 =	vld [tilespmem:s21+$0x200];
	_ =	sdelay $0x1  }
0x3c5: {  	s4 =	sor.u32 $0x4, s23  }
0x3c6: {  	v10 =	vmov s4  }
0x3c7: {  	vm8 =	veq.s32 v10, v0  }
0x3c8: {  	v9 =	vnsel vm8, $0x0, v9  }
0x3c9: {  	(xrf0) =	vadd.scan.msk.s32 $0xffff, v9;
	_ =	sdelay $0x5  }
0x3ca: {  	v9, _, _ =	vpop (xrf0)  }
0x3cb: {  	(v2sf) =	vpush v9, $0xF;
	_ =	sdelay $0xe  }
0x3cc: {  	s4 =	spop (v2sf)  }
0x3cd: {  	s25 =	sand.u32 $0xFFFFF80, s4  }
0x3ce: {  	s28 =	sadd.s32 s2, s25  }
0x3cf: {  	[tilespmem:s0], [sflag:$0x5] =	stream.strided.gather [hbm4b:s28+s17], $0x800, s15, s17, $0x38;
	[tilespmem:$0x1E400] =	vst v63  }
0x3d0: {  	s25 =	sadd.s32 s18, s25  }
0x3d1: {  	[tilespmem:s26], [sflag:$0x5] =	stream.strided.gather [hbm4b:s25+s17], $0x2000, s15, s17, $0x38;
	[tilespmem:$0x1E400] =	vst v63  }
0x3d2: {  	v9 =	vld [tilespmem:s21+$0x200];
	_ =	sdelay $0x1  }
0x3d3: {  	s0 =	sor.u32 $0x5, s23  }
0x3d4: {  	v10 =	vmov s0  }
0x3d5: {  	vm8 =	veq.s32 v10, v0  }
0x3d6: {  	v9 =	vnsel vm8, $0x0, v9  }
0x3d7: {  	(xrf0) =	vadd.scan.msk.s32 $0xffff, v9;
	_ =	sdelay $0x5  }
0x3d8: {  	v9, _, _ =	vpop (xrf0)  }
0x3d9: {  	(v2sf) =	vpush v9, $0xF;
	_ =	sdelay $0xe  }
0x3da: {  	s4 =	spop (v2sf)  }
0x3db: {  	s25 =	sand.u32 $0xFFFFF80, s4  }
0x3dc: {  	s28 =	sadd.s32 s2, s25  }
0x3dd: {  	[tilespmem:s1], [sflag:$0x6] =	stream.strided.gather [hbm4b:s28+s17], $0x800, s15, s17, $0x38;
	[tilespmem:$0x1E400] =	vst v63  }
0x3de: {  	s25 =	sadd.s32 s18, s25  }
0x3df: {  	[tilespmem:s29], [sflag:$0x6] =	stream.strided.gather [hbm4b:s25+s17], $0x2000, s15, s17, $0x38;
	[tilespmem:$0x1E400] =	vst v63  }
0x3e0: {  	v9 =	vld [tilespmem:s21+$0x200];
	_ =	sdelay $0x1  }
0x3e1: {  	s0 =	sor.u32 $0x6, s23  }
0x3e2: {  	v10 =	vmov s0  }
0x3e3: {  	vm8 =	veq.s32 v10, v0  }
0x3e4: {  	v9 =	vnsel vm8, $0x0, v9  }
0x3e5: {  	(xrf0) =	vadd.scan.msk.s32 $0xffff, v9;
	_ =	sdelay $0x5  }
0x3e6: {  	v9, _, _ =	vpop (xrf0)  }
0x3e7: {  	(v2sf) =	vpush v9, $0xF;
	_ =	sdelay $0xe  }
0x3e8: {  	s1 =	spop (v2sf)  }
0x3e9: {  	s25 =	sand.u32 $0xFFFFF80, s1  }
0x3ea: {  	s3 =	simm.s32 $0x3400;
	s28 =	sadd.s32 s2, s25  }
0x3eb: {  	[tilespmem:s3], [sflag:$0x7] =	stream.strided.gather [hbm4b:s28+s17], $0x800, s15, s17, $0x38;
	[tilespmem:$0x1E400] =	vst v63  }
0x3ec: {  	s25 =	sadd.s32 s18, s25  }
0x3ed: {  	[tilespmem:s31], [sflag:$0x7] =	stream.strided.gather [hbm4b:s25+s17], $0x2000, s15, s17, $0x38;
	[tilespmem:$0x1E400] =	vst v63  }
0x3ee: {  	v9 =	vld [tilespmem:s21+$0x200];
	_ =	sdelay $0x1  }
0x3ef: {  	s4 =	sor.u32 $0x7, s23  }
0x3f0: {  	v10 =	vmov s4  }
0x3f1: {  	vm8 =	veq.s32 v10, v0  }
0x3f2: {  	v9 =	vnsel vm8, $0x0, v9  }
0x3f3: {  	(xrf0) =	vadd.scan.msk.s32 $0xffff, v9;
	_ =	sdelay $0x5  }
0x3f4: {  	v9, _, _ =	vpop (xrf0)  }
0x3f5: {  	(v2sf) =	vpush v9, $0xF;
	_ =	sdelay $0xd  }
0x3f6: {  	s22 =	simm.s32 $0x3C00;
	s19 =	sadd.s32 $0x8, s19  }
0x3f7: {  	s0 =	simm.s32 $0x2C00;
	s4 =	simm.s32 $0x2400;
	s23 =	spop (v2sf)  }
.Ltmp5:
0x3f8: {  	s3 =	simm.s32 $0x4400;
	s21 =	sand.u32 $0xFFFFF80, s23;
	(pc) =	sbr.rel .LBB2_5-.Ltmp5, $4  }
0x3f9: {  	s28 =	simm.s32 $0xC00;
	s25 =	sadd.s32 s2, s21;
	s21 =	sadd.s32 s18, s21  }
0x3fa: {  	[tilespmem:s22], [sflag:$0x8] =	stream.strided.gather [hbm4b:s25+s17], $0x800, s15, s17, $0x38;
	[tilespmem:$0x1E400] =	vst v63  }
0x3fb: {  	s18 =	simm.s32 $0x3C00;
	s22 =	simm.s32 $0x8400;
	s25 =	simm.s32 $0x1C00  }
0x3fc: {  	[tilespmem:s6], [sflag:$0x8] =	stream.strided.gather [hbm4b:s21+s17], $0x2000, s15, s17, $0x38;
	[tilespmem:$0x1E400] =	vst v63  }
.LBB2_8:
0x3fd: {  	_ =	sfence.sel $0x180000  }
0x3fe: {  	[bflag:$0x0] =	sbarrier.arrive $0xFFFF  }
0x3ff: {  	_ =	strace $0x90000047  }
0x400: {  	s0 =	stileid.u32;
	[bflag:$0x2] =	sbarrier.arrive $0xFFFF  }
0x401: {  	p0 =	sne.s32 s0, $0x0;
	s0 =	rddreg [dreg:$0x7]  }
0x402: {  	s0 =	sadd.s32 @!p0 $0x100000, s0  }
0x403: {  	[sflag:s0] =	ssyncadd.tile.s32 @!p0 $0x1;
	_ =	shalt  }
.Lfunc_end2:
_tile_overlayer_lowered:
.L_overlay_start_2:
0x404: {  	(tag) =	ssettag $0x2  }
0x405: {  	s0 =	rddreg [dreg:$0x0];
	s2 =	stileid.u32  }
0x406: {  	s1 =	rddreg [dreg:$0x1];
	p0 =	sne.s32 s2, $0x0  }
0x407: {  	s3 =	rddreg [dreg:$0x2];
	[bflag:$0x3] =	sbarrier.arrive $0xFFFF;
	s2 =	simm.s32 @!p0 $0x1C09  }
0x408: {  	[timem:s3], [sflag:s2] =	dma.local @!p0 [hbm:s0], s1  }
0x409: {  	s0 =	simm.s32 @!p0 $0x9  }
0x40a: {  	_ =	swait.ge @!p0 [sflag:s0], s1  }
0x40b: {  	s1 =	ssub.s32 @!p0 $0x0, s1;
	[sflag:s0] =	ssyncset.done @!p0 $0x0  }
0x40c: {  	[sflag:s0] =	ssyncadd.s32 @!p0 s1  }
0x40d: {  	[bflag:$0x3] =	sbarrier.arrive $0xFFFF  }
0x40e: {  	_ =	shalt  }

</sc_bundles>
